<compile_context>
chip_gen: v7x
topology: tpu7x:2x2x1
jax: 0.10.2.dev20260603
libtpu: 0.0.44.dev20260713+nightly
codegen_flags: <defaults>
</compile_context>

<pallas_src>
import functools

import jax
import jax.numpy as jnp
from jax import lax
from jax.experimental import pallas as pl
from jax.experimental.pallas import tpu as pltpu
from jax.experimental.pallas import tpu_sc as plsc

N = 10000
NP = 10240
IN_F = 5
HID = 256
K = 122
NG = 128
NGP = 256
E = 320000
NCORE = 2
NSUB = 16
NW = NCORE * NSUB
CB = 128
NCH = 80
GRP = 4
NGRPS = NCH // GRP
TPW = NCH * CB
EPAD = TPW * NW
EROWS = EPAD // CB
NPT = NP // NSUB
C0SZ = NG * NP
C0PT = C0SZ // NSUB
HIGH = lax.Precision.HIGHEST


def _rsqrt3(x):
    i = plsc.bitcast(x, jnp.int32)
    y = plsc.bitcast(jnp.int32(0x5F3759DF) - lax.shift_right_arithmetic(i, 1),
                     jnp.float32)
    for _ in range(3):
        y = y * (1.5 - 0.5 * x * y * y)
    return y


def _hist_body(dst_ref, bhist_ref, btbl_ref, xpf_ref,
               dinv_out, ptab_out, wdst_out, y_out, occ_out,
               buf_v, hist_v, bbuf_v, chist_v, red_v, cred_v, invc_v,
               dinv_v, wdst_v, ptabs_v, bt_v, xp_v, y_v, occ_v,
               deg_sh, cnt_sh):
    sid = lax.axis_index("s")
    z16 = jnp.zeros((16,), jnp.float32)
    o16 = jnp.ones((16,), jnp.float32)
    iota = lax.iota(jnp.int32, 16)
    ipt = EPAD // NSUB

    def zero_hist(i, c):
        hist_v[pl.ds(i * 16, 16)] = z16
        return c
    lax.fori_loop(0, NP // 16, zero_hist, 0)

    def zero_chist(i, c):
        chist_v[pl.ds(i * 16, 16)] = z16
        return c
    lax.fori_loop(0, NGP // 16, zero_chist, 0)

    pltpu.sync_copy(dst_ref.at[pl.ds(sid * ipt, ipt)], buf_v)

    def scat(i, c):
        idx = buf_v[pl.ds(i * 16, 16)]
        plsc.addupdate_scatter(hist_v, [idx], o16)
        return c
    lax.fori_loop(0, ipt // 16, scat, 0)

    pltpu.sync_copy(bhist_ref.at[pl.ds(sid * NPT, NPT)], bbuf_v)

    def bscat(i, c):
        idx = bbuf_v[pl.ds(i * 16, 16)]
        plsc.addupdate_scatter(chist_v, [idx], o16)
        return c
    lax.fori_loop(0, NPT // 16, bscat, 0)

    pltpu.sync_copy(hist_v, deg_sh.at[sid])
    pltpu.sync_copy(chist_v, cnt_sh.at[sid])
    plsc.subcore_barrier()

    for r in range(NSUB):
        pltpu.sync_copy(deg_sh.at[r, pl.ds(sid * NPT, NPT)], red_v.at[r])
    pltpu.sync_copy(cnt_sh, cred_v)
    pltpu.sync_copy(btbl_ref.at[pl.ds(sid * NPT, NPT)], bt_v)
    pltpu.sync_copy(xpf_ref.at[pl.ds(sid * NPT * 8, NPT * 8)], xp_v)

    def credf(i, c):
        s = cred_v[0, pl.ds(i * 16, 16)]
        for r in range(1, NSUB):
            s = s + cred_v[r, pl.ds(i * 16, 16)]
        rc = _rsqrt3(jnp.maximum(s, 1.0))
        invc_v[pl.ds(i * 16, 16)] = rc * rc
        return c
    lax.fori_loop(0, NGP // 16, credf, 0)

    def norm(i, c):
        s = red_v[0, pl.ds(i * 16, 16)]
        for r in range(1, NSUB):
            s = s + red_v[r, pl.ds(i * 16, 16)]
        nid = sid * NPT + i * 16 + iota
        deg = s + jnp.where(nid < N, 1.0, 0.0)
        dv = jnp.where(deg > 0, _rsqrt3(deg), 0.0)
        dinv_v[pl.ds(i * 16, 16)] = dv
        bt16 = bt_v[pl.ds(i * 16, 16)]
        iv = plsc.load_gather(invc_v, [bt16])
        wv = jnp.where(nid < N, dv * iv, 0.0)
        wdst_v[pl.ds(i * 16, 16)] = wv
        ptabs_v[pl.ds(i * 16, 16)] = (
            ((plsc.bitcast(wv, jnp.int32) + 256) & jnp.int32(-512)) | bt16)
        return c
    lax.fori_loop(0, NPT // 16, norm, 0)

    def yrow(j, c):
        dexp = plsc.load_gather(dinv_v, [lax.shift_right_arithmetic(iota, 3)
                                         + 2 * j])
        y_v[pl.ds(j * 16, 16)] = xp_v[pl.ds(j * 16, 16)] * dexp
        return c
    lax.fori_loop(0, NPT * 8 // 16, yrow, 0)

    pltpu.sync_copy(dinv_v, dinv_out.at[pl.ds(sid * NPT, NPT)])
    pltpu.sync_copy(wdst_v, wdst_out.at[pl.ds(sid * NPT, NPT)])
    pltpu.sync_copy(ptabs_v, ptab_out.at[pl.ds(sid * NPT, NPT)])
    pltpu.sync_copy(y_v, y_out.at[pl.ds(sid * NPT * 8, NPT * 8)])

    @pl.when(sid == 0)
    def _():
        def occf(i, c):
            s = cred_v[0, pl.ds(i * 16, 16)]
            for r in range(1, NSUB):
                s = s + cred_v[r, pl.ds(i * 16, 16)]
            occ_v[pl.ds(i * 16, 16)] = jnp.where(s > 0, 1.0, 0.0)
            return c
        lax.fori_loop(0, NG // 16, occf, 0)
        pltpu.sync_copy(occ_v, occ_out)


def _edge_body(items_ref, y_ref, ptab_ref, zacc_ref, zc0_ref,
               acc_out, c0_out,
               ebuf_v, ptab_v, msg_v, wgth_v, flat_v,
               y_sh, acc_sh, c0_sh, sem_g, sem_s):
    core = lax.axis_index("c")
    sid = lax.axis_index("s")
    wid = sid * NCORE + core

    pltpu.sync_copy(zacc_ref, acc_sh.at[pl.ds(sid * NPT, NPT)])
    pltpu.sync_copy(zc0_ref, c0_sh.at[pl.ds(sid * C0PT, C0PT)])

    pltpu.sync_copy(y_ref.at[pl.ds(sid * NPT, NPT)],
                    y_sh.at[pl.ds(sid * NPT, NPT)])
    pltpu.sync_copy(ptab_ref, ptab_v)
    plsc.subcore_barrier()

    def fire_gathers(slot, grp):
        hs = []
        for b in range(GRP):
            hs.append(pltpu.async_copy(
                y_sh.at[ebuf_v.at[slot, b, 0]], msg_v.at[slot, b], sem_g))
        return hs

    def load_idx(slot, grp):
        pltpu.sync_copy(items_ref.at[pl.ds(wid * NCH + grp * GRP, GRP)],
                        ebuf_v.at[slot])

    load_idx(0, 0)
    fire_gathers(0, 0)

    def group(g, carry):
        slot = lax.rem(g, 2)
        slot2 = 1 - slot
        for b in range(GRP):
            pltpu.make_async_copy(
                y_sh.at[ebuf_v.at[slot, b, 0]], msg_v.at[slot, b],
                sem_g).wait()
        gnext = jnp.minimum(g + 1, NGRPS - 1)
        load_idx(slot2, gnext)
        fire_gathers(slot2, gnext)
        for b in range(GRP):
            for j in range(CB // 16):
                d16 = ebuf_v[slot, b, 1, pl.ds(j * 16, 16)]
                s16 = ebuf_v[slot, b, 0, pl.ds(j * 16, 16)]
                word = plsc.load_gather(ptab_v, [d16])
                flat_v[slot, b, pl.ds(j * 16, 16)] = (
                    (word & jnp.int32(511)) * NP + s16)
                wgth_v[slot, b, pl.ds(j * 16, 16)] = plsc.bitcast(
                    word & jnp.int32(-512), jnp.float32)
        sh = []
        for b in range(GRP):
            sh.append(pltpu.async_copy(
                msg_v.at[slot, b], acc_sh.at[ebuf_v.at[slot, b, 1]],
                sem_s, add=True))
            sh.append(pltpu.async_copy(
                wgth_v.at[slot, b], c0_sh.at[flat_v.at[slot, b]],
                sem_s, add=True))
        for h in sh:
            h.wait()
        return carry
    lax.fori_loop(0, NGRPS, group, 0)

    lastslot = NGRPS % 2
    for b in range(GRP):
        pltpu.make_async_copy(
            y_sh.at[ebuf_v.at[lastslot, b, 0]], msg_v.at[lastslot, b],
            sem_g).wait()

    @pl.when(core == 0)
    def _():
        iota = lax.iota(jnp.int32, 16)

        def sscat(q, c):
            base = sid * NPT + q * CB
            for j in range(CB // 16):
                n16 = base + j * 16 + iota
                word = ptab_v[pl.ds(base + j * 16, 16)]
                flat_v[0, 0, pl.ds(j * 16, 16)] = (
                    (word & jnp.int32(511)) * NP + n16)
                wgth_v[0, 0, pl.ds(j * 16, 16)] = plsc.bitcast(
                    word & jnp.int32(-512), jnp.float32)
            pltpu.async_copy(wgth_v.at[0, 0], c0_sh.at[flat_v.at[0, 0]],
                             sem_s, add=True).wait()
            return c
        lax.fori_loop(0, NPT // CB, sscat, 0)

    plsc.subcore_barrier()
    pltpu.sync_copy(acc_sh.at[pl.ds(sid * NPT, NPT)],
                    acc_out.at[core, pl.ds(sid * NPT, NPT)])
    pltpu.sync_copy(c0_sh.at[pl.ds(sid * C0PT, C0PT)],
                    c0_out.at[core, pl.ds(sid * C0PT, C0PT)])


KB2 = 2048
NB2 = NP // KB2


def _dense_body(accp, dinv_ref, y_ref, c0_ref, w1_ref,
                b1_ref, w2_ref, wl_ref, b2_ref, bl_ref, occ_ref,
                out_ref, m_ref):
    j = pl.program_id(0)

    @pl.when(j == 0)
    def _():
        m_ref[...] = jnp.zeros_like(m_ref)

    acc = accp[0] + accp[1] + y_ref[...]
    dinv = dinv_ref[...]
    h1 = jnp.dot(acc * dinv, w1_ref[...], precision=HIGH) + b1_ref[...]
    r = jnp.maximum(h1, 0.0)
    nid = j * KB2 + lax.broadcasted_iota(jnp.int32, (KB2, 1), 0)
    rd = jnp.where(nid < N, r * dinv, 0.0)
    c0b = c0_ref[0] + c0_ref[1]
    m_ref[...] += jnp.dot(c0b, rd, precision=HIGH)

    @pl.when(j == NB2 - 1)
    def _():
        w2l = jnp.dot(w2_ref[...], wl_ref[...], precision=HIGH)
        bl2 = jnp.dot(b2_ref[...], wl_ref[...], precision=HIGH)
        out_ref[...] = (jnp.dot(m_ref[...], w2l, precision=HIGH)
                        + occ_ref[...] * bl2 + bl_ref[...])


def kernel(x, edge_index, batch, W1, b1, W2, b2, Wlin, blin):
    f32 = jnp.float32
    ei = edge_index.astype(jnp.int32)
    bt = batch.astype(jnp.int32)
    pad = N + jnp.arange(EPAD - E, dtype=jnp.int32) % (NP - N)
    src_flat = jnp.concatenate([ei[0], pad])
    dst_flat = jnp.concatenate([ei[1], pad])
    items = jnp.stack([src_flat.reshape(EROWS, CB),
                       dst_flat.reshape(EROWS, CB)], axis=1)
    bhist = jnp.concatenate([bt, jnp.full((NP - N,), NG, jnp.int32)])
    btbl = jnp.concatenate([bt, jnp.zeros((NP - N,), jnp.int32)])
    xp = jnp.zeros((NP, 8), f32).at[:N, :IN_F].set(x.astype(f32))
    w1p = jnp.zeros((8, HID), f32).at[:IN_F].set(W1.astype(f32))
    zacc = jnp.zeros((NPT, 8), f32)
    zc0 = jnp.zeros((C0PT,), f32)

    mesh = plsc.VectorSubcoreMesh(core_axis_name="c", subcore_axis_name="s")
    sc_params = pltpu.CompilerParams(needs_layout_passes=False,
                                     use_tc_tiling_on_sc=False)

    dinv_f, ptab_f, wdst_f, y_f, occ_f = pl.kernel(
        _hist_body,
        compiler_params=sc_params,
        out_type=[jax.ShapeDtypeStruct((NP,), f32),
                  jax.ShapeDtypeStruct((NP,), jnp.int32),
                  jax.ShapeDtypeStruct((NP,), f32),
                  jax.ShapeDtypeStruct((NP * 8,), f32),
                  jax.ShapeDtypeStruct((NG,), f32)],
        mesh=mesh,
        scratch_types=[
            pltpu.VMEM((EPAD // NSUB,), jnp.int32),
            pltpu.VMEM((NP,), f32),
            pltpu.VMEM((NPT,), jnp.int32),
            pltpu.VMEM((NGP,), f32),
            pltpu.VMEM((NSUB, NPT), f32),
            pltpu.VMEM((NSUB, NGP), f32),
            pltpu.VMEM((NGP,), f32),
            pltpu.VMEM((NPT,), f32),
            pltpu.VMEM((NPT,), f32),
            pltpu.VMEM((NPT,), jnp.int32),
            pltpu.VMEM((NPT,), jnp.int32),
            pltpu.VMEM((NPT * 8,), f32),
            pltpu.VMEM((NPT * 8,), f32),
            pltpu.VMEM((NG,), f32),
            pltpu.VMEM_SHARED((NSUB, NP), f32),
            pltpu.VMEM_SHARED((NSUB, NGP), f32),
        ],
    )(dst_flat, bhist, btbl, xp.reshape(NP * 8))
    yarr = y_f.reshape(NP, 8)

    acc_part, c0_part = pl.kernel(
        _edge_body,
        compiler_params=sc_params,
        out_type=[jax.ShapeDtypeStruct((NCORE, NP, 8), f32),
                  jax.ShapeDtypeStruct((NCORE, C0SZ), f32)],
        mesh=mesh,
        scratch_types=[
            pltpu.VMEM((2, GRP, 2, CB), jnp.int32),
            pltpu.VMEM((NP,), jnp.int32),
            pltpu.VMEM((2, GRP, CB, 8), f32),
            pltpu.VMEM((2, GRP, CB), f32),
            pltpu.VMEM((2, GRP, CB), jnp.int32),
            pltpu.VMEM_SHARED((NP, 8), f32),
            pltpu.VMEM_SHARED((NP, 8), f32),
            pltpu.VMEM_SHARED((C0SZ,), f32),
            pltpu.SemaphoreType.DMA,
            pltpu.SemaphoreType.DMA,
        ],
    )(items, yarr, ptab_f, zacc, zc0)

    out = pl.pallas_call(
        _dense_body,
        grid=(NB2,),
        in_specs=[
            pl.BlockSpec((NCORE, KB2, 8), lambda j: (0, j, 0)),
            pl.BlockSpec((KB2, 1), lambda j: (j, 0)),
            pl.BlockSpec((KB2, 8), lambda j: (j, 0)),
            pl.BlockSpec((NCORE, NG, KB2), lambda j: (0, 0, j)),
            pl.BlockSpec((8, HID), lambda j: (0, 0)),
            pl.BlockSpec((1, HID), lambda j: (0, 0)),
            pl.BlockSpec((HID, HID), lambda j: (0, 0)),
            pl.BlockSpec((HID, K), lambda j: (0, 0)),
            pl.BlockSpec((1, HID), lambda j: (0, 0)),
            pl.BlockSpec((1, K), lambda j: (0, 0)),
            pl.BlockSpec((NG, 1), lambda j: (0, 0)),
        ],
        out_specs=pl.BlockSpec((NG, K), lambda j: (0, 0)),
        out_shape=jax.ShapeDtypeStruct((NG, K), f32),
        scratch_shapes=[pltpu.VMEM((NG, HID), f32)],
    )(acc_part, dinv_f.reshape(NP, 1), yarr,
      c0_part.reshape(NCORE, NG, NP),
      w1p, b1.astype(f32).reshape(1, HID), W2.astype(f32),
      Wlin.astype(f32), b2.astype(f32).reshape(1, HID),
      blin.astype(f32).reshape(1, K), occ_f.reshape(NG, 1))
    return out

# --- scband reference (transcript-rebuilt; emitter-appended) ---
"""Pipeline reference for scband-gcn-43198781063777 (READ-ONLY COPY).

The authoritative reference and input builder live on the scoring server;
editing this copy changes nothing except your own understanding.
"""

import jax, jax.numpy as jnp
import numpy as np

NUM_NODES = 10000
NUM_EDGES = 320000
IN_FEAT = 5
HIDDEN = 256
K_FEATURES = 122
NUM_GRAPHS = 128


def setup_inputs(seed: int = 0) -> dict:
    key = jax.random.key(seed)
    ks = jax.random.split(key, 10)
    x = jax.random.normal(ks[0], (NUM_NODES, IN_FEAT), dtype=jnp.float32)
    edge_index = jax.random.randint(ks[1], (2, NUM_EDGES), 0, NUM_NODES, dtype=jnp.int64)
    batch = jnp.sort(jax.random.randint(ks[2], (NUM_NODES,), 0, NUM_GRAPHS, dtype=jnp.int64))
    s1 = 1.0 / np.sqrt(IN_FEAT)
    s2 = 1.0 / np.sqrt(HIDDEN)
    W1 = jax.random.uniform(ks[3], (IN_FEAT, HIDDEN), dtype=jnp.float32, minval=-s1, maxval=s1)
    b1 = jnp.zeros((HIDDEN,), dtype=jnp.float32)
    W2 = jax.random.uniform(ks[4], (HIDDEN, HIDDEN), dtype=jnp.float32, minval=-s2, maxval=s2)
    b2 = jnp.zeros((HIDDEN,), dtype=jnp.float32)
    Wlin = jax.random.uniform(ks[5], (HIDDEN, K_FEATURES), dtype=jnp.float32, minval=-s2, maxval=s2)
    blin = jax.random.uniform(ks[6], (K_FEATURES,), dtype=jnp.float32, minval=-s2, maxval=s2)
    return {"x": x, "edge_index": edge_index, "batch": batch,
            "W1": W1, "b1": b1, "W2": W2, "b2": b2, "Wlin": Wlin, "blin": blin}


def gcn_conv(x, edge_index, W, b):
    # x @ W then symmetric-normalized aggregation with self loops (PyG GCNConv)
    h = x @ W
    loop = jnp.arange(NUM_NODES, dtype=edge_index.dtype)
    src = jnp.concatenate([edge_index[0], loop])
    dst = jnp.concatenate([edge_index[1], loop])
    deg = jnp.zeros((NUM_NODES,), dtype=h.dtype).at[dst].add(1.0)
    dinv = jnp.where(deg > 0, deg ** -0.5, 0.0)
    norm = dinv[src] * dinv[dst]
    msg = h[src] * norm[:, None]
    out = jnp.zeros((NUM_NODES, h.shape[1]), dtype=h.dtype).at[dst].add(msg)
    return out + b


def global_mean_pool(x, batch):
    sums = jax.ops.segment_sum(x, batch, num_segments=NUM_GRAPHS)
    cnts = jax.ops.segment_sum(jnp.ones((x.shape[0],), dtype=x.dtype), batch, num_segments=NUM_GRAPHS)
    return sums / jnp.clip(cnts, 1.0)[:, None]


def reference(x, edge_index, batch, W1, b1, W2, b2, Wlin, blin):
    h = gcn_conv(x, edge_index, W1, b1)
    h = jax.nn.relu(h)
    h = gcn_conv(h, edge_index, W2, b2)
    h = global_mean_pool(h, batch)
    # dropout p=0.5 is identity in eval mode (training=False)
    out = h @ Wlin + blin
    return out

if __name__ == "__main__":
    import jax
    _d = setup_inputs()
    print(jax.jit(kernel)(*tuple(_d.values())))

</pallas_src>

<mosaic_0001>
#map = affine_map<(d0, d1) -> (0, 0, 0)>
#map1 = affine_map<(d0, d1) -> (0, 0)>
#map2 = affine_map<(d0, d1) -> (0)>
module attributes {stable_mosaic.version = 14 : i64} {
  func.func @_edge_body(%arg0: i32, %arg1: i32, %arg2: memref<2560x2x128xi32, #tpu.memory_space<hbm>>, %arg3: memref<10240x8xf32, #tpu.memory_space<hbm>>, %arg4: memref<10240xi32, #tpu.memory_space<hbm>>, %arg5: memref<640x8xf32, #tpu.memory_space<hbm>>, %arg6: memref<81920xf32, #tpu.memory_space<hbm>>, %arg7: memref<2x10240x8xf32, #tpu.memory_space<hbm>>, %arg8: memref<2x1310720xf32, #tpu.memory_space<hbm>>, %arg9: memref<2x4x2x128xi32, #tpu.memory_space<vmem>>, %arg10: memref<10240xi32, #tpu.memory_space<vmem>>, %arg11: memref<2x4x128x8xf32, #tpu.memory_space<vmem>>, %arg12: memref<2x4x128xf32, #tpu.memory_space<vmem>>, %arg13: memref<2x4x128xi32, #tpu.memory_space<vmem>>, %arg14: memref<10240x8xf32, #tpu.memory_space<vmem_shared>>, %arg15: memref<10240x8xf32, #tpu.memory_space<vmem_shared>>, %arg16: memref<1310720xf32, #tpu.memory_space<vmem_shared>>, %arg17: memref<!tpu.dma_semaphore, #tpu.memory_space<semaphore_mem>>, %arg18: memref<!tpu.dma_semaphore, #tpu.memory_space<semaphore_mem>>) attributes {dimension_semantics = [#tpu.dimension_semantics<core_parallel>, #tpu.dimension_semantics<subcore_parallel>], iteration_bounds = array<i64: 2, 16>, scalar_prefetch = 0 : i64, scratch_operands = 10 : i64, tpu.core_type = #tpu.core_type<sc_vector_subcore>, window_params = [{transform_indices = #map}, {transform_indices = #map1}, {transform_indices = #map2}, {transform_indices = #map1}, {transform_indices = #map2}, {transform_indices = #map}, {transform_indices = #map1}]} {
    %mul3A = arith.constant 2 : i32
    %mul3A_0 = arith.muli %arg1, %mul3A : i32
    %add3A = arith.addi %mul3A_0, %arg0 : i32
    %mul3A_1 = arith.constant 640 : i32
    %mul3A_2 = arith.muli %arg1, %mul3A_1 : i32
    "tpu.region"() ({
      %run_scoped3A_147 = tpu.sem_alloc : memref<!tpu.dma_semaphore, #tpu.memory_space<semaphore_mem>>
      %dma_start3A_148 = arith.constant 0 : i32
      %dma_start3A_149 = tpu.memref_slice %arg15[%mul3A_2, %dma_start3A_148] : memref<10240x8xf32, #tpu.memory_space<vmem_shared>> -> memref<640x8xf32, #tpu.memory_space<vmem_shared>>
      tpu.enqueue_dma source(%arg5 : memref<640x8xf32, #tpu.memory_space<hbm>>) target(%dma_start3A_149 : memref<640x8xf32, #tpu.memory_space<vmem_shared>>) target_semaphore(%run_scoped3A_147 : memref<!tpu.dma_semaphore, #tpu.memory_space<semaphore_mem>>)
      %dma_wait3A_150 = arith.constant 0 : i32
      %dma_wait3A_151 = tpu.memref_slice %arg15[%mul3A_2, %dma_wait3A_150] : memref<10240x8xf32, #tpu.memory_space<vmem_shared>> -> memref<640x8xf32, #tpu.memory_space<vmem_shared>>
      tpu.wait_dma2 semaphore(%run_scoped3A_147 : memref<!tpu.dma_semaphore, #tpu.memory_space<semaphore_mem>>) src(%arg5 : memref<640x8xf32, #tpu.memory_space<hbm>>) dst(%dma_wait3A_151 : memref<640x8xf32, #tpu.memory_space<vmem_shared>>)
      tpu.yield
    }) : () -> ()
    %mul3A_3 = arith.constant 81920 : i32
    %mul3A_4 = arith.muli %arg1, %mul3A_3 : i32
    "tpu.region"() ({
      %run_scoped3A_147 = tpu.sem_alloc : memref<!tpu.dma_semaphore, #tpu.memory_space<semaphore_mem>>
      %dma_start3A_148 = tpu.memref_slice %arg16[%mul3A_4] : memref<1310720xf32, #tpu.memory_space<vmem_shared>> -> memref<81920xf32, #tpu.memory_space<vmem_shared>>
      tpu.enqueue_dma source(%arg6 : memref<81920xf32, #tpu.memory_space<hbm>>) target(%dma_start3A_148 : memref<81920xf32, #tpu.memory_space<vmem_shared>>) target_semaphore(%run_scoped3A_147 : memref<!tpu.dma_semaphore, #tpu.memory_space<semaphore_mem>>)
      %dma_wait3A_149 = tpu.memref_slice %arg16[%mul3A_4] : memref<1310720xf32, #tpu.memory_space<vmem_shared>> -> memref<81920xf32, #tpu.memory_space<vmem_shared>>
      tpu.wait_dma2 semaphore(%run_scoped3A_147 : memref<!tpu.dma_semaphore, #tpu.memory_space<semaphore_mem>>) src(%arg6 : memref<81920xf32, #tpu.memory_space<hbm>>) dst(%dma_wait3A_149 : memref<81920xf32, #tpu.memory_space<vmem_shared>>)
      tpu.yield
    }) : () -> ()
    %mul3A_5 = arith.constant 640 : i32
    %mul3A_6 = arith.muli %arg1, %mul3A_5 : i32
    %mul3A_7 = arith.constant 640 : i32
    %mul3A_8 = arith.muli %arg1, %mul3A_7 : i32
    "tpu.region"() ({
      %run_scoped3A_147 = tpu.sem_alloc : memref<!tpu.dma_semaphore, #tpu.memory_space<semaphore_mem>>
      %dma_start3A_148 = arith.constant 0 : i32
      %dma_start3A_149 = tpu.memref_slice %arg14[%mul3A_8, %dma_start3A_148] : memref<10240x8xf32, #tpu.memory_space<vmem_shared>> -> memref<640x8xf32, #tpu.memory_space<vmem_shared>>
      %dma_start3A_150 = arith.constant 0 : i32
      %dma_start3A_151 = tpu.memref_slice %arg3[%mul3A_6, %dma_start3A_150] : memref<10240x8xf32, #tpu.memory_space<hbm>> -> memref<640x8xf32, #tpu.memory_space<hbm>>
      tpu.enqueue_dma source(%dma_start3A_151 : memref<640x8xf32, #tpu.memory_space<hbm>>) target(%dma_start3A_149 : memref<640x8xf32, #tpu.memory_space<vmem_shared>>) target_semaphore(%run_scoped3A_147 : memref<!tpu.dma_semaphore, #tpu.memory_space<semaphore_mem>>)
      %dma_wait3A_152 = arith.constant 0 : i32
      %dma_wait3A_153 = tpu.memref_slice %arg14[%mul3A_8, %dma_wait3A_152] : memref<10240x8xf32, #tpu.memory_space<vmem_shared>> -> memref<640x8xf32, #tpu.memory_space<vmem_shared>>
      %dma_wait3A_154 = arith.constant 0 : i32
      %dma_wait3A_155 = tpu.memref_slice %arg3[%mul3A_6, %dma_wait3A_154] : memref<10240x8xf32, #tpu.memory_space<hbm>> -> memref<640x8xf32, #tpu.memory_space<hbm>>
      tpu.wait_dma2 semaphore(%run_scoped3A_147 : memref<!tpu.dma_semaphore, #tpu.memory_space<semaphore_mem>>) src(%dma_wait3A_155 : memref<640x8xf32, #tpu.memory_space<hbm>>) dst(%dma_wait3A_153 : memref<640x8xf32, #tpu.memory_space<vmem_shared>>)
      tpu.yield
    }) : () -> ()
    "tpu.region"() ({
      %run_scoped3A_147 = tpu.sem_alloc : memref<!tpu.dma_semaphore, #tpu.memory_space<semaphore_mem>>
      tpu.enqueue_dma source(%arg4 : memref<10240xi32, #tpu.memory_space<hbm>>) target(%arg10 : memref<10240xi32, #tpu.memory_space<vmem>>) target_semaphore(%run_scoped3A_147 : memref<!tpu.dma_semaphore, #tpu.memory_space<semaphore_mem>>)
      tpu.wait_dma2 semaphore(%run_scoped3A_147 : memref<!tpu.dma_semaphore, #tpu.memory_space<semaphore_mem>>) src(%arg4 : memref<10240xi32, #tpu.memory_space<hbm>>) dst(%arg10 : memref<10240xi32, #tpu.memory_space<vmem>>)
      tpu.yield
    }) : () -> ()
    %barrier3A = arith.constant 0 : index
    tpu.barrier barrier_id(%barrier3A)
    %mul3A_9 = arith.constant 80 : i32
    %mul3A_10 = arith.muli %add3A, %mul3A_9 : i32
    %add3A_11 = arith.constant 0 : i32
    %add3A_12 = arith.addi %mul3A_10, %add3A_11 : i32
    %run_scoped3A = arith.constant 0 : i32
    "tpu.region"() ({
      %run_scoped3A_147 = tpu.sem_alloc : memref<!tpu.dma_semaphore, #tpu.memory_space<semaphore_mem>>
      %dma_start3A_148 = arith.constant 0 : i32
      %dma_start3A_149 = arith.constant 0 : i32
      %dma_start3A_150 = arith.constant 0 : i32
      %dma_start3A_151 = tpu.memref_slice %arg9[%run_scoped3A, %dma_start3A_148, %dma_start3A_149, %dma_start3A_150] : memref<2x4x2x128xi32, #tpu.memory_space<vmem>> -> memref<1x4x2x128xi32, #tpu.memory_space<vmem>>
      %dma_start3A_152 = tpu.memref_squeeze %dma_start3A_151 : memref<1x4x2x128xi32, #tpu.memory_space<vmem>> -> memref<4x2x128xi32, #tpu.memory_space<vmem>>
      %dma_start3A_153 = arith.constant 0 : i32
      %dma_start3A_154 = arith.constant 0 : i32
      %dma_start3A_155 = tpu.memref_slice %arg2[%add3A_12, %dma_start3A_153, %dma_start3A_154] : memref<2560x2x128xi32, #tpu.memory_space<hbm>> -> memref<4x2x128xi32, #tpu.memory_space<hbm>>
      %dma_start3A_156 = arith.constant 0 : i32
      %dma_start3A_157 = arith.constant 0 : i32
      %dma_start3A_158 = arith.constant 0 : i32
      %dma_start3A_159 = tpu.memref_slice %arg9[%run_scoped3A, %dma_start3A_156, %dma_start3A_157, %dma_start3A_158] : memref<2x4x2x128xi32, #tpu.memory_space<vmem>> -> memref<1x4x2x128xi32, #tpu.memory_space<vmem>>
      %dma_start3A_160 = tpu.memref_squeeze %dma_start3A_159 : memref<1x4x2x128xi32, #tpu.memory_space<vmem>> -> memref<4x2x128xi32, #tpu.memory_space<vmem>>
      %dma_start3A_161 = arith.constant 0 : i32
      %dma_start3A_162 = arith.constant 0 : i32
      %dma_start3A_163 = tpu.memref_slice %arg2[%add3A_12, %dma_start3A_161, %dma_start3A_162] : memref<2560x2x128xi32, #tpu.memory_space<hbm>> -> memref<4x2x128xi32, #tpu.memory_space<hbm>>
      tpu.enqueue_dma source(%dma_start3A_163 : memref<4x2x128xi32, #tpu.memory_space<hbm>>) target(%dma_start3A_160 : memref<4x2x128xi32, #tpu.memory_space<vmem>>) target_semaphore(%run_scoped3A_147 : memref<!tpu.dma_semaphore, #tpu.memory_space<semaphore_mem>>)
      %dma_wait3A_164 = arith.constant 0 : i32
      %dma_wait3A_165 = arith.constant 0 : i32
      %dma_wait3A_166 = arith.constant 0 : i32
      %dma_wait3A_167 = tpu.memref_slice %arg9[%run_scoped3A, %dma_wait3A_164, %dma_wait3A_165, %dma_wait3A_166] : memref<2x4x2x128xi32, #tpu.memory_space<vmem>> -> memref<1x4x2x128xi32, #tpu.memory_space<vmem>>
      %dma_wait3A_168 = tpu.memref_squeeze %dma_wait3A_167 : memref<1x4x2x128xi32, #tpu.memory_space<vmem>> -> memref<4x2x128xi32, #tpu.memory_space<vmem>>
      %dma_wait3A_169 = arith.constant 0 : i32
      %dma_wait3A_170 = arith.constant 0 : i32
      %dma_wait3A_171 = tpu.memref_slice %arg2[%add3A_12, %dma_wait3A_169, %dma_wait3A_170] : memref<2560x2x128xi32, #tpu.memory_space<hbm>> -> memref<4x2x128xi32, #tpu.memory_space<hbm>>
      %dma_wait3A_172 = arith.constant 0 : i32
      %dma_wait3A_173 = arith.constant 0 : i32
      %dma_wait3A_174 = arith.constant 0 : i32
      %dma_wait3A_175 = tpu.memref_slice %arg9[%run_scoped3A, %dma_wait3A_172, %dma_wait3A_173, %dma_wait3A_174] : memref<2x4x2x128xi32, #tpu.memory_space<vmem>> -> memref<1x4x2x128xi32, #tpu.memory_space<vmem>>
      %dma_wait3A_176 = tpu.memref_squeeze %dma_wait3A_175 : memref<1x4x2x128xi32, #tpu.memory_space<vmem>> -> memref<4x2x128xi32, #tpu.memory_space<vmem>>
      %dma_wait3A_177 = arith.constant 0 : i32
      %dma_wait3A_178 = arith.constant 0 : i32
      %dma_wait3A_179 = tpu.memref_slice %arg2[%add3A_12, %dma_wait3A_177, %dma_wait3A_178] : memref<2560x2x128xi32, #tpu.memory_space<hbm>> -> memref<4x2x128xi32, #tpu.memory_space<hbm>>
      tpu.wait_dma2 semaphore(%run_scoped3A_147 : memref<!tpu.dma_semaphore, #tpu.memory_space<semaphore_mem>>) src(%dma_wait3A_179 : memref<4x2x128xi32, #tpu.memory_space<hbm>>) dst(%dma_wait3A_176 : memref<4x2x128xi32, #tpu.memory_space<vmem>>)
      tpu.yield
    }) : () -> ()
    %dma_start3A = arith.constant 0 : i32
    %dma_start3A_13 = arith.constant 0 : i32
    %dma_start3A_14 = arith.constant 0 : i32
    %dma_start3A_15 = arith.constant 0 : i32
    %dma_start3A_16 = arith.constant 0 : i32
    %dma_start3A_17 = arith.constant 0 : i32
    %dma_start3A_18 = arith.constant 0 : i32
    %dma_start3A_19 = tpu.memref_slice %arg11[%dma_start3A_15, %dma_start3A_16, %dma_start3A_17, %dma_start3A_18] : memref<2x4x128x8xf32, #tpu.memory_space<vmem>> -> memref<1x1x128x8xf32, #tpu.memory_space<vmem>>
    %dma_start3A_20 = tpu.memref_squeeze %dma_start3A_19 : memref<1x1x128x8xf32, #tpu.memory_space<vmem>> -> memref<128x8xf32, #tpu.memory_space<vmem>>
    %dma_start3A_21 = arith.constant 0 : i32
    %dma_start3A_22 = tpu.memref_slice %arg9[%dma_start3A, %dma_start3A_13, %dma_start3A_14, %dma_start3A_21] : memref<2x4x2x128xi32, #tpu.memory_space<vmem>> -> memref<1x1x1x128xi32, #tpu.memory_space<vmem>>
    %dma_start3A_23 = tpu.memref_squeeze %dma_start3A_22 : memref<1x1x1x128xi32, #tpu.memory_space<vmem>> -> memref<128xi32, #tpu.memory_space<vmem>>
    %dma_start3A_24 = arith.constant 0 : i32
    %dma_start3A_25 = arith.constant 0 : i32
    %dma_start3A_26 = tpu.memref_slice %arg14[%dma_start3A_24, %dma_start3A_25] : memref<10240x8xf32, #tpu.memory_space<vmem_shared>> -> memref<10240x8xf32, #tpu.memory_space<vmem_shared>>
    tpu.enqueue_indirect_dma source(%dma_start3A_26 : memref<10240x8xf32, #tpu.memory_space<vmem_shared>>) target(%dma_start3A_20 : memref<128x8xf32, #tpu.memory_space<vmem>>) offsets(%dma_start3A_23 : memref<128xi32, #tpu.memory_space<vmem>>) semaphore(%arg17 : memref<!tpu.dma_semaphore, #tpu.memory_space<semaphore_mem>>)
    %dma_start3A_27 = arith.constant 0 : i32
    %dma_start3A_28 = arith.constant 1 : i32
    %dma_start3A_29 = arith.constant 0 : i32
    %dma_start3A_30 = arith.constant 0 : i32
    %dma_start3A_31 = arith.constant 1 : i32
    %dma_start3A_32 = arith.constant 0 : i32
    %dma_start3A_33 = arith.constant 0 : i32
    %dma_start3A_34 = tpu.memref_slice %arg11[%dma_start3A_30, %dma_start3A_31, %dma_start3A_32, %dma_start3A_33] : memref<2x4x128x8xf32, #tpu.memory_space<vmem>> -> memref<1x1x128x8xf32, #tpu.memory_space<vmem>>
    %dma_start3A_35 = tpu.memref_squeeze %dma_start3A_34 : memref<1x1x128x8xf32, #tpu.memory_space<vmem>> -> memref<128x8xf32, #tpu.memory_space<vmem>>
    %dma_start3A_36 = arith.constant 0 : i32
    %dma_start3A_37 = tpu.memref_slice %arg9[%dma_start3A_27, %dma_start3A_28, %dma_start3A_29, %dma_start3A_36] : memref<2x4x2x128xi32, #tpu.memory_space<vmem>> -> memref<1x1x1x128xi32, #tpu.memory_space<vmem>>
    %dma_start3A_38 = tpu.memref_squeeze %dma_start3A_37 : memref<1x1x1x128xi32, #tpu.memory_space<vmem>> -> memref<128xi32, #tpu.memory_space<vmem>>
    %dma_start3A_39 = arith.constant 0 : i32
    %dma_start3A_40 = arith.constant 0 : i32
    %dma_start3A_41 = tpu.memref_slice %arg14[%dma_start3A_39, %dma_start3A_40] : memref<10240x8xf32, #tpu.memory_space<vmem_shared>> -> memref<10240x8xf32, #tpu.memory_space<vmem_shared>>
    tpu.enqueue_indirect_dma source(%dma_start3A_41 : memref<10240x8xf32, #tpu.memory_space<vmem_shared>>) target(%dma_start3A_35 : memref<128x8xf32, #tpu.memory_space<vmem>>) offsets(%dma_start3A_38 : memref<128xi32, #tpu.memory_space<vmem>>) semaphore(%arg17 : memref<!tpu.dma_semaphore, #tpu.memory_space<semaphore_mem>>)
    %dma_start3A_42 = arith.constant 0 : i32
    %dma_start3A_43 = arith.constant 2 : i32
    %dma_start3A_44 = arith.constant 0 : i32
    %dma_start3A_45 = arith.constant 0 : i32
    %dma_start3A_46 = arith.constant 2 : i32
    %dma_start3A_47 = arith.constant 0 : i32
    %dma_start3A_48 = arith.constant 0 : i32
    %dma_start3A_49 = tpu.memref_slice %arg11[%dma_start3A_45, %dma_start3A_46, %dma_start3A_47, %dma_start3A_48] : memref<2x4x128x8xf32, #tpu.memory_space<vmem>> -> memref<1x1x128x8xf32, #tpu.memory_space<vmem>>
    %dma_start3A_50 = tpu.memref_squeeze %dma_start3A_49 : memref<1x1x128x8xf32, #tpu.memory_space<vmem>> -> memref<128x8xf32, #tpu.memory_space<vmem>>
    %dma_start3A_51 = arith.constant 0 : i32
    %dma_start3A_52 = tpu.memref_slice %arg9[%dma_start3A_42, %dma_start3A_43, %dma_start3A_44, %dma_start3A_51] : memref<2x4x2x128xi32, #tpu.memory_space<vmem>> -> memref<1x1x1x128xi32, #tpu.memory_space<vmem>>
    %dma_start3A_53 = tpu.memref_squeeze %dma_start3A_52 : memref<1x1x1x128xi32, #tpu.memory_space<vmem>> -> memref<128xi32, #tpu.memory_space<vmem>>
    %dma_start3A_54 = arith.constant 0 : i32
    %dma_start3A_55 = arith.constant 0 : i32
    %dma_start3A_56 = tpu.memref_slice %arg14[%dma_start3A_54, %dma_start3A_55] : memref<10240x8xf32, #tpu.memory_space<vmem_shared>> -> memref<10240x8xf32, #tpu.memory_space<vmem_shared>>
    tpu.enqueue_indirect_dma source(%dma_start3A_56 : memref<10240x8xf32, #tpu.memory_space<vmem_shared>>) target(%dma_start3A_50 : memref<128x8xf32, #tpu.memory_space<vmem>>) offsets(%dma_start3A_53 : memref<128xi32, #tpu.memory_space<vmem>>) semaphore(%arg17 : memref<!tpu.dma_semaphore, #tpu.memory_space<semaphore_mem>>)
    %dma_start3A_57 = arith.constant 0 : i32
    %dma_start3A_58 = arith.constant 3 : i32
    %dma_start3A_59 = arith.constant 0 : i32
    %dma_start3A_60 = arith.constant 0 : i32
    %dma_start3A_61 = arith.constant 3 : i32
    %dma_start3A_62 = arith.constant 0 : i32
    %dma_start3A_63 = arith.constant 0 : i32
    %dma_start3A_64 = tpu.memref_slice %arg11[%dma_start3A_60, %dma_start3A_61, %dma_start3A_62, %dma_start3A_63] : memref<2x4x128x8xf32, #tpu.memory_space<vmem>> -> memref<1x1x128x8xf32, #tpu.memory_space<vmem>>
    %dma_start3A_65 = tpu.memref_squeeze %dma_start3A_64 : memref<1x1x128x8xf32, #tpu.memory_space<vmem>> -> memref<128x8xf32, #tpu.memory_space<vmem>>
    %dma_start3A_66 = arith.constant 0 : i32
    %dma_start3A_67 = tpu.memref_slice %arg9[%dma_start3A_57, %dma_start3A_58, %dma_start3A_59, %dma_start3A_66] : memref<2x4x2x128xi32, #tpu.memory_space<vmem>> -> memref<1x1x1x128xi32, #tpu.memory_space<vmem>>
    %dma_start3A_68 = tpu.memref_squeeze %dma_start3A_67 : memref<1x1x1x128xi32, #tpu.memory_space<vmem>> -> memref<128xi32, #tpu.memory_space<vmem>>
    %dma_start3A_69 = arith.constant 0 : i32
    %dma_start3A_70 = arith.constant 0 : i32
    %dma_start3A_71 = tpu.memref_slice %arg14[%dma_start3A_69, %dma_start3A_70] : memref<10240x8xf32, #tpu.memory_space<vmem_shared>> -> memref<10240x8xf32, #tpu.memory_space<vmem_shared>>
    tpu.enqueue_indirect_dma source(%dma_start3A_71 : memref<10240x8xf32, #tpu.memory_space<vmem_shared>>) target(%dma_start3A_65 : memref<128x8xf32, #tpu.memory_space<vmem>>) offsets(%dma_start3A_68 : memref<128xi32, #tpu.memory_space<vmem>>) semaphore(%arg17 : memref<!tpu.dma_semaphore, #tpu.memory_space<semaphore_mem>>)
    %scan3A = arith.constant 0 : i32
    %scan3A_72 = arith.constant 0 : i32
    %scan3A_73 = arith.constant 20 : i32
    %scan3A_74 = arith.addi %scan3A_72, %scan3A_73 : i32
    %scan3A_75 = arith.constant 1 : i32
    scf.for %scan3A_147 = %scan3A_72 to %scan3A_74 step %scan3A_75  : i32 {
      %rem3A = arith.constant 2 : i32
      %rem3A_148 = arith.remsi %scan3A_147, %rem3A : i32
      %sub3A = arith.constant 1 : i32
      %sub3A_149 = arith.subi %sub3A, %rem3A_148 : i32
      %dma_wait3A_150 = arith.constant 0 : i32
      %dma_wait3A_151 = arith.constant 0 : i32
      %dma_wait3A_152 = arith.constant 0 : i32
      %dma_wait3A_153 = arith.constant 0 : i32
      %dma_wait3A_154 = arith.constant 0 : i32
      %dma_wait3A_155 = tpu.memref_slice %arg11[%rem3A_148, %dma_wait3A_152, %dma_wait3A_153, %dma_wait3A_154] : memref<2x4x128x8xf32, #tpu.memory_space<vmem>> -> memref<1x1x128x8xf32, #tpu.memory_space<vmem>>
      %dma_wait3A_156 = tpu.memref_squeeze %dma_wait3A_155 : memref<1x1x128x8xf32, #tpu.memory_space<vmem>> -> memref<128x8xf32, #tpu.memory_space<vmem>>
      %dma_wait3A_157 = arith.constant 0 : i32
      %dma_wait3A_158 = tpu.memref_slice %arg9[%rem3A_148, %dma_wait3A_150, %dma_wait3A_151, %dma_wait3A_157] : memref<2x4x2x128xi32, #tpu.memory_space<vmem>> -> memref<1x1x1x128xi32, #tpu.memory_space<vmem>>
      %dma_wait3A_159 = tpu.memref_squeeze %dma_wait3A_158 : memref<1x1x1x128xi32, #tpu.memory_space<vmem>> -> memref<128xi32, #tpu.memory_space<vmem>>
      %dma_wait3A_160 = arith.constant 0 : i32
      %dma_wait3A_161 = arith.constant 0 : i32
      %dma_wait3A_162 = tpu.memref_slice %arg14[%dma_wait3A_160, %dma_wait3A_161] : memref<10240x8xf32, #tpu.memory_space<vmem_shared>> -> memref<10240x8xf32, #tpu.memory_space<vmem_shared>>
      tpu.wait_indirect_dma semaphore(%arg17 : memref<!tpu.dma_semaphore, #tpu.memory_space<semaphore_mem>>) src(%dma_wait3A_162 : memref<10240x8xf32, #tpu.memory_space<vmem_shared>>) dst(%dma_wait3A_156 : memref<128x8xf32, #tpu.memory_space<vmem>>)
      %dma_wait3A_163 = arith.constant 1 : i32
      %dma_wait3A_164 = arith.constant 0 : i32
      %dma_wait3A_165 = arith.constant 1 : i32
      %dma_wait3A_166 = arith.constant 0 : i32
      %dma_wait3A_167 = arith.constant 0 : i32
      %dma_wait3A_168 = tpu.memref_slice %arg11[%rem3A_148, %dma_wait3A_165, %dma_wait3A_166, %dma_wait3A_167] : memref<2x4x128x8xf32, #tpu.memory_space<vmem>> -> memref<1x1x128x8xf32, #tpu.memory_space<vmem>>
      %dma_wait3A_169 = tpu.memref_squeeze %dma_wait3A_168 : memref<1x1x128x8xf32, #tpu.memory_space<vmem>> -> memref<128x8xf32, #tpu.memory_space<vmem>>
      %dma_wait3A_170 = arith.constant 0 : i32
      %dma_wait3A_171 = tpu.memref_slice %arg9[%rem3A_148, %dma_wait3A_163, %dma_wait3A_164, %dma_wait3A_170] : memref<2x4x2x128xi32, #tpu.memory_space<vmem>> -> memref<1x1x1x128xi32, #tpu.memory_space<vmem>>
      %dma_wait3A_172 = tpu.memref_squeeze %dma_wait3A_171 : memref<1x1x1x128xi32, #tpu.memory_space<vmem>> -> memref<128xi32, #tpu.memory_space<vmem>>
      %dma_wait3A_173 = arith.constant 0 : i32
      %dma_wait3A_174 = arith.constant 0 : i32
      %dma_wait3A_175 = tpu.memref_slice %arg14[%dma_wait3A_173, %dma_wait3A_174] : memref<10240x8xf32, #tpu.memory_space<vmem_shared>> -> memref<10240x8xf32, #tpu.memory_space<vmem_shared>>
      tpu.wait_indirect_dma semaphore(%arg17 : memref<!tpu.dma_semaphore, #tpu.memory_space<semaphore_mem>>) src(%dma_wait3A_175 : memref<10240x8xf32, #tpu.memory_space<vmem_shared>>) dst(%dma_wait3A_169 : memref<128x8xf32, #tpu.memory_space<vmem>>)
      %dma_wait3A_176 = arith.constant 2 : i32
      %dma_wait3A_177 = arith.constant 0 : i32
      %dma_wait3A_178 = arith.constant 2 : i32
      %dma_wait3A_179 = arith.constant 0 : i32
      %dma_wait3A_180 = arith.constant 0 : i32
      %dma_wait3A_181 = tpu.memref_slice %arg11[%rem3A_148, %dma_wait3A_178, %dma_wait3A_179, %dma_wait3A_180] : memref<2x4x128x8xf32, #tpu.memory_space<vmem>> -> memref<1x1x128x8xf32, #tpu.memory_space<vmem>>
      %dma_wait3A_182 = tpu.memref_squeeze %dma_wait3A_181 : memref<1x1x128x8xf32, #tpu.memory_space<vmem>> -> memref<128x8xf32, #tpu.memory_space<vmem>>
      %dma_wait3A_183 = arith.constant 0 : i32
      %dma_wait3A_184 = tpu.memref_slice %arg9[%rem3A_148, %dma_wait3A_176, %dma_wait3A_177, %dma_wait3A_183] : memref<2x4x2x128xi32, #tpu.memory_space<vmem>> -> memref<1x1x1x128xi32, #tpu.memory_space<vmem>>
      %dma_wait3A_185 = tpu.memref_squeeze %dma_wait3A_184 : memref<1x1x1x128xi32, #tpu.memory_space<vmem>> -> memref<128xi32, #tpu.memory_space<vmem>>
      %dma_wait3A_186 = arith.constant 0 : i32
      %dma_wait3A_187 = arith.constant 0 : i32
      %dma_wait3A_188 = tpu.memref_slice %arg14[%dma_wait3A_186, %dma_wait3A_187] : memref<10240x8xf32, #tpu.memory_space<vmem_shared>> -> memref<10240x8xf32, #tpu.memory_space<vmem_shared>>
      tpu.wait_indirect_dma semaphore(%arg17 : memref<!tpu.dma_semaphore, #tpu.memory_space<semaphore_mem>>) src(%dma_wait3A_188 : memref<10240x8xf32, #tpu.memory_space<vmem_shared>>) dst(%dma_wait3A_182 : memref<128x8xf32, #tpu.memory_space<vmem>>)
      %dma_wait3A_189 = arith.constant 3 : i32
      %dma_wait3A_190 = arith.constant 0 : i32
      %dma_wait3A_191 = arith.constant 3 : i32
      %dma_wait3A_192 = arith.constant 0 : i32
      %dma_wait3A_193 = arith.constant 0 : i32
      %dma_wait3A_194 = tpu.memref_slice %arg11[%rem3A_148, %dma_wait3A_191, %dma_wait3A_192, %dma_wait3A_193] : memref<2x4x128x8xf32, #tpu.memory_space<vmem>> -> memref<1x1x128x8xf32, #tpu.memory_space<vmem>>
      %dma_wait3A_195 = tpu.memref_squeeze %dma_wait3A_194 : memref<1x1x128x8xf32, #tpu.memory_space<vmem>> -> memref<128x8xf32, #tpu.memory_space<vmem>>
      %dma_wait3A_196 = arith.constant 0 : i32
      %dma_wait3A_197 = tpu.memref_slice %arg9[%rem3A_148, %dma_wait3A_189, %dma_wait3A_190, %dma_wait3A_196] : memref<2x4x2x128xi32, #tpu.memory_space<vmem>> -> memref<1x1x1x128xi32, #tpu.memory_space<vmem>>
      %dma_wait3A_198 = tpu.memref_squeeze %dma_wait3A_197 : memref<1x1x1x128xi32, #tpu.memory_space<vmem>> -> memref<128xi32, #tpu.memory_space<vmem>>
      %dma_wait3A_199 = arith.constant 0 : i32
      %dma_wait3A_200 = arith.constant 0 : i32
      %dma_wait3A_201 = tpu.memref_slice %arg14[%dma_wait3A_199, %dma_wait3A_200] : memref<10240x8xf32, #tpu.memory_space<vmem_shared>> -> memref<10240x8xf32, #tpu.memory_space<vmem_shared>>
      tpu.wait_indirect_dma semaphore(%arg17 : memref<!tpu.dma_semaphore, #tpu.memory_space<semaphore_mem>>) src(%dma_wait3A_201 : memref<10240x8xf32, #tpu.memory_space<vmem_shared>>) dst(%dma_wait3A_195 : memref<128x8xf32, #tpu.memory_space<vmem>>)
      %add3A_202 = arith.constant 1 : i32
      %add3A_203 = arith.addi %scan3A_147, %add3A_202 : i32
      %min3A = arith.constant 19 : i32
      %min3A_204 = arith.minsi %add3A_203, %min3A : i32
      %mul3A_205 = arith.constant 80 : i32
      %mul3A_206 = arith.muli %add3A, %mul3A_205 : i32
      %mul3A_207 = arith.constant 4 : i32
      %mul3A_208 = arith.muli %min3A_204, %mul3A_207 : i32
      %add3A_209 = arith.addi %mul3A_206, %mul3A_208 : i32
      "tpu.region"() ({
        %run_scoped3A_1593 = tpu.sem_alloc : memref<!tpu.dma_semaphore, #tpu.memory_space<semaphore_mem>>
        %dma_start3A_1594 = arith.constant 0 : i32
        %dma_start3A_1595 = arith.constant 0 : i32
        %dma_start3A_1596 = arith.constant 0 : i32
        %dma_start3A_1597 = tpu.memref_slice %arg9[%sub3A_149, %dma_start3A_1594, %dma_start3A_1595, %dma_start3A_1596] : memref<2x4x2x128xi32, #tpu.memory_space<vmem>> -> memref<1x4x2x128xi32, #tpu.memory_space<vmem>>
        %dma_start3A_1598 = tpu.memref_squeeze %dma_start3A_1597 : memref<1x4x2x128xi32, #tpu.memory_space<vmem>> -> memref<4x2x128xi32, #tpu.memory_space<vmem>>
        %dma_start3A_1599 = arith.constant 0 : i32
        %dma_start3A_1600 = arith.constant 0 : i32
        %dma_start3A_1601 = tpu.memref_slice %arg2[%add3A_209, %dma_start3A_1599, %dma_start3A_1600] : memref<2560x2x128xi32, #tpu.memory_space<hbm>> -> memref<4x2x128xi32, #tpu.memory_space<hbm>>
        %dma_start3A_1602 = arith.constant 0 : i32
        %dma_start3A_1603 = arith.constant 0 : i32
        %dma_start3A_1604 = arith.constant 0 : i32
        %dma_start3A_1605 = tpu.memref_slice %arg9[%sub3A_149, %dma_start3A_1602, %dma_start3A_1603, %dma_start3A_1604] : memref<2x4x2x128xi32, #tpu.memory_space<vmem>> -> memref<1x4x2x128xi32, #tpu.memory_space<vmem>>
        %dma_start3A_1606 = tpu.memref_squeeze %dma_start3A_1605 : memref<1x4x2x128xi32, #tpu.memory_space<vmem>> -> memref<4x2x128xi32, #tpu.memory_space<vmem>>
        %dma_start3A_1607 = arith.constant 0 : i32
        %dma_start3A_1608 = arith.constant 0 : i32
        %dma_start3A_1609 = tpu.memref_slice %arg2[%add3A_209, %dma_start3A_1607, %dma_start3A_1608] : memref<2560x2x128xi32, #tpu.memory_space<hbm>> -> memref<4x2x128xi32, #tpu.memory_space<hbm>>
        tpu.enqueue_dma source(%dma_start3A_1609 : memref<4x2x128xi32, #tpu.memory_space<hbm>>) target(%dma_start3A_1606 : memref<4x2x128xi32, #tpu.memory_space<vmem>>) target_semaphore(%run_scoped3A_1593 : memref<!tpu.dma_semaphore, #tpu.memory_space<semaphore_mem>>)
        %dma_wait3A_1610 = arith.constant 0 : i32
        %dma_wait3A_1611 = arith.constant 0 : i32
        %dma_wait3A_1612 = arith.constant 0 : i32
        %dma_wait3A_1613 = tpu.memref_slice %arg9[%sub3A_149, %dma_wait3A_1610, %dma_wait3A_1611, %dma_wait3A_1612] : memref<2x4x2x128xi32, #tpu.memory_space<vmem>> -> memref<1x4x2x128xi32, #tpu.memory_space<vmem>>
        %dma_wait3A_1614 = tpu.memref_squeeze %dma_wait3A_1613 : memref<1x4x2x128xi32, #tpu.memory_space<vmem>> -> memref<4x2x128xi32, #tpu.memory_space<vmem>>
        %dma_wait3A_1615 = arith.constant 0 : i32
        %dma_wait3A_1616 = arith.constant 0 : i32
        %dma_wait3A_1617 = tpu.memref_slice %arg2[%add3A_209, %dma_wait3A_1615, %dma_wait3A_1616] : memref<2560x2x128xi32, #tpu.memory_space<hbm>> -> memref<4x2x128xi32, #tpu.memory_space<hbm>>
        %dma_wait3A_1618 = arith.constant 0 : i32
        %dma_wait3A_1619 = arith.constant 0 : i32
        %dma_wait3A_1620 = arith.constant 0 : i32
        %dma_wait3A_1621 = tpu.memref_slice %arg9[%sub3A_149, %dma_wait3A_1618, %dma_wait3A_1619, %dma_wait3A_1620] : memref<2x4x2x128xi32, #tpu.memory_space<vmem>> -> memref<1x4x2x128xi32, #tpu.memory_space<vmem>>
        %dma_wait3A_1622 = tpu.memref_squeeze %dma_wait3A_1621 : memref<1x4x2x128xi32, #tpu.memory_space<vmem>> -> memref<4x2x128xi32, #tpu.memory_space<vmem>>
        %dma_wait3A_1623 = arith.constant 0 : i32
        %dma_wait3A_1624 = arith.constant 0 : i32
        %dma_wait3A_1625 = tpu.memref_slice %arg2[%add3A_209, %dma_wait3A_1623, %dma_wait3A_1624] : memref<2560x2x128xi32, #tpu.memory_space<hbm>> -> memref<4x2x128xi32, #tpu.memory_space<hbm>>
        tpu.wait_dma2 semaphore(%run_scoped3A_1593 : memref<!tpu.dma_semaphore, #tpu.memory_space<semaphore_mem>>) src(%dma_wait3A_1625 : memref<4x2x128xi32, #tpu.memory_space<hbm>>) dst(%dma_wait3A_1622 : memref<4x2x128xi32, #tpu.memory_space<vmem>>)
        tpu.yield
      }) : () -> ()
      %dma_start3A_210 = arith.constant 0 : i32
      %dma_start3A_211 = arith.constant 0 : i32
      %dma_start3A_212 = arith.constant 0 : i32
      %dma_start3A_213 = arith.constant 0 : i32
      %dma_start3A_214 = arith.constant 0 : i32
      %dma_start3A_215 = tpu.memref_slice %arg11[%sub3A_149, %dma_start3A_212, %dma_start3A_213, %dma_start3A_214] : memref<2x4x128x8xf32, #tpu.memory_space<vmem>> -> memref<1x1x128x8xf32, #tpu.memory_space<vmem>>
      %dma_start3A_216 = tpu.memref_squeeze %dma_start3A_215 : memref<1x1x128x8xf32, #tpu.memory_space<vmem>> -> memref<128x8xf32, #tpu.memory_space<vmem>>
      %dma_start3A_217 = arith.constant 0 : i32
      %dma_start3A_218 = tpu.memref_slice %arg9[%sub3A_149, %dma_start3A_210, %dma_start3A_211, %dma_start3A_217] : memref<2x4x2x128xi32, #tpu.memory_space<vmem>> -> memref<1x1x1x128xi32, #tpu.memory_space<vmem>>
      %dma_start3A_219 = tpu.memref_squeeze %dma_start3A_218 : memref<1x1x1x128xi32, #tpu.memory_space<vmem>> -> memref<128xi32, #tpu.memory_space<vmem>>
      %dma_start3A_220 = arith.constant 0 : i32
      %dma_start3A_221 = arith.constant 0 : i32
      %dma_start3A_222 = tpu.memref_slice %arg14[%dma_start3A_220, %dma_start3A_221] : memref<10240x8xf32, #tpu.memory_space<vmem_shared>> -> memref<10240x8xf32, #tpu.memory_space<vmem_shared>>
      tpu.enqueue_indirect_dma source(%dma_start3A_222 : memref<10240x8xf32, #tpu.memory_space<vmem_shared>>) target(%dma_start3A_216 : memref<128x8xf32, #tpu.memory_space<vmem>>) offsets(%dma_start3A_219 : memref<128xi32, #tpu.memory_space<vmem>>) semaphore(%arg17 : memref<!tpu.dma_semaphore, #tpu.memory_space<semaphore_mem>>)
      %dma_start3A_223 = arith.constant 1 : i32
      %dma_start3A_224 = arith.constant 0 : i32
      %dma_start3A_225 = arith.constant 1 : i32
      %dma_start3A_226 = arith.constant 0 : i32
      %dma_start3A_227 = arith.constant 0 : i32
      %dma_start3A_228 = tpu.memref_slice %arg11[%sub3A_149, %dma_start3A_225, %dma_start3A_226, %dma_start3A_227] : memref<2x4x128x8xf32, #tpu.memory_space<vmem>> -> memref<1x1x128x8xf32, #tpu.memory_space<vmem>>
      %dma_start3A_229 = tpu.memref_squeeze %dma_start3A_228 : memref<1x1x128x8xf32, #tpu.memory_space<vmem>> -> memref<128x8xf32, #tpu.memory_space<vmem>>
      %dma_start3A_230 = arith.constant 0 : i32
      %dma_start3A_231 = tpu.memref_slice %arg9[%sub3A_149, %dma_start3A_223, %dma_start3A_224, %dma_start3A_230] : memref<2x4x2x128xi32, #tpu.memory_space<vmem>> -> memref<1x1x1x128xi32, #tpu.memory_space<vmem>>
      %dma_start3A_232 = tpu.memref_squeeze %dma_start3A_231 : memref<1x1x1x128xi32, #tpu.memory_space<vmem>> -> memref<128xi32, #tpu.memory_space<vmem>>
      %dma_start3A_233 = arith.constant 0 : i32
      %dma_start3A_234 = arith.constant 0 : i32
      %dma_start3A_235 = tpu.memref_slice %arg14[%dma_start3A_233, %dma_start3A_234] : memref<10240x8xf32, #tpu.memory_space<vmem_shared>> -> memref<10240x8xf32, #tpu.memory_space<vmem_shared>>
      tpu.enqueue_indirect_dma source(%dma_start3A_235 : memref<10240x8xf32, #tpu.memory_space<vmem_shared>>) target(%dma_start3A_229 : memref<128x8xf32, #tpu.memory_space<vmem>>) offsets(%dma_start3A_232 : memref<128xi32, #tpu.memory_space<vmem>>) semaphore(%arg17 : memref<!tpu.dma_semaphore, #tpu.memory_space<semaphore_mem>>)
      %dma_start3A_236 = arith.constant 2 : i32
      %dma_start3A_237 = arith.constant 0 : i32
      %dma_start3A_238 = arith.constant 2 : i32
      %dma_start3A_239 = arith.constant 0 : i32
      %dma_start3A_240 = arith.constant 0 : i32
      %dma_start3A_241 = tpu.memref_slice %arg11[%sub3A_149, %dma_start3A_238, %dma_start3A_239, %dma_start3A_240] : memref<2x4x128x8xf32, #tpu.memory_space<vmem>> -> memref<1x1x128x8xf32, #tpu.memory_space<vmem>>
      %dma_start3A_242 = tpu.memref_squeeze %dma_start3A_241 : memref<1x1x128x8xf32, #tpu.memory_space<vmem>> -> memref<128x8xf32, #tpu.memory_space<vmem>>
      %dma_start3A_243 = arith.constant 0 : i32
      %dma_start3A_244 = tpu.memref_slice %arg9[%sub3A_149, %dma_start3A_236, %dma_start3A_237, %dma_start3A_243] : memref<2x4x2x128xi32, #tpu.memory_space<vmem>> -> memref<1x1x1x128xi32, #tpu.memory_space<vmem>>
      %dma_start3A_245 = tpu.memref_squeeze %dma_start3A_244 : memref<1x1x1x128xi32, #tpu.memory_space<vmem>> -> memref<128xi32, #tpu.memory_space<vmem>>
      %dma_start3A_246 = arith.constant 0 : i32
      %dma_start3A_247 = arith.constant 0 : i32
      %dma_start3A_248 = tpu.memref_slice %arg14[%dma_start3A_246, %dma_start3A_247] : memref<10240x8xf32, #tpu.memory_space<vmem_shared>> -> memref<10240x8xf32, #tpu.memory_space<vmem_shared>>
      tpu.enqueue_indirect_dma source(%dma_start3A_248 : memref<10240x8xf32, #tpu.memory_space<vmem_shared>>) target(%dma_start3A_242 : memref<128x8xf32, #tpu.memory_space<vmem>>) offsets(%dma_start3A_245 : memref<128xi32, #tpu.memory_space<vmem>>) semaphore(%arg17 : memref<!tpu.dma_semaphore, #tpu.memory_space<semaphore_mem>>)
      %dma_start3A_249 = arith.constant 3 : i32
      %dma_start3A_250 = arith.constant 0 : i32
      %dma_start3A_251 = arith.constant 3 : i32
      %dma_start3A_252 = arith.constant 0 : i32
      %dma_start3A_253 = arith.constant 0 : i32
      %dma_start3A_254 = tpu.memref_slice %arg11[%sub3A_149, %dma_start3A_251, %dma_start3A_252, %dma_start3A_253] : memref<2x4x128x8xf32, #tpu.memory_space<vmem>> -> memref<1x1x128x8xf32, #tpu.memory_space<vmem>>
      %dma_start3A_255 = tpu.memref_squeeze %dma_start3A_254 : memref<1x1x128x8xf32, #tpu.memory_space<vmem>> -> memref<128x8xf32, #tpu.memory_space<vmem>>
      %dma_start3A_256 = arith.constant 0 : i32
      %dma_start3A_257 = tpu.memref_slice %arg9[%sub3A_149, %dma_start3A_249, %dma_start3A_250, %dma_start3A_256] : memref<2x4x2x128xi32, #tpu.memory_space<vmem>> -> memref<1x1x1x128xi32, #tpu.memory_space<vmem>>
      %dma_start3A_258 = tpu.memref_squeeze %dma_start3A_257 : memref<1x1x1x128xi32, #tpu.memory_space<vmem>> -> memref<128xi32, #tpu.memory_space<vmem>>
      %dma_start3A_259 = arith.constant 0 : i32
      %dma_start3A_260 = arith.constant 0 : i32
      %dma_start3A_261 = tpu.memref_slice %arg14[%dma_start3A_259, %dma_start3A_260] : memref<10240x8xf32, #tpu.memory_space<vmem_shared>> -> memref<10240x8xf32, #tpu.memory_space<vmem_shared>>
      tpu.enqueue_indirect_dma source(%dma_start3A_261 : memref<10240x8xf32, #tpu.memory_space<vmem_shared>>) target(%dma_start3A_255 : memref<128x8xf32, #tpu.memory_space<vmem>>) offsets(%dma_start3A_258 : memref<128xi32, #tpu.memory_space<vmem>>) semaphore(%arg17 : memref<!tpu.dma_semaphore, #tpu.memory_space<semaphore_mem>>)
      %get3A = arith.constant 0 : i32
      %get3A_262 = arith.constant 1 : i32
      %get3A_263 = arith.index_cast %rem3A_148 : i32 to index
      %get3A_264 = arith.index_cast %get3A : i32 to index
      %get3A_265 = arith.index_cast %get3A_262 : i32 to index
      %get3A_266 = arith.constant 0 : index
      %get3A_267 = tpu.vector_load %arg9[%get3A_263, %get3A_264, %get3A_265, %get3A_266] {strides = array<i32>} : memref<2x4x2x128xi32, #tpu.memory_space<vmem>>, vector<16xi32>,
      %get3A_268 = arith.constant 0 : i32
      %get3A_269 = arith.constant 0 : i32
      %get3A_270 = arith.index_cast %rem3A_148 : i32 to index
      %get3A_271 = arith.index_cast %get3A_268 : i32 to index
      %get3A_272 = arith.index_cast %get3A_269 : i32 to index
      %get3A_273 = arith.constant 0 : index
      %get3A_274 = tpu.vector_load %arg9[%get3A_270, %get3A_271, %get3A_272, %get3A_273] {strides = array<i32>} : memref<2x4x2x128xi32, #tpu.memory_space<vmem>>, vector<16xi32>,
      %gather3A = tpu.vector_load_idx %arg10[%get3A_267] : memref<10240xi32, #tpu.memory_space<vmem>>[vector<16xi32>], vector<16xi32>,
      %and3A = arith.constant 511 : i32
      %and3A_275 = vector.broadcast %and3A : i32 to vector<16xi32>
      %and3A_276 = arith.andi %gather3A, %and3A_275 : vector<16xi32>
      %mul3A_277 = arith.constant 10240 : i32
      %mul3A_278 = vector.broadcast %mul3A_277 : i32 to vector<16xi32>
      %mul3A_279 = arith.muli %and3A_276, %mul3A_278 : vector<16xi32>
      %add3A_280 = arith.addi %mul3A_279, %get3A_274 : vector<16xi32>
      %swap3A = arith.constant 0 : i32
      %swap3A_281 = arith.index_cast %rem3A_148 : i32 to index
      %swap3A_282 = arith.index_cast %swap3A : i32 to index
      %swap3A_283 = arith.constant 0 : index
      %swap3A_284 = tpu.vector_load %arg13[%swap3A_281, %swap3A_282, %swap3A_283] {strides = array<i32>} : memref<2x4x128xi32, #tpu.memory_space<vmem>>, vector<16xi32>,
      tpu.vector_store %arg13[%swap3A_281, %swap3A_282, %swap3A_283], %add3A_280 {strides = array<i32>} : memref<2x4x128xi32, #tpu.memory_space<vmem>>, vector<16xi32>,
      %and3A_285 = arith.constant -512 : i32
      %and3A_286 = vector.broadcast %and3A_285 : i32 to vector<16xi32>
      %and3A_287 = arith.andi %gather3A, %and3A_286 : vector<16xi32>
      %bitcast3A = vector.bitcast %and3A_287 : vector<16xi32> to vector<16xf32>
      %swap3A_288 = arith.constant 0 : i32
      %swap3A_289 = arith.index_cast %rem3A_148 : i32 to index
      %swap3A_290 = arith.index_cast %swap3A_288 : i32 to index
      %swap3A_291 = arith.constant 0 : index
      %swap3A_292 = tpu.vector_load %arg12[%swap3A_289, %swap3A_290, %swap3A_291] {strides = array<i32>} : memref<2x4x128xf32, #tpu.memory_space<vmem>>, vector<16xf32>,
      tpu.vector_store %arg12[%swap3A_289, %swap3A_290, %swap3A_291], %bitcast3A {strides = array<i32>} : memref<2x4x128xf32, #tpu.memory_space<vmem>>, vector<16xf32>,
      %get3A_293 = arith.constant 0 : i32
      %get3A_294 = arith.constant 1 : i32
      %get3A_295 = arith.index_cast %rem3A_148 : i32 to index
      %get3A_296 = arith.index_cast %get3A_293 : i32 to index
      %get3A_297 = arith.index_cast %get3A_294 : i32 to index
      %get3A_298 = arith.constant 16 : index
      %get3A_299 = tpu.vector_load %arg9[%get3A_295, %get3A_296, %get3A_297, %get3A_298] {strides = array<i32>} : memref<2x4x2x128xi32, #tpu.memory_space<vmem>>, vector<16xi32>,
      %get3A_300 = arith.constant 0 : i32
      %get3A_301 = arith.constant 0 : i32
      %get3A_302 = arith.index_cast %rem3A_148 : i32 to index
      %get3A_303 = arith.index_cast %get3A_300 : i32 to index
      %get3A_304 = arith.index_cast %get3A_301 : i32 to index
      %get3A_305 = arith.constant 16 : index
      %get3A_306 = tpu.vector_load %arg9[%get3A_302, %get3A_303, %get3A_304, %get3A_305] {strides = array<i32>} : memref<2x4x2x128xi32, #tpu.memory_space<vmem>>, vector<16xi32>,
      %gather3A_307 = tpu.vector_load_idx %arg10[%get3A_299] : memref<10240xi32, #tpu.memory_space<vmem>>[vector<16xi32>], vector<16xi32>,
      %and3A_308 = arith.constant 511 : i32
      %and3A_309 = vector.broadcast %and3A_308 : i32 to vector<16xi32>
      %and3A_310 = arith.andi %gather3A_307, %and3A_309 : vector<16xi32>
      %mul3A_311 = arith.constant 10240 : i32
      %mul3A_312 = vector.broadcast %mul3A_311 : i32 to vector<16xi32>
      %mul3A_313 = arith.muli %and3A_310, %mul3A_312 : vector<16xi32>
      %add3A_314 = arith.addi %mul3A_313, %get3A_306 : vector<16xi32>
      %swap3A_315 = arith.constant 0 : i32
      %swap3A_316 = arith.index_cast %rem3A_148 : i32 to index
      %swap3A_317 = arith.index_cast %swap3A_315 : i32 to index
      %swap3A_318 = arith.constant 16 : index
      %swap3A_319 = tpu.vector_load %arg13[%swap3A_316, %swap3A_317, %swap3A_318] {strides = array<i32>} : memref<2x4x128xi32, #tpu.memory_space<vmem>>, vector<16xi32>,
      tpu.vector_store %arg13[%swap3A_316, %swap3A_317, %swap3A_318], %add3A_314 {strides = array<i32>} : memref<2x4x128xi32, #tpu.memory_space<vmem>>, vector<16xi32>,
      %and3A_320 = arith.constant -512 : i32
      %and3A_321 = vector.broadcast %and3A_320 : i32 to vector<16xi32>
      %and3A_322 = arith.andi %gather3A_307, %and3A_321 : vector<16xi32>
      %bitcast3A_323 = vector.bitcast %and3A_322 : vector<16xi32> to vector<16xf32>
      %swap3A_324 = arith.constant 0 : i32
      %swap3A_325 = arith.index_cast %rem3A_148 : i32 to index
      %swap3A_326 = arith.index_cast %swap3A_324 : i32 to index
      %swap3A_327 = arith.constant 16 : index
      %swap3A_328 = tpu.vector_load %arg12[%swap3A_325, %swap3A_326, %swap3A_327] {strides = array<i32>} : memref<2x4x128xf32, #tpu.memory_space<vmem>>, vector<16xf32>,
      tpu.vector_store %arg12[%swap3A_325, %swap3A_326, %swap3A_327], %bitcast3A_323 {strides = array<i32>} : memref<2x4x128xf32, #tpu.memory_space<vmem>>, vector<16xf32>,
      %get3A_329 = arith.constant 0 : i32
      %get3A_330 = arith.constant 1 : i32
      %get3A_331 = arith.index_cast %rem3A_148 : i32 to index
      %get3A_332 = arith.index_cast %get3A_329 : i32 to index
      %get3A_333 = arith.index_cast %get3A_330 : i32 to index
      %get3A_334 = arith.constant 32 : index
      %get3A_335 = tpu.vector_load %arg9[%get3A_331, %get3A_332, %get3A_333, %get3A_334] {strides = array<i32>} : memref<2x4x2x128xi32, #tpu.memory_space<vmem>>, vector<16xi32>,
      %get3A_336 = arith.constant 0 : i32
      %get3A_337 = arith.constant 0 : i32
      %get3A_338 = arith.index_cast %rem3A_148 : i32 to index
      %get3A_339 = arith.index_cast %get3A_336 : i32 to index
      %get3A_340 = arith.index_cast %get3A_337 : i32 to index
      %get3A_341 = arith.constant 32 : index
      %get3A_342 = tpu.vector_load %arg9[%get3A_338, %get3A_339, %get3A_340, %get3A_341] {strides = array<i32>} : memref<2x4x2x128xi32, #tpu.memory_space<vmem>>, vector<16xi32>,
      %gather3A_343 = tpu.vector_load_idx %arg10[%get3A_335] : memref<10240xi32, #tpu.memory_space<vmem>>[vector<16xi32>], vector<16xi32>,
      %and3A_344 = arith.constant 511 : i32
      %and3A_345 = vector.broadcast %and3A_344 : i32 to vector<16xi32>
      %and3A_346 = arith.andi %gather3A_343, %and3A_345 : vector<16xi32>
      %mul3A_347 = arith.constant 10240 : i32
      %mul3A_348 = vector.broadcast %mul3A_347 : i32 to vector<16xi32>
      %mul3A_349 = arith.muli %and3A_346, %mul3A_348 : vector<16xi32>
      %add3A_350 = arith.addi %mul3A_349, %get3A_342 : vector<16xi32>
      %swap3A_351 = arith.constant 0 : i32
      %swap3A_352 = arith.index_cast %rem3A_148 : i32 to index
      %swap3A_353 = arith.index_cast %swap3A_351 : i32 to index
      %swap3A_354 = arith.constant 32 : index
      %swap3A_355 = tpu.vector_load %arg13[%swap3A_352, %swap3A_353, %swap3A_354] {strides = array<i32>} : memref<2x4x128xi32, #tpu.memory_space<vmem>>, vector<16xi32>,
      tpu.vector_store %arg13[%swap3A_352, %swap3A_353, %swap3A_354], %add3A_350 {strides = array<i32>} : memref<2x4x128xi32, #tpu.memory_space<vmem>>, vector<16xi32>,
      %and3A_356 = arith.constant -512 : i32
      %and3A_357 = vector.broadcast %and3A_356 : i32 to vector<16xi32>
      %and3A_358 = arith.andi %gather3A_343, %and3A_357 : vector<16xi32>
      %bitcast3A_359 = vector.bitcast %and3A_358 : vector<16xi32> to vector<16xf32>
      %swap3A_360 = arith.constant 0 : i32
      %swap3A_361 = arith.index_cast %rem3A_148 : i32 to index
      %swap3A_362 = arith.index_cast %swap3A_360 : i32 to index
      %swap3A_363 = arith.constant 32 : index
      %swap3A_364 = tpu.vector_load %arg12[%swap3A_361, %swap3A_362, %swap3A_363] {strides = array<i32>} : memref<2x4x128xf32, #tpu.memory_space<vmem>>, vector<16xf32>,
      tpu.vector_store %arg12[%swap3A_361, %swap3A_362, %swap3A_363], %bitcast3A_359 {strides = array<i32>} : memref<2x4x128xf32, #tpu.memory_space<vmem>>, vector<16xf32>,
      %get3A_365 = arith.constant 0 : i32
      %get3A_366 = arith.constant 1 : i32
      %get3A_367 = arith.index_cast %rem3A_148 : i32 to index
      %get3A_368 = arith.index_cast %get3A_365 : i32 to index
      %get3A_369 = arith.index_cast %get3A_366 : i32 to index
      %get3A_370 = arith.constant 48 : index
      %get3A_371 = tpu.vector_load %arg9[%get3A_367, %get3A_368, %get3A_369, %get3A_370] {strides = array<i32>} : memref<2x4x2x128xi32, #tpu.memory_space<vmem>>, vector<16xi32>,
      %get3A_372 = arith.constant 0 : i32
      %get3A_373 = arith.constant 0 : i32
      %get3A_374 = arith.index_cast %rem3A_148 : i32 to index
      %get3A_375 = arith.index_cast %get3A_372 : i32 to index
      %get3A_376 = arith.index_cast %get3A_373 : i32 to index
      %get3A_377 = arith.constant 48 : index
      %get3A_378 = tpu.vector_load %arg9[%get3A_374, %get3A_375, %get3A_376, %get3A_377] {strides = array<i32>} : memref<2x4x2x128xi32, #tpu.memory_space<vmem>>, vector<16xi32>,
      %gather3A_379 = tpu.vector_load_idx %arg10[%get3A_371] : memref<10240xi32, #tpu.memory_space<vmem>>[vector<16xi32>], vector<16xi32>,
      %and3A_380 = arith.constant 511 : i32
      %and3A_381 = vector.broadcast %and3A_380 : i32 to vector<16xi32>
      %and3A_382 = arith.andi %gather3A_379, %and3A_381 : vector<16xi32>
      %mul3A_383 = arith.constant 10240 : i32
      %mul3A_384 = vector.broadcast %mul3A_383 : i32 to vector<16xi32>
      %mul3A_385 = arith.muli %and3A_382, %mul3A_384 : vector<16xi32>
      %add3A_386 = arith.addi %mul3A_385, %get3A_378 : vector<16xi32>
      %swap3A_387 = arith.constant 0 : i32
      %swap3A_388 = arith.index_cast %rem3A_148 : i32 to index
      %swap3A_389 = arith.index_cast %swap3A_387 : i32 to index
      %swap3A_390 = arith.constant 48 : index
      %swap3A_391 = tpu.vector_load %arg13[%swap3A_388, %swap3A_389, %swap3A_390] {strides = array<i32>} : memref<2x4x128xi32, #tpu.memory_space<vmem>>, vector<16xi32>,
      tpu.vector_store %arg13[%swap3A_388, %swap3A_389, %swap3A_390], %add3A_386 {strides = array<i32>} : memref<2x4x128xi32, #tpu.memory_space<vmem>>, vector<16xi32>,
      %and3A_392 = arith.constant -512 : i32
      %and3A_393 = vector.broadcast %and3A_392 : i32 to vector<16xi32>
      %and3A_394 = arith.andi %gather3A_379, %and3A_393 : vector<16xi32>
      %bitcast3A_395 = vector.bitcast %and3A_394 : vector<16xi32> to vector<16xf32>
      %swap3A_396 = arith.constant 0 : i32
      %swap3A_397 = arith.index_cast %rem3A_148 : i32 to index
      %swap3A_398 = arith.index_cast %swap3A_396 : i32 to index
      %swap3A_399 = arith.constant 48 : index
      %swap3A_400 = tpu.vector_load %arg12[%swap3A_397, %swap3A_398, %swap3A_399] {strides = array<i32>} : memref<2x4x128xf32, #tpu.memory_space<vmem>>, vector<16xf32>,
      tpu.vector_store %arg12[%swap3A_397, %swap3A_398, %swap3A_399], %bitcast3A_395 {strides = array<i32>} : memref<2x4x128xf32, #tpu.memory_space<vmem>>, vector<16xf32>,
      %get3A_401 = arith.constant 0 : i32
      %get3A_402 = arith.constant 1 : i32
      %get3A_403 = arith.index_cast %rem3A_148 : i32 to index
      %get3A_404 = arith.index_cast %get3A_401 : i32 to index
      %get3A_405 = arith.index_cast %get3A_402 : i32 to index
      %get3A_406 = arith.constant 64 : index
      %get3A_407 = tpu.vector_load %arg9[%get3A_403, %get3A_404, %get3A_405, %get3A_406] {strides = array<i32>} : memref<2x4x2x128xi32, #tpu.memory_space<vmem>>, vector<16xi32>,
      %get3A_408 = arith.constant 0 : i32
      %get3A_409 = arith.constant 0 : i32
      %get3A_410 = arith.index_cast %rem3A_148 : i32 to index
      %get3A_411 = arith.index_cast %get3A_408 : i32 to index
      %get3A_412 = arith.index_cast %get3A_409 : i32 to index
      %get3A_413 = arith.constant 64 : index
      %get3A_414 = tpu.vector_load %arg9[%get3A_410, %get3A_411, %get3A_412, %get3A_413] {strides = array<i32>} : memref<2x4x2x128xi32, #tpu.memory_space<vmem>>, vector<16xi32>,
      %gather3A_415 = tpu.vector_load_idx %arg10[%get3A_407] : memref<10240xi32, #tpu.memory_space<vmem>>[vector<16xi32>], vector<16xi32>,
      %and3A_416 = arith.constant 511 : i32
      %and3A_417 = vector.broadcast %and3A_416 : i32 to vector<16xi32>
      %and3A_418 = arith.andi %gather3A_415, %and3A_417 : vector<16xi32>
      %mul3A_419 = arith.constant 10240 : i32
      %mul3A_420 = vector.broadcast %mul3A_419 : i32 to vector<16xi32>
      %mul3A_421 = arith.muli %and3A_418, %mul3A_420 : vector<16xi32>
      %add3A_422 = arith.addi %mul3A_421, %get3A_414 : vector<16xi32>
      %swap3A_423 = arith.constant 0 : i32
      %swap3A_424 = arith.index_cast %rem3A_148 : i32 to index
      %swap3A_425 = arith.index_cast %swap3A_423 : i32 to index
      %swap3A_426 = arith.constant 64 : index
      %swap3A_427 = tpu.vector_load %arg13[%swap3A_424, %swap3A_425, %swap3A_426] {strides = array<i32>} : memref<2x4x128xi32, #tpu.memory_space<vmem>>, vector<16xi32>,
      tpu.vector_store %arg13[%swap3A_424, %swap3A_425, %swap3A_426], %add3A_422 {strides = array<i32>} : memref<2x4x128xi32, #tpu.memory_space<vmem>>, vector<16xi32>,
      %and3A_428 = arith.constant -512 : i32
      %and3A_429 = vector.broadcast %and3A_428 : i32 to vector<16xi32>
      %and3A_430 = arith.andi %gather3A_415, %and3A_429 : vector<16xi32>
      %bitcast3A_431 = vector.bitcast %and3A_430 : vector<16xi32> to vector<16xf32>
      %swap3A_432 = arith.constant 0 : i32
      %swap3A_433 = arith.index_cast %rem3A_148 : i32 to index
      %swap3A_434 = arith.index_cast %swap3A_432 : i32 to index
      %swap3A_435 = arith.constant 64 : index
      %swap3A_436 = tpu.vector_load %arg12[%swap3A_433, %swap3A_434, %swap3A_435] {strides = array<i32>} : memref<2x4x128xf32, #tpu.memory_space<vmem>>, vector<16xf32>,
      tpu.vector_store %arg12[%swap3A_433, %swap3A_434, %swap3A_435], %bitcast3A_431 {strides = array<i32>} : memref<2x4x128xf32, #tpu.memory_space<vmem>>, vector<16xf32>,
      %get3A_437 = arith.constant 0 : i32
      %get3A_438 = arith.constant 1 : i32
      %get3A_439 = arith.index_cast %rem3A_148 : i32 to index
      %get3A_440 = arith.index_cast %get3A_437 : i32 to index
      %get3A_441 = arith.index_cast %get3A_438 : i32 to index
      %get3A_442 = arith.constant 80 : index
      %get3A_443 = tpu.vector_load %arg9[%get3A_439, %get3A_440, %get3A_441, %get3A_442] {strides = array<i32>} : memref<2x4x2x128xi32, #tpu.memory_space<vmem>>, vector<16xi32>,
      %get3A_444 = arith.constant 0 : i32
      %get3A_445 = arith.constant 0 : i32
      %get3A_446 = arith.index_cast %rem3A_148 : i32 to index
      %get3A_447 = arith.index_cast %get3A_444 : i32 to index
      %get3A_448 = arith.index_cast %get3A_445 : i32 to index
      %get3A_449 = arith.constant 80 : index
      %get3A_450 = tpu.vector_load %arg9[%get3A_446, %get3A_447, %get3A_448, %get3A_449] {strides = array<i32>} : memref<2x4x2x128xi32, #tpu.memory_space<vmem>>, vector<16xi32>,
      %gather3A_451 = tpu.vector_load_idx %arg10[%get3A_443] : memref<10240xi32, #tpu.memory_space<vmem>>[vector<16xi32>], vector<16xi32>,
      %and3A_452 = arith.constant 511 : i32
      %and3A_453 = vector.broadcast %and3A_452 : i32 to vector<16xi32>
      %and3A_454 = arith.andi %gather3A_451, %and3A_453 : vector<16xi32>
      %mul3A_455 = arith.constant 10240 : i32
      %mul3A_456 = vector.broadcast %mul3A_455 : i32 to vector<16xi32>
      %mul3A_457 = arith.muli %and3A_454, %mul3A_456 : vector<16xi32>
      %add3A_458 = arith.addi %mul3A_457, %get3A_450 : vector<16xi32>
      %swap3A_459 = arith.constant 0 : i32
      %swap3A_460 = arith.index_cast %rem3A_148 : i32 to index
      %swap3A_461 = arith.index_cast %swap3A_459 : i32 to index
      %swap3A_462 = arith.constant 80 : index
      %swap3A_463 = tpu.vector_load %arg13[%swap3A_460, %swap3A_461, %swap3A_462] {strides = array<i32>} : memref<2x4x128xi32, #tpu.memory_space<vmem>>, vector<16xi32>,
      tpu.vector_store %arg13[%swap3A_460, %swap3A_461, %swap3A_462], %add3A_458 {strides = array<i32>} : memref<2x4x128xi32, #tpu.memory_space<vmem>>, vector<16xi32>,
      %and3A_464 = arith.constant -512 : i32
      %and3A_465 = vector.broadcast %and3A_464 : i32 to vector<16xi32>
      %and3A_466 = arith.andi %gather3A_451, %and3A_465 : vector<16xi32>
      %bitcast3A_467 = vector.bitcast %and3A_466 : vector<16xi32> to vector<16xf32>
      %swap3A_468 = arith.constant 0 : i32
      %swap3A_469 = arith.index_cast %rem3A_148 : i32 to index
      %swap3A_470 = arith.index_cast %swap3A_468 : i32 to index
      %swap3A_471 = arith.constant 80 : index
      %swap3A_472 = tpu.vector_load %arg12[%swap3A_469, %swap3A_470, %swap3A_471] {strides = array<i32>} : memref<2x4x128xf32, #tpu.memory_space<vmem>>, vector<16xf32>,
      tpu.vector_store %arg12[%swap3A_469, %swap3A_470, %swap3A_471], %bitcast3A_467 {strides = array<i32>} : memref<2x4x128xf32, #tpu.memory_space<vmem>>, vector<16xf32>,
      %get3A_473 = arith.constant 0 : i32
      %get3A_474 = arith.constant 1 : i32
      %get3A_475 = arith.index_cast %rem3A_148 : i32 to index
      %get3A_476 = arith.index_cast %get3A_473 : i32 to index
      %get3A_477 = arith.index_cast %get3A_474 : i32 to index
      %get3A_478 = arith.constant 96 : index
      %get3A_479 = tpu.vector_load %arg9[%get3A_475, %get3A_476, %get3A_477, %get3A_478] {strides = array<i32>} : memref<2x4x2x128xi32, #tpu.memory_space<vmem>>, vector<16xi32>,
      %get3A_480 = arith.constant 0 : i32
      %get3A_481 = arith.constant 0 : i32
      %get3A_482 = arith.index_cast %rem3A_148 : i32 to index
      %get3A_483 = arith.index_cast %get3A_480 : i32 to index
      %get3A_484 = arith.index_cast %get3A_481 : i32 to index
      %get3A_485 = arith.constant 96 : index
      %get3A_486 = tpu.vector_load %arg9[%get3A_482, %get3A_483, %get3A_484, %get3A_485] {strides = array<i32>} : memref<2x4x2x128xi32, #tpu.memory_space<vmem>>, vector<16xi32>,
      %gather3A_487 = tpu.vector_load_idx %arg10[%get3A_479] : memref<10240xi32, #tpu.memory_space<vmem>>[vector<16xi32>], vector<16xi32>,
      %and3A_488 = arith.constant 511 : i32
      %and3A_489 = vector.broadcast %and3A_488 : i32 to vector<16xi32>
      %and3A_490 = arith.andi %gather3A_487, %and3A_489 : vector<16xi32>
      %mul3A_491 = arith.constant 10240 : i32
      %mul3A_492 = vector.broadcast %mul3A_491 : i32 to vector<16xi32>
      %mul3A_493 = arith.muli %and3A_490, %mul3A_492 : vector<16xi32>
      %add3A_494 = arith.addi %mul3A_493, %get3A_486 : vector<16xi32>
      %swap3A_495 = arith.constant 0 : i32
      %swap3A_496 = arith.index_cast %rem3A_148 : i32 to index
      %swap3A_497 = arith.index_cast %swap3A_495 : i32 to index
      %swap3A_498 = arith.constant 96 : index
      %swap3A_499 = tpu.vector_load %arg13[%swap3A_496, %swap3A_497, %swap3A_498] {strides = array<i32>} : memref<2x4x128xi32, #tpu.memory_space<vmem>>, vector<16xi32>,
      tpu.vector_store %arg13[%swap3A_496, %swap3A_497, %swap3A_498], %add3A_494 {strides = array<i32>} : memref<2x4x128xi32, #tpu.memory_space<vmem>>, vector<16xi32>,
      %and3A_500 = arith.constant -512 : i32
      %and3A_501 = vector.broadcast %and3A_500 : i32 to vector<16xi32>
      %and3A_502 = arith.andi %gather3A_487, %and3A_501 : vector<16xi32>
      %bitcast3A_503 = vector.bitcast %and3A_502 : vector<16xi32> to vector<16xf32>
      %swap3A_504 = arith.constant 0 : i32
      %swap3A_505 = arith.index_cast %rem3A_148 : i32 to index
      %swap3A_506 = arith.index_cast %swap3A_504 : i32 to index
      %swap3A_507 = arith.constant 96 : index
      %swap3A_508 = tpu.vector_load %arg12[%swap3A_505, %swap3A_506, %swap3A_507] {strides = array<i32>} : memref<2x4x128xf32, #tpu.memory_space<vmem>>, vector<16xf32>,
      tpu.vector_store %arg12[%swap3A_505, %swap3A_506, %swap3A_507], %bitcast3A_503 {strides = array<i32>} : memref<2x4x128xf32, #tpu.memory_space<vmem>>, vector<16xf32>,
      %get3A_509 = arith.constant 0 : i32
      %get3A_510 = arith.constant 1 : i32
      %get3A_511 = arith.index_cast %rem3A_148 : i32 to index
      %get3A_512 = arith.index_cast %get3A_509 : i32 to index
      %get3A_513 = arith.index_cast %get3A_510 : i32 to index
      %get3A_514 = arith.constant 112 : index
      %get3A_515 = tpu.vector_load %arg9[%get3A_511, %get3A_512, %get3A_513, %get3A_514] {strides = array<i32>} : memref<2x4x2x128xi32, #tpu.memory_space<vmem>>, vector<16xi32>,
      %get3A_516 = arith.constant 0 : i32
      %get3A_517 = arith.constant 0 : i32
      %get3A_518 = arith.index_cast %rem3A_148 : i32 to index
      %get3A_519 = arith.index_cast %get3A_516 : i32 to index
      %get3A_520 = arith.index_cast %get3A_517 : i32 to index
      %get3A_521 = arith.constant 112 : index
      %get3A_522 = tpu.vector_load %arg9[%get3A_518, %get3A_519, %get3A_520, %get3A_521] {strides = array<i32>} : memref<2x4x2x128xi32, #tpu.memory_space<vmem>>, vector<16xi32>,
      %gather3A_523 = tpu.vector_load_idx %arg10[%get3A_515] : memref<10240xi32, #tpu.memory_space<vmem>>[vector<16xi32>], vector<16xi32>,
      %and3A_524 = arith.constant 511 : i32
      %and3A_525 = vector.broadcast %and3A_524 : i32 to vector<16xi32>
      %and3A_526 = arith.andi %gather3A_523, %and3A_525 : vector<16xi32>
      %mul3A_527 = arith.constant 10240 : i32
      %mul3A_528 = vector.broadcast %mul3A_527 : i32 to vector<16xi32>
      %mul3A_529 = arith.muli %and3A_526, %mul3A_528 : vector<16xi32>
      %add3A_530 = arith.addi %mul3A_529, %get3A_522 : vector<16xi32>
      %swap3A_531 = arith.constant 0 : i32
      %swap3A_532 = arith.index_cast %rem3A_148 : i32 to index
      %swap3A_533 = arith.index_cast %swap3A_531 : i32 to index
      %swap3A_534 = arith.constant 112 : index
      %swap3A_535 = tpu.vector_load %arg13[%swap3A_532, %swap3A_533, %swap3A_534] {strides = array<i32>} : memref<2x4x128xi32, #tpu.memory_space<vmem>>, vector<16xi32>,
      tpu.vector_store %arg13[%swap3A_532, %swap3A_533, %swap3A_534], %add3A_530 {strides = array<i32>} : memref<2x4x128xi32, #tpu.memory_space<vmem>>, vector<16xi32>,
      %and3A_536 = arith.constant -512 : i32
      %and3A_537 = vector.broadcast %and3A_536 : i32 to vector<16xi32>
      %and3A_538 = arith.andi %gather3A_523, %and3A_537 : vector<16xi32>
      %bitcast3A_539 = vector.bitcast %and3A_538 : vector<16xi32> to vector<16xf32>
      %swap3A_540 = arith.constant 0 : i32
      %swap3A_541 = arith.index_cast %rem3A_148 : i32 to index
      %swap3A_542 = arith.index_cast %swap3A_540 : i32 to index
      %swap3A_543 = arith.constant 112 : index
      %swap3A_544 = tpu.vector_load %arg12[%swap3A_541, %swap3A_542, %swap3A_543] {strides = array<i32>} : memref<2x4x128xf32, #tpu.memory_space<vmem>>, vector<16xf32>,
      tpu.vector_store %arg12[%swap3A_541, %swap3A_542, %swap3A_543], %bitcast3A_539 {strides = array<i32>} : memref<2x4x128xf32, #tpu.memory_space<vmem>>, vector<16xf32>,
      %get3A_545 = arith.constant 1 : i32
      %get3A_546 = arith.constant 1 : i32
      %get3A_547 = arith.index_cast %rem3A_148 : i32 to index
      %get3A_548 = arith.index_cast %get3A_545 : i32 to index
      %get3A_549 = arith.index_cast %get3A_546 : i32 to index
      %get3A_550 = arith.constant 0 : index
      %get3A_551 = tpu.vector_load %arg9[%get3A_547, %get3A_548, %get3A_549, %get3A_550] {strides = array<i32>} : memref<2x4x2x128xi32, #tpu.memory_space<vmem>>, vector<16xi32>,
      %get3A_552 = arith.constant 1 : i32
      %get3A_553 = arith.constant 0 : i32
      %get3A_554 = arith.index_cast %rem3A_148 : i32 to index
      %get3A_555 = arith.index_cast %get3A_552 : i32 to index
      %get3A_556 = arith.index_cast %get3A_553 : i32 to index
      %get3A_557 = arith.constant 0 : index
      %get3A_558 = tpu.vector_load %arg9[%get3A_554, %get3A_555, %get3A_556, %get3A_557] {strides = array<i32>} : memref<2x4x2x128xi32, #tpu.memory_space<vmem>>, vector<16xi32>,
      %gather3A_559 = tpu.vector_load_idx %arg10[%get3A_551] : memref<10240xi32, #tpu.memory_space<vmem>>[vector<16xi32>], vector<16xi32>,
      %and3A_560 = arith.constant 511 : i32
      %and3A_561 = vector.broadcast %and3A_560 : i32 to vector<16xi32>
      %and3A_562 = arith.andi %gather3A_559, %and3A_561 : vector<16xi32>
      %mul3A_563 = arith.constant 10240 : i32
      %mul3A_564 = vector.broadcast %mul3A_563 : i32 to vector<16xi32>
      %mul3A_565 = arith.muli %and3A_562, %mul3A_564 : vector<16xi32>
      %add3A_566 = arith.addi %mul3A_565, %get3A_558 : vector<16xi32>
      %swap3A_567 = arith.constant 1 : i32
      %swap3A_568 = arith.index_cast %rem3A_148 : i32 to index
      %swap3A_569 = arith.index_cast %swap3A_567 : i32 to index
      %swap3A_570 = arith.constant 0 : index
      %swap3A_571 = tpu.vector_load %arg13[%swap3A_568, %swap3A_569, %swap3A_570] {strides = array<i32>} : memref<2x4x128xi32, #tpu.memory_space<vmem>>, vector<16xi32>,
      tpu.vector_store %arg13[%swap3A_568, %swap3A_569, %swap3A_570], %add3A_566 {strides = array<i32>} : memref<2x4x128xi32, #tpu.memory_space<vmem>>, vector<16xi32>,
      %and3A_572 = arith.constant -512 : i32
      %and3A_573 = vector.broadcast %and3A_572 : i32 to vector<16xi32>
      %and3A_574 = arith.andi %gather3A_559, %and3A_573 : vector<16xi32>
      %bitcast3A_575 = vector.bitcast %and3A_574 : vector<16xi32> to vector<16xf32>
      %swap3A_576 = arith.constant 1 : i32
      %swap3A_577 = arith.index_cast %rem3A_148 : i32 to index
      %swap3A_578 = arith.index_cast %swap3A_576 : i32 to index
      %swap3A_579 = arith.constant 0 : index
      %swap3A_580 = tpu.vector_load %arg12[%swap3A_577, %swap3A_578, %swap3A_579] {strides = array<i32>} : memref<2x4x128xf32, #tpu.memory_space<vmem>>, vector<16xf32>,
      tpu.vector_store %arg12[%swap3A_577, %swap3A_578, %swap3A_579], %bitcast3A_575 {strides = array<i32>} : memref<2x4x128xf32, #tpu.memory_space<vmem>>, vector<16xf32>,
      %get3A_581 = arith.constant 1 : i32
      %get3A_582 = arith.constant 1 : i32
      %get3A_583 = arith.index_cast %rem3A_148 : i32 to index
      %get3A_584 = arith.index_cast %get3A_581 : i32 to index
      %get3A_585 = arith.index_cast %get3A_582 : i32 to index
      %get3A_586 = arith.constant 16 : index
      %get3A_587 = tpu.vector_load %arg9[%get3A_583, %get3A_584, %get3A_585, %get3A_586] {strides = array<i32>} : memref<2x4x2x128xi32, #tpu.memory_space<vmem>>, vector<16xi32>,
      %get3A_588 = arith.constant 1 : i32
      %get3A_589 = arith.constant 0 : i32
      %get3A_590 = arith.index_cast %rem3A_148 : i32 to index
      %get3A_591 = arith.index_cast %get3A_588 : i32 to index
      %get3A_592 = arith.index_cast %get3A_589 : i32 to index
      %get3A_593 = arith.constant 16 : index
      %get3A_594 = tpu.vector_load %arg9[%get3A_590, %get3A_591, %get3A_592, %get3A_593] {strides = array<i32>} : memref<2x4x2x128xi32, #tpu.memory_space<vmem>>, vector<16xi32>,
      %gather3A_595 = tpu.vector_load_idx %arg10[%get3A_587] : memref<10240xi32, #tpu.memory_space<vmem>>[vector<16xi32>], vector<16xi32>,
      %and3A_596 = arith.constant 511 : i32
      %and3A_597 = vector.broadcast %and3A_596 : i32 to vector<16xi32>
      %and3A_598 = arith.andi %gather3A_595, %and3A_597 : vector<16xi32>
      %mul3A_599 = arith.constant 10240 : i32
      %mul3A_600 = vector.broadcast %mul3A_599 : i32 to vector<16xi32>
      %mul3A_601 = arith.muli %and3A_598, %mul3A_600 : vector<16xi32>
      %add3A_602 = arith.addi %mul3A_601, %get3A_594 : vector<16xi32>
      %swap3A_603 = arith.constant 1 : i32
      %swap3A_604 = arith.index_cast %rem3A_148 : i32 to index
      %swap3A_605 = arith.index_cast %swap3A_603 : i32 to index
      %swap3A_606 = arith.constant 16 : index
      %swap3A_607 = tpu.vector_load %arg13[%swap3A_604, %swap3A_605, %swap3A_606] {strides = array<i32>} : memref<2x4x128xi32, #tpu.memory_space<vmem>>, vector<16xi32>,
      tpu.vector_store %arg13[%swap3A_604, %swap3A_605, %swap3A_606], %add3A_602 {strides = array<i32>} : memref<2x4x128xi32, #tpu.memory_space<vmem>>, vector<16xi32>,
      %and3A_608 = arith.constant -512 : i32
      %and3A_609 = vector.broadcast %and3A_608 : i32 to vector<16xi32>
      %and3A_610 = arith.andi %gather3A_595, %and3A_609 : vector<16xi32>
      %bitcast3A_611 = vector.bitcast %and3A_610 : vector<16xi32> to vector<16xf32>
      %swap3A_612 = arith.constant 1 : i32
      %swap3A_613 = arith.index_cast %rem3A_148 : i32 to index
      %swap3A_614 = arith.index_cast %swap3A_612 : i32 to index
      %swap3A_615 = arith.constant 16 : index
      %swap3A_616 = tpu.vector_load %arg12[%swap3A_613, %swap3A_614, %swap3A_615] {strides = array<i32>} : memref<2x4x128xf32, #tpu.memory_space<vmem>>, vector<16xf32>,
      tpu.vector_store %arg12[%swap3A_613, %swap3A_614, %swap3A_615], %bitcast3A_611 {strides = array<i32>} : memref<2x4x128xf32, #tpu.memory_space<vmem>>, vector<16xf32>,
      %get3A_617 = arith.constant 1 : i32
      %get3A_618 = arith.constant 1 : i32
      %get3A_619 = arith.index_cast %rem3A_148 : i32 to index
      %get3A_620 = arith.index_cast %get3A_617 : i32 to index
      %get3A_621 = arith.index_cast %get3A_618 : i32 to index
      %get3A_622 = arith.constant 32 : index
      %get3A_623 = tpu.vector_load %arg9[%get3A_619, %get3A_620, %get3A_621, %get3A_622] {strides = array<i32>} : memref<2x4x2x128xi32, #tpu.memory_space<vmem>>, vector<16xi32>,
      %get3A_624 = arith.constant 1 : i32
      %get3A_625 = arith.constant 0 : i32
      %get3A_626 = arith.index_cast %rem3A_148 : i32 to index
      %get3A_627 = arith.index_cast %get3A_624 : i32 to index
      %get3A_628 = arith.index_cast %get3A_625 : i32 to index
      %get3A_629 = arith.constant 32 : index
      %get3A_630 = tpu.vector_load %arg9[%get3A_626, %get3A_627, %get3A_628, %get3A_629] {strides = array<i32>} : memref<2x4x2x128xi32, #tpu.memory_space<vmem>>, vector<16xi32>,
      %gather3A_631 = tpu.vector_load_idx %arg10[%get3A_623] : memref<10240xi32, #tpu.memory_space<vmem>>[vector<16xi32>], vector<16xi32>,
      %and3A_632 = arith.constant 511 : i32
      %and3A_633 = vector.broadcast %and3A_632 : i32 to vector<16xi32>
      %and3A_634 = arith.andi %gather3A_631, %and3A_633 : vector<16xi32>
      %mul3A_635 = arith.constant 10240 : i32
      %mul3A_636 = vector.broadcast %mul3A_635 : i32 to vector<16xi32>
      %mul3A_637 = arith.muli %and3A_634, %mul3A_636 : vector<16xi32>
      %add3A_638 = arith.addi %mul3A_637, %get3A_630 : vector<16xi32>
      %swap3A_639 = arith.constant 1 : i32
      %swap3A_640 = arith.index_cast %rem3A_148 : i32 to index
      %swap3A_641 = arith.index_cast %swap3A_639 : i32 to index
      %swap3A_642 = arith.constant 32 : index
      %swap3A_643 = tpu.vector_load %arg13[%swap3A_640, %swap3A_641, %swap3A_642] {strides = array<i32>} : memref<2x4x128xi32, #tpu.memory_space<vmem>>, vector<16xi32>,
      tpu.vector_store %arg13[%swap3A_640, %swap3A_641, %swap3A_642], %add3A_638 {strides = array<i32>} : memref<2x4x128xi32, #tpu.memory_space<vmem>>, vector<16xi32>,
      %and3A_644 = arith.constant -512 : i32
      %and3A_645 = vector.broadcast %and3A_644 : i32 to vector<16xi32>
      %and3A_646 = arith.andi %gather3A_631, %and3A_645 : vector<16xi32>
      %bitcast3A_647 = vector.bitcast %and3A_646 : vector<16xi32> to vector<16xf32>
      %swap3A_648 = arith.constant 1 : i32
      %swap3A_649 = arith.index_cast %rem3A_148 : i32 to index
      %swap3A_650 = arith.index_cast %swap3A_648 : i32 to index
      %swap3A_651 = arith.constant 32 : index
      %swap3A_652 = tpu.vector_load %arg12[%swap3A_649, %swap3A_650, %swap3A_651] {strides = array<i32>} : memref<2x4x128xf32, #tpu.memory_space<vmem>>, vector<16xf32>,
      tpu.vector_store %arg12[%swap3A_649, %swap3A_650, %swap3A_651], %bitcast3A_647 {strides = array<i32>} : memref<2x4x128xf32, #tpu.memory_space<vmem>>, vector<16xf32>,
      %get3A_653 = arith.constant 1 : i32
      %get3A_654 = arith.constant 1 : i32
      %get3A_655 = arith.index_cast %rem3A_148 : i32 to index
      %get3A_656 = arith.index_cast %get3A_653 : i32 to index
      %get3A_657 = arith.index_cast %get3A_654 : i32 to index
      %get3A_658 = arith.constant 48 : index
      %get3A_659 = tpu.vector_load %arg9[%get3A_655, %get3A_656, %get3A_657, %get3A_658] {strides = array<i32>} : memref<2x4x2x128xi32, #tpu.memory_space<vmem>>, vector<16xi32>,
      %get3A_660 = arith.constant 1 : i32
      %get3A_661 = arith.constant 0 : i32
      %get3A_662 = arith.index_cast %rem3A_148 : i32 to index
      %get3A_663 = arith.index_cast %get3A_660 : i32 to index
      %get3A_664 = arith.index_cast %get3A_661 : i32 to index
      %get3A_665 = arith.constant 48 : index
      %get3A_666 = tpu.vector_load %arg9[%get3A_662, %get3A_663, %get3A_664, %get3A_665] {strides = array<i32>} : memref<2x4x2x128xi32, #tpu.memory_space<vmem>>, vector<16xi32>,
      %gather3A_667 = tpu.vector_load_idx %arg10[%get3A_659] : memref<10240xi32, #tpu.memory_space<vmem>>[vector<16xi32>], vector<16xi32>,
      %and3A_668 = arith.constant 511 : i32
      %and3A_669 = vector.broadcast %and3A_668 : i32 to vector<16xi32>
      %and3A_670 = arith.andi %gather3A_667, %and3A_669 : vector<16xi32>
      %mul3A_671 = arith.constant 10240 : i32
      %mul3A_672 = vector.broadcast %mul3A_671 : i32 to vector<16xi32>
      %mul3A_673 = arith.muli %and3A_670, %mul3A_672 : vector<16xi32>
      %add3A_674 = arith.addi %mul3A_673, %get3A_666 : vector<16xi32>
      %swap3A_675 = arith.constant 1 : i32
      %swap3A_676 = arith.index_cast %rem3A_148 : i32 to index
      %swap3A_677 = arith.index_cast %swap3A_675 : i32 to index
      %swap3A_678 = arith.constant 48 : index
      %swap3A_679 = tpu.vector_load %arg13[%swap3A_676, %swap3A_677, %swap3A_678] {strides = array<i32>} : memref<2x4x128xi32, #tpu.memory_space<vmem>>, vector<16xi32>,
      tpu.vector_store %arg13[%swap3A_676, %swap3A_677, %swap3A_678], %add3A_674 {strides = array<i32>} : memref<2x4x128xi32, #tpu.memory_space<vmem>>, vector<16xi32>,
      %and3A_680 = arith.constant -512 : i32
      %and3A_681 = vector.broadcast %and3A_680 : i32 to vector<16xi32>
      %and3A_682 = arith.andi %gather3A_667, %and3A_681 : vector<16xi32>
      %bitcast3A_683 = vector.bitcast %and3A_682 : vector<16xi32> to vector<16xf32>
      %swap3A_684 = arith.constant 1 : i32
      %swap3A_685 = arith.index_cast %rem3A_148 : i32 to index
      %swap3A_686 = arith.index_cast %swap3A_684 : i32 to index
      %swap3A_687 = arith.constant 48 : index
      %swap3A_688 = tpu.vector_load %arg12[%swap3A_685, %swap3A_686, %swap3A_687] {strides = array<i32>} : memref<2x4x128xf32, #tpu.memory_space<vmem>>, vector<16xf32>,
      tpu.vector_store %arg12[%swap3A_685, %swap3A_686, %swap3A_687], %bitcast3A_683 {strides = array<i32>} : memref<2x4x128xf32, #tpu.memory_space<vmem>>, vector<16xf32>,
      %get3A_689 = arith.constant 1 : i32
      %get3A_690 = arith.constant 1 : i32
      %get3A_691 = arith.index_cast %rem3A_148 : i32 to index
      %get3A_692 = arith.index_cast %get3A_689 : i32 to index
      %get3A_693 = arith.index_cast %get3A_690 : i32 to index
      %get3A_694 = arith.constant 64 : index
      %get3A_695 = tpu.vector_load %arg9[%get3A_691, %get3A_692, %get3A_693, %get3A_694] {strides = array<i32>} : memref<2x4x2x128xi32, #tpu.memory_space<vmem>>, vector<16xi32>,
      %get3A_696 = arith.constant 1 : i32
      %get3A_697 = arith.constant 0 : i32
      %get3A_698 = arith.index_cast %rem3A_148 : i32 to index
      %get3A_699 = arith.index_cast %get3A_696 : i32 to index
      %get3A_700 = arith.index_cast %get3A_697 : i32 to index
      %get3A_701 = arith.constant 64 : index
      %get3A_702 = tpu.vector_load %arg9[%get3A_698, %get3A_699, %get3A_700, %get3A_701] {strides = array<i32>} : memref<2x4x2x128xi32, #tpu.memory_space<vmem>>, vector<16xi32>,
      %gather3A_703 = tpu.vector_load_idx %arg10[%get3A_695] : memref<10240xi32, #tpu.memory_space<vmem>>[vector<16xi32>], vector<16xi32>,
      %and3A_704 = arith.constant 511 : i32
      %and3A_705 = vector.broadcast %and3A_704 : i32 to vector<16xi32>
      %and3A_706 = arith.andi %gather3A_703, %and3A_705 : vector<16xi32>
      %mul3A_707 = arith.constant 10240 : i32
      %mul3A_708 = vector.broadcast %mul3A_707 : i32 to vector<16xi32>
      %mul3A_709 = arith.muli %and3A_706, %mul3A_708 : vector<16xi32>
      %add3A_710 = arith.addi %mul3A_709, %get3A_702 : vector<16xi32>
      %swap3A_711 = arith.constant 1 : i32
      %swap3A_712 = arith.index_cast %rem3A_148 : i32 to index
      %swap3A_713 = arith.index_cast %swap3A_711 : i32 to index
      %swap3A_714 = arith.constant 64 : index
      %swap3A_715 = tpu.vector_load %arg13[%swap3A_712, %swap3A_713, %swap3A_714] {strides = array<i32>} : memref<2x4x128xi32, #tpu.memory_space<vmem>>, vector<16xi32>,
      tpu.vector_store %arg13[%swap3A_712, %swap3A_713, %swap3A_714], %add3A_710 {strides = array<i32>} : memref<2x4x128xi32, #tpu.memory_space<vmem>>, vector<16xi32>,
      %and3A_716 = arith.constant -512 : i32
      %and3A_717 = vector.broadcast %and3A_716 : i32 to vector<16xi32>
      %and3A_718 = arith.andi %gather3A_703, %and3A_717 : vector<16xi32>
      %bitcast3A_719 = vector.bitcast %and3A_718 : vector<16xi32> to vector<16xf32>
      %swap3A_720 = arith.constant 1 : i32
      %swap3A_721 = arith.index_cast %rem3A_148 : i32 to index
      %swap3A_722 = arith.index_cast %swap3A_720 : i32 to index
      %swap3A_723 = arith.constant 64 : index
      %swap3A_724 = tpu.vector_load %arg12[%swap3A_721, %swap3A_722, %swap3A_723] {strides = array<i32>} : memref<2x4x128xf32, #tpu.memory_space<vmem>>, vector<16xf32>,
      tpu.vector_store %arg12[%swap3A_721, %swap3A_722, %swap3A_723], %bitcast3A_719 {strides = array<i32>} : memref<2x4x128xf32, #tpu.memory_space<vmem>>, vector<16xf32>,
      %get3A_725 = arith.constant 1 : i32
      %get3A_726 = arith.constant 1 : i32
      %get3A_727 = arith.index_cast %rem3A_148 : i32 to index
      %get3A_728 = arith.index_cast %get3A_725 : i32 to index
      %get3A_729 = arith.index_cast %get3A_726 : i32 to index
      %get3A_730 = arith.constant 80 : index
      %get3A_731 = tpu.vector_load %arg9[%get3A_727, %get3A_728, %get3A_729, %get3A_730] {strides = array<i32>} : memref<2x4x2x128xi32, #tpu.memory_space<vmem>>, vector<16xi32>,
      %get3A_732 = arith.constant 1 : i32
      %get3A_733 = arith.constant 0 : i32
      %get3A_734 = arith.index_cast %rem3A_148 : i32 to index
      %get3A_735 = arith.index_cast %get3A_732 : i32 to index
      %get3A_736 = arith.index_cast %get3A_733 : i32 to index
      %get3A_737 = arith.constant 80 : index
      %get3A_738 = tpu.vector_load %arg9[%get3A_734, %get3A_735, %get3A_736, %get3A_737] {strides = array<i32>} : memref<2x4x2x128xi32, #tpu.memory_space<vmem>>, vector<16xi32>,
      %gather3A_739 = tpu.vector_load_idx %arg10[%get3A_731] : memref<10240xi32, #tpu.memory_space<vmem>>[vector<16xi32>], vector<16xi32>,
      %and3A_740 = arith.constant 511 : i32
      %and3A_741 = vector.broadcast %and3A_740 : i32 to vector<16xi32>
      %and3A_742 = arith.andi %gather3A_739, %and3A_741 : vector<16xi32>
      %mul3A_743 = arith.constant 10240 : i32
      %mul3A_744 = vector.broadcast %mul3A_743 : i32 to vector<16xi32>
      %mul3A_745 = arith.muli %and3A_742, %mul3A_744 : vector<16xi32>
      %add3A_746 = arith.addi %mul3A_745, %get3A_738 : vector<16xi32>
      %swap3A_747 = arith.constant 1 : i32
      %swap3A_748 = arith.index_cast %rem3A_148 : i32 to index
      %swap3A_749 = arith.index_cast %swap3A_747 : i32 to index
      %swap3A_750 = arith.constant 80 : index
      %swap3A_751 = tpu.vector_load %arg13[%swap3A_748, %swap3A_749, %swap3A_750] {strides = array<i32>} : memref<2x4x128xi32, #tpu.memory_space<vmem>>, vector<16xi32>,
      tpu.vector_store %arg13[%swap3A_748, %swap3A_749, %swap3A_750], %add3A_746 {strides = array<i32>} : memref<2x4x128xi32, #tpu.memory_space<vmem>>, vector<16xi32>,
      %and3A_752 = arith.constant -512 : i32
      %and3A_753 = vector.broadcast %and3A_752 : i32 to vector<16xi32>
      %and3A_754 = arith.andi %gather3A_739, %and3A_753 : vector<16xi32>
      %bitcast3A_755 = vector.bitcast %and3A_754 : vector<16xi32> to vector<16xf32>
      %swap3A_756 = arith.constant 1 : i32
      %swap3A_757 = arith.index_cast %rem3A_148 : i32 to index
      %swap3A_758 = arith.index_cast %swap3A_756 : i32 to index
      %swap3A_759 = arith.constant 80 : index
      %swap3A_760 = tpu.vector_load %arg12[%swap3A_757, %swap3A_758, %swap3A_759] {strides = array<i32>} : memref<2x4x128xf32, #tpu.memory_space<vmem>>, vector<16xf32>,
      tpu.vector_store %arg12[%swap3A_757, %swap3A_758, %swap3A_759], %bitcast3A_755 {strides = array<i32>} : memref<2x4x128xf32, #tpu.memory_space<vmem>>, vector<16xf32>,
      %get3A_761 = arith.constant 1 : i32
      %get3A_762 = arith.constant 1 : i32
      %get3A_763 = arith.index_cast %rem3A_148 : i32 to index
      %get3A_764 = arith.index_cast %get3A_761 : i32 to index
      %get3A_765 = arith.index_cast %get3A_762 : i32 to index
      %get3A_766 = arith.constant 96 : index
      %get3A_767 = tpu.vector_load %arg9[%get3A_763, %get3A_764, %get3A_765, %get3A_766] {strides = array<i32>} : memref<2x4x2x128xi32, #tpu.memory_space<vmem>>, vector<16xi32>,
      %get3A_768 = arith.constant 1 : i32
      %get3A_769 = arith.constant 0 : i32
      %get3A_770 = arith.index_cast %rem3A_148 : i32 to index
      %get3A_771 = arith.index_cast %get3A_768 : i32 to index
      %get3A_772 = arith.index_cast %get3A_769 : i32 to index
      %get3A_773 = arith.constant 96 : index
      %get3A_774 = tpu.vector_load %arg9[%get3A_770, %get3A_771, %get3A_772, %get3A_773] {strides = array<i32>} : memref<2x4x2x128xi32, #tpu.memory_space<vmem>>, vector<16xi32>,
      %gather3A_775 = tpu.vector_load_idx %arg10[%get3A_767] : memref<10240xi32, #tpu.memory_space<vmem>>[vector<16xi32>], vector<16xi32>,
      %and3A_776 = arith.constant 511 : i32
      %and3A_777 = vector.broadcast %and3A_776 : i32 to vector<16xi32>
      %and3A_778 = arith.andi %gather3A_775, %and3A_777 : vector<16xi32>
      %mul3A_779 = arith.constant 10240 : i32
      %mul3A_780 = vector.broadcast %mul3A_779 : i32 to vector<16xi32>
      %mul3A_781 = arith.muli %and3A_778, %mul3A_780 : vector<16xi32>
      %add3A_782 = arith.addi %mul3A_781, %get3A_774 : vector<16xi32>
      %swap3A_783 = arith.constant 1 : i32
      %swap3A_784 = arith.index_cast %rem3A_148 : i32 to index
      %swap3A_785 = arith.index_cast %swap3A_783 : i32 to index
      %swap3A_786 = arith.constant 96 : index
      %swap3A_787 = tpu.vector_load %arg13[%swap3A_784, %swap3A_785, %swap3A_786] {strides = array<i32>} : memref<2x4x128xi32, #tpu.memory_space<vmem>>, vector<16xi32>,
      tpu.vector_store %arg13[%swap3A_784, %swap3A_785, %swap3A_786], %add3A_782 {strides = array<i32>} : memref<2x4x128xi32, #tpu.memory_space<vmem>>, vector<16xi32>,
      %and3A_788 = arith.constant -512 : i32
      %and3A_789 = vector.broadcast %and3A_788 : i32 to vector<16xi32>
      %and3A_790 = arith.andi %gather3A_775, %and3A_789 : vector<16xi32>
      %bitcast3A_791 = vector.bitcast %and3A_790 : vector<16xi32> to vector<16xf32>
      %swap3A_792 = arith.constant 1 : i32
      %swap3A_793 = arith.index_cast %rem3A_148 : i32 to index
      %swap3A_794 = arith.index_cast %swap3A_792 : i32 to index
      %swap3A_795 = arith.constant 96 : index
      %swap3A_796 = tpu.vector_load %arg12[%swap3A_793, %swap3A_794, %swap3A_795] {strides = array<i32>} : memref<2x4x128xf32, #tpu.memory_space<vmem>>, vector<16xf32>,
      tpu.vector_store %arg12[%swap3A_793, %swap3A_794, %swap3A_795], %bitcast3A_791 {strides = array<i32>} : memref<2x4x128xf32, #tpu.memory_space<vmem>>, vector<16xf32>,
      %get3A_797 = arith.constant 1 : i32
      %get3A_798 = arith.constant 1 : i32
      %get3A_799 = arith.index_cast %rem3A_148 : i32 to index
      %get3A_800 = arith.index_cast %get3A_797 : i32 to index
      %get3A_801 = arith.index_cast %get3A_798 : i32 to index
      %get3A_802 = arith.constant 112 : index
      %get3A_803 = tpu.vector_load %arg9[%get3A_799, %get3A_800, %get3A_801, %get3A_802] {strides = array<i32>} : memref<2x4x2x128xi32, #tpu.memory_space<vmem>>, vector<16xi32>,
      %get3A_804 = arith.constant 1 : i32
      %get3A_805 = arith.constant 0 : i32
      %get3A_806 = arith.index_cast %rem3A_148 : i32 to index
      %get3A_807 = arith.index_cast %get3A_804 : i32 to index
      %get3A_808 = arith.index_cast %get3A_805 : i32 to index
      %get3A_809 = arith.constant 112 : index
      %get3A_810 = tpu.vector_load %arg9[%get3A_806, %get3A_807, %get3A_808, %get3A_809] {strides = array<i32>} : memref<2x4x2x128xi32, #tpu.memory_space<vmem>>, vector<16xi32>,
      %gather3A_811 = tpu.vector_load_idx %arg10[%get3A_803] : memref<10240xi32, #tpu.memory_space<vmem>>[vector<16xi32>], vector<16xi32>,
      %and3A_812 = arith.constant 511 : i32
      %and3A_813 = vector.broadcast %and3A_812 : i32 to vector<16xi32>
      %and3A_814 = arith.andi %gather3A_811, %and3A_813 : vector<16xi32>
      %mul3A_815 = arith.constant 10240 : i32
      %mul3A_816 = vector.broadcast %mul3A_815 : i32 to vector<16xi32>
      %mul3A_817 = arith.muli %and3A_814, %mul3A_816 : vector<16xi32>
      %add3A_818 = arith.addi %mul3A_817, %get3A_810 : vector<16xi32>
      %swap3A_819 = arith.constant 1 : i32
      %swap3A_820 = arith.index_cast %rem3A_148 : i32 to index
      %swap3A_821 = arith.index_cast %swap3A_819 : i32 to index
      %swap3A_822 = arith.constant 112 : index
      %swap3A_823 = tpu.vector_load %arg13[%swap3A_820, %swap3A_821, %swap3A_822] {strides = array<i32>} : memref<2x4x128xi32, #tpu.memory_space<vmem>>, vector<16xi32>,
      tpu.vector_store %arg13[%swap3A_820, %swap3A_821, %swap3A_822], %add3A_818 {strides = array<i32>} : memref<2x4x128xi32, #tpu.memory_space<vmem>>, vector<16xi32>,
      %and3A_824 = arith.constant -512 : i32
      %and3A_825 = vector.broadcast %and3A_824 : i32 to vector<16xi32>
      %and3A_826 = arith.andi %gather3A_811, %and3A_825 : vector<16xi32>
      %bitcast3A_827 = vector.bitcast %and3A_826 : vector<16xi32> to vector<16xf32>
      %swap3A_828 = arith.constant 1 : i32
      %swap3A_829 = arith.index_cast %rem3A_148 : i32 to index
      %swap3A_830 = arith.index_cast %swap3A_828 : i32 to index
      %swap3A_831 = arith.constant 112 : index
      %swap3A_832 = tpu.vector_load %arg12[%swap3A_829, %swap3A_830, %swap3A_831] {strides = array<i32>} : memref<2x4x128xf32, #tpu.memory_space<vmem>>, vector<16xf32>,
      tpu.vector_store %arg12[%swap3A_829, %swap3A_830, %swap3A_831], %bitcast3A_827 {strides = array<i32>} : memref<2x4x128xf32, #tpu.memory_space<vmem>>, vector<16xf32>,
      %get3A_833 = arith.constant 2 : i32
      %get3A_834 = arith.constant 1 : i32
      %get3A_835 = arith.index_cast %rem3A_148 : i32 to index
      %get3A_836 = arith.index_cast %get3A_833 : i32 to index
      %get3A_837 = arith.index_cast %get3A_834 : i32 to index
      %get3A_838 = arith.constant 0 : index
      %get3A_839 = tpu.vector_load %arg9[%get3A_835, %get3A_836, %get3A_837, %get3A_838] {strides = array<i32>} : memref<2x4x2x128xi32, #tpu.memory_space<vmem>>, vector<16xi32>,
      %get3A_840 = arith.constant 2 : i32
      %get3A_841 = arith.constant 0 : i32
      %get3A_842 = arith.index_cast %rem3A_148 : i32 to index
      %get3A_843 = arith.index_cast %get3A_840 : i32 to index
      %get3A_844 = arith.index_cast %get3A_841 : i32 to index
      %get3A_845 = arith.constant 0 : index
      %get3A_846 = tpu.vector_load %arg9[%get3A_842, %get3A_843, %get3A_844, %get3A_845] {strides = array<i32>} : memref<2x4x2x128xi32, #tpu.memory_space<vmem>>, vector<16xi32>,
      %gather3A_847 = tpu.vector_load_idx %arg10[%get3A_839] : memref<10240xi32, #tpu.memory_space<vmem>>[vector<16xi32>], vector<16xi32>,
      %and3A_848 = arith.constant 511 : i32
      %and3A_849 = vector.broadcast %and3A_848 : i32 to vector<16xi32>
      %and3A_850 = arith.andi %gather3A_847, %and3A_849 : vector<16xi32>
      %mul3A_851 = arith.constant 10240 : i32
      %mul3A_852 = vector.broadcast %mul3A_851 : i32 to vector<16xi32>
      %mul3A_853 = arith.muli %and3A_850, %mul3A_852 : vector<16xi32>
      %add3A_854 = arith.addi %mul3A_853, %get3A_846 : vector<16xi32>
      %swap3A_855 = arith.constant 2 : i32
      %swap3A_856 = arith.index_cast %rem3A_148 : i32 to index
      %swap3A_857 = arith.index_cast %swap3A_855 : i32 to index
      %swap3A_858 = arith.constant 0 : index
      %swap3A_859 = tpu.vector_load %arg13[%swap3A_856, %swap3A_857, %swap3A_858] {strides = array<i32>} : memref<2x4x128xi32, #tpu.memory_space<vmem>>, vector<16xi32>,
      tpu.vector_store %arg13[%swap3A_856, %swap3A_857, %swap3A_858], %add3A_854 {strides = array<i32>} : memref<2x4x128xi32, #tpu.memory_space<vmem>>, vector<16xi32>,
      %and3A_860 = arith.constant -512 : i32
      %and3A_861 = vector.broadcast %and3A_860 : i32 to vector<16xi32>
      %and3A_862 = arith.andi %gather3A_847, %and3A_861 : vector<16xi32>
      %bitcast3A_863 = vector.bitcast %and3A_862 : vector<16xi32> to vector<16xf32>
      %swap3A_864 = arith.constant 2 : i32
      %swap3A_865 = arith.index_cast %rem3A_148 : i32 to index
      %swap3A_866 = arith.index_cast %swap3A_864 : i32 to index
      %swap3A_867 = arith.constant 0 : index
      %swap3A_868 = tpu.vector_load %arg12[%swap3A_865, %swap3A_866, %swap3A_867] {strides = array<i32>} : memref<2x4x128xf32, #tpu.memory_space<vmem>>, vector<16xf32>,
      tpu.vector_store %arg12[%swap3A_865, %swap3A_866, %swap3A_867], %bitcast3A_863 {strides = array<i32>} : memref<2x4x128xf32, #tpu.memory_space<vmem>>, vector<16xf32>,
      %get3A_869 = arith.constant 2 : i32
      %get3A_870 = arith.constant 1 : i32
      %get3A_871 = arith.index_cast %rem3A_148 : i32 to index
      %get3A_872 = arith.index_cast %get3A_869 : i32 to index
      %get3A_873 = arith.index_cast %get3A_870 : i32 to index
      %get3A_874 = arith.constant 16 : index
      %get3A_875 = tpu.vector_load %arg9[%get3A_871, %get3A_872, %get3A_873, %get3A_874] {strides = array<i32>} : memref<2x4x2x128xi32, #tpu.memory_space<vmem>>, vector<16xi32>,
      %get3A_876 = arith.constant 2 : i32
      %get3A_877 = arith.constant 0 : i32
      %get3A_878 = arith.index_cast %rem3A_148 : i32 to index
      %get3A_879 = arith.index_cast %get3A_876 : i32 to index
      %get3A_880 = arith.index_cast %get3A_877 : i32 to index
      %get3A_881 = arith.constant 16 : index
      %get3A_882 = tpu.vector_load %arg9[%get3A_878, %get3A_879, %get3A_880, %get3A_881] {strides = array<i32>} : memref<2x4x2x128xi32, #tpu.memory_space<vmem>>, vector<16xi32>,
      %gather3A_883 = tpu.vector_load_idx %arg10[%get3A_875] : memref<10240xi32, #tpu.memory_space<vmem>>[vector<16xi32>], vector<16xi32>,
      %and3A_884 = arith.constant 511 : i32
      %and3A_885 = vector.broadcast %and3A_884 : i32 to vector<16xi32>
      %and3A_886 = arith.andi %gather3A_883, %and3A_885 : vector<16xi32>
      %mul3A_887 = arith.constant 10240 : i32
      %mul3A_888 = vector.broadcast %mul3A_887 : i32 to vector<16xi32>
      %mul3A_889 = arith.muli %and3A_886, %mul3A_888 : vector<16xi32>
      %add3A_890 = arith.addi %mul3A_889, %get3A_882 : vector<16xi32>
      %swap3A_891 = arith.constant 2 : i32
      %swap3A_892 = arith.index_cast %rem3A_148 : i32 to index
      %swap3A_893 = arith.index_cast %swap3A_891 : i32 to index
      %swap3A_894 = arith.constant 16 : index
      %swap3A_895 = tpu.vector_load %arg13[%swap3A_892, %swap3A_893, %swap3A_894] {strides = array<i32>} : memref<2x4x128xi32, #tpu.memory_space<vmem>>, vector<16xi32>,
      tpu.vector_store %arg13[%swap3A_892, %swap3A_893, %swap3A_894], %add3A_890 {strides = array<i32>} : memref<2x4x128xi32, #tpu.memory_space<vmem>>, vector<16xi32>,
      %and3A_896 = arith.constant -512 : i32
      %and3A_897 = vector.broadcast %and3A_896 : i32 to vector<16xi32>
      %and3A_898 = arith.andi %gather3A_883, %and3A_897 : vector<16xi32>
      %bitcast3A_899 = vector.bitcast %and3A_898 : vector<16xi32> to vector<16xf32>
      %swap3A_900 = arith.constant 2 : i32
      %swap3A_901 = arith.index_cast %rem3A_148 : i32 to index
      %swap3A_902 = arith.index_cast %swap3A_900 : i32 to index
      %swap3A_903 = arith.constant 16 : index
      %swap3A_904 = tpu.vector_load %arg12[%swap3A_901, %swap3A_902, %swap3A_903] {strides = array<i32>} : memref<2x4x128xf32, #tpu.memory_space<vmem>>, vector<16xf32>,
      tpu.vector_store %arg12[%swap3A_901, %swap3A_902, %swap3A_903], %bitcast3A_899 {strides = array<i32>} : memref<2x4x128xf32, #tpu.memory_space<vmem>>, vector<16xf32>,
      %get3A_905 = arith.constant 2 : i32
      %get3A_906 = arith.constant 1 : i32
      %get3A_907 = arith.index_cast %rem3A_148 : i32 to index
      %get3A_908 = arith.index_cast %get3A_905 : i32 to index
      %get3A_909 = arith.index_cast %get3A_906 : i32 to index
      %get3A_910 = arith.constant 32 : index
      %get3A_911 = tpu.vector_load %arg9[%get3A_907, %get3A_908, %get3A_909, %get3A_910] {strides = array<i32>} : memref<2x4x2x128xi32, #tpu.memory_space<vmem>>, vector<16xi32>,
      %get3A_912 = arith.constant 2 : i32
      %get3A_913 = arith.constant 0 : i32
      %get3A_914 = arith.index_cast %rem3A_148 : i32 to index
      %get3A_915 = arith.index_cast %get3A_912 : i32 to index
      %get3A_916 = arith.index_cast %get3A_913 : i32 to index
      %get3A_917 = arith.constant 32 : index
      %get3A_918 = tpu.vector_load %arg9[%get3A_914, %get3A_915, %get3A_916, %get3A_917] {strides = array<i32>} : memref<2x4x2x128xi32, #tpu.memory_space<vmem>>, vector<16xi32>,
      %gather3A_919 = tpu.vector_load_idx %arg10[%get3A_911] : memref<10240xi32, #tpu.memory_space<vmem>>[vector<16xi32>], vector<16xi32>,
      %and3A_920 = arith.constant 511 : i32
      %and3A_921 = vector.broadcast %and3A_920 : i32 to vector<16xi32>
      %and3A_922 = arith.andi %gather3A_919, %and3A_921 : vector<16xi32>
      %mul3A_923 = arith.constant 10240 : i32
      %mul3A_924 = vector.broadcast %mul3A_923 : i32 to vector<16xi32>
      %mul3A_925 = arith.muli %and3A_922, %mul3A_924 : vector<16xi32>
      %add3A_926 = arith.addi %mul3A_925, %get3A_918 : vector<16xi32>
      %swap3A_927 = arith.constant 2 : i32
      %swap3A_928 = arith.index_cast %rem3A_148 : i32 to index
      %swap3A_929 = arith.index_cast %swap3A_927 : i32 to index
      %swap3A_930 = arith.constant 32 : index
      %swap3A_931 = tpu.vector_load %arg13[%swap3A_928, %swap3A_929, %swap3A_930] {strides = array<i32>} : memref<2x4x128xi32, #tpu.memory_space<vmem>>, vector<16xi32>,
      tpu.vector_store %arg13[%swap3A_928, %swap3A_929, %swap3A_930], %add3A_926 {strides = array<i32>} : memref<2x4x128xi32, #tpu.memory_space<vmem>>, vector<16xi32>,
      %and3A_932 = arith.constant -512 : i32
      %and3A_933 = vector.broadcast %and3A_932 : i32 to vector<16xi32>
      %and3A_934 = arith.andi %gather3A_919, %and3A_933 : vector<16xi32>
      %bitcast3A_935 = vector.bitcast %and3A_934 : vector<16xi32> to vector<16xf32>
      %swap3A_936 = arith.constant 2 : i32
      %swap3A_937 = arith.index_cast %rem3A_148 : i32 to index
      %swap3A_938 = arith.index_cast %swap3A_936 : i32 to index
      %swap3A_939 = arith.constant 32 : index
      %swap3A_940 = tpu.vector_load %arg12[%swap3A_937, %swap3A_938, %swap3A_939] {strides = array<i32>} : memref<2x4x128xf32, #tpu.memory_space<vmem>>, vector<16xf32>,
      tpu.vector_store %arg12[%swap3A_937, %swap3A_938, %swap3A_939], %bitcast3A_935 {strides = array<i32>} : memref<2x4x128xf32, #tpu.memory_space<vmem>>, vector<16xf32>,
      %get3A_941 = arith.constant 2 : i32
      %get3A_942 = arith.constant 1 : i32
      %get3A_943 = arith.index_cast %rem3A_148 : i32 to index
      %get3A_944 = arith.index_cast %get3A_941 : i32 to index
      %get3A_945 = arith.index_cast %get3A_942 : i32 to index
      %get3A_946 = arith.constant 48 : index
      %get3A_947 = tpu.vector_load %arg9[%get3A_943, %get3A_944, %get3A_945, %get3A_946] {strides = array<i32>} : memref<2x4x2x128xi32, #tpu.memory_space<vmem>>, vector<16xi32>,
      %get3A_948 = arith.constant 2 : i32
      %get3A_949 = arith.constant 0 : i32
      %get3A_950 = arith.index_cast %rem3A_148 : i32 to index
      %get3A_951 = arith.index_cast %get3A_948 : i32 to index
      %get3A_952 = arith.index_cast %get3A_949 : i32 to index
      %get3A_953 = arith.constant 48 : index
      %get3A_954 = tpu.vector_load %arg9[%get3A_950, %get3A_951, %get3A_952, %get3A_953] {strides = array<i32>} : memref<2x4x2x128xi32, #tpu.memory_space<vmem>>, vector<16xi32>,
      %gather3A_955 = tpu.vector_load_idx %arg10[%get3A_947] : memref<10240xi32, #tpu.memory_space<vmem>>[vector<16xi32>], vector<16xi32>,
      %and3A_956 = arith.constant 511 : i32
      %and3A_957 = vector.broadcast %and3A_956 : i32 to vector<16xi32>
      %and3A_958 = arith.andi %gather3A_955, %and3A_957 : vector<16xi32>
      %mul3A_959 = arith.constant 10240 : i32
      %mul3A_960 = vector.broadcast %mul3A_959 : i32 to vector<16xi32>
      %mul3A_961 = arith.muli %and3A_958, %mul3A_960 : vector<16xi32>
      %add3A_962 = arith.addi %mul3A_961, %get3A_954 : vector<16xi32>
      %swap3A_963 = arith.constant 2 : i32
      %swap3A_964 = arith.index_cast %rem3A_148 : i32 to index
      %swap3A_965 = arith.index_cast %swap3A_963 : i32 to index
      %swap3A_966 = arith.constant 48 : index
      %swap3A_967 = tpu.vector_load %arg13[%swap3A_964, %swap3A_965, %swap3A_966] {strides = array<i32>} : memref<2x4x128xi32, #tpu.memory_space<vmem>>, vector<16xi32>,
      tpu.vector_store %arg13[%swap3A_964, %swap3A_965, %swap3A_966], %add3A_962 {strides = array<i32>} : memref<2x4x128xi32, #tpu.memory_space<vmem>>, vector<16xi32>,
      %and3A_968 = arith.constant -512 : i32
      %and3A_969 = vector.broadcast %and3A_968 : i32 to vector<16xi32>
      %and3A_970 = arith.andi %gather3A_955, %and3A_969 : vector<16xi32>
      %bitcast3A_971 = vector.bitcast %and3A_970 : vector<16xi32> to vector<16xf32>
      %swap3A_972 = arith.constant 2 : i32
      %swap3A_973 = arith.index_cast %rem3A_148 : i32 to index
      %swap3A_974 = arith.index_cast %swap3A_972 : i32 to index
      %swap3A_975 = arith.constant 48 : index
      %swap3A_976 = tpu.vector_load %arg12[%swap3A_973, %swap3A_974, %swap3A_975] {strides = array<i32>} : memref<2x4x128xf32, #tpu.memory_space<vmem>>, vector<16xf32>,
      tpu.vector_store %arg12[%swap3A_973, %swap3A_974, %swap3A_975], %bitcast3A_971 {strides = array<i32>} : memref<2x4x128xf32, #tpu.memory_space<vmem>>, vector<16xf32>,
      %get3A_977 = arith.constant 2 : i32
      %get3A_978 = arith.constant 1 : i32
      %get3A_979 = arith.index_cast %rem3A_148 : i32 to index
      %get3A_980 = arith.index_cast %get3A_977 : i32 to index
      %get3A_981 = arith.index_cast %get3A_978 : i32 to index
      %get3A_982 = arith.constant 64 : index
      %get3A_983 = tpu.vector_load %arg9[%get3A_979, %get3A_980, %get3A_981, %get3A_982] {strides = array<i32>} : memref<2x4x2x128xi32, #tpu.memory_space<vmem>>, vector<16xi32>,
      %get3A_984 = arith.constant 2 : i32
      %get3A_985 = arith.constant 0 : i32
      %get3A_986 = arith.index_cast %rem3A_148 : i32 to index
      %get3A_987 = arith.index_cast %get3A_984 : i32 to index
      %get3A_988 = arith.index_cast %get3A_985 : i32 to index
      %get3A_989 = arith.constant 64 : index
      %get3A_990 = tpu.vector_load %arg9[%get3A_986, %get3A_987, %get3A_988, %get3A_989] {strides = array<i32>} : memref<2x4x2x128xi32, #tpu.memory_space<vmem>>, vector<16xi32>,
      %gather3A_991 = tpu.vector_load_idx %arg10[%get3A_983] : memref<10240xi32, #tpu.memory_space<vmem>>[vector<16xi32>], vector<16xi32>,
      %and3A_992 = arith.constant 511 : i32
      %and3A_993 = vector.broadcast %and3A_992 : i32 to vector<16xi32>
      %and3A_994 = arith.andi %gather3A_991, %and3A_993 : vector<16xi32>
      %mul3A_995 = arith.constant 10240 : i32
      %mul3A_996 = vector.broadcast %mul3A_995 : i32 to vector<16xi32>
      %mul3A_997 = arith.muli %and3A_994, %mul3A_996 : vector<16xi32>
      %add3A_998 = arith.addi %mul3A_997, %get3A_990 : vector<16xi32>
      %swap3A_999 = arith.constant 2 : i32
      %swap3A_1000 = arith.index_cast %rem3A_148 : i32 to index
      %swap3A_1001 = arith.index_cast %swap3A_999 : i32 to index
      %swap3A_1002 = arith.constant 64 : index
      %swap3A_1003 = tpu.vector_load %arg13[%swap3A_1000, %swap3A_1001, %swap3A_1002] {strides = array<i32>} : memref<2x4x128xi32, #tpu.memory_space<vmem>>, vector<16xi32>,
      tpu.vector_store %arg13[%swap3A_1000, %swap3A_1001, %swap3A_1002], %add3A_998 {strides = array<i32>} : memref<2x4x128xi32, #tpu.memory_space<vmem>>, vector<16xi32>,
      %and3A_1004 = arith.constant -512 : i32
      %and3A_1005 = vector.broadcast %and3A_1004 : i32 to vector<16xi32>
      %and3A_1006 = arith.andi %gather3A_991, %and3A_1005 : vector<16xi32>
      %bitcast3A_1007 = vector.bitcast %and3A_1006 : vector<16xi32> to vector<16xf32>
      %swap3A_1008 = arith.constant 2 : i32
      %swap3A_1009 = arith.index_cast %rem3A_148 : i32 to index
      %swap3A_1010 = arith.index_cast %swap3A_1008 : i32 to index
      %swap3A_1011 = arith.constant 64 : index
      %swap3A_1012 = tpu.vector_load %arg12[%swap3A_1009, %swap3A_1010, %swap3A_1011] {strides = array<i32>} : memref<2x4x128xf32, #tpu.memory_space<vmem>>, vector<16xf32>,
      tpu.vector_store %arg12[%swap3A_1009, %swap3A_1010, %swap3A_1011], %bitcast3A_1007 {strides = array<i32>} : memref<2x4x128xf32, #tpu.memory_space<vmem>>, vector<16xf32>,
      %get3A_1013 = arith.constant 2 : i32
      %get3A_1014 = arith.constant 1 : i32
      %get3A_1015 = arith.index_cast %rem3A_148 : i32 to index
      %get3A_1016 = arith.index_cast %get3A_1013 : i32 to index
      %get3A_1017 = arith.index_cast %get3A_1014 : i32 to index
      %get3A_1018 = arith.constant 80 : index
      %get3A_1019 = tpu.vector_load %arg9[%get3A_1015, %get3A_1016, %get3A_1017, %get3A_1018] {strides = array<i32>} : memref<2x4x2x128xi32, #tpu.memory_space<vmem>>, vector<16xi32>,
      %get3A_1020 = arith.constant 2 : i32
      %get3A_1021 = arith.constant 0 : i32
      %get3A_1022 = arith.index_cast %rem3A_148 : i32 to index
      %get3A_1023 = arith.index_cast %get3A_1020 : i32 to index
      %get3A_1024 = arith.index_cast %get3A_1021 : i32 to index
      %get3A_1025 = arith.constant 80 : index
      %get3A_1026 = tpu.vector_load %arg9[%get3A_1022, %get3A_1023, %get3A_1024, %get3A_1025] {strides = array<i32>} : memref<2x4x2x128xi32, #tpu.memory_space<vmem>>, vector<16xi32>,
      %gather3A_1027 = tpu.vector_load_idx %arg10[%get3A_1019] : memref<10240xi32, #tpu.memory_space<vmem>>[vector<16xi32>], vector<16xi32>,
      %and3A_1028 = arith.constant 511 : i32
      %and3A_1029 = vector.broadcast %and3A_1028 : i32 to vector<16xi32>
      %and3A_1030 = arith.andi %gather3A_1027, %and3A_1029 : vector<16xi32>
      %mul3A_1031 = arith.constant 10240 : i32
      %mul3A_1032 = vector.broadcast %mul3A_1031 : i32 to vector<16xi32>
      %mul3A_1033 = arith.muli %and3A_1030, %mul3A_1032 : vector<16xi32>
      %add3A_1034 = arith.addi %mul3A_1033, %get3A_1026 : vector<16xi32>
      %swap3A_1035 = arith.constant 2 : i32
      %swap3A_1036 = arith.index_cast %rem3A_148 : i32 to index
      %swap3A_1037 = arith.index_cast %swap3A_1035 : i32 to index
      %swap3A_1038 = arith.constant 80 : index
      %swap3A_1039 = tpu.vector_load %arg13[%swap3A_1036, %swap3A_1037, %swap3A_1038] {strides = array<i32>} : memref<2x4x128xi32, #tpu.memory_space<vmem>>, vector<16xi32>,
      tpu.vector_store %arg13[%swap3A_1036, %swap3A_1037, %swap3A_1038], %add3A_1034 {strides = array<i32>} : memref<2x4x128xi32, #tpu.memory_space<vmem>>, vector<16xi32>,
      %and3A_1040 = arith.constant -512 : i32
      %and3A_1041 = vector.broadcast %and3A_1040 : i32 to vector<16xi32>
      %and3A_1042 = arith.andi %gather3A_1027, %and3A_1041 : vector<16xi32>
      %bitcast3A_1043 = vector.bitcast %and3A_1042 : vector<16xi32> to vector<16xf32>
      %swap3A_1044 = arith.constant 2 : i32
      %swap3A_1045 = arith.index_cast %rem3A_148 : i32 to index
      %swap3A_1046 = arith.index_cast %swap3A_1044 : i32 to index
      %swap3A_1047 = arith.constant 80 : index
      %swap3A_1048 = tpu.vector_load %arg12[%swap3A_1045, %swap3A_1046, %swap3A_1047] {strides = array<i32>} : memref<2x4x128xf32, #tpu.memory_space<vmem>>, vector<16xf32>,
      tpu.vector_store %arg12[%swap3A_1045, %swap3A_1046, %swap3A_1047], %bitcast3A_1043 {strides = array<i32>} : memref<2x4x128xf32, #tpu.memory_space<vmem>>, vector<16xf32>,
      %get3A_1049 = arith.constant 2 : i32
      %get3A_1050 = arith.constant 1 : i32
      %get3A_1051 = arith.index_cast %rem3A_148 : i32 to index
      %get3A_1052 = arith.index_cast %get3A_1049 : i32 to index
      %get3A_1053 = arith.index_cast %get3A_1050 : i32 to index
      %get3A_1054 = arith.constant 96 : index
      %get3A_1055 = tpu.vector_load %arg9[%get3A_1051, %get3A_1052, %get3A_1053, %get3A_1054] {strides = array<i32>} : memref<2x4x2x128xi32, #tpu.memory_space<vmem>>, vector<16xi32>,
      %get3A_1056 = arith.constant 2 : i32
      %get3A_1057 = arith.constant 0 : i32
      %get3A_1058 = arith.index_cast %rem3A_148 : i32 to index
      %get3A_1059 = arith.index_cast %get3A_1056 : i32 to index
      %get3A_1060 = arith.index_cast %get3A_1057 : i32 to index
      %get3A_1061 = arith.constant 96 : index
      %get3A_1062 = tpu.vector_load %arg9[%get3A_1058, %get3A_1059, %get3A_1060, %get3A_1061] {strides = array<i32>} : memref<2x4x2x128xi32, #tpu.memory_space<vmem>>, vector<16xi32>,
      %gather3A_1063 = tpu.vector_load_idx %arg10[%get3A_1055] : memref<10240xi32, #tpu.memory_space<vmem>>[vector<16xi32>], vector<16xi32>,
      %and3A_1064 = arith.constant 511 : i32
      %and3A_1065 = vector.broadcast %and3A_1064 : i32 to vector<16xi32>
      %and3A_1066 = arith.andi %gather3A_1063, %and3A_1065 : vector<16xi32>
      %mul3A_1067 = arith.constant 10240 : i32
      %mul3A_1068 = vector.broadcast %mul3A_1067 : i32 to vector<16xi32>
      %mul3A_1069 = arith.muli %and3A_1066, %mul3A_1068 : vector<16xi32>
      %add3A_1070 = arith.addi %mul3A_1069, %get3A_1062 : vector<16xi32>
      %swap3A_1071 = arith.constant 2 : i32
      %swap3A_1072 = arith.index_cast %rem3A_148 : i32 to index
      %swap3A_1073 = arith.index_cast %swap3A_1071 : i32 to index
      %swap3A_1074 = arith.constant 96 : index
      %swap3A_1075 = tpu.vector_load %arg13[%swap3A_1072, %swap3A_1073, %swap3A_1074] {strides = array<i32>} : memref<2x4x128xi32, #tpu.memory_space<vmem>>, vector<16xi32>,
      tpu.vector_store %arg13[%swap3A_1072, %swap3A_1073, %swap3A_1074], %add3A_1070 {strides = array<i32>} : memref<2x4x128xi32, #tpu.memory_space<vmem>>, vector<16xi32>,
      %and3A_1076 = arith.constant -512 : i32
      %and3A_1077 = vector.broadcast %and3A_1076 : i32 to vector<16xi32>
      %and3A_1078 = arith.andi %gather3A_1063, %and3A_1077 : vector<16xi32>
      %bitcast3A_1079 = vector.bitcast %and3A_1078 : vector<16xi32> to vector<16xf32>
      %swap3A_1080 = arith.constant 2 : i32
      %swap3A_1081 = arith.index_cast %rem3A_148 : i32 to index
      %swap3A_1082 = arith.index_cast %swap3A_1080 : i32 to index
      %swap3A_1083 = arith.constant 96 : index
      %swap3A_1084 = tpu.vector_load %arg12[%swap3A_1081, %swap3A_1082, %swap3A_1083] {strides = array<i32>} : memref<2x4x128xf32, #tpu.memory_space<vmem>>, vector<16xf32>,
      tpu.vector_store %arg12[%swap3A_1081, %swap3A_1082, %swap3A_1083], %bitcast3A_1079 {strides = array<i32>} : memref<2x4x128xf32, #tpu.memory_space<vmem>>, vector<16xf32>,
      %get3A_1085 = arith.constant 2 : i32
      %get3A_1086 = arith.constant 1 : i32
      %get3A_1087 = arith.index_cast %rem3A_148 : i32 to index
      %get3A_1088 = arith.index_cast %get3A_1085 : i32 to index
      %get3A_1089 = arith.index_cast %get3A_1086 : i32 to index
      %get3A_1090 = arith.constant 112 : index
      %get3A_1091 = tpu.vector_load %arg9[%get3A_1087, %get3A_1088, %get3A_1089, %get3A_1090] {strides = array<i32>} : memref<2x4x2x128xi32, #tpu.memory_space<vmem>>, vector<16xi32>,
      %get3A_1092 = arith.constant 2 : i32
      %get3A_1093 = arith.constant 0 : i32
      %get3A_1094 = arith.index_cast %rem3A_148 : i32 to index
      %get3A_1095 = arith.index_cast %get3A_1092 : i32 to index
      %get3A_1096 = arith.index_cast %get3A_1093 : i32 to index
      %get3A_1097 = arith.constant 112 : index
      %get3A_1098 = tpu.vector_load %arg9[%get3A_1094, %get3A_1095, %get3A_1096, %get3A_1097] {strides = array<i32>} : memref<2x4x2x128xi32, #tpu.memory_space<vmem>>, vector<16xi32>,
      %gather3A_1099 = tpu.vector_load_idx %arg10[%get3A_1091] : memref<10240xi32, #tpu.memory_space<vmem>>[vector<16xi32>], vector<16xi32>,
      %and3A_1100 = arith.constant 511 : i32
      %and3A_1101 = vector.broadcast %and3A_1100 : i32 to vector<16xi32>
      %and3A_1102 = arith.andi %gather3A_1099, %and3A_1101 : vector<16xi32>
      %mul3A_1103 = arith.constant 10240 : i32
      %mul3A_1104 = vector.broadcast %mul3A_1103 : i32 to vector<16xi32>
      %mul3A_1105 = arith.muli %and3A_1102, %mul3A_1104 : vector<16xi32>
      %add3A_1106 = arith.addi %mul3A_1105, %get3A_1098 : vector<16xi32>
      %swap3A_1107 = arith.constant 2 : i32
      %swap3A_1108 = arith.index_cast %rem3A_148 : i32 to index
      %swap3A_1109 = arith.index_cast %swap3A_1107 : i32 to index
      %swap3A_1110 = arith.constant 112 : index
      %swap3A_1111 = tpu.vector_load %arg13[%swap3A_1108, %swap3A_1109, %swap3A_1110] {strides = array<i32>} : memref<2x4x128xi32, #tpu.memory_space<vmem>>, vector<16xi32>,
      tpu.vector_store %arg13[%swap3A_1108, %swap3A_1109, %swap3A_1110], %add3A_1106 {strides = array<i32>} : memref<2x4x128xi32, #tpu.memory_space<vmem>>, vector<16xi32>,
      %and3A_1112 = arith.constant -512 : i32
      %and3A_1113 = vector.broadcast %and3A_1112 : i32 to vector<16xi32>
      %and3A_1114 = arith.andi %gather3A_1099, %and3A_1113 : vector<16xi32>
      %bitcast3A_1115 = vector.bitcast %and3A_1114 : vector<16xi32> to vector<16xf32>
      %swap3A_1116 = arith.constant 2 : i32
      %swap3A_1117 = arith.index_cast %rem3A_148 : i32 to index
      %swap3A_1118 = arith.index_cast %swap3A_1116 : i32 to index
      %swap3A_1119 = arith.constant 112 : index
      %swap3A_1120 = tpu.vector_load %arg12[%swap3A_1117, %swap3A_1118, %swap3A_1119] {strides = array<i32>} : memref<2x4x128xf32, #tpu.memory_space<vmem>>, vector<16xf32>,
      tpu.vector_store %arg12[%swap3A_1117, %swap3A_1118, %swap3A_1119], %bitcast3A_1115 {strides = array<i32>} : memref<2x4x128xf32, #tpu.memory_space<vmem>>, vector<16xf32>,
      %get3A_1121 = arith.constant 3 : i32
      %get3A_1122 = arith.constant 1 : i32
      %get3A_1123 = arith.index_cast %rem3A_148 : i32 to index
      %get3A_1124 = arith.index_cast %get3A_1121 : i32 to index
      %get3A_1125 = arith.index_cast %get3A_1122 : i32 to index
      %get3A_1126 = arith.constant 0 : index
      %get3A_1127 = tpu.vector_load %arg9[%get3A_1123, %get3A_1124, %get3A_1125, %get3A_1126] {strides = array<i32>} : memref<2x4x2x128xi32, #tpu.memory_space<vmem>>, vector<16xi32>,
      %get3A_1128 = arith.constant 3 : i32
      %get3A_1129 = arith.constant 0 : i32
      %get3A_1130 = arith.index_cast %rem3A_148 : i32 to index
      %get3A_1131 = arith.index_cast %get3A_1128 : i32 to index
      %get3A_1132 = arith.index_cast %get3A_1129 : i32 to index
      %get3A_1133 = arith.constant 0 : index
      %get3A_1134 = tpu.vector_load %arg9[%get3A_1130, %get3A_1131, %get3A_1132, %get3A_1133] {strides = array<i32>} : memref<2x4x2x128xi32, #tpu.memory_space<vmem>>, vector<16xi32>,
      %gather3A_1135 = tpu.vector_load_idx %arg10[%get3A_1127] : memref<10240xi32, #tpu.memory_space<vmem>>[vector<16xi32>], vector<16xi32>,
      %and3A_1136 = arith.constant 511 : i32
      %and3A_1137 = vector.broadcast %and3A_1136 : i32 to vector<16xi32>
      %and3A_1138 = arith.andi %gather3A_1135, %and3A_1137 : vector<16xi32>
      %mul3A_1139 = arith.constant 10240 : i32
      %mul3A_1140 = vector.broadcast %mul3A_1139 : i32 to vector<16xi32>
      %mul3A_1141 = arith.muli %and3A_1138, %mul3A_1140 : vector<16xi32>
      %add3A_1142 = arith.addi %mul3A_1141, %get3A_1134 : vector<16xi32>
      %swap3A_1143 = arith.constant 3 : i32
      %swap3A_1144 = arith.index_cast %rem3A_148 : i32 to index
      %swap3A_1145 = arith.index_cast %swap3A_1143 : i32 to index
      %swap3A_1146 = arith.constant 0 : index
      %swap3A_1147 = tpu.vector_load %arg13[%swap3A_1144, %swap3A_1145, %swap3A_1146] {strides = array<i32>} : memref<2x4x128xi32, #tpu.memory_space<vmem>>, vector<16xi32>,
      tpu.vector_store %arg13[%swap3A_1144, %swap3A_1145, %swap3A_1146], %add3A_1142 {strides = array<i32>} : memref<2x4x128xi32, #tpu.memory_space<vmem>>, vector<16xi32>,
      %and3A_1148 = arith.constant -512 : i32
      %and3A_1149 = vector.broadcast %and3A_1148 : i32 to vector<16xi32>
      %and3A_1150 = arith.andi %gather3A_1135, %and3A_1149 : vector<16xi32>
      %bitcast3A_1151 = vector.bitcast %and3A_1150 : vector<16xi32> to vector<16xf32>
      %swap3A_1152 = arith.constant 3 : i32
      %swap3A_1153 = arith.index_cast %rem3A_148 : i32 to index
      %swap3A_1154 = arith.index_cast %swap3A_1152 : i32 to index
      %swap3A_1155 = arith.constant 0 : index
      %swap3A_1156 = tpu.vector_load %arg12[%swap3A_1153, %swap3A_1154, %swap3A_1155] {strides = array<i32>} : memref<2x4x128xf32, #tpu.memory_space<vmem>>, vector<16xf32>,
      tpu.vector_store %arg12[%swap3A_1153, %swap3A_1154, %swap3A_1155], %bitcast3A_1151 {strides = array<i32>} : memref<2x4x128xf32, #tpu.memory_space<vmem>>, vector<16xf32>,
      %get3A_1157 = arith.constant 3 : i32
      %get3A_1158 = arith.constant 1 : i32
      %get3A_1159 = arith.index_cast %rem3A_148 : i32 to index
      %get3A_1160 = arith.index_cast %get3A_1157 : i32 to index
      %get3A_1161 = arith.index_cast %get3A_1158 : i32 to index
      %get3A_1162 = arith.constant 16 : index
      %get3A_1163 = tpu.vector_load %arg9[%get3A_1159, %get3A_1160, %get3A_1161, %get3A_1162] {strides = array<i32>} : memref<2x4x2x128xi32, #tpu.memory_space<vmem>>, vector<16xi32>,
      %get3A_1164 = arith.constant 3 : i32
      %get3A_1165 = arith.constant 0 : i32
      %get3A_1166 = arith.index_cast %rem3A_148 : i32 to index
      %get3A_1167 = arith.index_cast %get3A_1164 : i32 to index
      %get3A_1168 = arith.index_cast %get3A_1165 : i32 to index
      %get3A_1169 = arith.constant 16 : index
      %get3A_1170 = tpu.vector_load %arg9[%get3A_1166, %get3A_1167, %get3A_1168, %get3A_1169] {strides = array<i32>} : memref<2x4x2x128xi32, #tpu.memory_space<vmem>>, vector<16xi32>,
      %gather3A_1171 = tpu.vector_load_idx %arg10[%get3A_1163] : memref<10240xi32, #tpu.memory_space<vmem>>[vector<16xi32>], vector<16xi32>,
      %and3A_1172 = arith.constant 511 : i32
      %and3A_1173 = vector.broadcast %and3A_1172 : i32 to vector<16xi32>
      %and3A_1174 = arith.andi %gather3A_1171, %and3A_1173 : vector<16xi32>
      %mul3A_1175 = arith.constant 10240 : i32
      %mul3A_1176 = vector.broadcast %mul3A_1175 : i32 to vector<16xi32>
      %mul3A_1177 = arith.muli %and3A_1174, %mul3A_1176 : vector<16xi32>
      %add3A_1178 = arith.addi %mul3A_1177, %get3A_1170 : vector<16xi32>
      %swap3A_1179 = arith.constant 3 : i32
      %swap3A_1180 = arith.index_cast %rem3A_148 : i32 to index
      %swap3A_1181 = arith.index_cast %swap3A_1179 : i32 to index
      %swap3A_1182 = arith.constant 16 : index
      %swap3A_1183 = tpu.vector_load %arg13[%swap3A_1180, %swap3A_1181, %swap3A_1182] {strides = array<i32>} : memref<2x4x128xi32, #tpu.memory_space<vmem>>, vector<16xi32>,
      tpu.vector_store %arg13[%swap3A_1180, %swap3A_1181, %swap3A_1182], %add3A_1178 {strides = array<i32>} : memref<2x4x128xi32, #tpu.memory_space<vmem>>, vector<16xi32>,
      %and3A_1184 = arith.constant -512 : i32
      %and3A_1185 = vector.broadcast %and3A_1184 : i32 to vector<16xi32>
      %and3A_1186 = arith.andi %gather3A_1171, %and3A_1185 : vector<16xi32>
      %bitcast3A_1187 = vector.bitcast %and3A_1186 : vector<16xi32> to vector<16xf32>
      %swap3A_1188 = arith.constant 3 : i32
      %swap3A_1189 = arith.index_cast %rem3A_148 : i32 to index
      %swap3A_1190 = arith.index_cast %swap3A_1188 : i32 to index
      %swap3A_1191 = arith.constant 16 : index
      %swap3A_1192 = tpu.vector_load %arg12[%swap3A_1189, %swap3A_1190, %swap3A_1191] {strides = array<i32>} : memref<2x4x128xf32, #tpu.memory_space<vmem>>, vector<16xf32>,
      tpu.vector_store %arg12[%swap3A_1189, %swap3A_1190, %swap3A_1191], %bitcast3A_1187 {strides = array<i32>} : memref<2x4x128xf32, #tpu.memory_space<vmem>>, vector<16xf32>,
      %get3A_1193 = arith.constant 3 : i32
      %get3A_1194 = arith.constant 1 : i32
      %get3A_1195 = arith.index_cast %rem3A_148 : i32 to index
      %get3A_1196 = arith.index_cast %get3A_1193 : i32 to index
      %get3A_1197 = arith.index_cast %get3A_1194 : i32 to index
      %get3A_1198 = arith.constant 32 : index
      %get3A_1199 = tpu.vector_load %arg9[%get3A_1195, %get3A_1196, %get3A_1197, %get3A_1198] {strides = array<i32>} : memref<2x4x2x128xi32, #tpu.memory_space<vmem>>, vector<16xi32>,
      %get3A_1200 = arith.constant 3 : i32
      %get3A_1201 = arith.constant 0 : i32
      %get3A_1202 = arith.index_cast %rem3A_148 : i32 to index
      %get3A_1203 = arith.index_cast %get3A_1200 : i32 to index
      %get3A_1204 = arith.index_cast %get3A_1201 : i32 to index
      %get3A_1205 = arith.constant 32 : index
      %get3A_1206 = tpu.vector_load %arg9[%get3A_1202, %get3A_1203, %get3A_1204, %get3A_1205] {strides = array<i32>} : memref<2x4x2x128xi32, #tpu.memory_space<vmem>>, vector<16xi32>,
      %gather3A_1207 = tpu.vector_load_idx %arg10[%get3A_1199] : memref<10240xi32, #tpu.memory_space<vmem>>[vector<16xi32>], vector<16xi32>,
      %and3A_1208 = arith.constant 511 : i32
      %and3A_1209 = vector.broadcast %and3A_1208 : i32 to vector<16xi32>
      %and3A_1210 = arith.andi %gather3A_1207, %and3A_1209 : vector<16xi32>
      %mul3A_1211 = arith.constant 10240 : i32
      %mul3A_1212 = vector.broadcast %mul3A_1211 : i32 to vector<16xi32>
      %mul3A_1213 = arith.muli %and3A_1210, %mul3A_1212 : vector<16xi32>
      %add3A_1214 = arith.addi %mul3A_1213, %get3A_1206 : vector<16xi32>
      %swap3A_1215 = arith.constant 3 : i32
      %swap3A_1216 = arith.index_cast %rem3A_148 : i32 to index
      %swap3A_1217 = arith.index_cast %swap3A_1215 : i32 to index
      %swap3A_1218 = arith.constant 32 : index
      %swap3A_1219 = tpu.vector_load %arg13[%swap3A_1216, %swap3A_1217, %swap3A_1218] {strides = array<i32>} : memref<2x4x128xi32, #tpu.memory_space<vmem>>, vector<16xi32>,
      tpu.vector_store %arg13[%swap3A_1216, %swap3A_1217, %swap3A_1218], %add3A_1214 {strides = array<i32>} : memref<2x4x128xi32, #tpu.memory_space<vmem>>, vector<16xi32>,
      %and3A_1220 = arith.constant -512 : i32
      %and3A_1221 = vector.broadcast %and3A_1220 : i32 to vector<16xi32>
      %and3A_1222 = arith.andi %gather3A_1207, %and3A_1221 : vector<16xi32>
      %bitcast3A_1223 = vector.bitcast %and3A_1222 : vector<16xi32> to vector<16xf32>
      %swap3A_1224 = arith.constant 3 : i32
      %swap3A_1225 = arith.index_cast %rem3A_148 : i32 to index
      %swap3A_1226 = arith.index_cast %swap3A_1224 : i32 to index
      %swap3A_1227 = arith.constant 32 : index
      %swap3A_1228 = tpu.vector_load %arg12[%swap3A_1225, %swap3A_1226, %swap3A_1227] {strides = array<i32>} : memref<2x4x128xf32, #tpu.memory_space<vmem>>, vector<16xf32>,
      tpu.vector_store %arg12[%swap3A_1225, %swap3A_1226, %swap3A_1227], %bitcast3A_1223 {strides = array<i32>} : memref<2x4x128xf32, #tpu.memory_space<vmem>>, vector<16xf32>,
      %get3A_1229 = arith.constant 3 : i32
      %get3A_1230 = arith.constant 1 : i32
      %get3A_1231 = arith.index_cast %rem3A_148 : i32 to index
      %get3A_1232 = arith.index_cast %get3A_1229 : i32 to index
      %get3A_1233 = arith.index_cast %get3A_1230 : i32 to index
      %get3A_1234 = arith.constant 48 : index
      %get3A_1235 = tpu.vector_load %arg9[%get3A_1231, %get3A_1232, %get3A_1233, %get3A_1234] {strides = array<i32>} : memref<2x4x2x128xi32, #tpu.memory_space<vmem>>, vector<16xi32>,
      %get3A_1236 = arith.constant 3 : i32
      %get3A_1237 = arith.constant 0 : i32
      %get3A_1238 = arith.index_cast %rem3A_148 : i32 to index
      %get3A_1239 = arith.index_cast %get3A_1236 : i32 to index
      %get3A_1240 = arith.index_cast %get3A_1237 : i32 to index
      %get3A_1241 = arith.constant 48 : index
      %get3A_1242 = tpu.vector_load %arg9[%get3A_1238, %get3A_1239, %get3A_1240, %get3A_1241] {strides = array<i32>} : memref<2x4x2x128xi32, #tpu.memory_space<vmem>>, vector<16xi32>,
      %gather3A_1243 = tpu.vector_load_idx %arg10[%get3A_1235] : memref<10240xi32, #tpu.memory_space<vmem>>[vector<16xi32>], vector<16xi32>,
      %and3A_1244 = arith.constant 511 : i32
      %and3A_1245 = vector.broadcast %and3A_1244 : i32 to vector<16xi32>
      %and3A_1246 = arith.andi %gather3A_1243, %and3A_1245 : vector<16xi32>
      %mul3A_1247 = arith.constant 10240 : i32
      %mul3A_1248 = vector.broadcast %mul3A_1247 : i32 to vector<16xi32>
      %mul3A_1249 = arith.muli %and3A_1246, %mul3A_1248 : vector<16xi32>
      %add3A_1250 = arith.addi %mul3A_1249, %get3A_1242 : vector<16xi32>
      %swap3A_1251 = arith.constant 3 : i32
      %swap3A_1252 = arith.index_cast %rem3A_148 : i32 to index
      %swap3A_1253 = arith.index_cast %swap3A_1251 : i32 to index
      %swap3A_1254 = arith.constant 48 : index
      %swap3A_1255 = tpu.vector_load %arg13[%swap3A_1252, %swap3A_1253, %swap3A_1254] {strides = array<i32>} : memref<2x4x128xi32, #tpu.memory_space<vmem>>, vector<16xi32>,
      tpu.vector_store %arg13[%swap3A_1252, %swap3A_1253, %swap3A_1254], %add3A_1250 {strides = array<i32>} : memref<2x4x128xi32, #tpu.memory_space<vmem>>, vector<16xi32>,
      %and3A_1256 = arith.constant -512 : i32
      %and3A_1257 = vector.broadcast %and3A_1256 : i32 to vector<16xi32>
      %and3A_1258 = arith.andi %gather3A_1243, %and3A_1257 : vector<16xi32>
      %bitcast3A_1259 = vector.bitcast %and3A_1258 : vector<16xi32> to vector<16xf32>
      %swap3A_1260 = arith.constant 3 : i32
      %swap3A_1261 = arith.index_cast %rem3A_148 : i32 to index
      %swap3A_1262 = arith.index_cast %swap3A_1260 : i32 to index
      %swap3A_1263 = arith.constant 48 : index
      %swap3A_1264 = tpu.vector_load %arg12[%swap3A_1261, %swap3A_1262, %swap3A_1263] {strides = array<i32>} : memref<2x4x128xf32, #tpu.memory_space<vmem>>, vector<16xf32>,
      tpu.vector_store %arg12[%swap3A_1261, %swap3A_1262, %swap3A_1263], %bitcast3A_1259 {strides = array<i32>} : memref<2x4x128xf32, #tpu.memory_space<vmem>>, vector<16xf32>,
      %get3A_1265 = arith.constant 3 : i32
      %get3A_1266 = arith.constant 1 : i32
      %get3A_1267 = arith.index_cast %rem3A_148 : i32 to index
      %get3A_1268 = arith.index_cast %get3A_1265 : i32 to index
      %get3A_1269 = arith.index_cast %get3A_1266 : i32 to index
      %get3A_1270 = arith.constant 64 : index
      %get3A_1271 = tpu.vector_load %arg9[%get3A_1267, %get3A_1268, %get3A_1269, %get3A_1270] {strides = array<i32>} : memref<2x4x2x128xi32, #tpu.memory_space<vmem>>, vector<16xi32>,
      %get3A_1272 = arith.constant 3 : i32
      %get3A_1273 = arith.constant 0 : i32
      %get3A_1274 = arith.index_cast %rem3A_148 : i32 to index
      %get3A_1275 = arith.index_cast %get3A_1272 : i32 to index
      %get3A_1276 = arith.index_cast %get3A_1273 : i32 to index
      %get3A_1277 = arith.constant 64 : index
      %get3A_1278 = tpu.vector_load %arg9[%get3A_1274, %get3A_1275, %get3A_1276, %get3A_1277] {strides = array<i32>} : memref<2x4x2x128xi32, #tpu.memory_space<vmem>>, vector<16xi32>,
      %gather3A_1279 = tpu.vector_load_idx %arg10[%get3A_1271] : memref<10240xi32, #tpu.memory_space<vmem>>[vector<16xi32>], vector<16xi32>,
      %and3A_1280 = arith.constant 511 : i32
      %and3A_1281 = vector.broadcast %and3A_1280 : i32 to vector<16xi32>
      %and3A_1282 = arith.andi %gather3A_1279, %and3A_1281 : vector<16xi32>
      %mul3A_1283 = arith.constant 10240 : i32
      %mul3A_1284 = vector.broadcast %mul3A_1283 : i32 to vector<16xi32>
      %mul3A_1285 = arith.muli %and3A_1282, %mul3A_1284 : vector<16xi32>
      %add3A_1286 = arith.addi %mul3A_1285, %get3A_1278 : vector<16xi32>
      %swap3A_1287 = arith.constant 3 : i32
      %swap3A_1288 = arith.index_cast %rem3A_148 : i32 to index
      %swap3A_1289 = arith.index_cast %swap3A_1287 : i32 to index
      %swap3A_1290 = arith.constant 64 : index
      %swap3A_1291 = tpu.vector_load %arg13[%swap3A_1288, %swap3A_1289, %swap3A_1290] {strides = array<i32>} : memref<2x4x128xi32, #tpu.memory_space<vmem>>, vector<16xi32>,
      tpu.vector_store %arg13[%swap3A_1288, %swap3A_1289, %swap3A_1290], %add3A_1286 {strides = array<i32>} : memref<2x4x128xi32, #tpu.memory_space<vmem>>, vector<16xi32>,
      %and3A_1292 = arith.constant -512 : i32
      %and3A_1293 = vector.broadcast %and3A_1292 : i32 to vector<16xi32>
      %and3A_1294 = arith.andi %gather3A_1279, %and3A_1293 : vector<16xi32>
      %bitcast3A_1295 = vector.bitcast %and3A_1294 : vector<16xi32> to vector<16xf32>
      %swap3A_1296 = arith.constant 3 : i32
      %swap3A_1297 = arith.index_cast %rem3A_148 : i32 to index
      %swap3A_1298 = arith.index_cast %swap3A_1296 : i32 to index
      %swap3A_1299 = arith.constant 64 : index
      %swap3A_1300 = tpu.vector_load %arg12[%swap3A_1297, %swap3A_1298, %swap3A_1299] {strides = array<i32>} : memref<2x4x128xf32, #tpu.memory_space<vmem>>, vector<16xf32>,
      tpu.vector_store %arg12[%swap3A_1297, %swap3A_1298, %swap3A_1299], %bitcast3A_1295 {strides = array<i32>} : memref<2x4x128xf32, #tpu.memory_space<vmem>>, vector<16xf32>,
      %get3A_1301 = arith.constant 3 : i32
      %get3A_1302 = arith.constant 1 : i32
      %get3A_1303 = arith.index_cast %rem3A_148 : i32 to index
      %get3A_1304 = arith.index_cast %get3A_1301 : i32 to index
      %get3A_1305 = arith.index_cast %get3A_1302 : i32 to index
      %get3A_1306 = arith.constant 80 : index
      %get3A_1307 = tpu.vector_load %arg9[%get3A_1303, %get3A_1304, %get3A_1305, %get3A_1306] {strides = array<i32>} : memref<2x4x2x128xi32, #tpu.memory_space<vmem>>, vector<16xi32>,
      %get3A_1308 = arith.constant 3 : i32
      %get3A_1309 = arith.constant 0 : i32
      %get3A_1310 = arith.index_cast %rem3A_148 : i32 to index
      %get3A_1311 = arith.index_cast %get3A_1308 : i32 to index
      %get3A_1312 = arith.index_cast %get3A_1309 : i32 to index
      %get3A_1313 = arith.constant 80 : index
      %get3A_1314 = tpu.vector_load %arg9[%get3A_1310, %get3A_1311, %get3A_1312, %get3A_1313] {strides = array<i32>} : memref<2x4x2x128xi32, #tpu.memory_space<vmem>>, vector<16xi32>,
      %gather3A_1315 = tpu.vector_load_idx %arg10[%get3A_1307] : memref<10240xi32, #tpu.memory_space<vmem>>[vector<16xi32>], vector<16xi32>,
      %and3A_1316 = arith.constant 511 : i32
      %and3A_1317 = vector.broadcast %and3A_1316 : i32 to vector<16xi32>
      %and3A_1318 = arith.andi %gather3A_1315, %and3A_1317 : vector<16xi32>
      %mul3A_1319 = arith.constant 10240 : i32
      %mul3A_1320 = vector.broadcast %mul3A_1319 : i32 to vector<16xi32>
      %mul3A_1321 = arith.muli %and3A_1318, %mul3A_1320 : vector<16xi32>
      %add3A_1322 = arith.addi %mul3A_1321, %get3A_1314 : vector<16xi32>
      %swap3A_1323 = arith.constant 3 : i32
      %swap3A_1324 = arith.index_cast %rem3A_148 : i32 to index
      %swap3A_1325 = arith.index_cast %swap3A_1323 : i32 to index
      %swap3A_1326 = arith.constant 80 : index
      %swap3A_1327 = tpu.vector_load %arg13[%swap3A_1324, %swap3A_1325, %swap3A_1326] {strides = array<i32>} : memref<2x4x128xi32, #tpu.memory_space<vmem>>, vector<16xi32>,
      tpu.vector_store %arg13[%swap3A_1324, %swap3A_1325, %swap3A_1326], %add3A_1322 {strides = array<i32>} : memref<2x4x128xi32, #tpu.memory_space<vmem>>, vector<16xi32>,
      %and3A_1328 = arith.constant -512 : i32
      %and3A_1329 = vector.broadcast %and3A_1328 : i32 to vector<16xi32>
      %and3A_1330 = arith.andi %gather3A_1315, %and3A_1329 : vector<16xi32>
      %bitcast3A_1331 = vector.bitcast %and3A_1330 : vector<16xi32> to vector<16xf32>
      %swap3A_1332 = arith.constant 3 : i32
      %swap3A_1333 = arith.index_cast %rem3A_148 : i32 to index
      %swap3A_1334 = arith.index_cast %swap3A_1332 : i32 to index
      %swap3A_1335 = arith.constant 80 : index
      %swap3A_1336 = tpu.vector_load %arg12[%swap3A_1333, %swap3A_1334, %swap3A_1335] {strides = array<i32>} : memref<2x4x128xf32, #tpu.memory_space<vmem>>, vector<16xf32>,
      tpu.vector_store %arg12[%swap3A_1333, %swap3A_1334, %swap3A_1335], %bitcast3A_1331 {strides = array<i32>} : memref<2x4x128xf32, #tpu.memory_space<vmem>>, vector<16xf32>,
      %get3A_1337 = arith.constant 3 : i32
      %get3A_1338 = arith.constant 1 : i32
      %get3A_1339 = arith.index_cast %rem3A_148 : i32 to index
      %get3A_1340 = arith.index_cast %get3A_1337 : i32 to index
      %get3A_1341 = arith.index_cast %get3A_1338 : i32 to index
      %get3A_1342 = arith.constant 96 : index
      %get3A_1343 = tpu.vector_load %arg9[%get3A_1339, %get3A_1340, %get3A_1341, %get3A_1342] {strides = array<i32>} : memref<2x4x2x128xi32, #tpu.memory_space<vmem>>, vector<16xi32>,
      %get3A_1344 = arith.constant 3 : i32
      %get3A_1345 = arith.constant 0 : i32
      %get3A_1346 = arith.index_cast %rem3A_148 : i32 to index
      %get3A_1347 = arith.index_cast %get3A_1344 : i32 to index
      %get3A_1348 = arith.index_cast %get3A_1345 : i32 to index
      %get3A_1349 = arith.constant 96 : index
      %get3A_1350 = tpu.vector_load %arg9[%get3A_1346, %get3A_1347, %get3A_1348, %get3A_1349] {strides = array<i32>} : memref<2x4x2x128xi32, #tpu.memory_space<vmem>>, vector<16xi32>,
      %gather3A_1351 = tpu.vector_load_idx %arg10[%get3A_1343] : memref<10240xi32, #tpu.memory_space<vmem>>[vector<16xi32>], vector<16xi32>,
      %and3A_1352 = arith.constant 511 : i32
      %and3A_1353 = vector.broadcast %and3A_1352 : i32 to vector<16xi32>
      %and3A_1354 = arith.andi %gather3A_1351, %and3A_1353 : vector<16xi32>
      %mul3A_1355 = arith.constant 10240 : i32
      %mul3A_1356 = vector.broadcast %mul3A_1355 : i32 to vector<16xi32>
      %mul3A_1357 = arith.muli %and3A_1354, %mul3A_1356 : vector<16xi32>
      %add3A_1358 = arith.addi %mul3A_1357, %get3A_1350 : vector<16xi32>
      %swap3A_1359 = arith.constant 3 : i32
      %swap3A_1360 = arith.index_cast %rem3A_148 : i32 to index
      %swap3A_1361 = arith.index_cast %swap3A_1359 : i32 to index
      %swap3A_1362 = arith.constant 96 : index
      %swap3A_1363 = tpu.vector_load %arg13[%swap3A_1360, %swap3A_1361, %swap3A_1362] {strides = array<i32>} : memref<2x4x128xi32, #tpu.memory_space<vmem>>, vector<16xi32>,
      tpu.vector_store %arg13[%swap3A_1360, %swap3A_1361, %swap3A_1362], %add3A_1358 {strides = array<i32>} : memref<2x4x128xi32, #tpu.memory_space<vmem>>, vector<16xi32>,
      %and3A_1364 = arith.constant -512 : i32
      %and3A_1365 = vector.broadcast %and3A_1364 : i32 to vector<16xi32>
      %and3A_1366 = arith.andi %gather3A_1351, %and3A_1365 : vector<16xi32>
      %bitcast3A_1367 = vector.bitcast %and3A_1366 : vector<16xi32> to vector<16xf32>
      %swap3A_1368 = arith.constant 3 : i32
      %swap3A_1369 = arith.index_cast %rem3A_148 : i32 to index
      %swap3A_1370 = arith.index_cast %swap3A_1368 : i32 to index
      %swap3A_1371 = arith.constant 96 : index
      %swap3A_1372 = tpu.vector_load %arg12[%swap3A_1369, %swap3A_1370, %swap3A_1371] {strides = array<i32>} : memref<2x4x128xf32, #tpu.memory_space<vmem>>, vector<16xf32>,
      tpu.vector_store %arg12[%swap3A_1369, %swap3A_1370, %swap3A_1371], %bitcast3A_1367 {strides = array<i32>} : memref<2x4x128xf32, #tpu.memory_space<vmem>>, vector<16xf32>,
      %get3A_1373 = arith.constant 3 : i32
      %get3A_1374 = arith.constant 1 : i32
      %get3A_1375 = arith.index_cast %rem3A_148 : i32 to index
      %get3A_1376 = arith.index_cast %get3A_1373 : i32 to index
      %get3A_1377 = arith.index_cast %get3A_1374 : i32 to index
      %get3A_1378 = arith.constant 112 : index
      %get3A_1379 = tpu.vector_load %arg9[%get3A_1375, %get3A_1376, %get3A_1377, %get3A_1378] {strides = array<i32>} : memref<2x4x2x128xi32, #tpu.memory_space<vmem>>, vector<16xi32>,
      %get3A_1380 = arith.constant 3 : i32
      %get3A_1381 = arith.constant 0 : i32
      %get3A_1382 = arith.index_cast %rem3A_148 : i32 to index
      %get3A_1383 = arith.index_cast %get3A_1380 : i32 to index
      %get3A_1384 = arith.index_cast %get3A_1381 : i32 to index
      %get3A_1385 = arith.constant 112 : index
      %get3A_1386 = tpu.vector_load %arg9[%get3A_1382, %get3A_1383, %get3A_1384, %get3A_1385] {strides = array<i32>} : memref<2x4x2x128xi32, #tpu.memory_space<vmem>>, vector<16xi32>,
      %gather3A_1387 = tpu.vector_load_idx %arg10[%get3A_1379] : memref<10240xi32, #tpu.memory_space<vmem>>[vector<16xi32>], vector<16xi32>,
      %and3A_1388 = arith.constant 511 : i32
      %and3A_1389 = vector.broadcast %and3A_1388 : i32 to vector<16xi32>
      %and3A_1390 = arith.andi %gather3A_1387, %and3A_1389 : vector<16xi32>
      %mul3A_1391 = arith.constant 10240 : i32
      %mul3A_1392 = vector.broadcast %mul3A_1391 : i32 to vector<16xi32>
      %mul3A_1393 = arith.muli %and3A_1390, %mul3A_1392 : vector<16xi32>
      %add3A_1394 = arith.addi %mul3A_1393, %get3A_1386 : vector<16xi32>
      %swap3A_1395 = arith.constant 3 : i32
      %swap3A_1396 = arith.index_cast %rem3A_148 : i32 to index
      %swap3A_1397 = arith.index_cast %swap3A_1395 : i32 to index
      %swap3A_1398 = arith.constant 112 : index
      %swap3A_1399 = tpu.vector_load %arg13[%swap3A_1396, %swap3A_1397, %swap3A_1398] {strides = array<i32>} : memref<2x4x128xi32, #tpu.memory_space<vmem>>, vector<16xi32>,
      tpu.vector_store %arg13[%swap3A_1396, %swap3A_1397, %swap3A_1398], %add3A_1394 {strides = array<i32>} : memref<2x4x128xi32, #tpu.memory_space<vmem>>, vector<16xi32>,
      %and3A_1400 = arith.constant -512 : i32
      %and3A_1401 = vector.broadcast %and3A_1400 : i32 to vector<16xi32>
      %and3A_1402 = arith.andi %gather3A_1387, %and3A_1401 : vector<16xi32>
      %bitcast3A_1403 = vector.bitcast %and3A_1402 : vector<16xi32> to vector<16xf32>
      %swap3A_1404 = arith.constant 3 : i32
      %swap3A_1405 = arith.index_cast %rem3A_148 : i32 to index
      %swap3A_1406 = arith.index_cast %swap3A_1404 : i32 to index
      %swap3A_1407 = arith.constant 112 : index
      %swap3A_1408 = tpu.vector_load %arg12[%swap3A_1405, %swap3A_1406, %swap3A_1407] {strides = array<i32>} : memref<2x4x128xf32, #tpu.memory_space<vmem>>, vector<16xf32>,
      tpu.vector_store %arg12[%swap3A_1405, %swap3A_1406, %swap3A_1407], %bitcast3A_1403 {strides = array<i32>} : memref<2x4x128xf32, #tpu.memory_space<vmem>>, vector<16xf32>,
      %dma_start3A_1409 = arith.constant 0 : i32
      %dma_start3A_1410 = arith.constant 0 : i32
      %dma_start3A_1411 = arith.constant 1 : i32
      %dma_start3A_1412 = arith.constant 0 : i32
      %dma_start3A_1413 = arith.constant 0 : i32
      %dma_start3A_1414 = tpu.memref_slice %arg11[%rem3A_148, %dma_start3A_1409, %dma_start3A_1412, %dma_start3A_1413] : memref<2x4x128x8xf32, #tpu.memory_space<vmem>> -> memref<1x1x128x8xf32, #tpu.memory_space<vmem>>
      %dma_start3A_1415 = tpu.memref_squeeze %dma_start3A_1414 : memref<1x1x128x8xf32, #tpu.memory_space<vmem>> -> memref<128x8xf32, #tpu.memory_space<vmem>>
      %dma_start3A_1416 = arith.constant 0 : i32
      %dma_start3A_1417 = tpu.memref_slice %arg9[%rem3A_148, %dma_start3A_1410, %dma_start3A_1411, %dma_start3A_1416] : memref<2x4x2x128xi32, #tpu.memory_space<vmem>> -> memref<1x1x1x128xi32, #tpu.memory_space<vmem>>
      %dma_start3A_1418 = tpu.memref_squeeze %dma_start3A_1417 : memref<1x1x1x128xi32, #tpu.memory_space<vmem>> -> memref<128xi32, #tpu.memory_space<vmem>>
      %dma_start3A_1419 = arith.constant 0 : i32
      %dma_start3A_1420 = arith.constant 0 : i32
      %dma_start3A_1421 = tpu.memref_slice %arg15[%dma_start3A_1419, %dma_start3A_1420] : memref<10240x8xf32, #tpu.memory_space<vmem_shared>> -> memref<10240x8xf32, #tpu.memory_space<vmem_shared>>
      tpu.enqueue_indirect_dma source(%dma_start3A_1415 : memref<128x8xf32, #tpu.memory_space<vmem>>) target(%dma_start3A_1421 : memref<10240x8xf32, #tpu.memory_space<vmem_shared>>) offsets(%dma_start3A_1418 : memref<128xi32, #tpu.memory_space<vmem>>) semaphore(%arg18 : memref<!tpu.dma_semaphore, #tpu.memory_space<semaphore_mem>>) {add = true}
      %dma_start3A_1422 = arith.constant 0 : i32
      %dma_start3A_1423 = arith.constant 0 : i32
      %dma_start3A_1424 = arith.constant 0 : i32
      %dma_start3A_1425 = tpu.memref_slice %arg12[%rem3A_148, %dma_start3A_1422, %dma_start3A_1424] : memref<2x4x128xf32, #tpu.memory_space<vmem>> -> memref<1x1x128xf32, #tpu.memory_space<vmem>>
      %dma_start3A_1426 = tpu.memref_squeeze %dma_start3A_1425 : memref<1x1x128xf32, #tpu.memory_space<vmem>> -> memref<128xf32, #tpu.memory_space<vmem>>
      %dma_start3A_1427 = arith.constant 0 : i32
      %dma_start3A_1428 = tpu.memref_slice %arg13[%rem3A_148, %dma_start3A_1423, %dma_start3A_1427] : memref<2x4x128xi32, #tpu.memory_space<vmem>> -> memref<1x1x128xi32, #tpu.memory_space<vmem>>
      %dma_start3A_1429 = tpu.memref_squeeze %dma_start3A_1428 : memref<1x1x128xi32, #tpu.memory_space<vmem>> -> memref<128xi32, #tpu.memory_space<vmem>>
      %dma_start3A_1430 = arith.constant 0 : i32
      %dma_start3A_1431 = tpu.memref_slice %arg16[%dma_start3A_1430] : memref<1310720xf32, #tpu.memory_space<vmem_shared>> -> memref<1310720xf32, #tpu.memory_space<vmem_shared>>
      tpu.enqueue_indirect_dma source(%dma_start3A_1426 : memref<128xf32, #tpu.memory_space<vmem>>) target(%dma_start3A_1431 : memref<1310720xf32, #tpu.memory_space<vmem_shared>>) offsets(%dma_start3A_1429 : memref<128xi32, #tpu.memory_space<vmem>>) semaphore(%arg18 : memref<!tpu.dma_semaphore, #tpu.memory_space<semaphore_mem>>) {add = true}
      %dma_start3A_1432 = arith.constant 1 : i32
      %dma_start3A_1433 = arith.constant 1 : i32
      %dma_start3A_1434 = arith.constant 1 : i32
      %dma_start3A_1435 = arith.constant 0 : i32
      %dma_start3A_1436 = arith.constant 0 : i32
      %dma_start3A_1437 = tpu.memref_slice %arg11[%rem3A_148, %dma_start3A_1432, %dma_start3A_1435, %dma_start3A_1436] : memref<2x4x128x8xf32, #tpu.memory_space<vmem>> -> memref<1x1x128x8xf32, #tpu.memory_space<vmem>>
      %dma_start3A_1438 = tpu.memref_squeeze %dma_start3A_1437 : memref<1x1x128x8xf32, #tpu.memory_space<vmem>> -> memref<128x8xf32, #tpu.memory_space<vmem>>
      %dma_start3A_1439 = arith.constant 0 : i32
      %dma_start3A_1440 = tpu.memref_slice %arg9[%rem3A_148, %dma_start3A_1433, %dma_start3A_1434, %dma_start3A_1439] : memref<2x4x2x128xi32, #tpu.memory_space<vmem>> -> memref<1x1x1x128xi32, #tpu.memory_space<vmem>>
      %dma_start3A_1441 = tpu.memref_squeeze %dma_start3A_1440 : memref<1x1x1x128xi32, #tpu.memory_space<vmem>> -> memref<128xi32, #tpu.memory_space<vmem>>
      %dma_start3A_1442 = arith.constant 0 : i32
      %dma_start3A_1443 = arith.constant 0 : i32
      %dma_start3A_1444 = tpu.memref_slice %arg15[%dma_start3A_1442, %dma_start3A_1443] : memref<10240x8xf32, #tpu.memory_space<vmem_shared>> -> memref<10240x8xf32, #tpu.memory_space<vmem_shared>>
      tpu.enqueue_indirect_dma source(%dma_start3A_1438 : memref<128x8xf32, #tpu.memory_space<vmem>>) target(%dma_start3A_1444 : memref<10240x8xf32, #tpu.memory_space<vmem_shared>>) offsets(%dma_start3A_1441 : memref<128xi32, #tpu.memory_space<vmem>>) semaphore(%arg18 : memref<!tpu.dma_semaphore, #tpu.memory_space<semaphore_mem>>) {add = true}
      %dma_start3A_1445 = arith.constant 1 : i32
      %dma_start3A_1446 = arith.constant 1 : i32
      %dma_start3A_1447 = arith.constant 0 : i32
      %dma_start3A_1448 = tpu.memref_slice %arg12[%rem3A_148, %dma_start3A_1445, %dma_start3A_1447] : memref<2x4x128xf32, #tpu.memory_space<vmem>> -> memref<1x1x128xf32, #tpu.memory_space<vmem>>
      %dma_start3A_1449 = tpu.memref_squeeze %dma_start3A_1448 : memref<1x1x128xf32, #tpu.memory_space<vmem>> -> memref<128xf32, #tpu.memory_space<vmem>>
      %dma_start3A_1450 = arith.constant 0 : i32
      %dma_start3A_1451 = tpu.memref_slice %arg13[%rem3A_148, %dma_start3A_1446, %dma_start3A_1450] : memref<2x4x128xi32, #tpu.memory_space<vmem>> -> memref<1x1x128xi32, #tpu.memory_space<vmem>>
      %dma_start3A_1452 = tpu.memref_squeeze %dma_start3A_1451 : memref<1x1x128xi32, #tpu.memory_space<vmem>> -> memref<128xi32, #tpu.memory_space<vmem>>
      %dma_start3A_1453 = arith.constant 0 : i32
      %dma_start3A_1454 = tpu.memref_slice %arg16[%dma_start3A_1453] : memref<1310720xf32, #tpu.memory_space<vmem_shared>> -> memref<1310720xf32, #tpu.memory_space<vmem_shared>>
      tpu.enqueue_indirect_dma source(%dma_start3A_1449 : memref<128xf32, #tpu.memory_space<vmem>>) target(%dma_start3A_1454 : memref<1310720xf32, #tpu.memory_space<vmem_shared>>) offsets(%dma_start3A_1452 : memref<128xi32, #tpu.memory_space<vmem>>) semaphore(%arg18 : memref<!tpu.dma_semaphore, #tpu.memory_space<semaphore_mem>>) {add = true}
      %dma_start3A_1455 = arith.constant 2 : i32
      %dma_start3A_1456 = arith.constant 2 : i32
      %dma_start3A_1457 = arith.constant 1 : i32
      %dma_start3A_1458 = arith.constant 0 : i32
      %dma_start3A_1459 = arith.constant 0 : i32
      %dma_start3A_1460 = tpu.memref_slice %arg11[%rem3A_148, %dma_start3A_1455, %dma_start3A_1458, %dma_start3A_1459] : memref<2x4x128x8xf32, #tpu.memory_space<vmem>> -> memref<1x1x128x8xf32, #tpu.memory_space<vmem>>
      %dma_start3A_1461 = tpu.memref_squeeze %dma_start3A_1460 : memref<1x1x128x8xf32, #tpu.memory_space<vmem>> -> memref<128x8xf32, #tpu.memory_space<vmem>>
      %dma_start3A_1462 = arith.constant 0 : i32
      %dma_start3A_1463 = tpu.memref_slice %arg9[%rem3A_148, %dma_start3A_1456, %dma_start3A_1457, %dma_start3A_1462] : memref<2x4x2x128xi32, #tpu.memory_space<vmem>> -> memref<1x1x1x128xi32, #tpu.memory_space<vmem>>
      %dma_start3A_1464 = tpu.memref_squeeze %dma_start3A_1463 : memref<1x1x1x128xi32, #tpu.memory_space<vmem>> -> memref<128xi32, #tpu.memory_space<vmem>>
      %dma_start3A_1465 = arith.constant 0 : i32
      %dma_start3A_1466 = arith.constant 0 : i32
      %dma_start3A_1467 = tpu.memref_slice %arg15[%dma_start3A_1465, %dma_start3A_1466] : memref<10240x8xf32, #tpu.memory_space<vmem_shared>> -> memref<10240x8xf32, #tpu.memory_space<vmem_shared>>
      tpu.enqueue_indirect_dma source(%dma_start3A_1461 : memref<128x8xf32, #tpu.memory_space<vmem>>) target(%dma_start3A_1467 : memref<10240x8xf32, #tpu.memory_space<vmem_shared>>) offsets(%dma_start3A_1464 : memref<128xi32, #tpu.memory_space<vmem>>) semaphore(%arg18 : memref<!tpu.dma_semaphore, #tpu.memory_space<semaphore_mem>>) {add = true}
      %dma_start3A_1468 = arith.constant 2 : i32
      %dma_start3A_1469 = arith.constant 2 : i32
      %dma_start3A_1470 = arith.constant 0 : i32
      %dma_start3A_1471 = tpu.memref_slice %arg12[%rem3A_148, %dma_start3A_1468, %dma_start3A_1470] : memref<2x4x128xf32, #tpu.memory_space<vmem>> -> memref<1x1x128xf32, #tpu.memory_space<vmem>>
      %dma_start3A_1472 = tpu.memref_squeeze %dma_start3A_1471 : memref<1x1x128xf32, #tpu.memory_space<vmem>> -> memref<128xf32, #tpu.memory_space<vmem>>
      %dma_start3A_1473 = arith.constant 0 : i32
      %dma_start3A_1474 = tpu.memref_slice %arg13[%rem3A_148, %dma_start3A_1469, %dma_start3A_1473] : memref<2x4x128xi32, #tpu.memory_space<vmem>> -> memref<1x1x128xi32, #tpu.memory_space<vmem>>
      %dma_start3A_1475 = tpu.memref_squeeze %dma_start3A_1474 : memref<1x1x128xi32, #tpu.memory_space<vmem>> -> memref<128xi32, #tpu.memory_space<vmem>>
      %dma_start3A_1476 = arith.constant 0 : i32
      %dma_start3A_1477 = tpu.memref_slice %arg16[%dma_start3A_1476] : memref<1310720xf32, #tpu.memory_space<vmem_shared>> -> memref<1310720xf32, #tpu.memory_space<vmem_shared>>
      tpu.enqueue_indirect_dma source(%dma_start3A_1472 : memref<128xf32, #tpu.memory_space<vmem>>) target(%dma_start3A_1477 : memref<1310720xf32, #tpu.memory_space<vmem_shared>>) offsets(%dma_start3A_1475 : memref<128xi32, #tpu.memory_space<vmem>>) semaphore(%arg18 : memref<!tpu.dma_semaphore, #tpu.memory_space<semaphore_mem>>) {add = true}
      %dma_start3A_1478 = arith.constant 3 : i32
      %dma_start3A_1479 = arith.constant 3 : i32
      %dma_start3A_1480 = arith.constant 1 : i32
      %dma_start3A_1481 = arith.constant 0 : i32
      %dma_start3A_1482 = arith.constant 0 : i32
      %dma_start3A_1483 = tpu.memref_slice %arg11[%rem3A_148, %dma_start3A_1478, %dma_start3A_1481, %dma_start3A_1482] : memref<2x4x128x8xf32, #tpu.memory_space<vmem>> -> memref<1x1x128x8xf32, #tpu.memory_space<vmem>>
      %dma_start3A_1484 = tpu.memref_squeeze %dma_start3A_1483 : memref<1x1x128x8xf32, #tpu.memory_space<vmem>> -> memref<128x8xf32, #tpu.memory_space<vmem>>
      %dma_start3A_1485 = arith.constant 0 : i32
      %dma_start3A_1486 = tpu.memref_slice %arg9[%rem3A_148, %dma_start3A_1479, %dma_start3A_1480, %dma_start3A_1485] : memref<2x4x2x128xi32, #tpu.memory_space<vmem>> -> memref<1x1x1x128xi32, #tpu.memory_space<vmem>>
      %dma_start3A_1487 = tpu.memref_squeeze %dma_start3A_1486 : memref<1x1x1x128xi32, #tpu.memory_space<vmem>> -> memref<128xi32, #tpu.memory_space<vmem>>
      %dma_start3A_1488 = arith.constant 0 : i32
      %dma_start3A_1489 = arith.constant 0 : i32
      %dma_start3A_1490 = tpu.memref_slice %arg15[%dma_start3A_1488, %dma_start3A_1489] : memref<10240x8xf32, #tpu.memory_space<vmem_shared>> -> memref<10240x8xf32, #tpu.memory_space<vmem_shared>>
      tpu.enqueue_indirect_dma source(%dma_start3A_1484 : memref<128x8xf32, #tpu.memory_space<vmem>>) target(%dma_start3A_1490 : memref<10240x8xf32, #tpu.memory_space<vmem_shared>>) offsets(%dma_start3A_1487 : memref<128xi32, #tpu.memory_space<vmem>>) semaphore(%arg18 : memref<!tpu.dma_semaphore, #tpu.memory_space<semaphore_mem>>) {add = true}
      %dma_start3A_1491 = arith.constant 3 : i32
      %dma_start3A_1492 = arith.constant 3 : i32
      %dma_start3A_1493 = arith.constant 0 : i32
      %dma_start3A_1494 = tpu.memref_slice %arg12[%rem3A_148, %dma_start3A_1491, %dma_start3A_1493] : memref<2x4x128xf32, #tpu.memory_space<vmem>> -> memref<1x1x128xf32, #tpu.memory_space<vmem>>
      %dma_start3A_1495 = tpu.memref_squeeze %dma_start3A_1494 : memref<1x1x128xf32, #tpu.memory_space<vmem>> -> memref<128xf32, #tpu.memory_space<vmem>>
      %dma_start3A_1496 = arith.constant 0 : i32
      %dma_start3A_1497 = tpu.memref_slice %arg13[%rem3A_148, %dma_start3A_1492, %dma_start3A_1496] : memref<2x4x128xi32, #tpu.memory_space<vmem>> -> memref<1x1x128xi32, #tpu.memory_space<vmem>>
      %dma_start3A_1498 = tpu.memref_squeeze %dma_start3A_1497 : memref<1x1x128xi32, #tpu.memory_space<vmem>> -> memref<128xi32, #tpu.memory_space<vmem>>
      %dma_start3A_1499 = arith.constant 0 : i32
      %dma_start3A_1500 = tpu.memref_slice %arg16[%dma_start3A_1499] : memref<1310720xf32, #tpu.memory_space<vmem_shared>> -> memref<1310720xf32, #tpu.memory_space<vmem_shared>>
      tpu.enqueue_indirect_dma source(%dma_start3A_1495 : memref<128xf32, #tpu.memory_space<vmem>>) target(%dma_start3A_1500 : memref<1310720xf32, #tpu.memory_space<vmem_shared>>) offsets(%dma_start3A_1498 : memref<128xi32, #tpu.memory_space<vmem>>) semaphore(%arg18 : memref<!tpu.dma_semaphore, #tpu.memory_space<semaphore_mem>>) {add = true}
      %dma_wait3A_1501 = arith.constant 0 : i32
      %dma_wait3A_1502 = arith.constant 0 : i32
      %dma_wait3A_1503 = arith.constant 1 : i32
      %dma_wait3A_1504 = arith.constant 0 : i32
      %dma_wait3A_1505 = arith.constant 0 : i32
      %dma_wait3A_1506 = tpu.memref_slice %arg11[%rem3A_148, %dma_wait3A_1501, %dma_wait3A_1504, %dma_wait3A_1505] : memref<2x4x128x8xf32, #tpu.memory_space<vmem>> -> memref<1x1x128x8xf32, #tpu.memory_space<vmem>>
      %dma_wait3A_1507 = tpu.memref_squeeze %dma_wait3A_1506 : memref<1x1x128x8xf32, #tpu.memory_space<vmem>> -> memref<128x8xf32, #tpu.memory_space<vmem>>
      %dma_wait3A_1508 = arith.constant 0 : i32
      %dma_wait3A_1509 = tpu.memref_slice %arg9[%rem3A_148, %dma_wait3A_1502, %dma_wait3A_1503, %dma_wait3A_1508] : memref<2x4x2x128xi32, #tpu.memory_space<vmem>> -> memref<1x1x1x128xi32, #tpu.memory_space<vmem>>
      %dma_wait3A_1510 = tpu.memref_squeeze %dma_wait3A_1509 : memref<1x1x1x128xi32, #tpu.memory_space<vmem>> -> memref<128xi32, #tpu.memory_space<vmem>>
      %dma_wait3A_1511 = arith.constant 0 : i32
      %dma_wait3A_1512 = arith.constant 0 : i32
      %dma_wait3A_1513 = tpu.memref_slice %arg15[%dma_wait3A_1511, %dma_wait3A_1512] : memref<10240x8xf32, #tpu.memory_space<vmem_shared>> -> memref<10240x8xf32, #tpu.memory_space<vmem_shared>>
      tpu.wait_indirect_dma semaphore(%arg18 : memref<!tpu.dma_semaphore, #tpu.memory_space<semaphore_mem>>) src(%dma_wait3A_1507 : memref<128x8xf32, #tpu.memory_space<vmem>>) dst(%dma_wait3A_1513 : memref<10240x8xf32, #tpu.memory_space<vmem_shared>>)
      %dma_wait3A_1514 = arith.constant 0 : i32
      %dma_wait3A_1515 = arith.constant 0 : i32
      %dma_wait3A_1516 = arith.constant 0 : i32
      %dma_wait3A_1517 = tpu.memref_slice %arg12[%rem3A_148, %dma_wait3A_1514, %dma_wait3A_1516] : memref<2x4x128xf32, #tpu.memory_space<vmem>> -> memref<1x1x128xf32, #tpu.memory_space<vmem>>
      %dma_wait3A_1518 = tpu.memref_squeeze %dma_wait3A_1517 : memref<1x1x128xf32, #tpu.memory_space<vmem>> -> memref<128xf32, #tpu.memory_space<vmem>>
      %dma_wait3A_1519 = arith.constant 0 : i32
      %dma_wait3A_1520 = tpu.memref_slice %arg13[%rem3A_148, %dma_wait3A_1515, %dma_wait3A_1519] : memref<2x4x128xi32, #tpu.memory_space<vmem>> -> memref<1x1x128xi32, #tpu.memory_space<vmem>>
      %dma_wait3A_1521 = tpu.memref_squeeze %dma_wait3A_1520 : memref<1x1x128xi32, #tpu.memory_space<vmem>> -> memref<128xi32, #tpu.memory_space<vmem>>
      %dma_wait3A_1522 = arith.constant 0 : i32
      %dma_wait3A_1523 = tpu.memref_slice %arg16[%dma_wait3A_1522] : memref<1310720xf32, #tpu.memory_space<vmem_shared>> -> memref<1310720xf32, #tpu.memory_space<vmem_shared>>
      tpu.wait_indirect_dma semaphore(%arg18 : memref<!tpu.dma_semaphore, #tpu.memory_space<semaphore_mem>>) src(%dma_wait3A_1518 : memref<128xf32, #tpu.memory_space<vmem>>) dst(%dma_wait3A_1523 : memref<1310720xf32, #tpu.memory_space<vmem_shared>>)
      %dma_wait3A_1524 = arith.constant 1 : i32
      %dma_wait3A_1525 = arith.constant 1 : i32
      %dma_wait3A_1526 = arith.constant 1 : i32
      %dma_wait3A_1527 = arith.constant 0 : i32
      %dma_wait3A_1528 = arith.constant 0 : i32
      %dma_wait3A_1529 = tpu.memref_slice %arg11[%rem3A_148, %dma_wait3A_1524, %dma_wait3A_1527, %dma_wait3A_1528] : memref<2x4x128x8xf32, #tpu.memory_space<vmem>> -> memref<1x1x128x8xf32, #tpu.memory_space<vmem>>
      %dma_wait3A_1530 = tpu.memref_squeeze %dma_wait3A_1529 : memref<1x1x128x8xf32, #tpu.memory_space<vmem>> -> memref<128x8xf32, #tpu.memory_space<vmem>>
      %dma_wait3A_1531 = arith.constant 0 : i32
      %dma_wait3A_1532 = tpu.memref_slice %arg9[%rem3A_148, %dma_wait3A_1525, %dma_wait3A_1526, %dma_wait3A_1531] : memref<2x4x2x128xi32, #tpu.memory_space<vmem>> -> memref<1x1x1x128xi32, #tpu.memory_space<vmem>>
      %dma_wait3A_1533 = tpu.memref_squeeze %dma_wait3A_1532 : memref<1x1x1x128xi32, #tpu.memory_space<vmem>> -> memref<128xi32, #tpu.memory_space<vmem>>
      %dma_wait3A_1534 = arith.constant 0 : i32
      %dma_wait3A_1535 = arith.constant 0 : i32
      %dma_wait3A_1536 = tpu.memref_slice %arg15[%dma_wait3A_1534, %dma_wait3A_1535] : memref<10240x8xf32, #tpu.memory_space<vmem_shared>> -> memref<10240x8xf32, #tpu.memory_space<vmem_shared>>
      tpu.wait_indirect_dma semaphore(%arg18 : memref<!tpu.dma_semaphore, #tpu.memory_space<semaphore_mem>>) src(%dma_wait3A_1530 : memref<128x8xf32, #tpu.memory_space<vmem>>) dst(%dma_wait3A_1536 : memref<10240x8xf32, #tpu.memory_space<vmem_shared>>)
      %dma_wait3A_1537 = arith.constant 1 : i32
      %dma_wait3A_1538 = arith.constant 1 : i32
      %dma_wait3A_1539 = arith.constant 0 : i32
      %dma_wait3A_1540 = tpu.memref_slice %arg12[%rem3A_148, %dma_wait3A_1537, %dma_wait3A_1539] : memref<2x4x128xf32, #tpu.memory_space<vmem>> -> memref<1x1x128xf32, #tpu.memory_space<vmem>>
      %dma_wait3A_1541 = tpu.memref_squeeze %dma_wait3A_1540 : memref<1x1x128xf32, #tpu.memory_space<vmem>> -> memref<128xf32, #tpu.memory_space<vmem>>
      %dma_wait3A_1542 = arith.constant 0 : i32
      %dma_wait3A_1543 = tpu.memref_slice %arg13[%rem3A_148, %dma_wait3A_1538, %dma_wait3A_1542] : memref<2x4x128xi32, #tpu.memory_space<vmem>> -> memref<1x1x128xi32, #tpu.memory_space<vmem>>
      %dma_wait3A_1544 = tpu.memref_squeeze %dma_wait3A_1543 : memref<1x1x128xi32, #tpu.memory_space<vmem>> -> memref<128xi32, #tpu.memory_space<vmem>>
      %dma_wait3A_1545 = arith.constant 0 : i32
      %dma_wait3A_1546 = tpu.memref_slice %arg16[%dma_wait3A_1545] : memref<1310720xf32, #tpu.memory_space<vmem_shared>> -> memref<1310720xf32, #tpu.memory_space<vmem_shared>>
      tpu.wait_indirect_dma semaphore(%arg18 : memref<!tpu.dma_semaphore, #tpu.memory_space<semaphore_mem>>) src(%dma_wait3A_1541 : memref<128xf32, #tpu.memory_space<vmem>>) dst(%dma_wait3A_1546 : memref<1310720xf32, #tpu.memory_space<vmem_shared>>)
      %dma_wait3A_1547 = arith.constant 2 : i32
      %dma_wait3A_1548 = arith.constant 2 : i32
      %dma_wait3A_1549 = arith.constant 1 : i32
      %dma_wait3A_1550 = arith.constant 0 : i32
      %dma_wait3A_1551 = arith.constant 0 : i32
      %dma_wait3A_1552 = tpu.memref_slice %arg11[%rem3A_148, %dma_wait3A_1547, %dma_wait3A_1550, %dma_wait3A_1551] : memref<2x4x128x8xf32, #tpu.memory_space<vmem>> -> memref<1x1x128x8xf32, #tpu.memory_space<vmem>>
      %dma_wait3A_1553 = tpu.memref_squeeze %dma_wait3A_1552 : memref<1x1x128x8xf32, #tpu.memory_space<vmem>> -> memref<128x8xf32, #tpu.memory_space<vmem>>
      %dma_wait3A_1554 = arith.constant 0 : i32
      %dma_wait3A_1555 = tpu.memref_slice %arg9[%rem3A_148, %dma_wait3A_1548, %dma_wait3A_1549, %dma_wait3A_1554] : memref<2x4x2x128xi32, #tpu.memory_space<vmem>> -> memref<1x1x1x128xi32, #tpu.memory_space<vmem>>
      %dma_wait3A_1556 = tpu.memref_squeeze %dma_wait3A_1555 : memref<1x1x1x128xi32, #tpu.memory_space<vmem>> -> memref<128xi32, #tpu.memory_space<vmem>>
      %dma_wait3A_1557 = arith.constant 0 : i32
      %dma_wait3A_1558 = arith.constant 0 : i32
      %dma_wait3A_1559 = tpu.memref_slice %arg15[%dma_wait3A_1557, %dma_wait3A_1558] : memref<10240x8xf32, #tpu.memory_space<vmem_shared>> -> memref<10240x8xf32, #tpu.memory_space<vmem_shared>>
      tpu.wait_indirect_dma semaphore(%arg18 : memref<!tpu.dma_semaphore, #tpu.memory_space<semaphore_mem>>) src(%dma_wait3A_1553 : memref<128x8xf32, #tpu.memory_space<vmem>>) dst(%dma_wait3A_1559 : memref<10240x8xf32, #tpu.memory_space<vmem_shared>>)
      %dma_wait3A_1560 = arith.constant 2 : i32
      %dma_wait3A_1561 = arith.constant 2 : i32
      %dma_wait3A_1562 = arith.constant 0 : i32
      %dma_wait3A_1563 = tpu.memref_slice %arg12[%rem3A_148, %dma_wait3A_1560, %dma_wait3A_1562] : memref<2x4x128xf32, #tpu.memory_space<vmem>> -> memref<1x1x128xf32, #tpu.memory_space<vmem>>
      %dma_wait3A_1564 = tpu.memref_squeeze %dma_wait3A_1563 : memref<1x1x128xf32, #tpu.memory_space<vmem>> -> memref<128xf32, #tpu.memory_space<vmem>>
      %dma_wait3A_1565 = arith.constant 0 : i32
      %dma_wait3A_1566 = tpu.memref_slice %arg13[%rem3A_148, %dma_wait3A_1561, %dma_wait3A_1565] : memref<2x4x128xi32, #tpu.memory_space<vmem>> -> memref<1x1x128xi32, #tpu.memory_space<vmem>>
      %dma_wait3A_1567 = tpu.memref_squeeze %dma_wait3A_1566 : memref<1x1x128xi32, #tpu.memory_space<vmem>> -> memref<128xi32, #tpu.memory_space<vmem>>
      %dma_wait3A_1568 = arith.constant 0 : i32
      %dma_wait3A_1569 = tpu.memref_slice %arg16[%dma_wait3A_1568] : memref<1310720xf32, #tpu.memory_space<vmem_shared>> -> memref<1310720xf32, #tpu.memory_space<vmem_shared>>
      tpu.wait_indirect_dma semaphore(%arg18 : memref<!tpu.dma_semaphore, #tpu.memory_space<semaphore_mem>>) src(%dma_wait3A_1564 : memref<128xf32, #tpu.memory_space<vmem>>) dst(%dma_wait3A_1569 : memref<1310720xf32, #tpu.memory_space<vmem_shared>>)
      %dma_wait3A_1570 = arith.constant 3 : i32
      %dma_wait3A_1571 = arith.constant 3 : i32
      %dma_wait3A_1572 = arith.constant 1 : i32
      %dma_wait3A_1573 = arith.constant 0 : i32
      %dma_wait3A_1574 = arith.constant 0 : i32
      %dma_wait3A_1575 = tpu.memref_slice %arg11[%rem3A_148, %dma_wait3A_1570, %dma_wait3A_1573, %dma_wait3A_1574] : memref<2x4x128x8xf32, #tpu.memory_space<vmem>> -> memref<1x1x128x8xf32, #tpu.memory_space<vmem>>
      %dma_wait3A_1576 = tpu.memref_squeeze %dma_wait3A_1575 : memref<1x1x128x8xf32, #tpu.memory_space<vmem>> -> memref<128x8xf32, #tpu.memory_space<vmem>>
      %dma_wait3A_1577 = arith.constant 0 : i32
      %dma_wait3A_1578 = tpu.memref_slice %arg9[%rem3A_148, %dma_wait3A_1571, %dma_wait3A_1572, %dma_wait3A_1577] : memref<2x4x2x128xi32, #tpu.memory_space<vmem>> -> memref<1x1x1x128xi32, #tpu.memory_space<vmem>>
      %dma_wait3A_1579 = tpu.memref_squeeze %dma_wait3A_1578 : memref<1x1x1x128xi32, #tpu.memory_space<vmem>> -> memref<128xi32, #tpu.memory_space<vmem>>
      %dma_wait3A_1580 = arith.constant 0 : i32
      %dma_wait3A_1581 = arith.constant 0 : i32
      %dma_wait3A_1582 = tpu.memref_slice %arg15[%dma_wait3A_1580, %dma_wait3A_1581] : memref<10240x8xf32, #tpu.memory_space<vmem_shared>> -> memref<10240x8xf32, #tpu.memory_space<vmem_shared>>
      tpu.wait_indirect_dma semaphore(%arg18 : memref<!tpu.dma_semaphore, #tpu.memory_space<semaphore_mem>>) src(%dma_wait3A_1576 : memref<128x8xf32, #tpu.memory_space<vmem>>) dst(%dma_wait3A_1582 : memref<10240x8xf32, #tpu.memory_space<vmem_shared>>)
      %dma_wait3A_1583 = arith.constant 3 : i32
      %dma_wait3A_1584 = arith.constant 3 : i32
      %dma_wait3A_1585 = arith.constant 0 : i32
      %dma_wait3A_1586 = tpu.memref_slice %arg12[%rem3A_148, %dma_wait3A_1583, %dma_wait3A_1585] : memref<2x4x128xf32, #tpu.memory_space<vmem>> -> memref<1x1x128xf32, #tpu.memory_space<vmem>>
      %dma_wait3A_1587 = tpu.memref_squeeze %dma_wait3A_1586 : memref<1x1x128xf32, #tpu.memory_space<vmem>> -> memref<128xf32, #tpu.memory_space<vmem>>
      %dma_wait3A_1588 = arith.constant 0 : i32
      %dma_wait3A_1589 = tpu.memref_slice %arg13[%rem3A_148, %dma_wait3A_1584, %dma_wait3A_1588] : memref<2x4x128xi32, #tpu.memory_space<vmem>> -> memref<1x1x128xi32, #tpu.memory_space<vmem>>
      %dma_wait3A_1590 = tpu.memref_squeeze %dma_wait3A_1589 : memref<1x1x128xi32, #tpu.memory_space<vmem>> -> memref<128xi32, #tpu.memory_space<vmem>>
      %dma_wait3A_1591 = arith.constant 0 : i32
      %dma_wait3A_1592 = tpu.memref_slice %arg16[%dma_wait3A_1591] : memref<1310720xf32, #tpu.memory_space<vmem_shared>> -> memref<1310720xf32, #tpu.memory_space<vmem_shared>>
      tpu.wait_indirect_dma semaphore(%arg18 : memref<!tpu.dma_semaphore, #tpu.memory_space<semaphore_mem>>) src(%dma_wait3A_1587 : memref<128xf32, #tpu.memory_space<vmem>>) dst(%dma_wait3A_1592 : memref<1310720xf32, #tpu.memory_space<vmem_shared>>)
    }
    %scan3A_76 = arith.constant 20 : i32
    %dma_wait3A = arith.constant 0 : i32
    %dma_wait3A_77 = arith.constant 0 : i32
    %dma_wait3A_78 = arith.constant 0 : i32
    %dma_wait3A_79 = arith.constant 0 : i32
    %dma_wait3A_80 = arith.constant 0 : i32
    %dma_wait3A_81 = arith.constant 0 : i32
    %dma_wait3A_82 = arith.constant 0 : i32
    %dma_wait3A_83 = tpu.memref_slice %arg11[%dma_wait3A_79, %dma_wait3A_80, %dma_wait3A_81, %dma_wait3A_82] : memref<2x4x128x8xf32, #tpu.memory_space<vmem>> -> memref<1x1x128x8xf32, #tpu.memory_space<vmem>>
    %dma_wait3A_84 = tpu.memref_squeeze %dma_wait3A_83 : memref<1x1x128x8xf32, #tpu.memory_space<vmem>> -> memref<128x8xf32, #tpu.memory_space<vmem>>
    %dma_wait3A_85 = arith.constant 0 : i32
    %dma_wait3A_86 = tpu.memref_slice %arg9[%dma_wait3A, %dma_wait3A_77, %dma_wait3A_78, %dma_wait3A_85] : memref<2x4x2x128xi32, #tpu.memory_space<vmem>> -> memref<1x1x1x128xi32, #tpu.memory_space<vmem>>
    %dma_wait3A_87 = tpu.memref_squeeze %dma_wait3A_86 : memref<1x1x1x128xi32, #tpu.memory_space<vmem>> -> memref<128xi32, #tpu.memory_space<vmem>>
    %dma_wait3A_88 = arith.constant 0 : i32
    %dma_wait3A_89 = arith.constant 0 : i32
    %dma_wait3A_90 = tpu.memref_slice %arg14[%dma_wait3A_88, %dma_wait3A_89] : memref<10240x8xf32, #tpu.memory_space<vmem_shared>> -> memref<10240x8xf32, #tpu.memory_space<vmem_shared>>
    tpu.wait_indirect_dma semaphore(%arg17 : memref<!tpu.dma_semaphore, #tpu.memory_space<semaphore_mem>>) src(%dma_wait3A_90 : memref<10240x8xf32, #tpu.memory_space<vmem_shared>>) dst(%dma_wait3A_84 : memref<128x8xf32, #tpu.memory_space<vmem>>)
    %dma_wait3A_91 = arith.constant 0 : i32
    %dma_wait3A_92 = arith.constant 1 : i32
    %dma_wait3A_93 = arith.constant 0 : i32
    %dma_wait3A_94 = arith.constant 0 : i32
    %dma_wait3A_95 = arith.constant 1 : i32
    %dma_wait3A_96 = arith.constant 0 : i32
    %dma_wait3A_97 = arith.constant 0 : i32
    %dma_wait3A_98 = tpu.memref_slice %arg11[%dma_wait3A_94, %dma_wait3A_95, %dma_wait3A_96, %dma_wait3A_97] : memref<2x4x128x8xf32, #tpu.memory_space<vmem>> -> memref<1x1x128x8xf32, #tpu.memory_space<vmem>>
    %dma_wait3A_99 = tpu.memref_squeeze %dma_wait3A_98 : memref<1x1x128x8xf32, #tpu.memory_space<vmem>> -> memref<128x8xf32, #tpu.memory_space<vmem>>
    %dma_wait3A_100 = arith.constant 0 : i32
    %dma_wait3A_101 = tpu.memref_slice %arg9[%dma_wait3A_91, %dma_wait3A_92, %dma_wait3A_93, %dma_wait3A_100] : memref<2x4x2x128xi32, #tpu.memory_space<vmem>> -> memref<1x1x1x128xi32, #tpu.memory_space<vmem>>
    %dma_wait3A_102 = tpu.memref_squeeze %dma_wait3A_101 : memref<1x1x1x128xi32, #tpu.memory_space<vmem>> -> memref<128xi32, #tpu.memory_space<vmem>>
    %dma_wait3A_103 = arith.constant 0 : i32
    %dma_wait3A_104 = arith.constant 0 : i32
    %dma_wait3A_105 = tpu.memref_slice %arg14[%dma_wait3A_103, %dma_wait3A_104] : memref<10240x8xf32, #tpu.memory_space<vmem_shared>> -> memref<10240x8xf32, #tpu.memory_space<vmem_shared>>
    tpu.wait_indirect_dma semaphore(%arg17 : memref<!tpu.dma_semaphore, #tpu.memory_space<semaphore_mem>>) src(%dma_wait3A_105 : memref<10240x8xf32, #tpu.memory_space<vmem_shared>>) dst(%dma_wait3A_99 : memref<128x8xf32, #tpu.memory_space<vmem>>)
    %dma_wait3A_106 = arith.constant 0 : i32
    %dma_wait3A_107 = arith.constant 2 : i32
    %dma_wait3A_108 = arith.constant 0 : i32
    %dma_wait3A_109 = arith.constant 0 : i32
    %dma_wait3A_110 = arith.constant 2 : i32
    %dma_wait3A_111 = arith.constant 0 : i32
    %dma_wait3A_112 = arith.constant 0 : i32
    %dma_wait3A_113 = tpu.memref_slice %arg11[%dma_wait3A_109, %dma_wait3A_110, %dma_wait3A_111, %dma_wait3A_112] : memref<2x4x128x8xf32, #tpu.memory_space<vmem>> -> memref<1x1x128x8xf32, #tpu.memory_space<vmem>>
    %dma_wait3A_114 = tpu.memref_squeeze %dma_wait3A_113 : memref<1x1x128x8xf32, #tpu.memory_space<vmem>> -> memref<128x8xf32, #tpu.memory_space<vmem>>
    %dma_wait3A_115 = arith.constant 0 : i32
    %dma_wait3A_116 = tpu.memref_slice %arg9[%dma_wait3A_106, %dma_wait3A_107, %dma_wait3A_108, %dma_wait3A_115] : memref<2x4x2x128xi32, #tpu.memory_space<vmem>> -> memref<1x1x1x128xi32, #tpu.memory_space<vmem>>
    %dma_wait3A_117 = tpu.memref_squeeze %dma_wait3A_116 : memref<1x1x1x128xi32, #tpu.memory_space<vmem>> -> memref<128xi32, #tpu.memory_space<vmem>>
    %dma_wait3A_118 = arith.constant 0 : i32
    %dma_wait3A_119 = arith.constant 0 : i32
    %dma_wait3A_120 = tpu.memref_slice %arg14[%dma_wait3A_118, %dma_wait3A_119] : memref<10240x8xf32, #tpu.memory_space<vmem_shared>> -> memref<10240x8xf32, #tpu.memory_space<vmem_shared>>
    tpu.wait_indirect_dma semaphore(%arg17 : memref<!tpu.dma_semaphore, #tpu.memory_space<semaphore_mem>>) src(%dma_wait3A_120 : memref<10240x8xf32, #tpu.memory_space<vmem_shared>>) dst(%dma_wait3A_114 : memref<128x8xf32, #tpu.memory_space<vmem>>)
    %dma_wait3A_121 = arith.constant 0 : i32
    %dma_wait3A_122 = arith.constant 3 : i32
    %dma_wait3A_123 = arith.constant 0 : i32
    %dma_wait3A_124 = arith.constant 0 : i32
    %dma_wait3A_125 = arith.constant 3 : i32
    %dma_wait3A_126 = arith.constant 0 : i32
    %dma_wait3A_127 = arith.constant 0 : i32
    %dma_wait3A_128 = tpu.memref_slice %arg11[%dma_wait3A_124, %dma_wait3A_125, %dma_wait3A_126, %dma_wait3A_127] : memref<2x4x128x8xf32, #tpu.memory_space<vmem>> -> memref<1x1x128x8xf32, #tpu.memory_space<vmem>>
    %dma_wait3A_129 = tpu.memref_squeeze %dma_wait3A_128 : memref<1x1x128x8xf32, #tpu.memory_space<vmem>> -> memref<128x8xf32, #tpu.memory_space<vmem>>
    %dma_wait3A_130 = arith.constant 0 : i32
    %dma_wait3A_131 = tpu.memref_slice %arg9[%dma_wait3A_121, %dma_wait3A_122, %dma_wait3A_123, %dma_wait3A_130] : memref<2x4x2x128xi32, #tpu.memory_space<vmem>> -> memref<1x1x1x128xi32, #tpu.memory_space<vmem>>
    %dma_wait3A_132 = tpu.memref_squeeze %dma_wait3A_131 : memref<1x1x1x128xi32, #tpu.memory_space<vmem>> -> memref<128xi32, #tpu.memory_space<vmem>>
    %dma_wait3A_133 = arith.constant 0 : i32
    %dma_wait3A_134 = arith.constant 0 : i32
    %dma_wait3A_135 = tpu.memref_slice %arg14[%dma_wait3A_133, %dma_wait3A_134] : memref<10240x8xf32, #tpu.memory_space<vmem_shared>> -> memref<10240x8xf32, #tpu.memory_space<vmem_shared>>
    tpu.wait_indirect_dma semaphore(%arg17 : memref<!tpu.dma_semaphore, #tpu.memory_space<semaphore_mem>>) src(%dma_wait3A_135 : memref<10240x8xf32, #tpu.memory_space<vmem_shared>>) dst(%dma_wait3A_129 : memref<128x8xf32, #tpu.memory_space<vmem>>)
    %eq3A = arith.constant 0 : i32
    %eq3A_136 = arith.cmpi eq, %arg0, %eq3A : i32
    %convert_element_type3A = arith.extui %eq3A_136 : i1 to i32
    %cond3A = arith.constant 0 : i32
    %cond3A_137 = arith.cmpi ne, %convert_element_type3A, %cond3A : i32
    scf.if %cond3A_137 {
      %iota3A = tpu.iota {dimensions = array<i32: 0>} : vector<16xi32>
      %scan3A_147 = arith.constant 0 : i32
      %scan3A_148 = arith.constant 0 : i32
      %scan3A_149 = arith.constant 5 : i32
      %scan3A_150 = arith.addi %scan3A_148, %scan3A_149 : i32
      %scan3A_151 = arith.constant 1 : i32
      scf.for %scan3A_153 = %scan3A_148 to %scan3A_150 step %scan3A_151  : i32 {
        %mul3A_154 = arith.constant 640 : i32
        %mul3A_155 = arith.muli %arg1, %mul3A_154 : i32
        %mul3A_156 = arith.constant 128 : i32
        %mul3A_157 = arith.muli %scan3A_153, %mul3A_156 : i32
        %add3A_158 = arith.addi %mul3A_155, %mul3A_157 : i32
        %add3A_159 = arith.constant 0 : i32
        %add3A_160 = arith.addi %add3A_158, %add3A_159 : i32
        %add3A_161 = vector.broadcast %add3A_160 : i32 to vector<16xi32>
        %add3A_162 = arith.addi %add3A_161, %iota3A : vector<16xi32>
        %add3A_163 = arith.constant 0 : i32
        %add3A_164 = arith.addi %add3A_158, %add3A_163 : i32
        %get3A = arith.index_cast %add3A_164 : i32 to index
        %get3A_165 = tpu.vector_load %arg10[%get3A] {strides = array<i32>} : memref<10240xi32, #tpu.memory_space<vmem>>, vector<16xi32>,
        %and3A = arith.constant 511 : i32
        %and3A_166 = vector.broadcast %and3A : i32 to vector<16xi32>
        %and3A_167 = arith.andi %get3A_165, %and3A_166 : vector<16xi32>
        %mul3A_168 = arith.constant 10240 : i32
        %mul3A_169 = vector.broadcast %mul3A_168 : i32 to vector<16xi32>
        %mul3A_170 = arith.muli %and3A_167, %mul3A_169 : vector<16xi32>
        %add3A_171 = arith.addi %mul3A_170, %add3A_162 : vector<16xi32>
        %swap3A = arith.constant 0 : i32
        %swap3A_172 = arith.constant 0 : i32
        %swap3A_173 = arith.index_cast %swap3A : i32 to index
        %swap3A_174 = arith.index_cast %swap3A_172 : i32 to index
        %swap3A_175 = arith.constant 0 : index
        %swap3A_176 = tpu.vector_load %arg13[%swap3A_173, %swap3A_174, %swap3A_175] {strides = array<i32>} : memref<2x4x128xi32, #tpu.memory_space<vmem>>, vector<16xi32>,
        tpu.vector_store %arg13[%swap3A_173, %swap3A_174, %swap3A_175], %add3A_171 {strides = array<i32>} : memref<2x4x128xi32, #tpu.memory_space<vmem>>, vector<16xi32>,
        %and3A_177 = arith.constant -512 : i32
        %and3A_178 = vector.broadcast %and3A_177 : i32 to vector<16xi32>
        %and3A_179 = arith.andi %get3A_165, %and3A_178 : vector<16xi32>
        %bitcast3A = vector.bitcast %and3A_179 : vector<16xi32> to vector<16xf32>
        %swap3A_180 = arith.constant 0 : i32
        %swap3A_181 = arith.constant 0 : i32
        %swap3A_182 = arith.index_cast %swap3A_180 : i32 to index
        %swap3A_183 = arith.index_cast %swap3A_181 : i32 to index
        %swap3A_184 = arith.constant 0 : index
        %swap3A_185 = tpu.vector_load %arg12[%swap3A_182, %swap3A_183, %swap3A_184] {strides = array<i32>} : memref<2x4x128xf32, #tpu.memory_space<vmem>>, vector<16xf32>,
        tpu.vector_store %arg12[%swap3A_182, %swap3A_183, %swap3A_184], %bitcast3A {strides = array<i32>} : memref<2x4x128xf32, #tpu.memory_space<vmem>>, vector<16xf32>,
        %add3A_186 = arith.constant 16 : i32
        %add3A_187 = arith.addi %add3A_158, %add3A_186 : i32
        %add3A_188 = vector.broadcast %add3A_187 : i32 to vector<16xi32>
        %add3A_189 = arith.addi %add3A_188, %iota3A : vector<16xi32>
        %add3A_190 = arith.constant 16 : i32
        %add3A_191 = arith.addi %add3A_158, %add3A_190 : i32
        %get3A_192 = arith.index_cast %add3A_191 : i32 to index
        %get3A_193 = tpu.vector_load %arg10[%get3A_192] {strides = array<i32>} : memref<10240xi32, #tpu.memory_space<vmem>>, vector<16xi32>,
        %and3A_194 = arith.constant 511 : i32
        %and3A_195 = vector.broadcast %and3A_194 : i32 to vector<16xi32>
        %and3A_196 = arith.andi %get3A_193, %and3A_195 : vector<16xi32>
        %mul3A_197 = arith.constant 10240 : i32
        %mul3A_198 = vector.broadcast %mul3A_197 : i32 to vector<16xi32>
        %mul3A_199 = arith.muli %and3A_196, %mul3A_198 : vector<16xi32>
        %add3A_200 = arith.addi %mul3A_199, %add3A_189 : vector<16xi32>
        %swap3A_201 = arith.constant 0 : i32
        %swap3A_202 = arith.constant 0 : i32
        %swap3A_203 = arith.index_cast %swap3A_201 : i32 to index
        %swap3A_204 = arith.index_cast %swap3A_202 : i32 to index
        %swap3A_205 = arith.constant 16 : index
        %swap3A_206 = tpu.vector_load %arg13[%swap3A_203, %swap3A_204, %swap3A_205] {strides = array<i32>} : memref<2x4x128xi32, #tpu.memory_space<vmem>>, vector<16xi32>,
        tpu.vector_store %arg13[%swap3A_203, %swap3A_204, %swap3A_205], %add3A_200 {strides = array<i32>} : memref<2x4x128xi32, #tpu.memory_space<vmem>>, vector<16xi32>,
        %and3A_207 = arith.constant -512 : i32
        %and3A_208 = vector.broadcast %and3A_207 : i32 to vector<16xi32>
        %and3A_209 = arith.andi %get3A_193, %and3A_208 : vector<16xi32>
        %bitcast3A_210 = vector.bitcast %and3A_209 : vector<16xi32> to vector<16xf32>
        %swap3A_211 = arith.constant 0 : i32
        %swap3A_212 = arith.constant 0 : i32
        %swap3A_213 = arith.index_cast %swap3A_211 : i32 to index
        %swap3A_214 = arith.index_cast %swap3A_212 : i32 to index
        %swap3A_215 = arith.constant 16 : index
        %swap3A_216 = tpu.vector_load %arg12[%swap3A_213, %swap3A_214, %swap3A_215] {strides = array<i32>} : memref<2x4x128xf32, #tpu.memory_space<vmem>>, vector<16xf32>,
        tpu.vector_store %arg12[%swap3A_213, %swap3A_214, %swap3A_215], %bitcast3A_210 {strides = array<i32>} : memref<2x4x128xf32, #tpu.memory_space<vmem>>, vector<16xf32>,
        %add3A_217 = arith.constant 32 : i32
        %add3A_218 = arith.addi %add3A_158, %add3A_217 : i32
        %add3A_219 = vector.broadcast %add3A_218 : i32 to vector<16xi32>
        %add3A_220 = arith.addi %add3A_219, %iota3A : vector<16xi32>
        %add3A_221 = arith.constant 32 : i32
        %add3A_222 = arith.addi %add3A_158, %add3A_221 : i32
        %get3A_223 = arith.index_cast %add3A_222 : i32 to index
        %get3A_224 = tpu.vector_load %arg10[%get3A_223] {strides = array<i32>} : memref<10240xi32, #tpu.memory_space<vmem>>, vector<16xi32>,
        %and3A_225 = arith.constant 511 : i32
        %and3A_226 = vector.broadcast %and3A_225 : i32 to vector<16xi32>
        %and3A_227 = arith.andi %get3A_224, %and3A_226 : vector<16xi32>
        %mul3A_228 = arith.constant 10240 : i32
        %mul3A_229 = vector.broadcast %mul3A_228 : i32 to vector<16xi32>
        %mul3A_230 = arith.muli %and3A_227, %mul3A_229 : vector<16xi32>
        %add3A_231 = arith.addi %mul3A_230, %add3A_220 : vector<16xi32>
        %swap3A_232 = arith.constant 0 : i32
        %swap3A_233 = arith.constant 0 : i32
        %swap3A_234 = arith.index_cast %swap3A_232 : i32 to index
        %swap3A_235 = arith.index_cast %swap3A_233 : i32 to index
        %swap3A_236 = arith.constant 32 : index
        %swap3A_237 = tpu.vector_load %arg13[%swap3A_234, %swap3A_235, %swap3A_236] {strides = array<i32>} : memref<2x4x128xi32, #tpu.memory_space<vmem>>, vector<16xi32>,
        tpu.vector_store %arg13[%swap3A_234, %swap3A_235, %swap3A_236], %add3A_231 {strides = array<i32>} : memref<2x4x128xi32, #tpu.memory_space<vmem>>, vector<16xi32>,
        %and3A_238 = arith.constant -512 : i32
        %and3A_239 = vector.broadcast %and3A_238 : i32 to vector<16xi32>
        %and3A_240 = arith.andi %get3A_224, %and3A_239 : vector<16xi32>
        %bitcast3A_241 = vector.bitcast %and3A_240 : vector<16xi32> to vector<16xf32>
        %swap3A_242 = arith.constant 0 : i32
        %swap3A_243 = arith.constant 0 : i32
        %swap3A_244 = arith.index_cast %swap3A_242 : i32 to index
        %swap3A_245 = arith.index_cast %swap3A_243 : i32 to index
        %swap3A_246 = arith.constant 32 : index
        %swap3A_247 = tpu.vector_load %arg12[%swap3A_244, %swap3A_245, %swap3A_246] {strides = array<i32>} : memref<2x4x128xf32, #tpu.memory_space<vmem>>, vector<16xf32>,
        tpu.vector_store %arg12[%swap3A_244, %swap3A_245, %swap3A_246], %bitcast3A_241 {strides = array<i32>} : memref<2x4x128xf32, #tpu.memory_space<vmem>>, vector<16xf32>,
        %add3A_248 = arith.constant 48 : i32
        %add3A_249 = arith.addi %add3A_158, %add3A_248 : i32
        %add3A_250 = vector.broadcast %add3A_249 : i32 to vector<16xi32>
        %add3A_251 = arith.addi %add3A_250, %iota3A : vector<16xi32>
        %add3A_252 = arith.constant 48 : i32
        %add3A_253 = arith.addi %add3A_158, %add3A_252 : i32
        %get3A_254 = arith.index_cast %add3A_253 : i32 to index
        %get3A_255 = tpu.vector_load %arg10[%get3A_254] {strides = array<i32>} : memref<10240xi32, #tpu.memory_space<vmem>>, vector<16xi32>,
        %and3A_256 = arith.constant 511 : i32
        %and3A_257 = vector.broadcast %and3A_256 : i32 to vector<16xi32>
        %and3A_258 = arith.andi %get3A_255, %and3A_257 : vector<16xi32>
        %mul3A_259 = arith.constant 10240 : i32
        %mul3A_260 = vector.broadcast %mul3A_259 : i32 to vector<16xi32>
        %mul3A_261 = arith.muli %and3A_258, %mul3A_260 : vector<16xi32>
        %add3A_262 = arith.addi %mul3A_261, %add3A_251 : vector<16xi32>
        %swap3A_263 = arith.constant 0 : i32
        %swap3A_264 = arith.constant 0 : i32
        %swap3A_265 = arith.index_cast %swap3A_263 : i32 to index
        %swap3A_266 = arith.index_cast %swap3A_264 : i32 to index
        %swap3A_267 = arith.constant 48 : index
        %swap3A_268 = tpu.vector_load %arg13[%swap3A_265, %swap3A_266, %swap3A_267] {strides = array<i32>} : memref<2x4x128xi32, #tpu.memory_space<vmem>>, vector<16xi32>,
        tpu.vector_store %arg13[%swap3A_265, %swap3A_266, %swap3A_267], %add3A_262 {strides = array<i32>} : memref<2x4x128xi32, #tpu.memory_space<vmem>>, vector<16xi32>,
        %and3A_269 = arith.constant -512 : i32
        %and3A_270 = vector.broadcast %and3A_269 : i32 to vector<16xi32>
        %and3A_271 = arith.andi %get3A_255, %and3A_270 : vector<16xi32>
        %bitcast3A_272 = vector.bitcast %and3A_271 : vector<16xi32> to vector<16xf32>
        %swap3A_273 = arith.constant 0 : i32
        %swap3A_274 = arith.constant 0 : i32
        %swap3A_275 = arith.index_cast %swap3A_273 : i32 to index
        %swap3A_276 = arith.index_cast %swap3A_274 : i32 to index
        %swap3A_277 = arith.constant 48 : index
        %swap3A_278 = tpu.vector_load %arg12[%swap3A_275, %swap3A_276, %swap3A_277] {strides = array<i32>} : memref<2x4x128xf32, #tpu.memory_space<vmem>>, vector<16xf32>,
        tpu.vector_store %arg12[%swap3A_275, %swap3A_276, %swap3A_277], %bitcast3A_272 {strides = array<i32>} : memref<2x4x128xf32, #tpu.memory_space<vmem>>, vector<16xf32>,
        %add3A_279 = arith.constant 64 : i32
        %add3A_280 = arith.addi %add3A_158, %add3A_279 : i32
        %add3A_281 = vector.broadcast %add3A_280 : i32 to vector<16xi32>
        %add3A_282 = arith.addi %add3A_281, %iota3A : vector<16xi32>
        %add3A_283 = arith.constant 64 : i32
        %add3A_284 = arith.addi %add3A_158, %add3A_283 : i32
        %get3A_285 = arith.index_cast %add3A_284 : i32 to index
        %get3A_286 = tpu.vector_load %arg10[%get3A_285] {strides = array<i32>} : memref<10240xi32, #tpu.memory_space<vmem>>, vector<16xi32>,
        %and3A_287 = arith.constant 511 : i32
        %and3A_288 = vector.broadcast %and3A_287 : i32 to vector<16xi32>
        %and3A_289 = arith.andi %get3A_286, %and3A_288 : vector<16xi32>
        %mul3A_290 = arith.constant 10240 : i32
        %mul3A_291 = vector.broadcast %mul3A_290 : i32 to vector<16xi32>
        %mul3A_292 = arith.muli %and3A_289, %mul3A_291 : vector<16xi32>
        %add3A_293 = arith.addi %mul3A_292, %add3A_282 : vector<16xi32>
        %swap3A_294 = arith.constant 0 : i32
        %swap3A_295 = arith.constant 0 : i32
        %swap3A_296 = arith.index_cast %swap3A_294 : i32 to index
        %swap3A_297 = arith.index_cast %swap3A_295 : i32 to index
        %swap3A_298 = arith.constant 64 : index
        %swap3A_299 = tpu.vector_load %arg13[%swap3A_296, %swap3A_297, %swap3A_298] {strides = array<i32>} : memref<2x4x128xi32, #tpu.memory_space<vmem>>, vector<16xi32>,
        tpu.vector_store %arg13[%swap3A_296, %swap3A_297, %swap3A_298], %add3A_293 {strides = array<i32>} : memref<2x4x128xi32, #tpu.memory_space<vmem>>, vector<16xi32>,
        %and3A_300 = arith.constant -512 : i32
        %and3A_301 = vector.broadcast %and3A_300 : i32 to vector<16xi32>
        %and3A_302 = arith.andi %get3A_286, %and3A_301 : vector<16xi32>
        %bitcast3A_303 = vector.bitcast %and3A_302 : vector<16xi32> to vector<16xf32>
        %swap3A_304 = arith.constant 0 : i32
        %swap3A_305 = arith.constant 0 : i32
        %swap3A_306 = arith.index_cast %swap3A_304 : i32 to index
        %swap3A_307 = arith.index_cast %swap3A_305 : i32 to index
        %swap3A_308 = arith.constant 64 : index
        %swap3A_309 = tpu.vector_load %arg12[%swap3A_306, %swap3A_307, %swap3A_308] {strides = array<i32>} : memref<2x4x128xf32, #tpu.memory_space<vmem>>, vector<16xf32>,
        tpu.vector_store %arg12[%swap3A_306, %swap3A_307, %swap3A_308], %bitcast3A_303 {strides = array<i32>} : memref<2x4x128xf32, #tpu.memory_space<vmem>>, vector<16xf32>,
        %add3A_310 = arith.constant 80 : i32
        %add3A_311 = arith.addi %add3A_158, %add3A_310 : i32
        %add3A_312 = vector.broadcast %add3A_311 : i32 to vector<16xi32>
        %add3A_313 = arith.addi %add3A_312, %iota3A : vector<16xi32>
        %add3A_314 = arith.constant 80 : i32
        %add3A_315 = arith.addi %add3A_158, %add3A_314 : i32
        %get3A_316 = arith.index_cast %add3A_315 : i32 to index
        %get3A_317 = tpu.vector_load %arg10[%get3A_316] {strides = array<i32>} : memref<10240xi32, #tpu.memory_space<vmem>>, vector<16xi32>,
        %and3A_318 = arith.constant 511 : i32
        %and3A_319 = vector.broadcast %and3A_318 : i32 to vector<16xi32>
        %and3A_320 = arith.andi %get3A_317, %and3A_319 : vector<16xi32>
        %mul3A_321 = arith.constant 10240 : i32
        %mul3A_322 = vector.broadcast %mul3A_321 : i32 to vector<16xi32>
        %mul3A_323 = arith.muli %and3A_320, %mul3A_322 : vector<16xi32>
        %add3A_324 = arith.addi %mul3A_323, %add3A_313 : vector<16xi32>
        %swap3A_325 = arith.constant 0 : i32
        %swap3A_326 = arith.constant 0 : i32
        %swap3A_327 = arith.index_cast %swap3A_325 : i32 to index
        %swap3A_328 = arith.index_cast %swap3A_326 : i32 to index
        %swap3A_329 = arith.constant 80 : index
        %swap3A_330 = tpu.vector_load %arg13[%swap3A_327, %swap3A_328, %swap3A_329] {strides = array<i32>} : memref<2x4x128xi32, #tpu.memory_space<vmem>>, vector<16xi32>,
        tpu.vector_store %arg13[%swap3A_327, %swap3A_328, %swap3A_329], %add3A_324 {strides = array<i32>} : memref<2x4x128xi32, #tpu.memory_space<vmem>>, vector<16xi32>,
        %and3A_331 = arith.constant -512 : i32
        %and3A_332 = vector.broadcast %and3A_331 : i32 to vector<16xi32>
        %and3A_333 = arith.andi %get3A_317, %and3A_332 : vector<16xi32>
        %bitcast3A_334 = vector.bitcast %and3A_333 : vector<16xi32> to vector<16xf32>
        %swap3A_335 = arith.constant 0 : i32
        %swap3A_336 = arith.constant 0 : i32
        %swap3A_337 = arith.index_cast %swap3A_335 : i32 to index
        %swap3A_338 = arith.index_cast %swap3A_336 : i32 to index
        %swap3A_339 = arith.constant 80 : index
        %swap3A_340 = tpu.vector_load %arg12[%swap3A_337, %swap3A_338, %swap3A_339] {strides = array<i32>} : memref<2x4x128xf32, #tpu.memory_space<vmem>>, vector<16xf32>,
        tpu.vector_store %arg12[%swap3A_337, %swap3A_338, %swap3A_339], %bitcast3A_334 {strides = array<i32>} : memref<2x4x128xf32, #tpu.memory_space<vmem>>, vector<16xf32>,
        %add3A_341 = arith.constant 96 : i32
        %add3A_342 = arith.addi %add3A_158, %add3A_341 : i32
        %add3A_343 = vector.broadcast %add3A_342 : i32 to vector<16xi32>
        %add3A_344 = arith.addi %add3A_343, %iota3A : vector<16xi32>
        %add3A_345 = arith.constant 96 : i32
        %add3A_346 = arith.addi %add3A_158, %add3A_345 : i32
        %get3A_347 = arith.index_cast %add3A_346 : i32 to index
        %get3A_348 = tpu.vector_load %arg10[%get3A_347] {strides = array<i32>} : memref<10240xi32, #tpu.memory_space<vmem>>, vector<16xi32>,
        %and3A_349 = arith.constant 511 : i32
        %and3A_350 = vector.broadcast %and3A_349 : i32 to vector<16xi32>
        %and3A_351 = arith.andi %get3A_348, %and3A_350 : vector<16xi32>
        %mul3A_352 = arith.constant 10240 : i32
        %mul3A_353 = vector.broadcast %mul3A_352 : i32 to vector<16xi32>
        %mul3A_354 = arith.muli %and3A_351, %mul3A_353 : vector<16xi32>
        %add3A_355 = arith.addi %mul3A_354, %add3A_344 : vector<16xi32>
        %swap3A_356 = arith.constant 0 : i32
        %swap3A_357 = arith.constant 0 : i32
        %swap3A_358 = arith.index_cast %swap3A_356 : i32 to index
        %swap3A_359 = arith.index_cast %swap3A_357 : i32 to index
        %swap3A_360 = arith.constant 96 : index
        %swap3A_361 = tpu.vector_load %arg13[%swap3A_358, %swap3A_359, %swap3A_360] {strides = array<i32>} : memref<2x4x128xi32, #tpu.memory_space<vmem>>, vector<16xi32>,
        tpu.vector_store %arg13[%swap3A_358, %swap3A_359, %swap3A_360], %add3A_355 {strides = array<i32>} : memref<2x4x128xi32, #tpu.memory_space<vmem>>, vector<16xi32>,
        %and3A_362 = arith.constant -512 : i32
        %and3A_363 = vector.broadcast %and3A_362 : i32 to vector<16xi32>
        %and3A_364 = arith.andi %get3A_348, %and3A_363 : vector<16xi32>
        %bitcast3A_365 = vector.bitcast %and3A_364 : vector<16xi32> to vector<16xf32>
        %swap3A_366 = arith.constant 0 : i32
        %swap3A_367 = arith.constant 0 : i32
        %swap3A_368 = arith.index_cast %swap3A_366 : i32 to index
        %swap3A_369 = arith.index_cast %swap3A_367 : i32 to index
        %swap3A_370 = arith.constant 96 : index
        %swap3A_371 = tpu.vector_load %arg12[%swap3A_368, %swap3A_369, %swap3A_370] {strides = array<i32>} : memref<2x4x128xf32, #tpu.memory_space<vmem>>, vector<16xf32>,
        tpu.vector_store %arg12[%swap3A_368, %swap3A_369, %swap3A_370], %bitcast3A_365 {strides = array<i32>} : memref<2x4x128xf32, #tpu.memory_space<vmem>>, vector<16xf32>,
        %add3A_372 = arith.constant 112 : i32
        %add3A_373 = arith.addi %add3A_158, %add3A_372 : i32
        %add3A_374 = vector.broadcast %add3A_373 : i32 to vector<16xi32>
        %add3A_375 = arith.addi %add3A_374, %iota3A : vector<16xi32>
        %add3A_376 = arith.constant 112 : i32
        %add3A_377 = arith.addi %add3A_158, %add3A_376 : i32
        %get3A_378 = arith.index_cast %add3A_377 : i32 to index
        %get3A_379 = tpu.vector_load %arg10[%get3A_378] {strides = array<i32>} : memref<10240xi32, #tpu.memory_space<vmem>>, vector<16xi32>,
        %and3A_380 = arith.constant 511 : i32
        %and3A_381 = vector.broadcast %and3A_380 : i32 to vector<16xi32>
        %and3A_382 = arith.andi %get3A_379, %and3A_381 : vector<16xi32>
        %mul3A_383 = arith.constant 10240 : i32
        %mul3A_384 = vector.broadcast %mul3A_383 : i32 to vector<16xi32>
        %mul3A_385 = arith.muli %and3A_382, %mul3A_384 : vector<16xi32>
        %add3A_386 = arith.addi %mul3A_385, %add3A_375 : vector<16xi32>
        %swap3A_387 = arith.constant 0 : i32
        %swap3A_388 = arith.constant 0 : i32
        %swap3A_389 = arith.index_cast %swap3A_387 : i32 to index
        %swap3A_390 = arith.index_cast %swap3A_388 : i32 to index
        %swap3A_391 = arith.constant 112 : index
        %swap3A_392 = tpu.vector_load %arg13[%swap3A_389, %swap3A_390, %swap3A_391] {strides = array<i32>} : memref<2x4x128xi32, #tpu.memory_space<vmem>>, vector<16xi32>,
        tpu.vector_store %arg13[%swap3A_389, %swap3A_390, %swap3A_391], %add3A_386 {strides = array<i32>} : memref<2x4x128xi32, #tpu.memory_space<vmem>>, vector<16xi32>,
        %and3A_393 = arith.constant -512 : i32
        %and3A_394 = vector.broadcast %and3A_393 : i32 to vector<16xi32>
        %and3A_395 = arith.andi %get3A_379, %and3A_394 : vector<16xi32>
        %bitcast3A_396 = vector.bitcast %and3A_395 : vector<16xi32> to vector<16xf32>
        %swap3A_397 = arith.constant 0 : i32
        %swap3A_398 = arith.constant 0 : i32
        %swap3A_399 = arith.index_cast %swap3A_397 : i32 to index
        %swap3A_400 = arith.index_cast %swap3A_398 : i32 to index
        %swap3A_401 = arith.constant 112 : index
        %swap3A_402 = tpu.vector_load %arg12[%swap3A_399, %swap3A_400, %swap3A_401] {strides = array<i32>} : memref<2x4x128xf32, #tpu.memory_space<vmem>>, vector<16xf32>,
        tpu.vector_store %arg12[%swap3A_399, %swap3A_400, %swap3A_401], %bitcast3A_396 {strides = array<i32>} : memref<2x4x128xf32, #tpu.memory_space<vmem>>, vector<16xf32>,
        %dma_start3A_403 = arith.constant 0 : i32
        %dma_start3A_404 = arith.constant 0 : i32
        %dma_start3A_405 = arith.constant 0 : i32
        %dma_start3A_406 = arith.constant 0 : i32
        %dma_start3A_407 = arith.constant 0 : i32
        %dma_start3A_408 = tpu.memref_slice %arg12[%dma_start3A_403, %dma_start3A_404, %dma_start3A_407] : memref<2x4x128xf32, #tpu.memory_space<vmem>> -> memref<1x1x128xf32, #tpu.memory_space<vmem>>
        %dma_start3A_409 = tpu.memref_squeeze %dma_start3A_408 : memref<1x1x128xf32, #tpu.memory_space<vmem>> -> memref<128xf32, #tpu.memory_space<vmem>>
        %dma_start3A_410 = arith.constant 0 : i32
        %dma_start3A_411 = tpu.memref_slice %arg13[%dma_start3A_405, %dma_start3A_406, %dma_start3A_410] : memref<2x4x128xi32, #tpu.memory_space<vmem>> -> memref<1x1x128xi32, #tpu.memory_space<vmem>>
        %dma_start3A_412 = tpu.memref_squeeze %dma_start3A_411 : memref<1x1x128xi32, #tpu.memory_space<vmem>> -> memref<128xi32, #tpu.memory_space<vmem>>
        %dma_start3A_413 = arith.constant 0 : i32
        %dma_start3A_414 = tpu.memref_slice %arg16[%dma_start3A_413] : memref<1310720xf32, #tpu.memory_space<vmem_shared>> -> memref<1310720xf32, #tpu.memory_space<vmem_shared>>
        tpu.enqueue_indirect_dma source(%dma_start3A_409 : memref<128xf32, #tpu.memory_space<vmem>>) target(%dma_start3A_414 : memref<1310720xf32, #tpu.memory_space<vmem_shared>>) offsets(%dma_start3A_412 : memref<128xi32, #tpu.memory_space<vmem>>) semaphore(%arg18 : memref<!tpu.dma_semaphore, #tpu.memory_space<semaphore_mem>>) {add = true}
        %dma_wait3A_415 = arith.constant 0 : i32
        %dma_wait3A_416 = arith.constant 0 : i32
        %dma_wait3A_417 = arith.constant 0 : i32
        %dma_wait3A_418 = arith.constant 0 : i32
        %dma_wait3A_419 = arith.constant 0 : i32
        %dma_wait3A_420 = tpu.memref_slice %arg12[%dma_wait3A_415, %dma_wait3A_416, %dma_wait3A_419] : memref<2x4x128xf32, #tpu.memory_space<vmem>> -> memref<1x1x128xf32, #tpu.memory_space<vmem>>
        %dma_wait3A_421 = tpu.memref_squeeze %dma_wait3A_420 : memref<1x1x128xf32, #tpu.memory_space<vmem>> -> memref<128xf32, #tpu.memory_space<vmem>>
        %dma_wait3A_422 = arith.constant 0 : i32
        %dma_wait3A_423 = tpu.memref_slice %arg13[%dma_wait3A_417, %dma_wait3A_418, %dma_wait3A_422] : memref<2x4x128xi32, #tpu.memory_space<vmem>> -> memref<1x1x128xi32, #tpu.memory_space<vmem>>
        %dma_wait3A_424 = tpu.memref_squeeze %dma_wait3A_423 : memref<1x1x128xi32, #tpu.memory_space<vmem>> -> memref<128xi32, #tpu.memory_space<vmem>>
        %dma_wait3A_425 = arith.constant 0 : i32
        %dma_wait3A_426 = tpu.memref_slice %arg16[%dma_wait3A_425] : memref<1310720xf32, #tpu.memory_space<vmem_shared>> -> memref<1310720xf32, #tpu.memory_space<vmem_shared>>
        tpu.wait_indirect_dma semaphore(%arg18 : memref<!tpu.dma_semaphore, #tpu.memory_space<semaphore_mem>>) src(%dma_wait3A_421 : memref<128xf32, #tpu.memory_space<vmem>>) dst(%dma_wait3A_426 : memref<1310720xf32, #tpu.memory_space<vmem_shared>>)
      }
      %scan3A_152 = arith.constant 5 : i32
    } else {
    }
    %barrier3A_138 = arith.constant 0 : index
    tpu.barrier barrier_id(%barrier3A_138)
    %mul3A_139 = arith.constant 640 : i32
    %mul3A_140 = arith.muli %arg1, %mul3A_139 : i32
    %mul3A_141 = arith.constant 640 : i32
    %mul3A_142 = arith.muli %arg1, %mul3A_141 : i32
    "tpu.region"() ({
      %run_scoped3A_147 = tpu.sem_alloc : memref<!tpu.dma_semaphore, #tpu.memory_space<semaphore_mem>>
      %dma_start3A_148 = arith.constant 0 : i32
      %dma_start3A_149 = tpu.memref_slice %arg7[%arg0, %mul3A_142, %dma_start3A_148] : memref<2x10240x8xf32, #tpu.memory_space<hbm>> -> memref<1x640x8xf32, #tpu.memory_space<hbm>>
      %dma_start3A_150 = tpu.memref_squeeze %dma_start3A_149 : memref<1x640x8xf32, #tpu.memory_space<hbm>> -> memref<640x8xf32, #tpu.memory_space<hbm>>
      %dma_start3A_151 = arith.constant 0 : i32
      %dma_start3A_152 = tpu.memref_slice %arg15[%mul3A_140, %dma_start3A_151] : memref<10240x8xf32, #tpu.memory_space<vmem_shared>> -> memref<640x8xf32, #tpu.memory_space<vmem_shared>>
      tpu.enqueue_dma source(%dma_start3A_152 : memref<640x8xf32, #tpu.memory_space<vmem_shared>>) target(%dma_start3A_150 : memref<640x8xf32, #tpu.memory_space<hbm>>) target_semaphore(%run_scoped3A_147 : memref<!tpu.dma_semaphore, #tpu.memory_space<semaphore_mem>>)
      %dma_wait3A_153 = arith.constant 0 : i32
      %dma_wait3A_154 = tpu.memref_slice %arg7[%arg0, %mul3A_142, %dma_wait3A_153] : memref<2x10240x8xf32, #tpu.memory_space<hbm>> -> memref<1x640x8xf32, #tpu.memory_space<hbm>>
      %dma_wait3A_155 = tpu.memref_squeeze %dma_wait3A_154 : memref<1x640x8xf32, #tpu.memory_space<hbm>> -> memref<640x8xf32, #tpu.memory_space<hbm>>
      %dma_wait3A_156 = arith.constant 0 : i32
      %dma_wait3A_157 = tpu.memref_slice %arg15[%mul3A_140, %dma_wait3A_156] : memref<10240x8xf32, #tpu.memory_space<vmem_shared>> -> memref<640x8xf32, #tpu.memory_space<vmem_shared>>
      tpu.wait_dma2 semaphore(%run_scoped3A_147 : memref<!tpu.dma_semaphore, #tpu.memory_space<semaphore_mem>>) src(%dma_wait3A_157 : memref<640x8xf32, #tpu.memory_space<vmem_shared>>) dst(%dma_wait3A_155 : memref<640x8xf32, #tpu.memory_space<hbm>>)
      tpu.yield
    }) : () -> ()
    %mul3A_143 = arith.constant 81920 : i32
    %mul3A_144 = arith.muli %arg1, %mul3A_143 : i32
    %mul3A_145 = arith.constant 81920 : i32
    %mul3A_146 = arith.muli %arg1, %mul3A_145 : i32
    "tpu.region"() ({
      %run_scoped3A_147 = tpu.sem_alloc : memref<!tpu.dma_semaphore, #tpu.memory_space<semaphore_mem>>
      %dma_start3A_148 = tpu.memref_slice %arg8[%arg0, %mul3A_146] : memref<2x1310720xf32, #tpu.memory_space<hbm>> -> memref<1x81920xf32, #tpu.memory_space<hbm>>
      %dma_start3A_149 = tpu.memref_squeeze %dma_start3A_148 : memref<1x81920xf32, #tpu.memory_space<hbm>> -> memref<81920xf32, #tpu.memory_space<hbm>>
      %dma_start3A_150 = tpu.memref_slice %arg16[%mul3A_144] : memref<1310720xf32, #tpu.memory_space<vmem_shared>> -> memref<81920xf32, #tpu.memory_space<vmem_shared>>
      tpu.enqueue_dma source(%dma_start3A_150 : memref<81920xf32, #tpu.memory_space<vmem_shared>>) target(%dma_start3A_149 : memref<81920xf32, #tpu.memory_space<hbm>>) target_semaphore(%run_scoped3A_147 : memref<!tpu.dma_semaphore, #tpu.memory_space<semaphore_mem>>)
      %dma_wait3A_151 = tpu.memref_slice %arg8[%arg0, %mul3A_146] : memref<2x1310720xf32, #tpu.memory_space<hbm>> -> memref<1x81920xf32, #tpu.memory_space<hbm>>
      %dma_wait3A_152 = tpu.memref_squeeze %dma_wait3A_151 : memref<1x81920xf32, #tpu.memory_space<hbm>> -> memref<81920xf32, #tpu.memory_space<hbm>>
      %dma_wait3A_153 = tpu.memref_slice %arg16[%mul3A_144] : memref<1310720xf32, #tpu.memory_space<vmem_shared>> -> memref<81920xf32, #tpu.memory_space<vmem_shared>>
      tpu.wait_dma2 semaphore(%run_scoped3A_147 : memref<!tpu.dma_semaphore, #tpu.memory_space<semaphore_mem>>) src(%dma_wait3A_153 : memref<81920xf32, #tpu.memory_space<vmem_shared>>) dst(%dma_wait3A_152 : memref<81920xf32, #tpu.memory_space<hbm>>)
      tpu.yield
    }) : () -> ()
    return
  }
}

#map = affine_map<(d0, d1) -> (0)>
module attributes {stable_mosaic.version = 14 : i64} {
  func.func @_hist_body(%arg0: i32, %arg1: i32, %arg2: memref<327680xi32, #tpu.memory_space<hbm>>, %arg3: memref<10240xi32, #tpu.memory_space<hbm>>, %arg4: memref<10240xi32, #tpu.memory_space<hbm>>, %arg5: memref<81920xf32, #tpu.memory_space<hbm>>, %arg6: memref<10240xf32, #tpu.memory_space<hbm>>, %arg7: memref<10240xi32, #tpu.memory_space<hbm>>, %arg8: memref<10240xf32, #tpu.memory_space<hbm>>, %arg9: memref<81920xf32, #tpu.memory_space<hbm>>, %arg10: memref<128xf32, #tpu.memory_space<hbm>>, %arg11: memref<20480xi32, #tpu.memory_space<vmem>>, %arg12: memref<10240xf32, #tpu.memory_space<vmem>>, %arg13: memref<640xi32, #tpu.memory_space<vmem>>, %arg14: memref<256xf32, #tpu.memory_space<vmem>>, %arg15: memref<16x640xf32, #tpu.memory_space<vmem>>, %arg16: memref<16x256xf32, #tpu.memory_space<vmem>>, %arg17: memref<256xf32, #tpu.memory_space<vmem>>, %arg18: memref<640xf32, #tpu.memory_space<vmem>>, %arg19: memref<640xf32, #tpu.memory_space<vmem>>, %arg20: memref<640xi32, #tpu.memory_space<vmem>>, %arg21: memref<640xi32, #tpu.memory_space<vmem>>, %arg22: memref<5120xf32, #tpu.memory_space<vmem>>, %arg23: memref<5120xf32, #tpu.memory_space<vmem>>, %arg24: memref<128xf32, #tpu.memory_space<vmem>>, %arg25: memref<16x10240xf32, #tpu.memory_space<vmem_shared>>, %arg26: memref<16x256xf32, #tpu.memory_space<vmem_shared>>) attributes {dimension_semantics = [#tpu.dimension_semantics<core_parallel>, #tpu.dimension_semantics<subcore_parallel>], iteration_bounds = array<i64: 2, 16>, scalar_prefetch = 0 : i64, scratch_operands = 16 : i64, tpu.core_type = #tpu.core_type<sc_vector_subcore>, window_params = [{transform_indices = #map}, {transform_indices = #map}, {transform_indices = #map}, {transform_indices = #map}, {transform_indices = #map}, {transform_indices = #map}, {transform_indices = #map}, {transform_indices = #map}, {transform_indices = #map}]} {
    %broadcast_in_dim3A = arith.constant 0.000000e+00 : f32
    %broadcast_in_dim3A_0 = vector.broadcast %broadcast_in_dim3A : f32 to vector<16xf32>
    %broadcast_in_dim3A_1 = arith.constant 1.000000e+00 : f32
    %broadcast_in_dim3A_2 = vector.broadcast %broadcast_in_dim3A_1 : f32 to vector<16xf32>
    %iota3A = tpu.iota {dimensions = array<i32: 0>} : vector<16xi32>
    %scan3A = arith.constant 0 : i32
    %scan3A_3 = arith.constant 0 : i32
    %scan3A_4 = arith.constant 640 : i32
    %scan3A_5 = arith.addi %scan3A_3, %scan3A_4 : i32
    %scan3A_6 = arith.constant 1 : i32
    scf.for %scan3A_128 = %scan3A_3 to %scan3A_5 step %scan3A_6  : i32 {
      %mul3A_129 = arith.constant 16 : i32
      %mul3A_130 = arith.muli %scan3A_128, %mul3A_129 : i32
      %swap3A = arith.index_cast %mul3A_130 : i32 to index
      %swap3A_131 = tpu.vector_load %arg12[%swap3A] {strides = array<i32>} : memref<10240xf32, #tpu.memory_space<vmem>>, vector<16xf32>,
      tpu.vector_store %arg12[%swap3A], %broadcast_in_dim3A_0 {strides = array<i32>} : memref<10240xf32, #tpu.memory_space<vmem>>, vector<16xf32>,
    }
    %scan3A_7 = arith.constant 640 : i32
    %scan3A_8 = arith.constant 0 : i32
    %scan3A_9 = arith.constant 0 : i32
    %scan3A_10 = arith.constant 16 : i32
    %scan3A_11 = arith.addi %scan3A_9, %scan3A_10 : i32
    %scan3A_12 = arith.constant 1 : i32
    scf.for %scan3A_128 = %scan3A_9 to %scan3A_11 step %scan3A_12  : i32 {
      %mul3A_129 = arith.constant 16 : i32
      %mul3A_130 = arith.muli %scan3A_128, %mul3A_129 : i32
      %swap3A = arith.index_cast %mul3A_130 : i32 to index
      %swap3A_131 = tpu.vector_load %arg14[%swap3A] {strides = array<i32>} : memref<256xf32, #tpu.memory_space<vmem>>, vector<16xf32>,
      tpu.vector_store %arg14[%swap3A], %broadcast_in_dim3A_0 {strides = array<i32>} : memref<256xf32, #tpu.memory_space<vmem>>, vector<16xf32>,
    }
    %scan3A_13 = arith.constant 16 : i32
    %mul3A = arith.constant 20480 : i32
    %mul3A_14 = arith.muli %arg1, %mul3A : i32
    "tpu.region"() ({
      %run_scoped3A_128 = tpu.sem_alloc : memref<!tpu.dma_semaphore, #tpu.memory_space<semaphore_mem>>
      %dma_start3A = tpu.memref_slice %arg2[%mul3A_14] : memref<327680xi32, #tpu.memory_space<hbm>> -> memref<20480xi32, #tpu.memory_space<hbm>>
      %dma_start3A_129 = tpu.memref_slice %arg2[%mul3A_14] : memref<327680xi32, #tpu.memory_space<hbm>> -> memref<20480xi32, #tpu.memory_space<hbm>>
      tpu.enqueue_dma source(%dma_start3A_129 : memref<20480xi32, #tpu.memory_space<hbm>>) target(%arg11 : memref<20480xi32, #tpu.memory_space<vmem>>) target_semaphore(%run_scoped3A_128 : memref<!tpu.dma_semaphore, #tpu.memory_space<semaphore_mem>>)
      %dma_wait3A = tpu.memref_slice %arg2[%mul3A_14] : memref<327680xi32, #tpu.memory_space<hbm>> -> memref<20480xi32, #tpu.memory_space<hbm>>
      %dma_wait3A_130 = tpu.memref_slice %arg2[%mul3A_14] : memref<327680xi32, #tpu.memory_space<hbm>> -> memref<20480xi32, #tpu.memory_space<hbm>>
      tpu.wait_dma2 semaphore(%run_scoped3A_128 : memref<!tpu.dma_semaphore, #tpu.memory_space<semaphore_mem>>) src(%dma_wait3A_130 : memref<20480xi32, #tpu.memory_space<hbm>>) dst(%arg11 : memref<20480xi32, #tpu.memory_space<vmem>>)
      tpu.yield
    }) : () -> ()
    %scan3A_15 = arith.constant 0 : i32
    %scan3A_16 = arith.constant 0 : i32
    %scan3A_17 = arith.constant 1280 : i32
    %scan3A_18 = arith.addi %scan3A_16, %scan3A_17 : i32
    %scan3A_19 = arith.constant 1 : i32
    scf.for %scan3A_128 = %scan3A_16 to %scan3A_18 step %scan3A_19  : i32 {
      %mul3A_129 = arith.constant 16 : i32
      %mul3A_130 = arith.muli %scan3A_128, %mul3A_129 : i32
      %get3A = arith.index_cast %mul3A_130 : i32 to index
      %get3A_131 = tpu.vector_load %arg11[%get3A] {strides = array<i32>} : memref<20480xi32, #tpu.memory_space<vmem>>, vector<16xi32>,
      tpu.vector_store_idx %arg12[%get3A_131], %broadcast_in_dim3A_2 {add = true} : memref<10240xf32, #tpu.memory_space<vmem>>[vector<16xi32>], vector<16xf32>,
    }
    %scan3A_20 = arith.constant 1280 : i32
    %mul3A_21 = arith.constant 640 : i32
    %mul3A_22 = arith.muli %arg1, %mul3A_21 : i32
    "tpu.region"() ({
      %run_scoped3A_128 = tpu.sem_alloc : memref<!tpu.dma_semaphore, #tpu.memory_space<semaphore_mem>>
      %dma_start3A = tpu.memref_slice %arg3[%mul3A_22] : memref<10240xi32, #tpu.memory_space<hbm>> -> memref<640xi32, #tpu.memory_space<hbm>>
      %dma_start3A_129 = tpu.memref_slice %arg3[%mul3A_22] : memref<10240xi32, #tpu.memory_space<hbm>> -> memref<640xi32, #tpu.memory_space<hbm>>
      tpu.enqueue_dma source(%dma_start3A_129 : memref<640xi32, #tpu.memory_space<hbm>>) target(%arg13 : memref<640xi32, #tpu.memory_space<vmem>>) target_semaphore(%run_scoped3A_128 : memref<!tpu.dma_semaphore, #tpu.memory_space<semaphore_mem>>)
      %dma_wait3A = tpu.memref_slice %arg3[%mul3A_22] : memref<10240xi32, #tpu.memory_space<hbm>> -> memref<640xi32, #tpu.memory_space<hbm>>
      %dma_wait3A_130 = tpu.memref_slice %arg3[%mul3A_22] : memref<10240xi32, #tpu.memory_space<hbm>> -> memref<640xi32, #tpu.memory_space<hbm>>
      tpu.wait_dma2 semaphore(%run_scoped3A_128 : memref<!tpu.dma_semaphore, #tpu.memory_space<semaphore_mem>>) src(%dma_wait3A_130 : memref<640xi32, #tpu.memory_space<hbm>>) dst(%arg13 : memref<640xi32, #tpu.memory_space<vmem>>)
      tpu.yield
    }) : () -> ()
    %scan3A_23 = arith.constant 0 : i32
    %scan3A_24 = arith.constant 0 : i32
    %scan3A_25 = arith.constant 40 : i32
    %scan3A_26 = arith.addi %scan3A_24, %scan3A_25 : i32
    %scan3A_27 = arith.constant 1 : i32
    scf.for %scan3A_128 = %scan3A_24 to %scan3A_26 step %scan3A_27  : i32 {
      %mul3A_129 = arith.constant 16 : i32
      %mul3A_130 = arith.muli %scan3A_128, %mul3A_129 : i32
      %get3A = arith.index_cast %mul3A_130 : i32 to index
      %get3A_131 = tpu.vector_load %arg13[%get3A] {strides = array<i32>} : memref<640xi32, #tpu.memory_space<vmem>>, vector<16xi32>,
      tpu.vector_store_idx %arg14[%get3A_131], %broadcast_in_dim3A_2 {add = true} : memref<256xf32, #tpu.memory_space<vmem>>[vector<16xi32>], vector<16xf32>,
    }
    %scan3A_28 = arith.constant 40 : i32
    "tpu.region"() ({
      %run_scoped3A_128 = tpu.sem_alloc : memref<!tpu.dma_semaphore, #tpu.memory_space<semaphore_mem>>
      %dma_start3A = arith.constant 0 : i32
      %dma_start3A_129 = tpu.memref_slice %arg25[%arg1, %dma_start3A] : memref<16x10240xf32, #tpu.memory_space<vmem_shared>> -> memref<1x10240xf32, #tpu.memory_space<vmem_shared>>
      %dma_start3A_130 = tpu.memref_squeeze %dma_start3A_129 : memref<1x10240xf32, #tpu.memory_space<vmem_shared>> -> memref<10240xf32, #tpu.memory_space<vmem_shared>>
      %dma_start3A_131 = arith.constant 0 : i32
      %dma_start3A_132 = tpu.memref_slice %arg25[%arg1, %dma_start3A_131] : memref<16x10240xf32, #tpu.memory_space<vmem_shared>> -> memref<1x10240xf32, #tpu.memory_space<vmem_shared>>
      %dma_start3A_133 = tpu.memref_squeeze %dma_start3A_132 : memref<1x10240xf32, #tpu.memory_space<vmem_shared>> -> memref<10240xf32, #tpu.memory_space<vmem_shared>>
      tpu.enqueue_dma source(%arg12 : memref<10240xf32, #tpu.memory_space<vmem>>) target(%dma_start3A_133 : memref<10240xf32, #tpu.memory_space<vmem_shared>>) target_semaphore(%run_scoped3A_128 : memref<!tpu.dma_semaphore, #tpu.memory_space<semaphore_mem>>)
      %dma_wait3A = arith.constant 0 : i32
      %dma_wait3A_134 = tpu.memref_slice %arg25[%arg1, %dma_wait3A] : memref<16x10240xf32, #tpu.memory_space<vmem_shared>> -> memref<1x10240xf32, #tpu.memory_space<vmem_shared>>
      %dma_wait3A_135 = tpu.memref_squeeze %dma_wait3A_134 : memref<1x10240xf32, #tpu.memory_space<vmem_shared>> -> memref<10240xf32, #tpu.memory_space<vmem_shared>>
      %dma_wait3A_136 = arith.constant 0 : i32
      %dma_wait3A_137 = tpu.memref_slice %arg25[%arg1, %dma_wait3A_136] : memref<16x10240xf32, #tpu.memory_space<vmem_shared>> -> memref<1x10240xf32, #tpu.memory_space<vmem_shared>>
      %dma_wait3A_138 = tpu.memref_squeeze %dma_wait3A_137 : memref<1x10240xf32, #tpu.memory_space<vmem_shared>> -> memref<10240xf32, #tpu.memory_space<vmem_shared>>
      tpu.wait_dma2 semaphore(%run_scoped3A_128 : memref<!tpu.dma_semaphore, #tpu.memory_space<semaphore_mem>>) src(%arg12 : memref<10240xf32, #tpu.memory_space<vmem>>) dst(%dma_wait3A_138 : memref<10240xf32, #tpu.memory_space<vmem_shared>>)
      tpu.yield
    }) : () -> ()
    "tpu.region"() ({
      %run_scoped3A_128 = tpu.sem_alloc : memref<!tpu.dma_semaphore, #tpu.memory_space<semaphore_mem>>
      %dma_start3A = arith.constant 0 : i32
      %dma_start3A_129 = tpu.memref_slice %arg26[%arg1, %dma_start3A] : memref<16x256xf32, #tpu.memory_space<vmem_shared>> -> memref<1x256xf32, #tpu.memory_space<vmem_shared>>
      %dma_start3A_130 = tpu.memref_squeeze %dma_start3A_129 : memref<1x256xf32, #tpu.memory_space<vmem_shared>> -> memref<256xf32, #tpu.memory_space<vmem_shared>>
      %dma_start3A_131 = arith.constant 0 : i32
      %dma_start3A_132 = tpu.memref_slice %arg26[%arg1, %dma_start3A_131] : memref<16x256xf32, #tpu.memory_space<vmem_shared>> -> memref<1x256xf32, #tpu.memory_space<vmem_shared>>
      %dma_start3A_133 = tpu.memref_squeeze %dma_start3A_132 : memref<1x256xf32, #tpu.memory_space<vmem_shared>> -> memref<256xf32, #tpu.memory_space<vmem_shared>>
      tpu.enqueue_dma source(%arg14 : memref<256xf32, #tpu.memory_space<vmem>>) target(%dma_start3A_133 : memref<256xf32, #tpu.memory_space<vmem_shared>>) target_semaphore(%run_scoped3A_128 : memref<!tpu.dma_semaphore, #tpu.memory_space<semaphore_mem>>)
      %dma_wait3A = arith.constant 0 : i32
      %dma_wait3A_134 = tpu.memref_slice %arg26[%arg1, %dma_wait3A] : memref<16x256xf32, #tpu.memory_space<vmem_shared>> -> memref<1x256xf32, #tpu.memory_space<vmem_shared>>
      %dma_wait3A_135 = tpu.memref_squeeze %dma_wait3A_134 : memref<1x256xf32, #tpu.memory_space<vmem_shared>> -> memref<256xf32, #tpu.memory_space<vmem_shared>>
      %dma_wait3A_136 = arith.constant 0 : i32
      %dma_wait3A_137 = tpu.memref_slice %arg26[%arg1, %dma_wait3A_136] : memref<16x256xf32, #tpu.memory_space<vmem_shared>> -> memref<1x256xf32, #tpu.memory_space<vmem_shared>>
      %dma_wait3A_138 = tpu.memref_squeeze %dma_wait3A_137 : memref<1x256xf32, #tpu.memory_space<vmem_shared>> -> memref<256xf32, #tpu.memory_space<vmem_shared>>
      tpu.wait_dma2 semaphore(%run_scoped3A_128 : memref<!tpu.dma_semaphore, #tpu.memory_space<semaphore_mem>>) src(%arg14 : memref<256xf32, #tpu.memory_space<vmem>>) dst(%dma_wait3A_138 : memref<256xf32, #tpu.memory_space<vmem_shared>>)
      tpu.yield
    }) : () -> ()
    %barrier3A = arith.constant 0 : index
    tpu.barrier barrier_id(%barrier3A)
    %mul3A_29 = arith.constant 640 : i32
    %mul3A_30 = arith.muli %arg1, %mul3A_29 : i32
    %run_scoped3A = arith.constant 0 : i32
    %run_scoped3A_31 = arith.constant 0 : i32
    "tpu.region"() ({
      %run_scoped3A_128 = tpu.sem_alloc : memref<!tpu.dma_semaphore, #tpu.memory_space<semaphore_mem>>
      %dma_start3A = arith.constant 0 : i32
      %dma_start3A_129 = tpu.memref_slice %arg15[%run_scoped3A_31, %dma_start3A] : memref<16x640xf32, #tpu.memory_space<vmem>> -> memref<1x640xf32, #tpu.memory_space<vmem>>
      %dma_start3A_130 = tpu.memref_squeeze %dma_start3A_129 : memref<1x640xf32, #tpu.memory_space<vmem>> -> memref<640xf32, #tpu.memory_space<vmem>>
      %dma_start3A_131 = tpu.memref_slice %arg25[%run_scoped3A, %mul3A_30] : memref<16x10240xf32, #tpu.memory_space<vmem_shared>> -> memref<1x640xf32, #tpu.memory_space<vmem_shared>>
      %dma_start3A_132 = tpu.memref_squeeze %dma_start3A_131 : memref<1x640xf32, #tpu.memory_space<vmem_shared>> -> memref<640xf32, #tpu.memory_space<vmem_shared>>
      %dma_start3A_133 = arith.constant 0 : i32
      %dma_start3A_134 = tpu.memref_slice %arg15[%run_scoped3A_31, %dma_start3A_133] : memref<16x640xf32, #tpu.memory_space<vmem>> -> memref<1x640xf32, #tpu.memory_space<vmem>>
      %dma_start3A_135 = tpu.memref_squeeze %dma_start3A_134 : memref<1x640xf32, #tpu.memory_space<vmem>> -> memref<640xf32, #tpu.memory_space<vmem>>
      %dma_start3A_136 = tpu.memref_slice %arg25[%run_scoped3A, %mul3A_30] : memref<16x10240xf32, #tpu.memory_space<vmem_shared>> -> memref<1x640xf32, #tpu.memory_space<vmem_shared>>
      %dma_start3A_137 = tpu.memref_squeeze %dma_start3A_136 : memref<1x640xf32, #tpu.memory_space<vmem_shared>> -> memref<640xf32, #tpu.memory_space<vmem_shared>>
      tpu.enqueue_dma source(%dma_start3A_137 : memref<640xf32, #tpu.memory_space<vmem_shared>>) target(%dma_start3A_135 : memref<640xf32, #tpu.memory_space<vmem>>) target_semaphore(%run_scoped3A_128 : memref<!tpu.dma_semaphore, #tpu.memory_space<semaphore_mem>>)
      %dma_wait3A = arith.constant 0 : i32
      %dma_wait3A_138 = tpu.memref_slice %arg15[%run_scoped3A_31, %dma_wait3A] : memref<16x640xf32, #tpu.memory_space<vmem>> -> memref<1x640xf32, #tpu.memory_space<vmem>>
      %dma_wait3A_139 = tpu.memref_squeeze %dma_wait3A_138 : memref<1x640xf32, #tpu.memory_space<vmem>> -> memref<640xf32, #tpu.memory_space<vmem>>
      %dma_wait3A_140 = tpu.memref_slice %arg25[%run_scoped3A, %mul3A_30] : memref<16x10240xf32, #tpu.memory_space<vmem_shared>> -> memref<1x640xf32, #tpu.memory_space<vmem_shared>>
      %dma_wait3A_141 = tpu.memref_squeeze %dma_wait3A_140 : memref<1x640xf32, #tpu.memory_space<vmem_shared>> -> memref<640xf32, #tpu.memory_space<vmem_shared>>
      %dma_wait3A_142 = arith.constant 0 : i32
      %dma_wait3A_143 = tpu.memref_slice %arg15[%run_scoped3A_31, %dma_wait3A_142] : memref<16x640xf32, #tpu.memory_space<vmem>> -> memref<1x640xf32, #tpu.memory_space<vmem>>
      %dma_wait3A_144 = tpu.memref_squeeze %dma_wait3A_143 : memref<1x640xf32, #tpu.memory_space<vmem>> -> memref<640xf32, #tpu.memory_space<vmem>>
      %dma_wait3A_145 = tpu.memref_slice %arg25[%run_scoped3A, %mul3A_30] : memref<16x10240xf32, #tpu.memory_space<vmem_shared>> -> memref<1x640xf32, #tpu.memory_space<vmem_shared>>
      %dma_wait3A_146 = tpu.memref_squeeze %dma_wait3A_145 : memref<1x640xf32, #tpu.memory_space<vmem_shared>> -> memref<640xf32, #tpu.memory_space<vmem_shared>>
      tpu.wait_dma2 semaphore(%run_scoped3A_128 : memref<!tpu.dma_semaphore, #tpu.memory_space<semaphore_mem>>) src(%dma_wait3A_146 : memref<640xf32, #tpu.memory_space<vmem_shared>>) dst(%dma_wait3A_144 : memref<640xf32, #tpu.memory_space<vmem>>)
      tpu.yield
    }) : () -> ()
    %mul3A_32 = arith.constant 640 : i32
    %mul3A_33 = arith.muli %arg1, %mul3A_32 : i32
    %run_scoped3A_34 = arith.constant 1 : i32
    %run_scoped3A_35 = arith.constant 1 : i32
    "tpu.region"() ({
      %run_scoped3A_128 = tpu.sem_alloc : memref<!tpu.dma_semaphore, #tpu.memory_space<semaphore_mem>>
      %dma_start3A = arith.constant 0 : i32
      %dma_start3A_129 = tpu.memref_slice %arg15[%run_scoped3A_35, %dma_start3A] : memref<16x640xf32, #tpu.memory_space<vmem>> -> memref<1x640xf32, #tpu.memory_space<vmem>>
      %dma_start3A_130 = tpu.memref_squeeze %dma_start3A_129 : memref<1x640xf32, #tpu.memory_space<vmem>> -> memref<640xf32, #tpu.memory_space<vmem>>
      %dma_start3A_131 = tpu.memref_slice %arg25[%run_scoped3A_34, %mul3A_33] : memref<16x10240xf32, #tpu.memory_space<vmem_shared>> -> memref<1x640xf32, #tpu.memory_space<vmem_shared>>
      %dma_start3A_132 = tpu.memref_squeeze %dma_start3A_131 : memref<1x640xf32, #tpu.memory_space<vmem_shared>> -> memref<640xf32, #tpu.memory_space<vmem_shared>>
      %dma_start3A_133 = arith.constant 0 : i32
      %dma_start3A_134 = tpu.memref_slice %arg15[%run_scoped3A_35, %dma_start3A_133] : memref<16x640xf32, #tpu.memory_space<vmem>> -> memref<1x640xf32, #tpu.memory_space<vmem>>
      %dma_start3A_135 = tpu.memref_squeeze %dma_start3A_134 : memref<1x640xf32, #tpu.memory_space<vmem>> -> memref<640xf32, #tpu.memory_space<vmem>>
      %dma_start3A_136 = tpu.memref_slice %arg25[%run_scoped3A_34, %mul3A_33] : memref<16x10240xf32, #tpu.memory_space<vmem_shared>> -> memref<1x640xf32, #tpu.memory_space<vmem_shared>>
      %dma_start3A_137 = tpu.memref_squeeze %dma_start3A_136 : memref<1x640xf32, #tpu.memory_space<vmem_shared>> -> memref<640xf32, #tpu.memory_space<vmem_shared>>
      tpu.enqueue_dma source(%dma_start3A_137 : memref<640xf32, #tpu.memory_space<vmem_shared>>) target(%dma_start3A_135 : memref<640xf32, #tpu.memory_space<vmem>>) target_semaphore(%run_scoped3A_128 : memref<!tpu.dma_semaphore, #tpu.memory_space<semaphore_mem>>)
      %dma_wait3A = arith.constant 0 : i32
      %dma_wait3A_138 = tpu.memref_slice %arg15[%run_scoped3A_35, %dma_wait3A] : memref<16x640xf32, #tpu.memory_space<vmem>> -> memref<1x640xf32, #tpu.memory_space<vmem>>
      %dma_wait3A_139 = tpu.memref_squeeze %dma_wait3A_138 : memref<1x640xf32, #tpu.memory_space<vmem>> -> memref<640xf32, #tpu.memory_space<vmem>>
      %dma_wait3A_140 = tpu.memref_slice %arg25[%run_scoped3A_34, %mul3A_33] : memref<16x10240xf32, #tpu.memory_space<vmem_shared>> -> memref<1x640xf32, #tpu.memory_space<vmem_shared>>
      %dma_wait3A_141 = tpu.memref_squeeze %dma_wait3A_140 : memref<1x640xf32, #tpu.memory_space<vmem_shared>> -> memref<640xf32, #tpu.memory_space<vmem_shared>>
      %dma_wait3A_142 = arith.constant 0 : i32
      %dma_wait3A_143 = tpu.memref_slice %arg15[%run_scoped3A_35, %dma_wait3A_142] : memref<16x640xf32, #tpu.memory_space<vmem>> -> memref<1x640xf32, #tpu.memory_space<vmem>>
      %dma_wait3A_144 = tpu.memref_squeeze %dma_wait3A_143 : memref<1x640xf32, #tpu.memory_space<vmem>> -> memref<640xf32, #tpu.memory_space<vmem>>
      %dma_wait3A_145 = tpu.memref_slice %arg25[%run_scoped3A_34, %mul3A_33] : memref<16x10240xf32, #tpu.memory_space<vmem_shared>> -> memref<1x640xf32, #tpu.memory_space<vmem_shared>>
      %dma_wait3A_146 = tpu.memref_squeeze %dma_wait3A_145 : memref<1x640xf32, #tpu.memory_space<vmem_shared>> -> memref<640xf32, #tpu.memory_space<vmem_shared>>
      tpu.wait_dma2 semaphore(%run_scoped3A_128 : memref<!tpu.dma_semaphore, #tpu.memory_space<semaphore_mem>>) src(%dma_wait3A_146 : memref<640xf32, #tpu.memory_space<vmem_shared>>) dst(%dma_wait3A_144 : memref<640xf32, #tpu.memory_space<vmem>>)
      tpu.yield
    }) : () -> ()
    %mul3A_36 = arith.constant 640 : i32
    %mul3A_37 = arith.muli %arg1, %mul3A_36 : i32
    %run_scoped3A_38 = arith.constant 2 : i32
    %run_scoped3A_39 = arith.constant 2 : i32
    "tpu.region"() ({
      %run_scoped3A_128 = tpu.sem_alloc : memref<!tpu.dma_semaphore, #tpu.memory_space<semaphore_mem>>
      %dma_start3A = arith.constant 0 : i32
      %dma_start3A_129 = tpu.memref_slice %arg15[%run_scoped3A_39, %dma_start3A] : memref<16x640xf32, #tpu.memory_space<vmem>> -> memref<1x640xf32, #tpu.memory_space<vmem>>
      %dma_start3A_130 = tpu.memref_squeeze %dma_start3A_129 : memref<1x640xf32, #tpu.memory_space<vmem>> -> memref<640xf32, #tpu.memory_space<vmem>>
      %dma_start3A_131 = tpu.memref_slice %arg25[%run_scoped3A_38, %mul3A_37] : memref<16x10240xf32, #tpu.memory_space<vmem_shared>> -> memref<1x640xf32, #tpu.memory_space<vmem_shared>>
      %dma_start3A_132 = tpu.memref_squeeze %dma_start3A_131 : memref<1x640xf32, #tpu.memory_space<vmem_shared>> -> memref<640xf32, #tpu.memory_space<vmem_shared>>
      %dma_start3A_133 = arith.constant 0 : i32
      %dma_start3A_134 = tpu.memref_slice %arg15[%run_scoped3A_39, %dma_start3A_133] : memref<16x640xf32, #tpu.memory_space<vmem>> -> memref<1x640xf32, #tpu.memory_space<vmem>>
      %dma_start3A_135 = tpu.memref_squeeze %dma_start3A_134 : memref<1x640xf32, #tpu.memory_space<vmem>> -> memref<640xf32, #tpu.memory_space<vmem>>
      %dma_start3A_136 = tpu.memref_slice %arg25[%run_scoped3A_38, %mul3A_37] : memref<16x10240xf32, #tpu.memory_space<vmem_shared>> -> memref<1x640xf32, #tpu.memory_space<vmem_shared>>
      %dma_start3A_137 = tpu.memref_squeeze %dma_start3A_136 : memref<1x640xf32, #tpu.memory_space<vmem_shared>> -> memref<640xf32, #tpu.memory_space<vmem_shared>>
      tpu.enqueue_dma source(%dma_start3A_137 : memref<640xf32, #tpu.memory_space<vmem_shared>>) target(%dma_start3A_135 : memref<640xf32, #tpu.memory_space<vmem>>) target_semaphore(%run_scoped3A_128 : memref<!tpu.dma_semaphore, #tpu.memory_space<semaphore_mem>>)
      %dma_wait3A = arith.constant 0 : i32
      %dma_wait3A_138 = tpu.memref_slice %arg15[%run_scoped3A_39, %dma_wait3A] : memref<16x640xf32, #tpu.memory_space<vmem>> -> memref<1x640xf32, #tpu.memory_space<vmem>>
      %dma_wait3A_139 = tpu.memref_squeeze %dma_wait3A_138 : memref<1x640xf32, #tpu.memory_space<vmem>> -> memref<640xf32, #tpu.memory_space<vmem>>
      %dma_wait3A_140 = tpu.memref_slice %arg25[%run_scoped3A_38, %mul3A_37] : memref<16x10240xf32, #tpu.memory_space<vmem_shared>> -> memref<1x640xf32, #tpu.memory_space<vmem_shared>>
      %dma_wait3A_141 = tpu.memref_squeeze %dma_wait3A_140 : memref<1x640xf32, #tpu.memory_space<vmem_shared>> -> memref<640xf32, #tpu.memory_space<vmem_shared>>
      %dma_wait3A_142 = arith.constant 0 : i32
      %dma_wait3A_143 = tpu.memref_slice %arg15[%run_scoped3A_39, %dma_wait3A_142] : memref<16x640xf32, #tpu.memory_space<vmem>> -> memref<1x640xf32, #tpu.memory_space<vmem>>
      %dma_wait3A_144 = tpu.memref_squeeze %dma_wait3A_143 : memref<1x640xf32, #tpu.memory_space<vmem>> -> memref<640xf32, #tpu.memory_space<vmem>>
      %dma_wait3A_145 = tpu.memref_slice %arg25[%run_scoped3A_38, %mul3A_37] : memref<16x10240xf32, #tpu.memory_space<vmem_shared>> -> memref<1x640xf32, #tpu.memory_space<vmem_shared>>
      %dma_wait3A_146 = tpu.memref_squeeze %dma_wait3A_145 : memref<1x640xf32, #tpu.memory_space<vmem_shared>> -> memref<640xf32, #tpu.memory_space<vmem_shared>>
      tpu.wait_dma2 semaphore(%run_scoped3A_128 : memref<!tpu.dma_semaphore, #tpu.memory_space<semaphore_mem>>) src(%dma_wait3A_146 : memref<640xf32, #tpu.memory_space<vmem_shared>>) dst(%dma_wait3A_144 : memref<640xf32, #tpu.memory_space<vmem>>)
      tpu.yield
    }) : () -> ()
    %mul3A_40 = arith.constant 640 : i32
    %mul3A_41 = arith.muli %arg1, %mul3A_40 : i32
    %run_scoped3A_42 = arith.constant 3 : i32
    %run_scoped3A_43 = arith.constant 3 : i32
    "tpu.region"() ({
      %run_scoped3A_128 = tpu.sem_alloc : memref<!tpu.dma_semaphore, #tpu.memory_space<semaphore_mem>>
      %dma_start3A = arith.constant 0 : i32
      %dma_start3A_129 = tpu.memref_slice %arg15[%run_scoped3A_43, %dma_start3A] : memref<16x640xf32, #tpu.memory_space<vmem>> -> memref<1x640xf32, #tpu.memory_space<vmem>>
      %dma_start3A_130 = tpu.memref_squeeze %dma_start3A_129 : memref<1x640xf32, #tpu.memory_space<vmem>> -> memref<640xf32, #tpu.memory_space<vmem>>
      %dma_start3A_131 = tpu.memref_slice %arg25[%run_scoped3A_42, %mul3A_41] : memref<16x10240xf32, #tpu.memory_space<vmem_shared>> -> memref<1x640xf32, #tpu.memory_space<vmem_shared>>
      %dma_start3A_132 = tpu.memref_squeeze %dma_start3A_131 : memref<1x640xf32, #tpu.memory_space<vmem_shared>> -> memref<640xf32, #tpu.memory_space<vmem_shared>>
      %dma_start3A_133 = arith.constant 0 : i32
      %dma_start3A_134 = tpu.memref_slice %arg15[%run_scoped3A_43, %dma_start3A_133] : memref<16x640xf32, #tpu.memory_space<vmem>> -> memref<1x640xf32, #tpu.memory_space<vmem>>
      %dma_start3A_135 = tpu.memref_squeeze %dma_start3A_134 : memref<1x640xf32, #tpu.memory_space<vmem>> -> memref<640xf32, #tpu.memory_space<vmem>>
      %dma_start3A_136 = tpu.memref_slice %arg25[%run_scoped3A_42, %mul3A_41] : memref<16x10240xf32, #tpu.memory_space<vmem_shared>> -> memref<1x640xf32, #tpu.memory_space<vmem_shared>>
      %dma_start3A_137 = tpu.memref_squeeze %dma_start3A_136 : memref<1x640xf32, #tpu.memory_space<vmem_shared>> -> memref<640xf32, #tpu.memory_space<vmem_shared>>
      tpu.enqueue_dma source(%dma_start3A_137 : memref<640xf32, #tpu.memory_space<vmem_shared>>) target(%dma_start3A_135 : memref<640xf32, #tpu.memory_space<vmem>>) target_semaphore(%run_scoped3A_128 : memref<!tpu.dma_semaphore, #tpu.memory_space<semaphore_mem>>)
      %dma_wait3A = arith.constant 0 : i32
      %dma_wait3A_138 = tpu.memref_slice %arg15[%run_scoped3A_43, %dma_wait3A] : memref<16x640xf32, #tpu.memory_space<vmem>> -> memref<1x640xf32, #tpu.memory_space<vmem>>
      %dma_wait3A_139 = tpu.memref_squeeze %dma_wait3A_138 : memref<1x640xf32, #tpu.memory_space<vmem>> -> memref<640xf32, #tpu.memory_space<vmem>>
      %dma_wait3A_140 = tpu.memref_slice %arg25[%run_scoped3A_42, %mul3A_41] : memref<16x10240xf32, #tpu.memory_space<vmem_shared>> -> memref<1x640xf32, #tpu.memory_space<vmem_shared>>
      %dma_wait3A_141 = tpu.memref_squeeze %dma_wait3A_140 : memref<1x640xf32, #tpu.memory_space<vmem_shared>> -> memref<640xf32, #tpu.memory_space<vmem_shared>>
      %dma_wait3A_142 = arith.constant 0 : i32
      %dma_wait3A_143 = tpu.memref_slice %arg15[%run_scoped3A_43, %dma_wait3A_142] : memref<16x640xf32, #tpu.memory_space<vmem>> -> memref<1x640xf32, #tpu.memory_space<vmem>>
      %dma_wait3A_144 = tpu.memref_squeeze %dma_wait3A_143 : memref<1x640xf32, #tpu.memory_space<vmem>> -> memref<640xf32, #tpu.memory_space<vmem>>
      %dma_wait3A_145 = tpu.memref_slice %arg25[%run_scoped3A_42, %mul3A_41] : memref<16x10240xf32, #tpu.memory_space<vmem_shared>> -> memref<1x640xf32, #tpu.memory_space<vmem_shared>>
      %dma_wait3A_146 = tpu.memref_squeeze %dma_wait3A_145 : memref<1x640xf32, #tpu.memory_space<vmem_shared>> -> memref<640xf32, #tpu.memory_space<vmem_shared>>
      tpu.wait_dma2 semaphore(%run_scoped3A_128 : memref<!tpu.dma_semaphore, #tpu.memory_space<semaphore_mem>>) src(%dma_wait3A_146 : memref<640xf32, #tpu.memory_space<vmem_shared>>) dst(%dma_wait3A_144 : memref<640xf32, #tpu.memory_space<vmem>>)
      tpu.yield
    }) : () -> ()
    %mul3A_44 = arith.constant 640 : i32
    %mul3A_45 = arith.muli %arg1, %mul3A_44 : i32
    %run_scoped3A_46 = arith.constant 4 : i32
    %run_scoped3A_47 = arith.constant 4 : i32
    "tpu.region"() ({
      %run_scoped3A_128 = tpu.sem_alloc : memref<!tpu.dma_semaphore, #tpu.memory_space<semaphore_mem>>
      %dma_start3A = arith.constant 0 : i32
      %dma_start3A_129 = tpu.memref_slice %arg15[%run_scoped3A_47, %dma_start3A] : memref<16x640xf32, #tpu.memory_space<vmem>> -> memref<1x640xf32, #tpu.memory_space<vmem>>
      %dma_start3A_130 = tpu.memref_squeeze %dma_start3A_129 : memref<1x640xf32, #tpu.memory_space<vmem>> -> memref<640xf32, #tpu.memory_space<vmem>>
      %dma_start3A_131 = tpu.memref_slice %arg25[%run_scoped3A_46, %mul3A_45] : memref<16x10240xf32, #tpu.memory_space<vmem_shared>> -> memref<1x640xf32, #tpu.memory_space<vmem_shared>>
      %dma_start3A_132 = tpu.memref_squeeze %dma_start3A_131 : memref<1x640xf32, #tpu.memory_space<vmem_shared>> -> memref<640xf32, #tpu.memory_space<vmem_shared>>
      %dma_start3A_133 = arith.constant 0 : i32
      %dma_start3A_134 = tpu.memref_slice %arg15[%run_scoped3A_47, %dma_start3A_133] : memref<16x640xf32, #tpu.memory_space<vmem>> -> memref<1x640xf32, #tpu.memory_space<vmem>>
      %dma_start3A_135 = tpu.memref_squeeze %dma_start3A_134 : memref<1x640xf32, #tpu.memory_space<vmem>> -> memref<640xf32, #tpu.memory_space<vmem>>
      %dma_start3A_136 = tpu.memref_slice %arg25[%run_scoped3A_46, %mul3A_45] : memref<16x10240xf32, #tpu.memory_space<vmem_shared>> -> memref<1x640xf32, #tpu.memory_space<vmem_shared>>
      %dma_start3A_137 = tpu.memref_squeeze %dma_start3A_136 : memref<1x640xf32, #tpu.memory_space<vmem_shared>> -> memref<640xf32, #tpu.memory_space<vmem_shared>>
      tpu.enqueue_dma source(%dma_start3A_137 : memref<640xf32, #tpu.memory_space<vmem_shared>>) target(%dma_start3A_135 : memref<640xf32, #tpu.memory_space<vmem>>) target_semaphore(%run_scoped3A_128 : memref<!tpu.dma_semaphore, #tpu.memory_space<semaphore_mem>>)
      %dma_wait3A = arith.constant 0 : i32
      %dma_wait3A_138 = tpu.memref_slice %arg15[%run_scoped3A_47, %dma_wait3A] : memref<16x640xf32, #tpu.memory_space<vmem>> -> memref<1x640xf32, #tpu.memory_space<vmem>>
      %dma_wait3A_139 = tpu.memref_squeeze %dma_wait3A_138 : memref<1x640xf32, #tpu.memory_space<vmem>> -> memref<640xf32, #tpu.memory_space<vmem>>
      %dma_wait3A_140 = tpu.memref_slice %arg25[%run_scoped3A_46, %mul3A_45] : memref<16x10240xf32, #tpu.memory_space<vmem_shared>> -> memref<1x640xf32, #tpu.memory_space<vmem_shared>>
      %dma_wait3A_141 = tpu.memref_squeeze %dma_wait3A_140 : memref<1x640xf32, #tpu.memory_space<vmem_shared>> -> memref<640xf32, #tpu.memory_space<vmem_shared>>
      %dma_wait3A_142 = arith.constant 0 : i32
      %dma_wait3A_143 = tpu.memref_slice %arg15[%run_scoped3A_47, %dma_wait3A_142] : memref<16x640xf32, #tpu.memory_space<vmem>> -> memref<1x640xf32, #tpu.memory_space<vmem>>
      %dma_wait3A_144 = tpu.memref_squeeze %dma_wait3A_143 : memref<1x640xf32, #tpu.memory_space<vmem>> -> memref<640xf32, #tpu.memory_space<vmem>>
      %dma_wait3A_145 = tpu.memref_slice %arg25[%run_scoped3A_46, %mul3A_45] : memref<16x10240xf32, #tpu.memory_space<vmem_shared>> -> memref<1x640xf32, #tpu.memory_space<vmem_shared>>
      %dma_wait3A_146 = tpu.memref_squeeze %dma_wait3A_145 : memref<1x640xf32, #tpu.memory_space<vmem_shared>> -> memref<640xf32, #tpu.memory_space<vmem_shared>>
      tpu.wait_dma2 semaphore(%run_scoped3A_128 : memref<!tpu.dma_semaphore, #tpu.memory_space<semaphore_mem>>) src(%dma_wait3A_146 : memref<640xf32, #tpu.memory_space<vmem_shared>>) dst(%dma_wait3A_144 : memref<640xf32, #tpu.memory_space<vmem>>)
      tpu.yield
    }) : () -> ()
    %mul3A_48 = arith.constant 640 : i32
    %mul3A_49 = arith.muli %arg1, %mul3A_48 : i32
    %run_scoped3A_50 = arith.constant 5 : i32
    %run_scoped3A_51 = arith.constant 5 : i32
    "tpu.region"() ({
      %run_scoped3A_128 = tpu.sem_alloc : memref<!tpu.dma_semaphore, #tpu.memory_space<semaphore_mem>>
      %dma_start3A = arith.constant 0 : i32
      %dma_start3A_129 = tpu.memref_slice %arg15[%run_scoped3A_51, %dma_start3A] : memref<16x640xf32, #tpu.memory_space<vmem>> -> memref<1x640xf32, #tpu.memory_space<vmem>>
      %dma_start3A_130 = tpu.memref_squeeze %dma_start3A_129 : memref<1x640xf32, #tpu.memory_space<vmem>> -> memref<640xf32, #tpu.memory_space<vmem>>
      %dma_start3A_131 = tpu.memref_slice %arg25[%run_scoped3A_50, %mul3A_49] : memref<16x10240xf32, #tpu.memory_space<vmem_shared>> -> memref<1x640xf32, #tpu.memory_space<vmem_shared>>
      %dma_start3A_132 = tpu.memref_squeeze %dma_start3A_131 : memref<1x640xf32, #tpu.memory_space<vmem_shared>> -> memref<640xf32, #tpu.memory_space<vmem_shared>>
      %dma_start3A_133 = arith.constant 0 : i32
      %dma_start3A_134 = tpu.memref_slice %arg15[%run_scoped3A_51, %dma_start3A_133] : memref<16x640xf32, #tpu.memory_space<vmem>> -> memref<1x640xf32, #tpu.memory_space<vmem>>
      %dma_start3A_135 = tpu.memref_squeeze %dma_start3A_134 : memref<1x640xf32, #tpu.memory_space<vmem>> -> memref<640xf32, #tpu.memory_space<vmem>>
      %dma_start3A_136 = tpu.memref_slice %arg25[%run_scoped3A_50, %mul3A_49] : memref<16x10240xf32, #tpu.memory_space<vmem_shared>> -> memref<1x640xf32, #tpu.memory_space<vmem_shared>>
      %dma_start3A_137 = tpu.memref_squeeze %dma_start3A_136 : memref<1x640xf32, #tpu.memory_space<vmem_shared>> -> memref<640xf32, #tpu.memory_space<vmem_shared>>
      tpu.enqueue_dma source(%dma_start3A_137 : memref<640xf32, #tpu.memory_space<vmem_shared>>) target(%dma_start3A_135 : memref<640xf32, #tpu.memory_space<vmem>>) target_semaphore(%run_scoped3A_128 : memref<!tpu.dma_semaphore, #tpu.memory_space<semaphore_mem>>)
      %dma_wait3A = arith.constant 0 : i32
      %dma_wait3A_138 = tpu.memref_slice %arg15[%run_scoped3A_51, %dma_wait3A] : memref<16x640xf32, #tpu.memory_space<vmem>> -> memref<1x640xf32, #tpu.memory_space<vmem>>
      %dma_wait3A_139 = tpu.memref_squeeze %dma_wait3A_138 : memref<1x640xf32, #tpu.memory_space<vmem>> -> memref<640xf32, #tpu.memory_space<vmem>>
      %dma_wait3A_140 = tpu.memref_slice %arg25[%run_scoped3A_50, %mul3A_49] : memref<16x10240xf32, #tpu.memory_space<vmem_shared>> -> memref<1x640xf32, #tpu.memory_space<vmem_shared>>
      %dma_wait3A_141 = tpu.memref_squeeze %dma_wait3A_140 : memref<1x640xf32, #tpu.memory_space<vmem_shared>> -> memref<640xf32, #tpu.memory_space<vmem_shared>>
      %dma_wait3A_142 = arith.constant 0 : i32
      %dma_wait3A_143 = tpu.memref_slice %arg15[%run_scoped3A_51, %dma_wait3A_142] : memref<16x640xf32, #tpu.memory_space<vmem>> -> memref<1x640xf32, #tpu.memory_space<vmem>>
      %dma_wait3A_144 = tpu.memref_squeeze %dma_wait3A_143 : memref<1x640xf32, #tpu.memory_space<vmem>> -> memref<640xf32, #tpu.memory_space<vmem>>
      %dma_wait3A_145 = tpu.memref_slice %arg25[%run_scoped3A_50, %mul3A_49] : memref<16x10240xf32, #tpu.memory_space<vmem_shared>> -> memref<1x640xf32, #tpu.memory_space<vmem_shared>>
      %dma_wait3A_146 = tpu.memref_squeeze %dma_wait3A_145 : memref<1x640xf32, #tpu.memory_space<vmem_shared>> -> memref<640xf32, #tpu.memory_space<vmem_shared>>
      tpu.wait_dma2 semaphore(%run_scoped3A_128 : memref<!tpu.dma_semaphore, #tpu.memory_space<semaphore_mem>>) src(%dma_wait3A_146 : memref<640xf32, #tpu.memory_space<vmem_shared>>) dst(%dma_wait3A_144 : memref<640xf32, #tpu.memory_space<vmem>>)
      tpu.yield
    }) : () -> ()
    %mul3A_52 = arith.constant 640 : i32
    %mul3A_53 = arith.muli %arg1, %mul3A_52 : i32
    %run_scoped3A_54 = arith.constant 6 : i32
    %run_scoped3A_55 = arith.constant 6 : i32
    "tpu.region"() ({
      %run_scoped3A_128 = tpu.sem_alloc : memref<!tpu.dma_semaphore, #tpu.memory_space<semaphore_mem>>
      %dma_start3A = arith.constant 0 : i32
      %dma_start3A_129 = tpu.memref_slice %arg15[%run_scoped3A_55, %dma_start3A] : memref<16x640xf32, #tpu.memory_space<vmem>> -> memref<1x640xf32, #tpu.memory_space<vmem>>
      %dma_start3A_130 = tpu.memref_squeeze %dma_start3A_129 : memref<1x640xf32, #tpu.memory_space<vmem>> -> memref<640xf32, #tpu.memory_space<vmem>>
      %dma_start3A_131 = tpu.memref_slice %arg25[%run_scoped3A_54, %mul3A_53] : memref<16x10240xf32, #tpu.memory_space<vmem_shared>> -> memref<1x640xf32, #tpu.memory_space<vmem_shared>>
      %dma_start3A_132 = tpu.memref_squeeze %dma_start3A_131 : memref<1x640xf32, #tpu.memory_space<vmem_shared>> -> memref<640xf32, #tpu.memory_space<vmem_shared>>
      %dma_start3A_133 = arith.constant 0 : i32
      %dma_start3A_134 = tpu.memref_slice %arg15[%run_scoped3A_55, %dma_start3A_133] : memref<16x640xf32, #tpu.memory_space<vmem>> -> memref<1x640xf32, #tpu.memory_space<vmem>>
      %dma_start3A_135 = tpu.memref_squeeze %dma_start3A_134 : memref<1x640xf32, #tpu.memory_space<vmem>> -> memref<640xf32, #tpu.memory_space<vmem>>
      %dma_start3A_136 = tpu.memref_slice %arg25[%run_scoped3A_54, %mul3A_53] : memref<16x10240xf32, #tpu.memory_space<vmem_shared>> -> memref<1x640xf32, #tpu.memory_space<vmem_shared>>
      %dma_start3A_137 = tpu.memref_squeeze %dma_start3A_136 : memref<1x640xf32, #tpu.memory_space<vmem_shared>> -> memref<640xf32, #tpu.memory_space<vmem_shared>>
      tpu.enqueue_dma source(%dma_start3A_137 : memref<640xf32, #tpu.memory_space<vmem_shared>>) target(%dma_start3A_135 : memref<640xf32, #tpu.memory_space<vmem>>) target_semaphore(%run_scoped3A_128 : memref<!tpu.dma_semaphore, #tpu.memory_space<semaphore_mem>>)
      %dma_wait3A = arith.constant 0 : i32
      %dma_wait3A_138 = tpu.memref_slice %arg15[%run_scoped3A_55, %dma_wait3A] : memref<16x640xf32, #tpu.memory_space<vmem>> -> memref<1x640xf32, #tpu.memory_space<vmem>>
      %dma_wait3A_139 = tpu.memref_squeeze %dma_wait3A_138 : memref<1x640xf32, #tpu.memory_space<vmem>> -> memref<640xf32, #tpu.memory_space<vmem>>
      %dma_wait3A_140 = tpu.memref_slice %arg25[%run_scoped3A_54, %mul3A_53] : memref<16x10240xf32, #tpu.memory_space<vmem_shared>> -> memref<1x640xf32, #tpu.memory_space<vmem_shared>>
      %dma_wait3A_141 = tpu.memref_squeeze %dma_wait3A_140 : memref<1x640xf32, #tpu.memory_space<vmem_shared>> -> memref<640xf32, #tpu.memory_space<vmem_shared>>
      %dma_wait3A_142 = arith.constant 0 : i32
      %dma_wait3A_143 = tpu.memref_slice %arg15[%run_scoped3A_55, %dma_wait3A_142] : memref<16x640xf32, #tpu.memory_space<vmem>> -> memref<1x640xf32, #tpu.memory_space<vmem>>
      %dma_wait3A_144 = tpu.memref_squeeze %dma_wait3A_143 : memref<1x640xf32, #tpu.memory_space<vmem>> -> memref<640xf32, #tpu.memory_space<vmem>>
      %dma_wait3A_145 = tpu.memref_slice %arg25[%run_scoped3A_54, %mul3A_53] : memref<16x10240xf32, #tpu.memory_space<vmem_shared>> -> memref<1x640xf32, #tpu.memory_space<vmem_shared>>
      %dma_wait3A_146 = tpu.memref_squeeze %dma_wait3A_145 : memref<1x640xf32, #tpu.memory_space<vmem_shared>> -> memref<640xf32, #tpu.memory_space<vmem_shared>>
      tpu.wait_dma2 semaphore(%run_scoped3A_128 : memref<!tpu.dma_semaphore, #tpu.memory_space<semaphore_mem>>) src(%dma_wait3A_146 : memref<640xf32, #tpu.memory_space<vmem_shared>>) dst(%dma_wait3A_144 : memref<640xf32, #tpu.memory_space<vmem>>)
      tpu.yield
    }) : () -> ()
    %mul3A_56 = arith.constant 640 : i32
    %mul3A_57 = arith.muli %arg1, %mul3A_56 : i32
    %run_scoped3A_58 = arith.constant 7 : i32
    %run_scoped3A_59 = arith.constant 7 : i32
    "tpu.region"() ({
      %run_scoped3A_128 = tpu.sem_alloc : memref<!tpu.dma_semaphore, #tpu.memory_space<semaphore_mem>>
      %dma_start3A = arith.constant 0 : i32
      %dma_start3A_129 = tpu.memref_slice %arg15[%run_scoped3A_59, %dma_start3A] : memref<16x640xf32, #tpu.memory_space<vmem>> -> memref<1x640xf32, #tpu.memory_space<vmem>>
      %dma_start3A_130 = tpu.memref_squeeze %dma_start3A_129 : memref<1x640xf32, #tpu.memory_space<vmem>> -> memref<640xf32, #tpu.memory_space<vmem>>
      %dma_start3A_131 = tpu.memref_slice %arg25[%run_scoped3A_58, %mul3A_57] : memref<16x10240xf32, #tpu.memory_space<vmem_shared>> -> memref<1x640xf32, #tpu.memory_space<vmem_shared>>
      %dma_start3A_132 = tpu.memref_squeeze %dma_start3A_131 : memref<1x640xf32, #tpu.memory_space<vmem_shared>> -> memref<640xf32, #tpu.memory_space<vmem_shared>>
      %dma_start3A_133 = arith.constant 0 : i32
      %dma_start3A_134 = tpu.memref_slice %arg15[%run_scoped3A_59, %dma_start3A_133] : memref<16x640xf32, #tpu.memory_space<vmem>> -> memref<1x640xf32, #tpu.memory_space<vmem>>
      %dma_start3A_135 = tpu.memref_squeeze %dma_start3A_134 : memref<1x640xf32, #tpu.memory_space<vmem>> -> memref<640xf32, #tpu.memory_space<vmem>>
      %dma_start3A_136 = tpu.memref_slice %arg25[%run_scoped3A_58, %mul3A_57] : memref<16x10240xf32, #tpu.memory_space<vmem_shared>> -> memref<1x640xf32, #tpu.memory_space<vmem_shared>>
      %dma_start3A_137 = tpu.memref_squeeze %dma_start3A_136 : memref<1x640xf32, #tpu.memory_space<vmem_shared>> -> memref<640xf32, #tpu.memory_space<vmem_shared>>
      tpu.enqueue_dma source(%dma_start3A_137 : memref<640xf32, #tpu.memory_space<vmem_shared>>) target(%dma_start3A_135 : memref<640xf32, #tpu.memory_space<vmem>>) target_semaphore(%run_scoped3A_128 : memref<!tpu.dma_semaphore, #tpu.memory_space<semaphore_mem>>)
      %dma_wait3A = arith.constant 0 : i32
      %dma_wait3A_138 = tpu.memref_slice %arg15[%run_scoped3A_59, %dma_wait3A] : memref<16x640xf32, #tpu.memory_space<vmem>> -> memref<1x640xf32, #tpu.memory_space<vmem>>
      %dma_wait3A_139 = tpu.memref_squeeze %dma_wait3A_138 : memref<1x640xf32, #tpu.memory_space<vmem>> -> memref<640xf32, #tpu.memory_space<vmem>>
      %dma_wait3A_140 = tpu.memref_slice %arg25[%run_scoped3A_58, %mul3A_57] : memref<16x10240xf32, #tpu.memory_space<vmem_shared>> -> memref<1x640xf32, #tpu.memory_space<vmem_shared>>
      %dma_wait3A_141 = tpu.memref_squeeze %dma_wait3A_140 : memref<1x640xf32, #tpu.memory_space<vmem_shared>> -> memref<640xf32, #tpu.memory_space<vmem_shared>>
      %dma_wait3A_142 = arith.constant 0 : i32
      %dma_wait3A_143 = tpu.memref_slice %arg15[%run_scoped3A_59, %dma_wait3A_142] : memref<16x640xf32, #tpu.memory_space<vmem>> -> memref<1x640xf32, #tpu.memory_space<vmem>>
      %dma_wait3A_144 = tpu.memref_squeeze %dma_wait3A_143 : memref<1x640xf32, #tpu.memory_space<vmem>> -> memref<640xf32, #tpu.memory_space<vmem>>
      %dma_wait3A_145 = tpu.memref_slice %arg25[%run_scoped3A_58, %mul3A_57] : memref<16x10240xf32, #tpu.memory_space<vmem_shared>> -> memref<1x640xf32, #tpu.memory_space<vmem_shared>>
      %dma_wait3A_146 = tpu.memref_squeeze %dma_wait3A_145 : memref<1x640xf32, #tpu.memory_space<vmem_shared>> -> memref<640xf32, #tpu.memory_space<vmem_shared>>
      tpu.wait_dma2 semaphore(%run_scoped3A_128 : memref<!tpu.dma_semaphore, #tpu.memory_space<semaphore_mem>>) src(%dma_wait3A_146 : memref<640xf32, #tpu.memory_space<vmem_shared>>) dst(%dma_wait3A_144 : memref<640xf32, #tpu.memory_space<vmem>>)
      tpu.yield
    }) : () -> ()
    %mul3A_60 = arith.constant 640 : i32
    %mul3A_61 = arith.muli %arg1, %mul3A_60 : i32
    %run_scoped3A_62 = arith.constant 8 : i32
    %run_scoped3A_63 = arith.constant 8 : i32
    "tpu.region"() ({
      %run_scoped3A_128 = tpu.sem_alloc : memref<!tpu.dma_semaphore, #tpu.memory_space<semaphore_mem>>
      %dma_start3A = arith.constant 0 : i32
      %dma_start3A_129 = tpu.memref_slice %arg15[%run_scoped3A_63, %dma_start3A] : memref<16x640xf32, #tpu.memory_space<vmem>> -> memref<1x640xf32, #tpu.memory_space<vmem>>
      %dma_start3A_130 = tpu.memref_squeeze %dma_start3A_129 : memref<1x640xf32, #tpu.memory_space<vmem>> -> memref<640xf32, #tpu.memory_space<vmem>>
      %dma_start3A_131 = tpu.memref_slice %arg25[%run_scoped3A_62, %mul3A_61] : memref<16x10240xf32, #tpu.memory_space<vmem_shared>> -> memref<1x640xf32, #tpu.memory_space<vmem_shared>>
      %dma_start3A_132 = tpu.memref_squeeze %dma_start3A_131 : memref<1x640xf32, #tpu.memory_space<vmem_shared>> -> memref<640xf32, #tpu.memory_space<vmem_shared>>
      %dma_start3A_133 = arith.constant 0 : i32
      %dma_start3A_134 = tpu.memref_slice %arg15[%run_scoped3A_63, %dma_start3A_133] : memref<16x640xf32, #tpu.memory_space<vmem>> -> memref<1x640xf32, #tpu.memory_space<vmem>>
      %dma_start3A_135 = tpu.memref_squeeze %dma_start3A_134 : memref<1x640xf32, #tpu.memory_space<vmem>> -> memref<640xf32, #tpu.memory_space<vmem>>
      %dma_start3A_136 = tpu.memref_slice %arg25[%run_scoped3A_62, %mul3A_61] : memref<16x10240xf32, #tpu.memory_space<vmem_shared>> -> memref<1x640xf32, #tpu.memory_space<vmem_shared>>
      %dma_start3A_137 = tpu.memref_squeeze %dma_start3A_136 : memref<1x640xf32, #tpu.memory_space<vmem_shared>> -> memref<640xf32, #tpu.memory_space<vmem_shared>>
      tpu.enqueue_dma source(%dma_start3A_137 : memref<640xf32, #tpu.memory_space<vmem_shared>>) target(%dma_start3A_135 : memref<640xf32, #tpu.memory_space<vmem>>) target_semaphore(%run_scoped3A_128 : memref<!tpu.dma_semaphore, #tpu.memory_space<semaphore_mem>>)
      %dma_wait3A = arith.constant 0 : i32
      %dma_wait3A_138 = tpu.memref_slice %arg15[%run_scoped3A_63, %dma_wait3A] : memref<16x640xf32, #tpu.memory_space<vmem>> -> memref<1x640xf32, #tpu.memory_space<vmem>>
      %dma_wait3A_139 = tpu.memref_squeeze %dma_wait3A_138 : memref<1x640xf32, #tpu.memory_space<vmem>> -> memref<640xf32, #tpu.memory_space<vmem>>
      %dma_wait3A_140 = tpu.memref_slice %arg25[%run_scoped3A_62, %mul3A_61] : memref<16x10240xf32, #tpu.memory_space<vmem_shared>> -> memref<1x640xf32, #tpu.memory_space<vmem_shared>>
      %dma_wait3A_141 = tpu.memref_squeeze %dma_wait3A_140 : memref<1x640xf32, #tpu.memory_space<vmem_shared>> -> memref<640xf32, #tpu.memory_space<vmem_shared>>
      %dma_wait3A_142 = arith.constant 0 : i32
      %dma_wait3A_143 = tpu.memref_slice %arg15[%run_scoped3A_63, %dma_wait3A_142] : memref<16x640xf32, #tpu.memory_space<vmem>> -> memref<1x640xf32, #tpu.memory_space<vmem>>
      %dma_wait3A_144 = tpu.memref_squeeze %dma_wait3A_143 : memref<1x640xf32, #tpu.memory_space<vmem>> -> memref<640xf32, #tpu.memory_space<vmem>>
      %dma_wait3A_145 = tpu.memref_slice %arg25[%run_scoped3A_62, %mul3A_61] : memref<16x10240xf32, #tpu.memory_space<vmem_shared>> -> memref<1x640xf32, #tpu.memory_space<vmem_shared>>
      %dma_wait3A_146 = tpu.memref_squeeze %dma_wait3A_145 : memref<1x640xf32, #tpu.memory_space<vmem_shared>> -> memref<640xf32, #tpu.memory_space<vmem_shared>>
      tpu.wait_dma2 semaphore(%run_scoped3A_128 : memref<!tpu.dma_semaphore, #tpu.memory_space<semaphore_mem>>) src(%dma_wait3A_146 : memref<640xf32, #tpu.memory_space<vmem_shared>>) dst(%dma_wait3A_144 : memref<640xf32, #tpu.memory_space<vmem>>)
      tpu.yield
    }) : () -> ()
    %mul3A_64 = arith.constant 640 : i32
    %mul3A_65 = arith.muli %arg1, %mul3A_64 : i32
    %run_scoped3A_66 = arith.constant 9 : i32
    %run_scoped3A_67 = arith.constant 9 : i32
    "tpu.region"() ({
      %run_scoped3A_128 = tpu.sem_alloc : memref<!tpu.dma_semaphore, #tpu.memory_space<semaphore_mem>>
      %dma_start3A = arith.constant 0 : i32
      %dma_start3A_129 = tpu.memref_slice %arg15[%run_scoped3A_67, %dma_start3A] : memref<16x640xf32, #tpu.memory_space<vmem>> -> memref<1x640xf32, #tpu.memory_space<vmem>>
      %dma_start3A_130 = tpu.memref_squeeze %dma_start3A_129 : memref<1x640xf32, #tpu.memory_space<vmem>> -> memref<640xf32, #tpu.memory_space<vmem>>
      %dma_start3A_131 = tpu.memref_slice %arg25[%run_scoped3A_66, %mul3A_65] : memref<16x10240xf32, #tpu.memory_space<vmem_shared>> -> memref<1x640xf32, #tpu.memory_space<vmem_shared>>
      %dma_start3A_132 = tpu.memref_squeeze %dma_start3A_131 : memref<1x640xf32, #tpu.memory_space<vmem_shared>> -> memref<640xf32, #tpu.memory_space<vmem_shared>>
      %dma_start3A_133 = arith.constant 0 : i32
      %dma_start3A_134 = tpu.memref_slice %arg15[%run_scoped3A_67, %dma_start3A_133] : memref<16x640xf32, #tpu.memory_space<vmem>> -> memref<1x640xf32, #tpu.memory_space<vmem>>
      %dma_start3A_135 = tpu.memref_squeeze %dma_start3A_134 : memref<1x640xf32, #tpu.memory_space<vmem>> -> memref<640xf32, #tpu.memory_space<vmem>>
      %dma_start3A_136 = tpu.memref_slice %arg25[%run_scoped3A_66, %mul3A_65] : memref<16x10240xf32, #tpu.memory_space<vmem_shared>> -> memref<1x640xf32, #tpu.memory_space<vmem_shared>>
      %dma_start3A_137 = tpu.memref_squeeze %dma_start3A_136 : memref<1x640xf32, #tpu.memory_space<vmem_shared>> -> memref<640xf32, #tpu.memory_space<vmem_shared>>
      tpu.enqueue_dma source(%dma_start3A_137 : memref<640xf32, #tpu.memory_space<vmem_shared>>) target(%dma_start3A_135 : memref<640xf32, #tpu.memory_space<vmem>>) target_semaphore(%run_scoped3A_128 : memref<!tpu.dma_semaphore, #tpu.memory_space<semaphore_mem>>)
      %dma_wait3A = arith.constant 0 : i32
      %dma_wait3A_138 = tpu.memref_slice %arg15[%run_scoped3A_67, %dma_wait3A] : memref<16x640xf32, #tpu.memory_space<vmem>> -> memref<1x640xf32, #tpu.memory_space<vmem>>
      %dma_wait3A_139 = tpu.memref_squeeze %dma_wait3A_138 : memref<1x640xf32, #tpu.memory_space<vmem>> -> memref<640xf32, #tpu.memory_space<vmem>>
      %dma_wait3A_140 = tpu.memref_slice %arg25[%run_scoped3A_66, %mul3A_65] : memref<16x10240xf32, #tpu.memory_space<vmem_shared>> -> memref<1x640xf32, #tpu.memory_space<vmem_shared>>
      %dma_wait3A_141 = tpu.memref_squeeze %dma_wait3A_140 : memref<1x640xf32, #tpu.memory_space<vmem_shared>> -> memref<640xf32, #tpu.memory_space<vmem_shared>>
      %dma_wait3A_142 = arith.constant 0 : i32
      %dma_wait3A_143 = tpu.memref_slice %arg15[%run_scoped3A_67, %dma_wait3A_142] : memref<16x640xf32, #tpu.memory_space<vmem>> -> memref<1x640xf32, #tpu.memory_space<vmem>>
      %dma_wait3A_144 = tpu.memref_squeeze %dma_wait3A_143 : memref<1x640xf32, #tpu.memory_space<vmem>> -> memref<640xf32, #tpu.memory_space<vmem>>
      %dma_wait3A_145 = tpu.memref_slice %arg25[%run_scoped3A_66, %mul3A_65] : memref<16x10240xf32, #tpu.memory_space<vmem_shared>> -> memref<1x640xf32, #tpu.memory_space<vmem_shared>>
      %dma_wait3A_146 = tpu.memref_squeeze %dma_wait3A_145 : memref<1x640xf32, #tpu.memory_space<vmem_shared>> -> memref<640xf32, #tpu.memory_space<vmem_shared>>
      tpu.wait_dma2 semaphore(%run_scoped3A_128 : memref<!tpu.dma_semaphore, #tpu.memory_space<semaphore_mem>>) src(%dma_wait3A_146 : memref<640xf32, #tpu.memory_space<vmem_shared>>) dst(%dma_wait3A_144 : memref<640xf32, #tpu.memory_space<vmem>>)
      tpu.yield
    }) : () -> ()
    %mul3A_68 = arith.constant 640 : i32
    %mul3A_69 = arith.muli %arg1, %mul3A_68 : i32
    %run_scoped3A_70 = arith.constant 10 : i32
    %run_scoped3A_71 = arith.constant 10 : i32
    "tpu.region"() ({
      %run_scoped3A_128 = tpu.sem_alloc : memref<!tpu.dma_semaphore, #tpu.memory_space<semaphore_mem>>
      %dma_start3A = arith.constant 0 : i32
      %dma_start3A_129 = tpu.memref_slice %arg15[%run_scoped3A_71, %dma_start3A] : memref<16x640xf32, #tpu.memory_space<vmem>> -> memref<1x640xf32, #tpu.memory_space<vmem>>
      %dma_start3A_130 = tpu.memref_squeeze %dma_start3A_129 : memref<1x640xf32, #tpu.memory_space<vmem>> -> memref<640xf32, #tpu.memory_space<vmem>>
      %dma_start3A_131 = tpu.memref_slice %arg25[%run_scoped3A_70, %mul3A_69] : memref<16x10240xf32, #tpu.memory_space<vmem_shared>> -> memref<1x640xf32, #tpu.memory_space<vmem_shared>>
      %dma_start3A_132 = tpu.memref_squeeze %dma_start3A_131 : memref<1x640xf32, #tpu.memory_space<vmem_shared>> -> memref<640xf32, #tpu.memory_space<vmem_shared>>
      %dma_start3A_133 = arith.constant 0 : i32
      %dma_start3A_134 = tpu.memref_slice %arg15[%run_scoped3A_71, %dma_start3A_133] : memref<16x640xf32, #tpu.memory_space<vmem>> -> memref<1x640xf32, #tpu.memory_space<vmem>>
      %dma_start3A_135 = tpu.memref_squeeze %dma_start3A_134 : memref<1x640xf32, #tpu.memory_space<vmem>> -> memref<640xf32, #tpu.memory_space<vmem>>
      %dma_start3A_136 = tpu.memref_slice %arg25[%run_scoped3A_70, %mul3A_69] : memref<16x10240xf32, #tpu.memory_space<vmem_shared>> -> memref<1x640xf32, #tpu.memory_space<vmem_shared>>
      %dma_start3A_137 = tpu.memref_squeeze %dma_start3A_136 : memref<1x640xf32, #tpu.memory_space<vmem_shared>> -> memref<640xf32, #tpu.memory_space<vmem_shared>>
      tpu.enqueue_dma source(%dma_start3A_137 : memref<640xf32, #tpu.memory_space<vmem_shared>>) target(%dma_start3A_135 : memref<640xf32, #tpu.memory_space<vmem>>) target_semaphore(%run_scoped3A_128 : memref<!tpu.dma_semaphore, #tpu.memory_space<semaphore_mem>>)
      %dma_wait3A = arith.constant 0 : i32
      %dma_wait3A_138 = tpu.memref_slice %arg15[%run_scoped3A_71, %dma_wait3A] : memref<16x640xf32, #tpu.memory_space<vmem>> -> memref<1x640xf32, #tpu.memory_space<vmem>>
      %dma_wait3A_139 = tpu.memref_squeeze %dma_wait3A_138 : memref<1x640xf32, #tpu.memory_space<vmem>> -> memref<640xf32, #tpu.memory_space<vmem>>
      %dma_wait3A_140 = tpu.memref_slice %arg25[%run_scoped3A_70, %mul3A_69] : memref<16x10240xf32, #tpu.memory_space<vmem_shared>> -> memref<1x640xf32, #tpu.memory_space<vmem_shared>>
      %dma_wait3A_141 = tpu.memref_squeeze %dma_wait3A_140 : memref<1x640xf32, #tpu.memory_space<vmem_shared>> -> memref<640xf32, #tpu.memory_space<vmem_shared>>
      %dma_wait3A_142 = arith.constant 0 : i32
      %dma_wait3A_143 = tpu.memref_slice %arg15[%run_scoped3A_71, %dma_wait3A_142] : memref<16x640xf32, #tpu.memory_space<vmem>> -> memref<1x640xf32, #tpu.memory_space<vmem>>
      %dma_wait3A_144 = tpu.memref_squeeze %dma_wait3A_143 : memref<1x640xf32, #tpu.memory_space<vmem>> -> memref<640xf32, #tpu.memory_space<vmem>>
      %dma_wait3A_145 = tpu.memref_slice %arg25[%run_scoped3A_70, %mul3A_69] : memref<16x10240xf32, #tpu.memory_space<vmem_shared>> -> memref<1x640xf32, #tpu.memory_space<vmem_shared>>
      %dma_wait3A_146 = tpu.memref_squeeze %dma_wait3A_145 : memref<1x640xf32, #tpu.memory_space<vmem_shared>> -> memref<640xf32, #tpu.memory_space<vmem_shared>>
      tpu.wait_dma2 semaphore(%run_scoped3A_128 : memref<!tpu.dma_semaphore, #tpu.memory_space<semaphore_mem>>) src(%dma_wait3A_146 : memref<640xf32, #tpu.memory_space<vmem_shared>>) dst(%dma_wait3A_144 : memref<640xf32, #tpu.memory_space<vmem>>)
      tpu.yield
    }) : () -> ()
    %mul3A_72 = arith.constant 640 : i32
    %mul3A_73 = arith.muli %arg1, %mul3A_72 : i32
    %run_scoped3A_74 = arith.constant 11 : i32
    %run_scoped3A_75 = arith.constant 11 : i32
    "tpu.region"() ({
      %run_scoped3A_128 = tpu.sem_alloc : memref<!tpu.dma_semaphore, #tpu.memory_space<semaphore_mem>>
      %dma_start3A = arith.constant 0 : i32
      %dma_start3A_129 = tpu.memref_slice %arg15[%run_scoped3A_75, %dma_start3A] : memref<16x640xf32, #tpu.memory_space<vmem>> -> memref<1x640xf32, #tpu.memory_space<vmem>>
      %dma_start3A_130 = tpu.memref_squeeze %dma_start3A_129 : memref<1x640xf32, #tpu.memory_space<vmem>> -> memref<640xf32, #tpu.memory_space<vmem>>
      %dma_start3A_131 = tpu.memref_slice %arg25[%run_scoped3A_74, %mul3A_73] : memref<16x10240xf32, #tpu.memory_space<vmem_shared>> -> memref<1x640xf32, #tpu.memory_space<vmem_shared>>
      %dma_start3A_132 = tpu.memref_squeeze %dma_start3A_131 : memref<1x640xf32, #tpu.memory_space<vmem_shared>> -> memref<640xf32, #tpu.memory_space<vmem_shared>>
      %dma_start3A_133 = arith.constant 0 : i32
      %dma_start3A_134 = tpu.memref_slice %arg15[%run_scoped3A_75, %dma_start3A_133] : memref<16x640xf32, #tpu.memory_space<vmem>> -> memref<1x640xf32, #tpu.memory_space<vmem>>
      %dma_start3A_135 = tpu.memref_squeeze %dma_start3A_134 : memref<1x640xf32, #tpu.memory_space<vmem>> -> memref<640xf32, #tpu.memory_space<vmem>>
      %dma_start3A_136 = tpu.memref_slice %arg25[%run_scoped3A_74, %mul3A_73] : memref<16x10240xf32, #tpu.memory_space<vmem_shared>> -> memref<1x640xf32, #tpu.memory_space<vmem_shared>>
      %dma_start3A_137 = tpu.memref_squeeze %dma_start3A_136 : memref<1x640xf32, #tpu.memory_space<vmem_shared>> -> memref<640xf32, #tpu.memory_space<vmem_shared>>
      tpu.enqueue_dma source(%dma_start3A_137 : memref<640xf32, #tpu.memory_space<vmem_shared>>) target(%dma_start3A_135 : memref<640xf32, #tpu.memory_space<vmem>>) target_semaphore(%run_scoped3A_128 : memref<!tpu.dma_semaphore, #tpu.memory_space<semaphore_mem>>)
      %dma_wait3A = arith.constant 0 : i32
      %dma_wait3A_138 = tpu.memref_slice %arg15[%run_scoped3A_75, %dma_wait3A] : memref<16x640xf32, #tpu.memory_space<vmem>> -> memref<1x640xf32, #tpu.memory_space<vmem>>
      %dma_wait3A_139 = tpu.memref_squeeze %dma_wait3A_138 : memref<1x640xf32, #tpu.memory_space<vmem>> -> memref<640xf32, #tpu.memory_space<vmem>>
      %dma_wait3A_140 = tpu.memref_slice %arg25[%run_scoped3A_74, %mul3A_73] : memref<16x10240xf32, #tpu.memory_space<vmem_shared>> -> memref<1x640xf32, #tpu.memory_space<vmem_shared>>
      %dma_wait3A_141 = tpu.memref_squeeze %dma_wait3A_140 : memref<1x640xf32, #tpu.memory_space<vmem_shared>> -> memref<640xf32, #tpu.memory_space<vmem_shared>>
      %dma_wait3A_142 = arith.constant 0 : i32
      %dma_wait3A_143 = tpu.memref_slice %arg15[%run_scoped3A_75, %dma_wait3A_142] : memref<16x640xf32, #tpu.memory_space<vmem>> -> memref<1x640xf32, #tpu.memory_space<vmem>>
      %dma_wait3A_144 = tpu.memref_squeeze %dma_wait3A_143 : memref<1x640xf32, #tpu.memory_space<vmem>> -> memref<640xf32, #tpu.memory_space<vmem>>
      %dma_wait3A_145 = tpu.memref_slice %arg25[%run_scoped3A_74, %mul3A_73] : memref<16x10240xf32, #tpu.memory_space<vmem_shared>> -> memref<1x640xf32, #tpu.memory_space<vmem_shared>>
      %dma_wait3A_146 = tpu.memref_squeeze %dma_wait3A_145 : memref<1x640xf32, #tpu.memory_space<vmem_shared>> -> memref<640xf32, #tpu.memory_space<vmem_shared>>
      tpu.wait_dma2 semaphore(%run_scoped3A_128 : memref<!tpu.dma_semaphore, #tpu.memory_space<semaphore_mem>>) src(%dma_wait3A_146 : memref<640xf32, #tpu.memory_space<vmem_shared>>) dst(%dma_wait3A_144 : memref<640xf32, #tpu.memory_space<vmem>>)
      tpu.yield
    }) : () -> ()
    %mul3A_76 = arith.constant 640 : i32
    %mul3A_77 = arith.muli %arg1, %mul3A_76 : i32
    %run_scoped3A_78 = arith.constant 12 : i32
    %run_scoped3A_79 = arith.constant 12 : i32
    "tpu.region"() ({
      %run_scoped3A_128 = tpu.sem_alloc : memref<!tpu.dma_semaphore, #tpu.memory_space<semaphore_mem>>
      %dma_start3A = arith.constant 0 : i32
      %dma_start3A_129 = tpu.memref_slice %arg15[%run_scoped3A_79, %dma_start3A] : memref<16x640xf32, #tpu.memory_space<vmem>> -> memref<1x640xf32, #tpu.memory_space<vmem>>
      %dma_start3A_130 = tpu.memref_squeeze %dma_start3A_129 : memref<1x640xf32, #tpu.memory_space<vmem>> -> memref<640xf32, #tpu.memory_space<vmem>>
      %dma_start3A_131 = tpu.memref_slice %arg25[%run_scoped3A_78, %mul3A_77] : memref<16x10240xf32, #tpu.memory_space<vmem_shared>> -> memref<1x640xf32, #tpu.memory_space<vmem_shared>>
      %dma_start3A_132 = tpu.memref_squeeze %dma_start3A_131 : memref<1x640xf32, #tpu.memory_space<vmem_shared>> -> memref<640xf32, #tpu.memory_space<vmem_shared>>
      %dma_start3A_133 = arith.constant 0 : i32
      %dma_start3A_134 = tpu.memref_slice %arg15[%run_scoped3A_79, %dma_start3A_133] : memref<16x640xf32, #tpu.memory_space<vmem>> -> memref<1x640xf32, #tpu.memory_space<vmem>>
      %dma_start3A_135 = tpu.memref_squeeze %dma_start3A_134 : memref<1x640xf32, #tpu.memory_space<vmem>> -> memref<640xf32, #tpu.memory_space<vmem>>
      %dma_start3A_136 = tpu.memref_slice %arg25[%run_scoped3A_78, %mul3A_77] : memref<16x10240xf32, #tpu.memory_space<vmem_shared>> -> memref<1x640xf32, #tpu.memory_space<vmem_shared>>
      %dma_start3A_137 = tpu.memref_squeeze %dma_start3A_136 : memref<1x640xf32, #tpu.memory_space<vmem_shared>> -> memref<640xf32, #tpu.memory_space<vmem_shared>>
      tpu.enqueue_dma source(%dma_start3A_137 : memref<640xf32, #tpu.memory_space<vmem_shared>>) target(%dma_start3A_135 : memref<640xf32, #tpu.memory_space<vmem>>) target_semaphore(%run_scoped3A_128 : memref<!tpu.dma_semaphore, #tpu.memory_space<semaphore_mem>>)
      %dma_wait3A = arith.constant 0 : i32
      %dma_wait3A_138 = tpu.memref_slice %arg15[%run_scoped3A_79, %dma_wait3A] : memref<16x640xf32, #tpu.memory_space<vmem>> -> memref<1x640xf32, #tpu.memory_space<vmem>>
      %dma_wait3A_139 = tpu.memref_squeeze %dma_wait3A_138 : memref<1x640xf32, #tpu.memory_space<vmem>> -> memref<640xf32, #tpu.memory_space<vmem>>
      %dma_wait3A_140 = tpu.memref_slice %arg25[%run_scoped3A_78, %mul3A_77] : memref<16x10240xf32, #tpu.memory_space<vmem_shared>> -> memref<1x640xf32, #tpu.memory_space<vmem_shared>>
      %dma_wait3A_141 = tpu.memref_squeeze %dma_wait3A_140 : memref<1x640xf32, #tpu.memory_space<vmem_shared>> -> memref<640xf32, #tpu.memory_space<vmem_shared>>
      %dma_wait3A_142 = arith.constant 0 : i32
      %dma_wait3A_143 = tpu.memref_slice %arg15[%run_scoped3A_79, %dma_wait3A_142] : memref<16x640xf32, #tpu.memory_space<vmem>> -> memref<1x640xf32, #tpu.memory_space<vmem>>
      %dma_wait3A_144 = tpu.memref_squeeze %dma_wait3A_143 : memref<1x640xf32, #tpu.memory_space<vmem>> -> memref<640xf32, #tpu.memory_space<vmem>>
      %dma_wait3A_145 = tpu.memref_slice %arg25[%run_scoped3A_78, %mul3A_77] : memref<16x10240xf32, #tpu.memory_space<vmem_shared>> -> memref<1x640xf32, #tpu.memory_space<vmem_shared>>
      %dma_wait3A_146 = tpu.memref_squeeze %dma_wait3A_145 : memref<1x640xf32, #tpu.memory_space<vmem_shared>> -> memref<640xf32, #tpu.memory_space<vmem_shared>>
      tpu.wait_dma2 semaphore(%run_scoped3A_128 : memref<!tpu.dma_semaphore, #tpu.memory_space<semaphore_mem>>) src(%dma_wait3A_146 : memref<640xf32, #tpu.memory_space<vmem_shared>>) dst(%dma_wait3A_144 : memref<640xf32, #tpu.memory_space<vmem>>)
      tpu.yield
    }) : () -> ()
    %mul3A_80 = arith.constant 640 : i32
    %mul3A_81 = arith.muli %arg1, %mul3A_80 : i32
    %run_scoped3A_82 = arith.constant 13 : i32
    %run_scoped3A_83 = arith.constant 13 : i32
    "tpu.region"() ({
      %run_scoped3A_128 = tpu.sem_alloc : memref<!tpu.dma_semaphore, #tpu.memory_space<semaphore_mem>>
      %dma_start3A = arith.constant 0 : i32
      %dma_start3A_129 = tpu.memref_slice %arg15[%run_scoped3A_83, %dma_start3A] : memref<16x640xf32, #tpu.memory_space<vmem>> -> memref<1x640xf32, #tpu.memory_space<vmem>>
      %dma_start3A_130 = tpu.memref_squeeze %dma_start3A_129 : memref<1x640xf32, #tpu.memory_space<vmem>> -> memref<640xf32, #tpu.memory_space<vmem>>
      %dma_start3A_131 = tpu.memref_slice %arg25[%run_scoped3A_82, %mul3A_81] : memref<16x10240xf32, #tpu.memory_space<vmem_shared>> -> memref<1x640xf32, #tpu.memory_space<vmem_shared>>
      %dma_start3A_132 = tpu.memref_squeeze %dma_start3A_131 : memref<1x640xf32, #tpu.memory_space<vmem_shared>> -> memref<640xf32, #tpu.memory_space<vmem_shared>>
      %dma_start3A_133 = arith.constant 0 : i32
      %dma_start3A_134 = tpu.memref_slice %arg15[%run_scoped3A_83, %dma_start3A_133] : memref<16x640xf32, #tpu.memory_space<vmem>> -> memref<1x640xf32, #tpu.memory_space<vmem>>
      %dma_start3A_135 = tpu.memref_squeeze %dma_start3A_134 : memref<1x640xf32, #tpu.memory_space<vmem>> -> memref<640xf32, #tpu.memory_space<vmem>>
      %dma_start3A_136 = tpu.memref_slice %arg25[%run_scoped3A_82, %mul3A_81] : memref<16x10240xf32, #tpu.memory_space<vmem_shared>> -> memref<1x640xf32, #tpu.memory_space<vmem_shared>>
      %dma_start3A_137 = tpu.memref_squeeze %dma_start3A_136 : memref<1x640xf32, #tpu.memory_space<vmem_shared>> -> memref<640xf32, #tpu.memory_space<vmem_shared>>
      tpu.enqueue_dma source(%dma_start3A_137 : memref<640xf32, #tpu.memory_space<vmem_shared>>) target(%dma_start3A_135 : memref<640xf32, #tpu.memory_space<vmem>>) target_semaphore(%run_scoped3A_128 : memref<!tpu.dma_semaphore, #tpu.memory_space<semaphore_mem>>)
      %dma_wait3A = arith.constant 0 : i32
      %dma_wait3A_138 = tpu.memref_slice %arg15[%run_scoped3A_83, %dma_wait3A] : memref<16x640xf32, #tpu.memory_space<vmem>> -> memref<1x640xf32, #tpu.memory_space<vmem>>
      %dma_wait3A_139 = tpu.memref_squeeze %dma_wait3A_138 : memref<1x640xf32, #tpu.memory_space<vmem>> -> memref<640xf32, #tpu.memory_space<vmem>>
      %dma_wait3A_140 = tpu.memref_slice %arg25[%run_scoped3A_82, %mul3A_81] : memref<16x10240xf32, #tpu.memory_space<vmem_shared>> -> memref<1x640xf32, #tpu.memory_space<vmem_shared>>
      %dma_wait3A_141 = tpu.memref_squeeze %dma_wait3A_140 : memref<1x640xf32, #tpu.memory_space<vmem_shared>> -> memref<640xf32, #tpu.memory_space<vmem_shared>>
      %dma_wait3A_142 = arith.constant 0 : i32
      %dma_wait3A_143 = tpu.memref_slice %arg15[%run_scoped3A_83, %dma_wait3A_142] : memref<16x640xf32, #tpu.memory_space<vmem>> -> memref<1x640xf32, #tpu.memory_space<vmem>>
      %dma_wait3A_144 = tpu.memref_squeeze %dma_wait3A_143 : memref<1x640xf32, #tpu.memory_space<vmem>> -> memref<640xf32, #tpu.memory_space<vmem>>
      %dma_wait3A_145 = tpu.memref_slice %arg25[%run_scoped3A_82, %mul3A_81] : memref<16x10240xf32, #tpu.memory_space<vmem_shared>> -> memref<1x640xf32, #tpu.memory_space<vmem_shared>>
      %dma_wait3A_146 = tpu.memref_squeeze %dma_wait3A_145 : memref<1x640xf32, #tpu.memory_space<vmem_shared>> -> memref<640xf32, #tpu.memory_space<vmem_shared>>
      tpu.wait_dma2 semaphore(%run_scoped3A_128 : memref<!tpu.dma_semaphore, #tpu.memory_space<semaphore_mem>>) src(%dma_wait3A_146 : memref<640xf32, #tpu.memory_space<vmem_shared>>) dst(%dma_wait3A_144 : memref<640xf32, #tpu.memory_space<vmem>>)
      tpu.yield
    }) : () -> ()
    %mul3A_84 = arith.constant 640 : i32
    %mul3A_85 = arith.muli %arg1, %mul3A_84 : i32
    %run_scoped3A_86 = arith.constant 14 : i32
    %run_scoped3A_87 = arith.constant 14 : i32
    "tpu.region"() ({
      %run_scoped3A_128 = tpu.sem_alloc : memref<!tpu.dma_semaphore, #tpu.memory_space<semaphore_mem>>
      %dma_start3A = arith.constant 0 : i32
      %dma_start3A_129 = tpu.memref_slice %arg15[%run_scoped3A_87, %dma_start3A] : memref<16x640xf32, #tpu.memory_space<vmem>> -> memref<1x640xf32, #tpu.memory_space<vmem>>
      %dma_start3A_130 = tpu.memref_squeeze %dma_start3A_129 : memref<1x640xf32, #tpu.memory_space<vmem>> -> memref<640xf32, #tpu.memory_space<vmem>>
      %dma_start3A_131 = tpu.memref_slice %arg25[%run_scoped3A_86, %mul3A_85] : memref<16x10240xf32, #tpu.memory_space<vmem_shared>> -> memref<1x640xf32, #tpu.memory_space<vmem_shared>>
      %dma_start3A_132 = tpu.memref_squeeze %dma_start3A_131 : memref<1x640xf32, #tpu.memory_space<vmem_shared>> -> memref<640xf32, #tpu.memory_space<vmem_shared>>
      %dma_start3A_133 = arith.constant 0 : i32
      %dma_start3A_134 = tpu.memref_slice %arg15[%run_scoped3A_87, %dma_start3A_133] : memref<16x640xf32, #tpu.memory_space<vmem>> -> memref<1x640xf32, #tpu.memory_space<vmem>>
      %dma_start3A_135 = tpu.memref_squeeze %dma_start3A_134 : memref<1x640xf32, #tpu.memory_space<vmem>> -> memref<640xf32, #tpu.memory_space<vmem>>
      %dma_start3A_136 = tpu.memref_slice %arg25[%run_scoped3A_86, %mul3A_85] : memref<16x10240xf32, #tpu.memory_space<vmem_shared>> -> memref<1x640xf32, #tpu.memory_space<vmem_shared>>
      %dma_start3A_137 = tpu.memref_squeeze %dma_start3A_136 : memref<1x640xf32, #tpu.memory_space<vmem_shared>> -> memref<640xf32, #tpu.memory_space<vmem_shared>>
      tpu.enqueue_dma source(%dma_start3A_137 : memref<640xf32, #tpu.memory_space<vmem_shared>>) target(%dma_start3A_135 : memref<640xf32, #tpu.memory_space<vmem>>) target_semaphore(%run_scoped3A_128 : memref<!tpu.dma_semaphore, #tpu.memory_space<semaphore_mem>>)
      %dma_wait3A = arith.constant 0 : i32
      %dma_wait3A_138 = tpu.memref_slice %arg15[%run_scoped3A_87, %dma_wait3A] : memref<16x640xf32, #tpu.memory_space<vmem>> -> memref<1x640xf32, #tpu.memory_space<vmem>>
      %dma_wait3A_139 = tpu.memref_squeeze %dma_wait3A_138 : memref<1x640xf32, #tpu.memory_space<vmem>> -> memref<640xf32, #tpu.memory_space<vmem>>
      %dma_wait3A_140 = tpu.memref_slice %arg25[%run_scoped3A_86, %mul3A_85] : memref<16x10240xf32, #tpu.memory_space<vmem_shared>> -> memref<1x640xf32, #tpu.memory_space<vmem_shared>>
      %dma_wait3A_141 = tpu.memref_squeeze %dma_wait3A_140 : memref<1x640xf32, #tpu.memory_space<vmem_shared>> -> memref<640xf32, #tpu.memory_space<vmem_shared>>
      %dma_wait3A_142 = arith.constant 0 : i32
      %dma_wait3A_143 = tpu.memref_slice %arg15[%run_scoped3A_87, %dma_wait3A_142] : memref<16x640xf32, #tpu.memory_space<vmem>> -> memref<1x640xf32, #tpu.memory_space<vmem>>
      %dma_wait3A_144 = tpu.memref_squeeze %dma_wait3A_143 : memref<1x640xf32, #tpu.memory_space<vmem>> -> memref<640xf32, #tpu.memory_space<vmem>>
      %dma_wait3A_145 = tpu.memref_slice %arg25[%run_scoped3A_86, %mul3A_85] : memref<16x10240xf32, #tpu.memory_space<vmem_shared>> -> memref<1x640xf32, #tpu.memory_space<vmem_shared>>
      %dma_wait3A_146 = tpu.memref_squeeze %dma_wait3A_145 : memref<1x640xf32, #tpu.memory_space<vmem_shared>> -> memref<640xf32, #tpu.memory_space<vmem_shared>>
      tpu.wait_dma2 semaphore(%run_scoped3A_128 : memref<!tpu.dma_semaphore, #tpu.memory_space<semaphore_mem>>) src(%dma_wait3A_146 : memref<640xf32, #tpu.memory_space<vmem_shared>>) dst(%dma_wait3A_144 : memref<640xf32, #tpu.memory_space<vmem>>)
      tpu.yield
    }) : () -> ()
    %mul3A_88 = arith.constant 640 : i32
    %mul3A_89 = arith.muli %arg1, %mul3A_88 : i32
    %run_scoped3A_90 = arith.constant 15 : i32
    %run_scoped3A_91 = arith.constant 15 : i32
    "tpu.region"() ({
      %run_scoped3A_128 = tpu.sem_alloc : memref<!tpu.dma_semaphore, #tpu.memory_space<semaphore_mem>>
      %dma_start3A = arith.constant 0 : i32
      %dma_start3A_129 = tpu.memref_slice %arg15[%run_scoped3A_91, %dma_start3A] : memref<16x640xf32, #tpu.memory_space<vmem>> -> memref<1x640xf32, #tpu.memory_space<vmem>>
      %dma_start3A_130 = tpu.memref_squeeze %dma_start3A_129 : memref<1x640xf32, #tpu.memory_space<vmem>> -> memref<640xf32, #tpu.memory_space<vmem>>
      %dma_start3A_131 = tpu.memref_slice %arg25[%run_scoped3A_90, %mul3A_89] : memref<16x10240xf32, #tpu.memory_space<vmem_shared>> -> memref<1x640xf32, #tpu.memory_space<vmem_shared>>
      %dma_start3A_132 = tpu.memref_squeeze %dma_start3A_131 : memref<1x640xf32, #tpu.memory_space<vmem_shared>> -> memref<640xf32, #tpu.memory_space<vmem_shared>>
      %dma_start3A_133 = arith.constant 0 : i32
      %dma_start3A_134 = tpu.memref_slice %arg15[%run_scoped3A_91, %dma_start3A_133] : memref<16x640xf32, #tpu.memory_space<vmem>> -> memref<1x640xf32, #tpu.memory_space<vmem>>
      %dma_start3A_135 = tpu.memref_squeeze %dma_start3A_134 : memref<1x640xf32, #tpu.memory_space<vmem>> -> memref<640xf32, #tpu.memory_space<vmem>>
      %dma_start3A_136 = tpu.memref_slice %arg25[%run_scoped3A_90, %mul3A_89] : memref<16x10240xf32, #tpu.memory_space<vmem_shared>> -> memref<1x640xf32, #tpu.memory_space<vmem_shared>>
      %dma_start3A_137 = tpu.memref_squeeze %dma_start3A_136 : memref<1x640xf32, #tpu.memory_space<vmem_shared>> -> memref<640xf32, #tpu.memory_space<vmem_shared>>
      tpu.enqueue_dma source(%dma_start3A_137 : memref<640xf32, #tpu.memory_space<vmem_shared>>) target(%dma_start3A_135 : memref<640xf32, #tpu.memory_space<vmem>>) target_semaphore(%run_scoped3A_128 : memref<!tpu.dma_semaphore, #tpu.memory_space<semaphore_mem>>)
      %dma_wait3A = arith.constant 0 : i32
      %dma_wait3A_138 = tpu.memref_slice %arg15[%run_scoped3A_91, %dma_wait3A] : memref<16x640xf32, #tpu.memory_space<vmem>> -> memref<1x640xf32, #tpu.memory_space<vmem>>
      %dma_wait3A_139 = tpu.memref_squeeze %dma_wait3A_138 : memref<1x640xf32, #tpu.memory_space<vmem>> -> memref<640xf32, #tpu.memory_space<vmem>>
      %dma_wait3A_140 = tpu.memref_slice %arg25[%run_scoped3A_90, %mul3A_89] : memref<16x10240xf32, #tpu.memory_space<vmem_shared>> -> memref<1x640xf32, #tpu.memory_space<vmem_shared>>
      %dma_wait3A_141 = tpu.memref_squeeze %dma_wait3A_140 : memref<1x640xf32, #tpu.memory_space<vmem_shared>> -> memref<640xf32, #tpu.memory_space<vmem_shared>>
      %dma_wait3A_142 = arith.constant 0 : i32
      %dma_wait3A_143 = tpu.memref_slice %arg15[%run_scoped3A_91, %dma_wait3A_142] : memref<16x640xf32, #tpu.memory_space<vmem>> -> memref<1x640xf32, #tpu.memory_space<vmem>>
      %dma_wait3A_144 = tpu.memref_squeeze %dma_wait3A_143 : memref<1x640xf32, #tpu.memory_space<vmem>> -> memref<640xf32, #tpu.memory_space<vmem>>
      %dma_wait3A_145 = tpu.memref_slice %arg25[%run_scoped3A_90, %mul3A_89] : memref<16x10240xf32, #tpu.memory_space<vmem_shared>> -> memref<1x640xf32, #tpu.memory_space<vmem_shared>>
      %dma_wait3A_146 = tpu.memref_squeeze %dma_wait3A_145 : memref<1x640xf32, #tpu.memory_space<vmem_shared>> -> memref<640xf32, #tpu.memory_space<vmem_shared>>
      tpu.wait_dma2 semaphore(%run_scoped3A_128 : memref<!tpu.dma_semaphore, #tpu.memory_space<semaphore_mem>>) src(%dma_wait3A_146 : memref<640xf32, #tpu.memory_space<vmem_shared>>) dst(%dma_wait3A_144 : memref<640xf32, #tpu.memory_space<vmem>>)
      tpu.yield
    }) : () -> ()
    "tpu.region"() ({
      %run_scoped3A_128 = tpu.sem_alloc : memref<!tpu.dma_semaphore, #tpu.memory_space<semaphore_mem>>
      tpu.enqueue_dma source(%arg26 : memref<16x256xf32, #tpu.memory_space<vmem_shared>>) target(%arg16 : memref<16x256xf32, #tpu.memory_space<vmem>>) target_semaphore(%run_scoped3A_128 : memref<!tpu.dma_semaphore, #tpu.memory_space<semaphore_mem>>)
      tpu.wait_dma2 semaphore(%run_scoped3A_128 : memref<!tpu.dma_semaphore, #tpu.memory_space<semaphore_mem>>) src(%arg26 : memref<16x256xf32, #tpu.memory_space<vmem_shared>>) dst(%arg16 : memref<16x256xf32, #tpu.memory_space<vmem>>)
      tpu.yield
    }) : () -> ()
    %mul3A_92 = arith.constant 640 : i32
    %mul3A_93 = arith.muli %arg1, %mul3A_92 : i32
    "tpu.region"() ({
      %run_scoped3A_128 = tpu.sem_alloc : memref<!tpu.dma_semaphore, #tpu.memory_space<semaphore_mem>>
      %dma_start3A = tpu.memref_slice %arg4[%mul3A_93] : memref<10240xi32, #tpu.memory_space<hbm>> -> memref<640xi32, #tpu.memory_space<hbm>>
      %dma_start3A_129 = tpu.memref_slice %arg4[%mul3A_93] : memref<10240xi32, #tpu.memory_space<hbm>> -> memref<640xi32, #tpu.memory_space<hbm>>
      tpu.enqueue_dma source(%dma_start3A_129 : memref<640xi32, #tpu.memory_space<hbm>>) target(%arg21 : memref<640xi32, #tpu.memory_space<vmem>>) target_semaphore(%run_scoped3A_128 : memref<!tpu.dma_semaphore, #tpu.memory_space<semaphore_mem>>)
      %dma_wait3A = tpu.memref_slice %arg4[%mul3A_93] : memref<10240xi32, #tpu.memory_space<hbm>> -> memref<640xi32, #tpu.memory_space<hbm>>
      %dma_wait3A_130 = tpu.memref_slice %arg4[%mul3A_93] : memref<10240xi32, #tpu.memory_space<hbm>> -> memref<640xi32, #tpu.memory_space<hbm>>
      tpu.wait_dma2 semaphore(%run_scoped3A_128 : memref<!tpu.dma_semaphore, #tpu.memory_space<semaphore_mem>>) src(%dma_wait3A_130 : memref<640xi32, #tpu.memory_space<hbm>>) dst(%arg21 : memref<640xi32, #tpu.memory_space<vmem>>)
      tpu.yield
    }) : () -> ()
    %mul3A_94 = arith.constant 640 : i32
    %mul3A_95 = arith.muli %arg1, %mul3A_94 : i32
    %mul3A_96 = arith.constant 8 : i32
    %mul3A_97 = arith.muli %mul3A_95, %mul3A_96 : i32
    "tpu.region"() ({
      %run_scoped3A_128 = tpu.sem_alloc : memref<!tpu.dma_semaphore, #tpu.memory_space<semaphore_mem>>
      %dma_start3A = tpu.memref_slice %arg5[%mul3A_97] : memref<81920xf32, #tpu.memory_space<hbm>> -> memref<5120xf32, #tpu.memory_space<hbm>>
      %dma_start3A_129 = tpu.memref_slice %arg5[%mul3A_97] : memref<81920xf32, #tpu.memory_space<hbm>> -> memref<5120xf32, #tpu.memory_space<hbm>>
      tpu.enqueue_dma source(%dma_start3A_129 : memref<5120xf32, #tpu.memory_space<hbm>>) target(%arg22 : memref<5120xf32, #tpu.memory_space<vmem>>) target_semaphore(%run_scoped3A_128 : memref<!tpu.dma_semaphore, #tpu.memory_space<semaphore_mem>>)
      %dma_wait3A = tpu.memref_slice %arg5[%mul3A_97] : memref<81920xf32, #tpu.memory_space<hbm>> -> memref<5120xf32, #tpu.memory_space<hbm>>
      %dma_wait3A_130 = tpu.memref_slice %arg5[%mul3A_97] : memref<81920xf32, #tpu.memory_space<hbm>> -> memref<5120xf32, #tpu.memory_space<hbm>>
      tpu.wait_dma2 semaphore(%run_scoped3A_128 : memref<!tpu.dma_semaphore, #tpu.memory_space<semaphore_mem>>) src(%dma_wait3A_130 : memref<5120xf32, #tpu.memory_space<hbm>>) dst(%arg22 : memref<5120xf32, #tpu.memory_space<vmem>>)
      tpu.yield
    }) : () -> ()
    %scan3A_98 = arith.constant 0 : i32
    %scan3A_99 = arith.constant 0 : i32
    %scan3A_100 = arith.constant 16 : i32
    %scan3A_101 = arith.addi %scan3A_99, %scan3A_100 : i32
    %scan3A_102 = arith.constant 1 : i32
    scf.for %scan3A_128 = %scan3A_99 to %scan3A_101 step %scan3A_102  : i32 {
      %mul3A_129 = arith.constant 16 : i32
      %mul3A_130 = arith.muli %scan3A_128, %mul3A_129 : i32
      %get3A = arith.constant 0 : i32
      %get3A_131 = arith.index_cast %get3A : i32 to index
      %get3A_132 = arith.index_cast %mul3A_130 : i32 to index
      %get3A_133 = tpu.vector_load %arg16[%get3A_131, %get3A_132] {strides = array<i32>} : memref<16x256xf32, #tpu.memory_space<vmem>>, vector<16xf32>,
      %mul3A_134 = arith.constant 16 : i32
      %mul3A_135 = arith.muli %scan3A_128, %mul3A_134 : i32
      %get3A_136 = arith.constant 1 : i32
      %get3A_137 = arith.index_cast %get3A_136 : i32 to index
      %get3A_138 = arith.index_cast %mul3A_135 : i32 to index
      %get3A_139 = tpu.vector_load %arg16[%get3A_137, %get3A_138] {strides = array<i32>} : memref<16x256xf32, #tpu.memory_space<vmem>>, vector<16xf32>,
      %add3A = arith.addf %get3A_133, %get3A_139 : vector<16xf32>
      %mul3A_140 = arith.constant 16 : i32
      %mul3A_141 = arith.muli %scan3A_128, %mul3A_140 : i32
      %get3A_142 = arith.constant 2 : i32
      %get3A_143 = arith.index_cast %get3A_142 : i32 to index
      %get3A_144 = arith.index_cast %mul3A_141 : i32 to index
      %get3A_145 = tpu.vector_load %arg16[%get3A_143, %get3A_144] {strides = array<i32>} : memref<16x256xf32, #tpu.memory_space<vmem>>, vector<16xf32>,
      %add3A_146 = arith.addf %add3A, %get3A_145 : vector<16xf32>
      %mul3A_147 = arith.constant 16 : i32
      %mul3A_148 = arith.muli %scan3A_128, %mul3A_147 : i32
      %get3A_149 = arith.constant 3 : i32
      %get3A_150 = arith.index_cast %get3A_149 : i32 to index
      %get3A_151 = arith.index_cast %mul3A_148 : i32 to index
      %get3A_152 = tpu.vector_load %arg16[%get3A_150, %get3A_151] {strides = array<i32>} : memref<16x256xf32, #tpu.memory_space<vmem>>, vector<16xf32>,
      %add3A_153 = arith.addf %add3A_146, %get3A_152 : vector<16xf32>
      %mul3A_154 = arith.constant 16 : i32
      %mul3A_155 = arith.muli %scan3A_128, %mul3A_154 : i32
      %get3A_156 = arith.constant 4 : i32
      %get3A_157 = arith.index_cast %get3A_156 : i32 to index
      %get3A_158 = arith.index_cast %mul3A_155 : i32 to index
      %get3A_159 = tpu.vector_load %arg16[%get3A_157, %get3A_158] {strides = array<i32>} : memref<16x256xf32, #tpu.memory_space<vmem>>, vector<16xf32>,
      %add3A_160 = arith.addf %add3A_153, %get3A_159 : vector<16xf32>
      %mul3A_161 = arith.constant 16 : i32
      %mul3A_162 = arith.muli %scan3A_128, %mul3A_161 : i32
      %get3A_163 = arith.constant 5 : i32
      %get3A_164 = arith.index_cast %get3A_163 : i32 to index
      %get3A_165 = arith.index_cast %mul3A_162 : i32 to index
      %get3A_166 = tpu.vector_load %arg16[%get3A_164, %get3A_165] {strides = array<i32>} : memref<16x256xf32, #tpu.memory_space<vmem>>, vector<16xf32>,
      %add3A_167 = arith.addf %add3A_160, %get3A_166 : vector<16xf32>
      %mul3A_168 = arith.constant 16 : i32
      %mul3A_169 = arith.muli %scan3A_128, %mul3A_168 : i32
      %get3A_170 = arith.constant 6 : i32
      %get3A_171 = arith.index_cast %get3A_170 : i32 to index
      %get3A_172 = arith.index_cast %mul3A_169 : i32 to index
      %get3A_173 = tpu.vector_load %arg16[%get3A_171, %get3A_172] {strides = array<i32>} : memref<16x256xf32, #tpu.memory_space<vmem>>, vector<16xf32>,
      %add3A_174 = arith.addf %add3A_167, %get3A_173 : vector<16xf32>
      %mul3A_175 = arith.constant 16 : i32
      %mul3A_176 = arith.muli %scan3A_128, %mul3A_175 : i32
      %get3A_177 = arith.constant 7 : i32
      %get3A_178 = arith.index_cast %get3A_177 : i32 to index
      %get3A_179 = arith.index_cast %mul3A_176 : i32 to index
      %get3A_180 = tpu.vector_load %arg16[%get3A_178, %get3A_179] {strides = array<i32>} : memref<16x256xf32, #tpu.memory_space<vmem>>, vector<16xf32>,
      %add3A_181 = arith.addf %add3A_174, %get3A_180 : vector<16xf32>
      %mul3A_182 = arith.constant 16 : i32
      %mul3A_183 = arith.muli %scan3A_128, %mul3A_182 : i32
      %get3A_184 = arith.constant 8 : i32
      %get3A_185 = arith.index_cast %get3A_184 : i32 to index
      %get3A_186 = arith.index_cast %mul3A_183 : i32 to index
      %get3A_187 = tpu.vector_load %arg16[%get3A_185, %get3A_186] {strides = array<i32>} : memref<16x256xf32, #tpu.memory_space<vmem>>, vector<16xf32>,
      %add3A_188 = arith.addf %add3A_181, %get3A_187 : vector<16xf32>
      %mul3A_189 = arith.constant 16 : i32
      %mul3A_190 = arith.muli %scan3A_128, %mul3A_189 : i32
      %get3A_191 = arith.constant 9 : i32
      %get3A_192 = arith.index_cast %get3A_191 : i32 to index
      %get3A_193 = arith.index_cast %mul3A_190 : i32 to index
      %get3A_194 = tpu.vector_load %arg16[%get3A_192, %get3A_193] {strides = array<i32>} : memref<16x256xf32, #tpu.memory_space<vmem>>, vector<16xf32>,
      %add3A_195 = arith.addf %add3A_188, %get3A_194 : vector<16xf32>
      %mul3A_196 = arith.constant 16 : i32
      %mul3A_197 = arith.muli %scan3A_128, %mul3A_196 : i32
      %get3A_198 = arith.constant 10 : i32
      %get3A_199 = arith.index_cast %get3A_198 : i32 to index
      %get3A_200 = arith.index_cast %mul3A_197 : i32 to index
      %get3A_201 = tpu.vector_load %arg16[%get3A_199, %get3A_200] {strides = array<i32>} : memref<16x256xf32, #tpu.memory_space<vmem>>, vector<16xf32>,
      %add3A_202 = arith.addf %add3A_195, %get3A_201 : vector<16xf32>
      %mul3A_203 = arith.constant 16 : i32
      %mul3A_204 = arith.muli %scan3A_128, %mul3A_203 : i32
      %get3A_205 = arith.constant 11 : i32
      %get3A_206 = arith.index_cast %get3A_205 : i32 to index
      %get3A_207 = arith.index_cast %mul3A_204 : i32 to index
      %get3A_208 = tpu.vector_load %arg16[%get3A_206, %get3A_207] {strides = array<i32>} : memref<16x256xf32, #tpu.memory_space<vmem>>, vector<16xf32>,
      %add3A_209 = arith.addf %add3A_202, %get3A_208 : vector<16xf32>
      %mul3A_210 = arith.constant 16 : i32
      %mul3A_211 = arith.muli %scan3A_128, %mul3A_210 : i32
      %get3A_212 = arith.constant 12 : i32
      %get3A_213 = arith.index_cast %get3A_212 : i32 to index
      %get3A_214 = arith.index_cast %mul3A_211 : i32 to index
      %get3A_215 = tpu.vector_load %arg16[%get3A_213, %get3A_214] {strides = array<i32>} : memref<16x256xf32, #tpu.memory_space<vmem>>, vector<16xf32>,
      %add3A_216 = arith.addf %add3A_209, %get3A_215 : vector<16xf32>
      %mul3A_217 = arith.constant 16 : i32
      %mul3A_218 = arith.muli %scan3A_128, %mul3A_217 : i32
      %get3A_219 = arith.constant 13 : i32
      %get3A_220 = arith.index_cast %get3A_219 : i32 to index
      %get3A_221 = arith.index_cast %mul3A_218 : i32 to index
      %get3A_222 = tpu.vector_load %arg16[%get3A_220, %get3A_221] {strides = array<i32>} : memref<16x256xf32, #tpu.memory_space<vmem>>, vector<16xf32>,
      %add3A_223 = arith.addf %add3A_216, %get3A_222 : vector<16xf32>
      %mul3A_224 = arith.constant 16 : i32
      %mul3A_225 = arith.muli %scan3A_128, %mul3A_224 : i32
      %get3A_226 = arith.constant 14 : i32
      %get3A_227 = arith.index_cast %get3A_226 : i32 to index
      %get3A_228 = arith.index_cast %mul3A_225 : i32 to index
      %get3A_229 = tpu.vector_load %arg16[%get3A_227, %get3A_228] {strides = array<i32>} : memref<16x256xf32, #tpu.memory_space<vmem>>, vector<16xf32>,
      %add3A_230 = arith.addf %add3A_223, %get3A_229 : vector<16xf32>
      %mul3A_231 = arith.constant 16 : i32
      %mul3A_232 = arith.muli %scan3A_128, %mul3A_231 : i32
      %get3A_233 = arith.constant 15 : i32
      %get3A_234 = arith.index_cast %get3A_233 : i32 to index
      %get3A_235 = arith.index_cast %mul3A_232 : i32 to index
      %get3A_236 = tpu.vector_load %arg16[%get3A_234, %get3A_235] {strides = array<i32>} : memref<16x256xf32, #tpu.memory_space<vmem>>, vector<16xf32>,
      %add3A_237 = arith.addf %add3A_230, %get3A_236 : vector<16xf32>
      %max3A = arith.constant 1.000000e+00 : f32
      %max3A_238 = vector.broadcast %max3A : f32 to vector<16xf32>
      %max3A_239 = arith.maximumf %add3A_237, %max3A_238 : vector<16xf32>
      %bitcast3A = vector.bitcast %max3A_239 : vector<16xf32> to vector<16xi32>
      %shift_right_arithmetic3A = arith.constant 1 : i32
      %shift_right_arithmetic3A_240 = vector.broadcast %shift_right_arithmetic3A : i32 to vector<16xi32>
      %shift_right_arithmetic3A_241 = arith.shrsi %bitcast3A, %shift_right_arithmetic3A_240 : vector<16xi32>
      %sub3A = arith.constant 1597463007 : i32
      %sub3A_242 = vector.broadcast %sub3A : i32 to vector<16xi32>
      %sub3A_243 = arith.subi %sub3A_242, %shift_right_arithmetic3A_241 : vector<16xi32>
      %bitcast3A_244 = vector.bitcast %sub3A_243 : vector<16xi32> to vector<16xf32>
      %mul3A_245 = arith.constant 5.000000e-01 : f32
      %mul3A_246 = vector.broadcast %mul3A_245 : f32 to vector<16xf32>
      %mul3A_247 = arith.mulf %mul3A_246, %max3A_239 : vector<16xf32>
      %mul3A_248 = arith.mulf %mul3A_247, %bitcast3A_244 : vector<16xf32>
      %mul3A_249 = arith.mulf %mul3A_248, %bitcast3A_244 : vector<16xf32>
      %sub3A_250 = arith.constant 1.500000e+00 : f32
      %sub3A_251 = vector.broadcast %sub3A_250 : f32 to vector<16xf32>
      %sub3A_252 = arith.subf %sub3A_251, %mul3A_249 : vector<16xf32>
      %mul3A_253 = arith.mulf %bitcast3A_244, %sub3A_252 : vector<16xf32>
      %mul3A_254 = arith.constant 5.000000e-01 : f32
      %mul3A_255 = vector.broadcast %mul3A_254 : f32 to vector<16xf32>
      %mul3A_256 = arith.mulf %mul3A_255, %max3A_239 : vector<16xf32>
      %mul3A_257 = arith.mulf %mul3A_256, %mul3A_253 : vector<16xf32>
      %mul3A_258 = arith.mulf %mul3A_257, %mul3A_253 : vector<16xf32>
      %sub3A_259 = arith.constant 1.500000e+00 : f32
      %sub3A_260 = vector.broadcast %sub3A_259 : f32 to vector<16xf32>
      %sub3A_261 = arith.subf %sub3A_260, %mul3A_258 : vector<16xf32>
      %mul3A_262 = arith.mulf %mul3A_253, %sub3A_261 : vector<16xf32>
      %mul3A_263 = arith.constant 5.000000e-01 : f32
      %mul3A_264 = vector.broadcast %mul3A_263 : f32 to vector<16xf32>
      %mul3A_265 = arith.mulf %mul3A_264, %max3A_239 : vector<16xf32>
      %mul3A_266 = arith.mulf %mul3A_265, %mul3A_262 : vector<16xf32>
      %mul3A_267 = arith.mulf %mul3A_266, %mul3A_262 : vector<16xf32>
      %sub3A_268 = arith.constant 1.500000e+00 : f32
      %sub3A_269 = vector.broadcast %sub3A_268 : f32 to vector<16xf32>
      %sub3A_270 = arith.subf %sub3A_269, %mul3A_267 : vector<16xf32>
      %mul3A_271 = arith.mulf %mul3A_262, %sub3A_270 : vector<16xf32>
      %mul3A_272 = arith.mulf %mul3A_271, %mul3A_271 : vector<16xf32>
      %mul3A_273 = arith.constant 16 : i32
      %mul3A_274 = arith.muli %scan3A_128, %mul3A_273 : i32
      %swap3A = arith.index_cast %mul3A_274 : i32 to index
      %swap3A_275 = tpu.vector_load %arg17[%swap3A] {strides = array<i32>} : memref<256xf32, #tpu.memory_space<vmem>>, vector<16xf32>,
      tpu.vector_store %arg17[%swap3A], %mul3A_272 {strides = array<i32>} : memref<256xf32, #tpu.memory_space<vmem>>, vector<16xf32>,
    }
    %scan3A_103 = arith.constant 16 : i32
    %scan3A_104 = arith.constant 0 : i32
    %scan3A_105 = arith.constant 0 : i32
    %scan3A_106 = arith.constant 40 : i32
    %scan3A_107 = arith.addi %scan3A_105, %scan3A_106 : i32
    %scan3A_108 = arith.constant 1 : i32
    scf.for %scan3A_128 = %scan3A_105 to %scan3A_107 step %scan3A_108  : i32 {
      %mul3A_129 = arith.constant 16 : i32
      %mul3A_130 = arith.muli %scan3A_128, %mul3A_129 : i32
      %get3A = arith.constant 0 : i32
      %get3A_131 = arith.index_cast %get3A : i32 to index
      %get3A_132 = arith.index_cast %mul3A_130 : i32 to index
      %get3A_133 = tpu.vector_load %arg15[%get3A_131, %get3A_132] {strides = array<i32>} : memref<16x640xf32, #tpu.memory_space<vmem>>, vector<16xf32>,
      %mul3A_134 = arith.constant 16 : i32
      %mul3A_135 = arith.muli %scan3A_128, %mul3A_134 : i32
      %get3A_136 = arith.constant 1 : i32
      %get3A_137 = arith.index_cast %get3A_136 : i32 to index
      %get3A_138 = arith.index_cast %mul3A_135 : i32 to index
      %get3A_139 = tpu.vector_load %arg15[%get3A_137, %get3A_138] {strides = array<i32>} : memref<16x640xf32, #tpu.memory_space<vmem>>, vector<16xf32>,
      %add3A = arith.addf %get3A_133, %get3A_139 : vector<16xf32>
      %mul3A_140 = arith.constant 16 : i32
      %mul3A_141 = arith.muli %scan3A_128, %mul3A_140 : i32
      %get3A_142 = arith.constant 2 : i32
      %get3A_143 = arith.index_cast %get3A_142 : i32 to index
      %get3A_144 = arith.index_cast %mul3A_141 : i32 to index
      %get3A_145 = tpu.vector_load %arg15[%get3A_143, %get3A_144] {strides = array<i32>} : memref<16x640xf32, #tpu.memory_space<vmem>>, vector<16xf32>,
      %add3A_146 = arith.addf %add3A, %get3A_145 : vector<16xf32>
      %mul3A_147 = arith.constant 16 : i32
      %mul3A_148 = arith.muli %scan3A_128, %mul3A_147 : i32
      %get3A_149 = arith.constant 3 : i32
      %get3A_150 = arith.index_cast %get3A_149 : i32 to index
      %get3A_151 = arith.index_cast %mul3A_148 : i32 to index
      %get3A_152 = tpu.vector_load %arg15[%get3A_150, %get3A_151] {strides = array<i32>} : memref<16x640xf32, #tpu.memory_space<vmem>>, vector<16xf32>,
      %add3A_153 = arith.addf %add3A_146, %get3A_152 : vector<16xf32>
      %mul3A_154 = arith.constant 16 : i32
      %mul3A_155 = arith.muli %scan3A_128, %mul3A_154 : i32
      %get3A_156 = arith.constant 4 : i32
      %get3A_157 = arith.index_cast %get3A_156 : i32 to index
      %get3A_158 = arith.index_cast %mul3A_155 : i32 to index
      %get3A_159 = tpu.vector_load %arg15[%get3A_157, %get3A_158] {strides = array<i32>} : memref<16x640xf32, #tpu.memory_space<vmem>>, vector<16xf32>,
      %add3A_160 = arith.addf %add3A_153, %get3A_159 : vector<16xf32>
      %mul3A_161 = arith.constant 16 : i32
      %mul3A_162 = arith.muli %scan3A_128, %mul3A_161 : i32
      %get3A_163 = arith.constant 5 : i32
      %get3A_164 = arith.index_cast %get3A_163 : i32 to index
      %get3A_165 = arith.index_cast %mul3A_162 : i32 to index
      %get3A_166 = tpu.vector_load %arg15[%get3A_164, %get3A_165] {strides = array<i32>} : memref<16x640xf32, #tpu.memory_space<vmem>>, vector<16xf32>,
      %add3A_167 = arith.addf %add3A_160, %get3A_166 : vector<16xf32>
      %mul3A_168 = arith.constant 16 : i32
      %mul3A_169 = arith.muli %scan3A_128, %mul3A_168 : i32
      %get3A_170 = arith.constant 6 : i32
      %get3A_171 = arith.index_cast %get3A_170 : i32 to index
      %get3A_172 = arith.index_cast %mul3A_169 : i32 to index
      %get3A_173 = tpu.vector_load %arg15[%get3A_171, %get3A_172] {strides = array<i32>} : memref<16x640xf32, #tpu.memory_space<vmem>>, vector<16xf32>,
      %add3A_174 = arith.addf %add3A_167, %get3A_173 : vector<16xf32>
      %mul3A_175 = arith.constant 16 : i32
      %mul3A_176 = arith.muli %scan3A_128, %mul3A_175 : i32
      %get3A_177 = arith.constant 7 : i32
      %get3A_178 = arith.index_cast %get3A_177 : i32 to index
      %get3A_179 = arith.index_cast %mul3A_176 : i32 to index
      %get3A_180 = tpu.vector_load %arg15[%get3A_178, %get3A_179] {strides = array<i32>} : memref<16x640xf32, #tpu.memory_space<vmem>>, vector<16xf32>,
      %add3A_181 = arith.addf %add3A_174, %get3A_180 : vector<16xf32>
      %mul3A_182 = arith.constant 16 : i32
      %mul3A_183 = arith.muli %scan3A_128, %mul3A_182 : i32
      %get3A_184 = arith.constant 8 : i32
      %get3A_185 = arith.index_cast %get3A_184 : i32 to index
      %get3A_186 = arith.index_cast %mul3A_183 : i32 to index
      %get3A_187 = tpu.vector_load %arg15[%get3A_185, %get3A_186] {strides = array<i32>} : memref<16x640xf32, #tpu.memory_space<vmem>>, vector<16xf32>,
      %add3A_188 = arith.addf %add3A_181, %get3A_187 : vector<16xf32>
      %mul3A_189 = arith.constant 16 : i32
      %mul3A_190 = arith.muli %scan3A_128, %mul3A_189 : i32
      %get3A_191 = arith.constant 9 : i32
      %get3A_192 = arith.index_cast %get3A_191 : i32 to index
      %get3A_193 = arith.index_cast %mul3A_190 : i32 to index
      %get3A_194 = tpu.vector_load %arg15[%get3A_192, %get3A_193] {strides = array<i32>} : memref<16x640xf32, #tpu.memory_space<vmem>>, vector<16xf32>,
      %add3A_195 = arith.addf %add3A_188, %get3A_194 : vector<16xf32>
      %mul3A_196 = arith.constant 16 : i32
      %mul3A_197 = arith.muli %scan3A_128, %mul3A_196 : i32
      %get3A_198 = arith.constant 10 : i32
      %get3A_199 = arith.index_cast %get3A_198 : i32 to index
      %get3A_200 = arith.index_cast %mul3A_197 : i32 to index
      %get3A_201 = tpu.vector_load %arg15[%get3A_199, %get3A_200] {strides = array<i32>} : memref<16x640xf32, #tpu.memory_space<vmem>>, vector<16xf32>,
      %add3A_202 = arith.addf %add3A_195, %get3A_201 : vector<16xf32>
      %mul3A_203 = arith.constant 16 : i32
      %mul3A_204 = arith.muli %scan3A_128, %mul3A_203 : i32
      %get3A_205 = arith.constant 11 : i32
      %get3A_206 = arith.index_cast %get3A_205 : i32 to index
      %get3A_207 = arith.index_cast %mul3A_204 : i32 to index
      %get3A_208 = tpu.vector_load %arg15[%get3A_206, %get3A_207] {strides = array<i32>} : memref<16x640xf32, #tpu.memory_space<vmem>>, vector<16xf32>,
      %add3A_209 = arith.addf %add3A_202, %get3A_208 : vector<16xf32>
      %mul3A_210 = arith.constant 16 : i32
      %mul3A_211 = arith.muli %scan3A_128, %mul3A_210 : i32
      %get3A_212 = arith.constant 12 : i32
      %get3A_213 = arith.index_cast %get3A_212 : i32 to index
      %get3A_214 = arith.index_cast %mul3A_211 : i32 to index
      %get3A_215 = tpu.vector_load %arg15[%get3A_213, %get3A_214] {strides = array<i32>} : memref<16x640xf32, #tpu.memory_space<vmem>>, vector<16xf32>,
      %add3A_216 = arith.addf %add3A_209, %get3A_215 : vector<16xf32>
      %mul3A_217 = arith.constant 16 : i32
      %mul3A_218 = arith.muli %scan3A_128, %mul3A_217 : i32
      %get3A_219 = arith.constant 13 : i32
      %get3A_220 = arith.index_cast %get3A_219 : i32 to index
      %get3A_221 = arith.index_cast %mul3A_218 : i32 to index
      %get3A_222 = tpu.vector_load %arg15[%get3A_220, %get3A_221] {strides = array<i32>} : memref<16x640xf32, #tpu.memory_space<vmem>>, vector<16xf32>,
      %add3A_223 = arith.addf %add3A_216, %get3A_222 : vector<16xf32>
      %mul3A_224 = arith.constant 16 : i32
      %mul3A_225 = arith.muli %scan3A_128, %mul3A_224 : i32
      %get3A_226 = arith.constant 14 : i32
      %get3A_227 = arith.index_cast %get3A_226 : i32 to index
      %get3A_228 = arith.index_cast %mul3A_225 : i32 to index
      %get3A_229 = tpu.vector_load %arg15[%get3A_227, %get3A_228] {strides = array<i32>} : memref<16x640xf32, #tpu.memory_space<vmem>>, vector<16xf32>,
      %add3A_230 = arith.addf %add3A_223, %get3A_229 : vector<16xf32>
      %mul3A_231 = arith.constant 16 : i32
      %mul3A_232 = arith.muli %scan3A_128, %mul3A_231 : i32
      %get3A_233 = arith.constant 15 : i32
      %get3A_234 = arith.index_cast %get3A_233 : i32 to index
      %get3A_235 = arith.index_cast %mul3A_232 : i32 to index
      %get3A_236 = tpu.vector_load %arg15[%get3A_234, %get3A_235] {strides = array<i32>} : memref<16x640xf32, #tpu.memory_space<vmem>>, vector<16xf32>,
      %add3A_237 = arith.addf %add3A_230, %get3A_236 : vector<16xf32>
      %mul3A_238 = arith.constant 640 : i32
      %mul3A_239 = arith.muli %arg1, %mul3A_238 : i32
      %mul3A_240 = arith.constant 16 : i32
      %mul3A_241 = arith.muli %scan3A_128, %mul3A_240 : i32
      %add3A_242 = arith.addi %mul3A_239, %mul3A_241 : i32
      %add3A_243 = vector.broadcast %add3A_242 : i32 to vector<16xi32>
      %add3A_244 = arith.addi %add3A_243, %iota3A : vector<16xi32>
      %lt3A = arith.constant 10000 : i32
      %lt3A_245 = vector.broadcast %lt3A : i32 to vector<16xi32>
      %lt3A_246 = arith.cmpi slt, %add3A_244, %lt3A_245 : vector<16xi32>
      %jit3A = arith.constant 1.000000e+00 : f32
      %jit3A_247 = arith.constant 0.000000e+00 : f32
      %broadcast_in_dim3A_248 = vector.broadcast %jit3A : f32 to vector<16xf32>
      %broadcast_in_dim3A_249 = vector.broadcast %jit3A_247 : f32 to vector<16xf32>
      %select_n3A = arith.select %lt3A_246, %broadcast_in_dim3A_248, %broadcast_in_dim3A_249 : vector<16xi1>, vector<16xf32>
      %add3A_250 = arith.addf %add3A_237, %select_n3A : vector<16xf32>
      %gt3A = arith.constant 0.000000e+00 : f32
      %gt3A_251 = vector.broadcast %gt3A : f32 to vector<16xf32>
      %gt3A_252 = arith.cmpf ogt, %add3A_250, %gt3A_251 : vector<16xf32>
      %bitcast3A = vector.bitcast %add3A_250 : vector<16xf32> to vector<16xi32>
      %shift_right_arithmetic3A = arith.constant 1 : i32
      %shift_right_arithmetic3A_253 = vector.broadcast %shift_right_arithmetic3A : i32 to vector<16xi32>
      %shift_right_arithmetic3A_254 = arith.shrsi %bitcast3A, %shift_right_arithmetic3A_253 : vector<16xi32>
      %sub3A = arith.constant 1597463007 : i32
      %sub3A_255 = vector.broadcast %sub3A : i32 to vector<16xi32>
      %sub3A_256 = arith.subi %sub3A_255, %shift_right_arithmetic3A_254 : vector<16xi32>
      %bitcast3A_257 = vector.bitcast %sub3A_256 : vector<16xi32> to vector<16xf32>
      %mul3A_258 = arith.constant 5.000000e-01 : f32
      %mul3A_259 = vector.broadcast %mul3A_258 : f32 to vector<16xf32>
      %mul3A_260 = arith.mulf %mul3A_259, %add3A_250 : vector<16xf32>
      %mul3A_261 = arith.mulf %mul3A_260, %bitcast3A_257 : vector<16xf32>
      %mul3A_262 = arith.mulf %mul3A_261, %bitcast3A_257 : vector<16xf32>
      %sub3A_263 = arith.constant 1.500000e+00 : f32
      %sub3A_264 = vector.broadcast %sub3A_263 : f32 to vector<16xf32>
      %sub3A_265 = arith.subf %sub3A_264, %mul3A_262 : vector<16xf32>
      %mul3A_266 = arith.mulf %bitcast3A_257, %sub3A_265 : vector<16xf32>
      %mul3A_267 = arith.constant 5.000000e-01 : f32
      %mul3A_268 = vector.broadcast %mul3A_267 : f32 to vector<16xf32>
      %mul3A_269 = arith.mulf %mul3A_268, %add3A_250 : vector<16xf32>
      %mul3A_270 = arith.mulf %mul3A_269, %mul3A_266 : vector<16xf32>
      %mul3A_271 = arith.mulf %mul3A_270, %mul3A_266 : vector<16xf32>
      %sub3A_272 = arith.constant 1.500000e+00 : f32
      %sub3A_273 = vector.broadcast %sub3A_272 : f32 to vector<16xf32>
      %sub3A_274 = arith.subf %sub3A_273, %mul3A_271 : vector<16xf32>
      %mul3A_275 = arith.mulf %mul3A_266, %sub3A_274 : vector<16xf32>
      %mul3A_276 = arith.constant 5.000000e-01 : f32
      %mul3A_277 = vector.broadcast %mul3A_276 : f32 to vector<16xf32>
      %mul3A_278 = arith.mulf %mul3A_277, %add3A_250 : vector<16xf32>
      %mul3A_279 = arith.mulf %mul3A_278, %mul3A_275 : vector<16xf32>
      %mul3A_280 = arith.mulf %mul3A_279, %mul3A_275 : vector<16xf32>
      %sub3A_281 = arith.constant 1.500000e+00 : f32
      %sub3A_282 = vector.broadcast %sub3A_281 : f32 to vector<16xf32>
      %sub3A_283 = arith.subf %sub3A_282, %mul3A_280 : vector<16xf32>
      %mul3A_284 = arith.mulf %mul3A_275, %sub3A_283 : vector<16xf32>
      %jit3A_285 = arith.constant 0.000000e+00 : f32
      %broadcast_in_dim3A_286 = vector.broadcast %jit3A_285 : f32 to vector<16xf32>
      %select_n3A_287 = arith.select %gt3A_252, %mul3A_284, %broadcast_in_dim3A_286 : vector<16xi1>, vector<16xf32>
      %mul3A_288 = arith.constant 16 : i32
      %mul3A_289 = arith.muli %scan3A_128, %mul3A_288 : i32
      %swap3A = arith.index_cast %mul3A_289 : i32 to index
      %swap3A_290 = tpu.vector_load %arg18[%swap3A] {strides = array<i32>} : memref<640xf32, #tpu.memory_space<vmem>>, vector<16xf32>,
      tpu.vector_store %arg18[%swap3A], %select_n3A_287 {strides = array<i32>} : memref<640xf32, #tpu.memory_space<vmem>>, vector<16xf32>,
      %mul3A_291 = arith.constant 16 : i32
      %mul3A_292 = arith.muli %scan3A_128, %mul3A_291 : i32
      %get3A_293 = arith.index_cast %mul3A_292 : i32 to index
      %get3A_294 = tpu.vector_load %arg21[%get3A_293] {strides = array<i32>} : memref<640xi32, #tpu.memory_space<vmem>>, vector<16xi32>,
      %gather3A = tpu.vector_load_idx %arg17[%get3A_294] : memref<256xf32, #tpu.memory_space<vmem>>[vector<16xi32>], vector<16xf32>,
      %lt3A_295 = arith.constant 10000 : i32
      %lt3A_296 = vector.broadcast %lt3A_295 : i32 to vector<16xi32>
      %lt3A_297 = arith.cmpi slt, %add3A_244, %lt3A_296 : vector<16xi32>
      %mul3A_298 = arith.mulf %select_n3A_287, %gather3A : vector<16xf32>
      %jit3A_299 = arith.constant 0.000000e+00 : f32
      %broadcast_in_dim3A_300 = vector.broadcast %jit3A_299 : f32 to vector<16xf32>
      %select_n3A_301 = arith.select %lt3A_297, %mul3A_298, %broadcast_in_dim3A_300 : vector<16xi1>, vector<16xf32>
      %mul3A_302 = arith.constant 16 : i32
      %mul3A_303 = arith.muli %scan3A_128, %mul3A_302 : i32
      %swap3A_304 = arith.index_cast %mul3A_303 : i32 to index
      %swap3A_305 = tpu.vector_load %arg19[%swap3A_304] {strides = array<i32>} : memref<640xf32, #tpu.memory_space<vmem>>, vector<16xf32>,
      tpu.vector_store %arg19[%swap3A_304], %select_n3A_301 {strides = array<i32>} : memref<640xf32, #tpu.memory_space<vmem>>, vector<16xf32>,
      %bitcast3A_306 = vector.bitcast %select_n3A_301 : vector<16xf32> to vector<16xi32>
      %add3A_307 = arith.constant 256 : i32
      %add3A_308 = vector.broadcast %add3A_307 : i32 to vector<16xi32>
      %add3A_309 = arith.addi %bitcast3A_306, %add3A_308 : vector<16xi32>
      %and3A = arith.constant -512 : i32
      %and3A_310 = vector.broadcast %and3A : i32 to vector<16xi32>
      %and3A_311 = arith.andi %add3A_309, %and3A_310 : vector<16xi32>
      %or3A = arith.ori %and3A_311, %get3A_294 : vector<16xi32>
      %mul3A_312 = arith.constant 16 : i32
      %mul3A_313 = arith.muli %scan3A_128, %mul3A_312 : i32
      %swap3A_314 = arith.index_cast %mul3A_313 : i32 to index
      %swap3A_315 = tpu.vector_load %arg20[%swap3A_314] {strides = array<i32>} : memref<640xi32, #tpu.memory_space<vmem>>, vector<16xi32>,
      tpu.vector_store %arg20[%swap3A_314], %or3A {strides = array<i32>} : memref<640xi32, #tpu.memory_space<vmem>>, vector<16xi32>,
    }
    %scan3A_109 = arith.constant 40 : i32
    %scan3A_110 = arith.constant 0 : i32
    %scan3A_111 = arith.constant 0 : i32
    %scan3A_112 = arith.constant 320 : i32
    %scan3A_113 = arith.addi %scan3A_111, %scan3A_112 : i32
    %scan3A_114 = arith.constant 1 : i32
    scf.for %scan3A_128 = %scan3A_111 to %scan3A_113 step %scan3A_114  : i32 {
      %shift_right_arithmetic3A = arith.constant 3 : i32
      %shift_right_arithmetic3A_129 = vector.broadcast %shift_right_arithmetic3A : i32 to vector<16xi32>
      %shift_right_arithmetic3A_130 = arith.shrsi %iota3A, %shift_right_arithmetic3A_129 : vector<16xi32>
      %mul3A_131 = arith.constant 2 : i32
      %mul3A_132 = arith.muli %mul3A_131, %scan3A_128 : i32
      %add3A = vector.broadcast %mul3A_132 : i32 to vector<16xi32>
      %add3A_133 = arith.addi %shift_right_arithmetic3A_130, %add3A : vector<16xi32>
      %gather3A = tpu.vector_load_idx %arg18[%add3A_133] : memref<640xf32, #tpu.memory_space<vmem>>[vector<16xi32>], vector<16xf32>,
      %mul3A_134 = arith.constant 16 : i32
      %mul3A_135 = arith.muli %scan3A_128, %mul3A_134 : i32
      %get3A = arith.index_cast %mul3A_135 : i32 to index
      %get3A_136 = tpu.vector_load %arg22[%get3A] {strides = array<i32>} : memref<5120xf32, #tpu.memory_space<vmem>>, vector<16xf32>,
      %mul3A_137 = arith.mulf %get3A_136, %gather3A : vector<16xf32>
      %mul3A_138 = arith.constant 16 : i32
      %mul3A_139 = arith.muli %scan3A_128, %mul3A_138 : i32
      %swap3A = arith.index_cast %mul3A_139 : i32 to index
      %swap3A_140 = tpu.vector_load %arg23[%swap3A] {strides = array<i32>} : memref<5120xf32, #tpu.memory_space<vmem>>, vector<16xf32>,
      tpu.vector_store %arg23[%swap3A], %mul3A_137 {strides = array<i32>} : memref<5120xf32, #tpu.memory_space<vmem>>, vector<16xf32>,
    }
    %scan3A_115 = arith.constant 320 : i32
    %mul3A_116 = arith.constant 640 : i32
    %mul3A_117 = arith.muli %arg1, %mul3A_116 : i32
    "tpu.region"() ({
      %run_scoped3A_128 = tpu.sem_alloc : memref<!tpu.dma_semaphore, #tpu.memory_space<semaphore_mem>>
      %dma_start3A = tpu.memref_slice %arg6[%mul3A_117] : memref<10240xf32, #tpu.memory_space<hbm>> -> memref<640xf32, #tpu.memory_space<hbm>>
      %dma_start3A_129 = tpu.memref_slice %arg6[%mul3A_117] : memref<10240xf32, #tpu.memory_space<hbm>> -> memref<640xf32, #tpu.memory_space<hbm>>
      tpu.enqueue_dma source(%arg18 : memref<640xf32, #tpu.memory_space<vmem>>) target(%dma_start3A_129 : memref<640xf32, #tpu.memory_space<hbm>>) target_semaphore(%run_scoped3A_128 : memref<!tpu.dma_semaphore, #tpu.memory_space<semaphore_mem>>)
      %dma_wait3A = tpu.memref_slice %arg6[%mul3A_117] : memref<10240xf32, #tpu.memory_space<hbm>> -> memref<640xf32, #tpu.memory_space<hbm>>
      %dma_wait3A_130 = tpu.memref_slice %arg6[%mul3A_117] : memref<10240xf32, #tpu.memory_space<hbm>> -> memref<640xf32, #tpu.memory_space<hbm>>
      tpu.wait_dma2 semaphore(%run_scoped3A_128 : memref<!tpu.dma_semaphore, #tpu.memory_space<semaphore_mem>>) src(%arg18 : memref<640xf32, #tpu.memory_space<vmem>>) dst(%dma_wait3A_130 : memref<640xf32, #tpu.memory_space<hbm>>)
      tpu.yield
    }) : () -> ()
    %mul3A_118 = arith.constant 640 : i32
    %mul3A_119 = arith.muli %arg1, %mul3A_118 : i32
    "tpu.region"() ({
      %run_scoped3A_128 = tpu.sem_alloc : memref<!tpu.dma_semaphore, #tpu.memory_space<semaphore_mem>>
      %dma_start3A = tpu.memref_slice %arg8[%mul3A_119] : memref<10240xf32, #tpu.memory_space<hbm>> -> memref<640xf32, #tpu.memory_space<hbm>>
      %dma_start3A_129 = tpu.memref_slice %arg8[%mul3A_119] : memref<10240xf32, #tpu.memory_space<hbm>> -> memref<640xf32, #tpu.memory_space<hbm>>
      tpu.enqueue_dma source(%arg19 : memref<640xf32, #tpu.memory_space<vmem>>) target(%dma_start3A_129 : memref<640xf32, #tpu.memory_space<hbm>>) target_semaphore(%run_scoped3A_128 : memref<!tpu.dma_semaphore, #tpu.memory_space<semaphore_mem>>)
      %dma_wait3A = tpu.memref_slice %arg8[%mul3A_119] : memref<10240xf32, #tpu.memory_space<hbm>> -> memref<640xf32, #tpu.memory_space<hbm>>
      %dma_wait3A_130 = tpu.memref_slice %arg8[%mul3A_119] : memref<10240xf32, #tpu.memory_space<hbm>> -> memref<640xf32, #tpu.memory_space<hbm>>
      tpu.wait_dma2 semaphore(%run_scoped3A_128 : memref<!tpu.dma_semaphore, #tpu.memory_space<semaphore_mem>>) src(%arg19 : memref<640xf32, #tpu.memory_space<vmem>>) dst(%dma_wait3A_130 : memref<640xf32, #tpu.memory_space<hbm>>)
      tpu.yield
    }) : () -> ()
    %mul3A_120 = arith.constant 640 : i32
    %mul3A_121 = arith.muli %arg1, %mul3A_120 : i32
    "tpu.region"() ({
      %run_scoped3A_128 = tpu.sem_alloc : memref<!tpu.dma_semaphore, #tpu.memory_space<semaphore_mem>>
      %dma_start3A = tpu.memref_slice %arg7[%mul3A_121] : memref<10240xi32, #tpu.memory_space<hbm>> -> memref<640xi32, #tpu.memory_space<hbm>>
      %dma_start3A_129 = tpu.memref_slice %arg7[%mul3A_121] : memref<10240xi32, #tpu.memory_space<hbm>> -> memref<640xi32, #tpu.memory_space<hbm>>
      tpu.enqueue_dma source(%arg20 : memref<640xi32, #tpu.memory_space<vmem>>) target(%dma_start3A_129 : memref<640xi32, #tpu.memory_space<hbm>>) target_semaphore(%run_scoped3A_128 : memref<!tpu.dma_semaphore, #tpu.memory_space<semaphore_mem>>)
      %dma_wait3A = tpu.memref_slice %arg7[%mul3A_121] : memref<10240xi32, #tpu.memory_space<hbm>> -> memref<640xi32, #tpu.memory_space<hbm>>
      %dma_wait3A_130 = tpu.memref_slice %arg7[%mul3A_121] : memref<10240xi32, #tpu.memory_space<hbm>> -> memref<640xi32, #tpu.memory_space<hbm>>
      tpu.wait_dma2 semaphore(%run_scoped3A_128 : memref<!tpu.dma_semaphore, #tpu.memory_space<semaphore_mem>>) src(%arg20 : memref<640xi32, #tpu.memory_space<vmem>>) dst(%dma_wait3A_130 : memref<640xi32, #tpu.memory_space<hbm>>)
      tpu.yield
    }) : () -> ()
    %mul3A_122 = arith.constant 640 : i32
    %mul3A_123 = arith.muli %arg1, %mul3A_122 : i32
    %mul3A_124 = arith.constant 8 : i32
    %mul3A_125 = arith.muli %mul3A_123, %mul3A_124 : i32
    "tpu.region"() ({
      %run_scoped3A_128 = tpu.sem_alloc : memref<!tpu.dma_semaphore, #tpu.memory_space<semaphore_mem>>
      %dma_start3A = tpu.memref_slice %arg9[%mul3A_125] : memref<81920xf32, #tpu.memory_space<hbm>> -> memref<5120xf32, #tpu.memory_space<hbm>>
      %dma_start3A_129 = tpu.memref_slice %arg9[%mul3A_125] : memref<81920xf32, #tpu.memory_space<hbm>> -> memref<5120xf32, #tpu.memory_space<hbm>>
      tpu.enqueue_dma source(%arg23 : memref<5120xf32, #tpu.memory_space<vmem>>) target(%dma_start3A_129 : memref<5120xf32, #tpu.memory_space<hbm>>) target_semaphore(%run_scoped3A_128 : memref<!tpu.dma_semaphore, #tpu.memory_space<semaphore_mem>>)
      %dma_wait3A = tpu.memref_slice %arg9[%mul3A_125] : memref<81920xf32, #tpu.memory_space<hbm>> -> memref<5120xf32, #tpu.memory_space<hbm>>
      %dma_wait3A_130 = tpu.memref_slice %arg9[%mul3A_125] : memref<81920xf32, #tpu.memory_space<hbm>> -> memref<5120xf32, #tpu.memory_space<hbm>>
      tpu.wait_dma2 semaphore(%run_scoped3A_128 : memref<!tpu.dma_semaphore, #tpu.memory_space<semaphore_mem>>) src(%arg23 : memref<5120xf32, #tpu.memory_space<vmem>>) dst(%dma_wait3A_130 : memref<5120xf32, #tpu.memory_space<hbm>>)
      tpu.yield
    }) : () -> ()
    %eq3A = arith.constant 0 : i32
    %eq3A_126 = arith.cmpi eq, %arg1, %eq3A : i32
    %convert_element_type3A = arith.extui %eq3A_126 : i1 to i32
    %cond3A = arith.constant 0 : i32
    %cond3A_127 = arith.cmpi ne, %convert_element_type3A, %cond3A : i32
    scf.if %cond3A_127 {
      %scan3A_128 = arith.constant 0 : i32
      %scan3A_129 = arith.constant 0 : i32
      %scan3A_130 = arith.constant 8 : i32
      %scan3A_131 = arith.addi %scan3A_129, %scan3A_130 : i32
      %scan3A_132 = arith.constant 1 : i32
      scf.for %scan3A_134 = %scan3A_129 to %scan3A_131 step %scan3A_132  : i32 {
        %mul3A_135 = arith.constant 16 : i32
        %mul3A_136 = arith.muli %scan3A_134, %mul3A_135 : i32
        %get3A = arith.constant 0 : i32
        %get3A_137 = arith.index_cast %get3A : i32 to index
        %get3A_138 = arith.index_cast %mul3A_136 : i32 to index
        %get3A_139 = tpu.vector_load %arg16[%get3A_137, %get3A_138] {strides = array<i32>} : memref<16x256xf32, #tpu.memory_space<vmem>>, vector<16xf32>,
        %mul3A_140 = arith.constant 16 : i32
        %mul3A_141 = arith.muli %scan3A_134, %mul3A_140 : i32
        %get3A_142 = arith.constant 1 : i32
        %get3A_143 = arith.index_cast %get3A_142 : i32 to index
        %get3A_144 = arith.index_cast %mul3A_141 : i32 to index
        %get3A_145 = tpu.vector_load %arg16[%get3A_143, %get3A_144] {strides = array<i32>} : memref<16x256xf32, #tpu.memory_space<vmem>>, vector<16xf32>,
        %add3A = arith.addf %get3A_139, %get3A_145 : vector<16xf32>
        %mul3A_146 = arith.constant 16 : i32
        %mul3A_147 = arith.muli %scan3A_134, %mul3A_146 : i32
        %get3A_148 = arith.constant 2 : i32
        %get3A_149 = arith.index_cast %get3A_148 : i32 to index
        %get3A_150 = arith.index_cast %mul3A_147 : i32 to index
        %get3A_151 = tpu.vector_load %arg16[%get3A_149, %get3A_150] {strides = array<i32>} : memref<16x256xf32, #tpu.memory_space<vmem>>, vector<16xf32>,
        %add3A_152 = arith.addf %add3A, %get3A_151 : vector<16xf32>
        %mul3A_153 = arith.constant 16 : i32
        %mul3A_154 = arith.muli %scan3A_134, %mul3A_153 : i32
        %get3A_155 = arith.constant 3 : i32
        %get3A_156 = arith.index_cast %get3A_155 : i32 to index
        %get3A_157 = arith.index_cast %mul3A_154 : i32 to index
        %get3A_158 = tpu.vector_load %arg16[%get3A_156, %get3A_157] {strides = array<i32>} : memref<16x256xf32, #tpu.memory_space<vmem>>, vector<16xf32>,
        %add3A_159 = arith.addf %add3A_152, %get3A_158 : vector<16xf32>
        %mul3A_160 = arith.constant 16 : i32
        %mul3A_161 = arith.muli %scan3A_134, %mul3A_160 : i32
        %get3A_162 = arith.constant 4 : i32
        %get3A_163 = arith.index_cast %get3A_162 : i32 to index
        %get3A_164 = arith.index_cast %mul3A_161 : i32 to index
        %get3A_165 = tpu.vector_load %arg16[%get3A_163, %get3A_164] {strides = array<i32>} : memref<16x256xf32, #tpu.memory_space<vmem>>, vector<16xf32>,
        %add3A_166 = arith.addf %add3A_159, %get3A_165 : vector<16xf32>
        %mul3A_167 = arith.constant 16 : i32
        %mul3A_168 = arith.muli %scan3A_134, %mul3A_167 : i32
        %get3A_169 = arith.constant 5 : i32
        %get3A_170 = arith.index_cast %get3A_169 : i32 to index
        %get3A_171 = arith.index_cast %mul3A_168 : i32 to index
        %get3A_172 = tpu.vector_load %arg16[%get3A_170, %get3A_171] {strides = array<i32>} : memref<16x256xf32, #tpu.memory_space<vmem>>, vector<16xf32>,
        %add3A_173 = arith.addf %add3A_166, %get3A_172 : vector<16xf32>
        %mul3A_174 = arith.constant 16 : i32
        %mul3A_175 = arith.muli %scan3A_134, %mul3A_174 : i32
        %get3A_176 = arith.constant 6 : i32
        %get3A_177 = arith.index_cast %get3A_176 : i32 to index
        %get3A_178 = arith.index_cast %mul3A_175 : i32 to index
        %get3A_179 = tpu.vector_load %arg16[%get3A_177, %get3A_178] {strides = array<i32>} : memref<16x256xf32, #tpu.memory_space<vmem>>, vector<16xf32>,
        %add3A_180 = arith.addf %add3A_173, %get3A_179 : vector<16xf32>
        %mul3A_181 = arith.constant 16 : i32
        %mul3A_182 = arith.muli %scan3A_134, %mul3A_181 : i32
        %get3A_183 = arith.constant 7 : i32
        %get3A_184 = arith.index_cast %get3A_183 : i32 to index
        %get3A_185 = arith.index_cast %mul3A_182 : i32 to index
        %get3A_186 = tpu.vector_load %arg16[%get3A_184, %get3A_185] {strides = array<i32>} : memref<16x256xf32, #tpu.memory_space<vmem>>, vector<16xf32>,
        %add3A_187 = arith.addf %add3A_180, %get3A_186 : vector<16xf32>
        %mul3A_188 = arith.constant 16 : i32
        %mul3A_189 = arith.muli %scan3A_134, %mul3A_188 : i32
        %get3A_190 = arith.constant 8 : i32
        %get3A_191 = arith.index_cast %get3A_190 : i32 to index
        %get3A_192 = arith.index_cast %mul3A_189 : i32 to index
        %get3A_193 = tpu.vector_load %arg16[%get3A_191, %get3A_192] {strides = array<i32>} : memref<16x256xf32, #tpu.memory_space<vmem>>, vector<16xf32>,
        %add3A_194 = arith.addf %add3A_187, %get3A_193 : vector<16xf32>
        %mul3A_195 = arith.constant 16 : i32
        %mul3A_196 = arith.muli %scan3A_134, %mul3A_195 : i32
        %get3A_197 = arith.constant 9 : i32
        %get3A_198 = arith.index_cast %get3A_197 : i32 to index
        %get3A_199 = arith.index_cast %mul3A_196 : i32 to index
        %get3A_200 = tpu.vector_load %arg16[%get3A_198, %get3A_199] {strides = array<i32>} : memref<16x256xf32, #tpu.memory_space<vmem>>, vector<16xf32>,
        %add3A_201 = arith.addf %add3A_194, %get3A_200 : vector<16xf32>
        %mul3A_202 = arith.constant 16 : i32
        %mul3A_203 = arith.muli %scan3A_134, %mul3A_202 : i32
        %get3A_204 = arith.constant 10 : i32
        %get3A_205 = arith.index_cast %get3A_204 : i32 to index
        %get3A_206 = arith.index_cast %mul3A_203 : i32 to index
        %get3A_207 = tpu.vector_load %arg16[%get3A_205, %get3A_206] {strides = array<i32>} : memref<16x256xf32, #tpu.memory_space<vmem>>, vector<16xf32>,
        %add3A_208 = arith.addf %add3A_201, %get3A_207 : vector<16xf32>
        %mul3A_209 = arith.constant 16 : i32
        %mul3A_210 = arith.muli %scan3A_134, %mul3A_209 : i32
        %get3A_211 = arith.constant 11 : i32
        %get3A_212 = arith.index_cast %get3A_211 : i32 to index
        %get3A_213 = arith.index_cast %mul3A_210 : i32 to index
        %get3A_214 = tpu.vector_load %arg16[%get3A_212, %get3A_213] {strides = array<i32>} : memref<16x256xf32, #tpu.memory_space<vmem>>, vector<16xf32>,
        %add3A_215 = arith.addf %add3A_208, %get3A_214 : vector<16xf32>
        %mul3A_216 = arith.constant 16 : i32
        %mul3A_217 = arith.muli %scan3A_134, %mul3A_216 : i32
        %get3A_218 = arith.constant 12 : i32
        %get3A_219 = arith.index_cast %get3A_218 : i32 to index
        %get3A_220 = arith.index_cast %mul3A_217 : i32 to index
        %get3A_221 = tpu.vector_load %arg16[%get3A_219, %get3A_220] {strides = array<i32>} : memref<16x256xf32, #tpu.memory_space<vmem>>, vector<16xf32>,
        %add3A_222 = arith.addf %add3A_215, %get3A_221 : vector<16xf32>
        %mul3A_223 = arith.constant 16 : i32
        %mul3A_224 = arith.muli %scan3A_134, %mul3A_223 : i32
        %get3A_225 = arith.constant 13 : i32
        %get3A_226 = arith.index_cast %get3A_225 : i32 to index
        %get3A_227 = arith.index_cast %mul3A_224 : i32 to index
        %get3A_228 = tpu.vector_load %arg16[%get3A_226, %get3A_227] {strides = array<i32>} : memref<16x256xf32, #tpu.memory_space<vmem>>, vector<16xf32>,
        %add3A_229 = arith.addf %add3A_222, %get3A_228 : vector<16xf32>
        %mul3A_230 = arith.constant 16 : i32
        %mul3A_231 = arith.muli %scan3A_134, %mul3A_230 : i32
        %get3A_232 = arith.constant 14 : i32
        %get3A_233 = arith.index_cast %get3A_232 : i32 to index
        %get3A_234 = arith.index_cast %mul3A_231 : i32 to index
        %get3A_235 = tpu.vector_load %arg16[%get3A_233, %get3A_234] {strides = array<i32>} : memref<16x256xf32, #tpu.memory_space<vmem>>, vector<16xf32>,
        %add3A_236 = arith.addf %add3A_229, %get3A_235 : vector<16xf32>
        %mul3A_237 = arith.constant 16 : i32
        %mul3A_238 = arith.muli %scan3A_134, %mul3A_237 : i32
        %get3A_239 = arith.constant 15 : i32
        %get3A_240 = arith.index_cast %get3A_239 : i32 to index
        %get3A_241 = arith.index_cast %mul3A_238 : i32 to index
        %get3A_242 = tpu.vector_load %arg16[%get3A_240, %get3A_241] {strides = array<i32>} : memref<16x256xf32, #tpu.memory_space<vmem>>, vector<16xf32>,
        %add3A_243 = arith.addf %add3A_236, %get3A_242 : vector<16xf32>
        %gt3A = arith.constant 0.000000e+00 : f32
        %gt3A_244 = vector.broadcast %gt3A : f32 to vector<16xf32>
        %gt3A_245 = arith.cmpf ogt, %add3A_243, %gt3A_244 : vector<16xf32>
        %jit3A = arith.constant 1.000000e+00 : f32
        %jit3A_246 = arith.constant 0.000000e+00 : f32
        %broadcast_in_dim3A_247 = vector.broadcast %jit3A : f32 to vector<16xf32>
        %broadcast_in_dim3A_248 = vector.broadcast %jit3A_246 : f32 to vector<16xf32>
        %select_n3A = arith.select %gt3A_245, %broadcast_in_dim3A_247, %broadcast_in_dim3A_248 : vector<16xi1>, vector<16xf32>
        %mul3A_249 = arith.constant 16 : i32
        %mul3A_250 = arith.muli %scan3A_134, %mul3A_249 : i32
        %swap3A = arith.index_cast %mul3A_250 : i32 to index
        %swap3A_251 = tpu.vector_load %arg24[%swap3A] {strides = array<i32>} : memref<128xf32, #tpu.memory_space<vmem>>, vector<16xf32>,
        tpu.vector_store %arg24[%swap3A], %select_n3A {strides = array<i32>} : memref<128xf32, #tpu.memory_space<vmem>>, vector<16xf32>,
      }
      %scan3A_133 = arith.constant 8 : i32
      "tpu.region"() ({
        %run_scoped3A_134 = tpu.sem_alloc : memref<!tpu.dma_semaphore, #tpu.memory_space<semaphore_mem>>
        tpu.enqueue_dma source(%arg24 : memref<128xf32, #tpu.memory_space<vmem>>) target(%arg10 : memref<128xf32, #tpu.memory_space<hbm>>) target_semaphore(%run_scoped3A_134 : memref<!tpu.dma_semaphore, #tpu.memory_space<semaphore_mem>>)
        tpu.wait_dma2 semaphore(%run_scoped3A_134 : memref<!tpu.dma_semaphore, #tpu.memory_space<semaphore_mem>>) src(%arg24 : memref<128xf32, #tpu.memory_space<vmem>>) dst(%arg10 : memref<128xf32, #tpu.memory_space<hbm>>)
        tpu.yield
      }) : () -> ()
    } else {
    }
    return
  }
}

module attributes {stable_mosaic.version = 14 : i64} {
  func.func @_dense_body(%arg0: i32, %arg1: memref<2x2048x8xf32, #tpu.memory_space<vmem>>, %arg2: memref<2048x1xf32, #tpu.memory_space<vmem>>, %arg3: memref<2048x8xf32, #tpu.memory_space<vmem>>, %arg4: memref<2x128x2048xf32, #tpu.memory_space<vmem>>, %arg5: memref<8x256xf32, #tpu.memory_space<vmem>>, %arg6: memref<1x256xf32, #tpu.memory_space<vmem>>, %arg7: memref<256x256xf32, #tpu.memory_space<vmem>>, %arg8: memref<256x122xf32, #tpu.memory_space<vmem>>, %arg9: memref<1x256xf32, #tpu.memory_space<vmem>>, %arg10: memref<1x122xf32, #tpu.memory_space<vmem>>, %arg11: memref<128x1xf32, #tpu.memory_space<vmem>>, %arg12: memref<128x122xf32, #tpu.memory_space<vmem>>, %arg13: memref<128x256xf32, #tpu.memory_space<vmem>>) attributes {dimension_semantics = [#tpu.dimension_semantics<arbitrary>], iteration_bounds = array<i64: 5>, scalar_prefetch = 0 : i64, scratch_operands = 1 : i64, tpu.core_type = #tpu.core_type<tc>, window_params = [{transform_indices = @transform_0, window_bounds = array<i64: 2, 2048, 8>}, {transform_indices = @transform_1, window_bounds = array<i64: 2048, 1>}, {transform_indices = @transform_2, window_bounds = array<i64: 2048, 8>}, {transform_indices = @transform_3, window_bounds = array<i64: 2, 128, 2048>}, {pipeline_mode = #tpu.pipeline_mode<synchronous>, transform_indices = @transform_4, window_bounds = array<i64: 8, 256>}, {pipeline_mode = #tpu.pipeline_mode<synchronous>, transform_indices = @transform_5, window_bounds = array<i64: 1, 256>}, {pipeline_mode = #tpu.pipeline_mode<synchronous>, transform_indices = @transform_6, window_bounds = array<i64: 256, 256>}, {pipeline_mode = #tpu.pipeline_mode<synchronous>, transform_indices = @transform_7, window_bounds = array<i64: 256, 122>}, {pipeline_mode = #tpu.pipeline_mode<synchronous>, transform_indices = @transform_8, window_bounds = array<i64: 1, 256>}, {pipeline_mode = #tpu.pipeline_mode<synchronous>, transform_indices = @transform_9, window_bounds = array<i64: 1, 122>}, {pipeline_mode = #tpu.pipeline_mode<synchronous>, transform_indices = @transform_10, window_bounds = array<i64: 128, 1>}, {pipeline_mode = #tpu.pipeline_mode<synchronous>, transform_indices = @transform_11, window_bounds = array<i64: 128, 122>}]} {
    %eq3A = arith.constant 0 : i32
    %eq3A_0 = arith.cmpi eq, %arg0, %eq3A : i32
    %convert_element_type3A = arith.extui %eq3A_0 : i1 to i32
    %cond3A = arith.constant 0 : i32
    %cond3A_1 = arith.cmpi ne, %convert_element_type3A, %cond3A : i32
    scf.if %cond3A_1 {
      %broadcast_in_dim3A_64 = arith.constant 0.000000e+00 : f32
      %broadcast_in_dim3A_65 = vector.broadcast %broadcast_in_dim3A_64 : f32 to vector<128x256xf32>
      %swap3A_66 = arith.constant 0 : index
      %swap3A_67 = arith.constant 0 : index
      %swap3A_68 = vector.load %arg13[%swap3A_66, %swap3A_67] : memref<128x256xf32, #tpu.memory_space<vmem>>, vector<128x256xf32>
      tpu.vector_store %arg13[%swap3A_66, %swap3A_67], %broadcast_in_dim3A_65 {strides = array<i32>} : memref<128x256xf32, #tpu.memory_space<vmem>>, vector<128x256xf32>,
    } else {
    }
    %get3A = arith.constant 0 : index
    %get3A_2 = arith.constant 0 : index
    %get3A_3 = arith.constant 0 : index
    %get3A_4 = vector.load %arg1[%get3A, %get3A_2, %get3A_3] : memref<2x2048x8xf32, #tpu.memory_space<vmem>>, vector<1x2048x8xf32>
    %get3A_5 = vector.shape_cast %get3A_4 : vector<1x2048x8xf32> to vector<2048x8xf32>
    %get3A_6 = arith.constant 1 : index
    %get3A_7 = arith.constant 0 : index
    %get3A_8 = arith.constant 0 : index
    %get3A_9 = vector.load %arg1[%get3A_6, %get3A_7, %get3A_8] : memref<2x2048x8xf32, #tpu.memory_space<vmem>>, vector<1x2048x8xf32>
    %get3A_10 = vector.shape_cast %get3A_9 : vector<1x2048x8xf32> to vector<2048x8xf32>
    %add3A = arith.addf %get3A_5, %get3A_10 : vector<2048x8xf32>
    %get3A_11 = arith.constant 0 : index
    %get3A_12 = arith.constant 0 : index
    %get3A_13 = vector.load %arg3[%get3A_11, %get3A_12] : memref<2048x8xf32, #tpu.memory_space<vmem>>, vector<2048x8xf32>
    %add3A_14 = arith.addf %add3A, %get3A_13 : vector<2048x8xf32>
    %get3A_15 = arith.constant 0 : index
    %get3A_16 = arith.constant 0 : index
    %get3A_17 = vector.load %arg2[%get3A_15, %get3A_16] : memref<2048x1xf32, #tpu.memory_space<vmem>>, vector<2048x1xf32>
    %mul3A = vector.broadcast %get3A_17 : vector<2048x1xf32> to vector<2048x8xf32>
    %mul3A_18 = arith.mulf %add3A_14, %mul3A : vector<2048x8xf32>
    %get3A_19 = arith.constant 0 : index
    %get3A_20 = arith.constant 0 : index
    %get3A_21 = vector.load %arg5[%get3A_19, %get3A_20] : memref<8x256xf32, #tpu.memory_space<vmem>>, vector<8x256xf32>
    %dot_general3A = arith.constant dense<0.000000e+00> : vector<2048x256xf32>
    %dot_general3A_22 = tpu.matmul %mul3A_18, %get3A_21, %dot_general3A {dimension_numbers = #tpu.dot_dimension_numbers<[1], [0], [0], [1], [0, 0, 1, 1], [], []>, precision = #tpu.contract_precision<fp32>, transpose_lhs_hint = false} : vector<2048x8xf32>, vector<8x256xf32>, vector<2048x256xf32> -> vector<2048x256xf32>
    %get3A_23 = arith.constant 0 : index
    %get3A_24 = arith.constant 0 : index
    %get3A_25 = vector.load %arg6[%get3A_23, %get3A_24] : memref<1x256xf32, #tpu.memory_space<vmem>>, vector<1x256xf32>
    %add3A_26 = vector.broadcast %get3A_25 : vector<1x256xf32> to vector<2048x256xf32>
    %add3A_27 = arith.addf %dot_general3A_22, %add3A_26 : vector<2048x256xf32>
    %max3A = arith.constant 0.000000e+00 : f32
    %max3A_28 = vector.broadcast %max3A : f32 to vector<2048x256xf32>
    %max3A_29 = arith.maximumf %add3A_27, %max3A_28 : vector<2048x256xf32>
    %mul3A_30 = arith.constant 2048 : i32
    %mul3A_31 = arith.muli %arg0, %mul3A_30 : i32
    %iota3A = tpu.iota {dimensions = array<i32: 0>} : vector<2048x1xi32>
    %add3A_32 = vector.broadcast %mul3A_31 : i32 to vector<2048x1xi32>
    %add3A_33 = arith.addi %add3A_32, %iota3A : vector<2048x1xi32>
    %lt3A = arith.constant 10000 : i32
    %lt3A_34 = vector.broadcast %lt3A : i32 to vector<2048x1xi32>
    %lt3A_35 = arith.cmpi slt, %add3A_33, %lt3A_34 : vector<2048x1xi32>
    %mul3A_36 = vector.broadcast %get3A_17 : vector<2048x1xf32> to vector<2048x256xf32>
    %mul3A_37 = arith.mulf %max3A_29, %mul3A_36 : vector<2048x256xf32>
    %jit3A = arith.constant 0.000000e+00 : f32
    %broadcast_in_dim3A = vector.shape_cast %lt3A_35 : vector<2048x1xi1> to vector<2048x1xi1>
    %broadcast_in_dim3A_38 = vector.broadcast %broadcast_in_dim3A : vector<2048x1xi1> to vector<2048x256xi1>
    %broadcast_in_dim3A_39 = vector.broadcast %jit3A : f32 to vector<2048x256xf32>
    %select_n3A = arith.select %broadcast_in_dim3A_38, %mul3A_37, %broadcast_in_dim3A_39 : vector<2048x256xi1>, vector<2048x256xf32>
    %get3A_40 = arith.constant 0 : index
    %get3A_41 = arith.constant 0 : index
    %get3A_42 = arith.constant 0 : index
    %get3A_43 = vector.load %arg4[%get3A_40, %get3A_41, %get3A_42] : memref<2x128x2048xf32, #tpu.memory_space<vmem>>, vector<1x128x2048xf32>
    %get3A_44 = vector.shape_cast %get3A_43 : vector<1x128x2048xf32> to vector<128x2048xf32>
    %get3A_45 = arith.constant 1 : index
    %get3A_46 = arith.constant 0 : index
    %get3A_47 = arith.constant 0 : index
    %get3A_48 = vector.load %arg4[%get3A_45, %get3A_46, %get3A_47] : memref<2x128x2048xf32, #tpu.memory_space<vmem>>, vector<1x128x2048xf32>
    %get3A_49 = vector.shape_cast %get3A_48 : vector<1x128x2048xf32> to vector<128x2048xf32>
    %add3A_50 = arith.addf %get3A_44, %get3A_49 : vector<128x2048xf32>
    %get3A_51 = arith.constant 0 : index
    %get3A_52 = arith.constant 0 : index
    %get3A_53 = vector.load %arg13[%get3A_51, %get3A_52] : memref<128x256xf32, #tpu.memory_space<vmem>>, vector<128x256xf32>
    %dot_general3A_54 = arith.constant dense<0.000000e+00> : vector<128x256xf32>
    %dot_general3A_55 = tpu.matmul %add3A_50, %select_n3A, %dot_general3A_54 {dimension_numbers = #tpu.dot_dimension_numbers<[1], [0], [0], [1], [0, 0, 1, 1], [], []>, precision = #tpu.contract_precision<fp32>, transpose_lhs_hint = false} : vector<128x2048xf32>, vector<2048x256xf32>, vector<128x256xf32> -> vector<128x256xf32>
    %add3A_56 = arith.addf %get3A_53, %dot_general3A_55 : vector<128x256xf32>
    %swap3A = arith.constant 0 : index
    %swap3A_57 = arith.constant 0 : index
    %swap3A_58 = vector.load %arg13[%swap3A, %swap3A_57] : memref<128x256xf32, #tpu.memory_space<vmem>>, vector<128x256xf32>
    tpu.vector_store %arg13[%swap3A, %swap3A_57], %add3A_56 {strides = array<i32>} : memref<128x256xf32, #tpu.memory_space<vmem>>, vector<128x256xf32>,
    %eq3A_59 = arith.constant 4 : i32
    %eq3A_60 = arith.cmpi eq, %arg0, %eq3A_59 : i32
    %convert_element_type3A_61 = arith.extui %eq3A_60 : i1 to i32
    %cond3A_62 = arith.constant 0 : i32
    %cond3A_63 = arith.cmpi ne, %convert_element_type3A_61, %cond3A_62 : i32
    scf.if %cond3A_63 {
      %get3A_64 = arith.constant 0 : index
      %get3A_65 = arith.constant 0 : index
      %get3A_66 = vector.load %arg7[%get3A_64, %get3A_65] : memref<256x256xf32, #tpu.memory_space<vmem>>, vector<256x256xf32>
      %get3A_67 = arith.constant 0 : index
      %get3A_68 = arith.constant 0 : index
      %get3A_69 = vector.load %arg8[%get3A_67, %get3A_68] : memref<256x122xf32, #tpu.memory_space<vmem>>, vector<256x122xf32>
      %dot_general3A_70 = arith.constant dense<0.000000e+00> : vector<256x122xf32>
      %dot_general3A_71 = tpu.matmul %get3A_66, %get3A_69, %dot_general3A_70 {dimension_numbers = #tpu.dot_dimension_numbers<[1], [0], [0], [1], [0, 0, 1, 1], [], []>, precision = #tpu.contract_precision<fp32>, transpose_lhs_hint = false} : vector<256x256xf32>, vector<256x122xf32>, vector<256x122xf32> -> vector<256x122xf32>
      %get3A_72 = arith.constant 0 : index
      %get3A_73 = arith.constant 0 : index
      %get3A_74 = vector.load %arg9[%get3A_72, %get3A_73] : memref<1x256xf32, #tpu.memory_space<vmem>>, vector<1x256xf32>
      %get3A_75 = arith.constant 0 : index
      %get3A_76 = arith.constant 0 : index
      %get3A_77 = vector.load %arg8[%get3A_75, %get3A_76] : memref<256x122xf32, #tpu.memory_space<vmem>>, vector<256x122xf32>
      %dot_general3A_78 = arith.constant dense<0.000000e+00> : vector<1x122xf32>
      %dot_general3A_79 = tpu.matmul %get3A_74, %get3A_77, %dot_general3A_78 {dimension_numbers = #tpu.dot_dimension_numbers<[1], [0], [0], [1], [0, 0, 1, 1], [], []>, precision = #tpu.contract_precision<fp32>, transpose_lhs_hint = false} : vector<1x256xf32>, vector<256x122xf32>, vector<1x122xf32> -> vector<1x122xf32>
      %get3A_80 = arith.constant 0 : index
      %get3A_81 = arith.constant 0 : index
      %get3A_82 = vector.load %arg13[%get3A_80, %get3A_81] : memref<128x256xf32, #tpu.memory_space<vmem>>, vector<128x256xf32>
      %dot_general3A_83 = arith.constant dense<0.000000e+00> : vector<128x122xf32>
      %dot_general3A_84 = tpu.matmul %get3A_82, %dot_general3A_71, %dot_general3A_83 {dimension_numbers = #tpu.dot_dimension_numbers<[1], [0], [0], [1], [0, 0, 1, 1], [], []>, precision = #tpu.contract_precision<fp32>, transpose_lhs_hint = false} : vector<128x256xf32>, vector<256x122xf32>, vector<128x122xf32> -> vector<128x122xf32>
      %get3A_85 = arith.constant 0 : index
      %get3A_86 = arith.constant 0 : index
      %get3A_87 = vector.load %arg11[%get3A_85, %get3A_86] : memref<128x1xf32, #tpu.memory_space<vmem>>, vector<128x1xf32>
      %mul3A_88 = vector.broadcast %get3A_87 : vector<128x1xf32> to vector<128x122xf32>
      %mul3A_89 = vector.broadcast %dot_general3A_79 : vector<1x122xf32> to vector<128x122xf32>
      %mul3A_90 = arith.mulf %mul3A_88, %mul3A_89 : vector<128x122xf32>
      %add3A_91 = arith.addf %dot_general3A_84, %mul3A_90 : vector<128x122xf32>
      %get3A_92 = arith.constant 0 : index
      %get3A_93 = arith.constant 0 : index
      %get3A_94 = vector.load %arg10[%get3A_92, %get3A_93] : memref<1x122xf32, #tpu.memory_space<vmem>>, vector<1x122xf32>
      %add3A_95 = vector.broadcast %get3A_94 : vector<1x122xf32> to vector<128x122xf32>
      %add3A_96 = arith.addf %add3A_91, %add3A_95 : vector<128x122xf32>
      %swap3A_97 = arith.constant 0 : index
      %swap3A_98 = arith.constant 0 : index
      %swap3A_99 = vector.load %arg12[%swap3A_97, %swap3A_98] : memref<128x122xf32, #tpu.memory_space<vmem>>, vector<128x122xf32>
      tpu.vector_store %arg12[%swap3A_97, %swap3A_98], %add3A_96 {strides = array<i32>} : memref<128x122xf32, #tpu.memory_space<vmem>>, vector<128x122xf32>,
    } else {
    }
    return
  }
  func.func @transform_0(%arg0: i32) -> (i32, i32, i32) {
    %c0_i32 = arith.constant 0 : i32
    %c0_i32_0 = arith.constant 0 : i32
    %c0_i32_1 = arith.constant 0 : i32
    return %c0_i32, %arg0, %c0_i32_0 : i32, i32, i32
  }
  func.func @transform_1(%arg0: i32) -> (i32, i32) {
    %c0_i32 = arith.constant 0 : i32
    %c0_i32_0 = arith.constant 0 : i32
    return %arg0, %c0_i32 : i32, i32
  }
  func.func @transform_2(%arg0: i32) -> (i32, i32) {
    %c0_i32 = arith.constant 0 : i32
    %c0_i32_0 = arith.constant 0 : i32
    return %arg0, %c0_i32 : i32, i32
  }
  func.func @transform_3(%arg0: i32) -> (i32, i32, i32) {
    %c0_i32 = arith.constant 0 : i32
    %c0_i32_0 = arith.constant 0 : i32
    %c0_i32_1 = arith.constant 0 : i32
    return %c0_i32, %c0_i32_0, %arg0 : i32, i32, i32
  }
  func.func @transform_4(%arg0: i32) -> (i32, i32) {
    %c0_i32 = arith.constant 0 : i32
    %c0_i32_0 = arith.constant 0 : i32
    %c0_i32_1 = arith.constant 0 : i32
    return %c0_i32, %c0_i32_0 : i32, i32
  }
  func.func @transform_5(%arg0: i32) -> (i32, i32) {
    %c0_i32 = arith.constant 0 : i32
    %c0_i32_0 = arith.constant 0 : i32
    %c0_i32_1 = arith.constant 0 : i32
    return %c0_i32, %c0_i32_0 : i32, i32
  }
  func.func @transform_6(%arg0: i32) -> (i32, i32) {
    %c0_i32 = arith.constant 0 : i32
    %c0_i32_0 = arith.constant 0 : i32
    %c0_i32_1 = arith.constant 0 : i32
    return %c0_i32, %c0_i32_0 : i32, i32
  }
  func.func @transform_7(%arg0: i32) -> (i32, i32) {
    %c0_i32 = arith.constant 0 : i32
    %c0_i32_0 = arith.constant 0 : i32
    %c0_i32_1 = arith.constant 0 : i32
    return %c0_i32, %c0_i32_0 : i32, i32
  }
  func.func @transform_8(%arg0: i32) -> (i32, i32) {
    %c0_i32 = arith.constant 0 : i32
    %c0_i32_0 = arith.constant 0 : i32
    %c0_i32_1 = arith.constant 0 : i32
    return %c0_i32, %c0_i32_0 : i32, i32
  }
  func.func @transform_9(%arg0: i32) -> (i32, i32) {
    %c0_i32 = arith.constant 0 : i32
    %c0_i32_0 = arith.constant 0 : i32
    %c0_i32_1 = arith.constant 0 : i32
    return %c0_i32, %c0_i32_0 : i32, i32
  }
  func.func @transform_10(%arg0: i32) -> (i32, i32) {
    %c0_i32 = arith.constant 0 : i32
    %c0_i32_0 = arith.constant 0 : i32
    %c0_i32_1 = arith.constant 0 : i32
    return %c0_i32, %c0_i32_0 : i32, i32
  }
  func.func @transform_11(%arg0: i32) -> (i32, i32) {
    %c0_i32 = arith.constant 0 : i32
    %c0_i32_0 = arith.constant 0 : i32
    %c0_i32_1 = arith.constant 0 : i32
    return %c0_i32, %c0_i32_0 : i32, i32
  }
}

</mosaic_0001>

<sc_bundles>
// kernel: kernel.5.cloned.1.call-start
scs
__scs_entry_jumppad:
0x0: {  	(pc) =	sbr.rel $0x88, $3  }
0x1: {  	(tag) =	ssettag $0x0;
	lr =	simm.s32 $0x1  }
0x2: {  	[smem:$0x3F98] =	sst lr;
	_ =	strace $0xD0000000  }
0x3: {  	_ = 	snop  }
0x4: {  	_ = 	snop  }
0x5: {  	_ = 	snop  }
0x6: {  	_ = 	snop  }
0x7: {  	_ = 	snop  }
__scs_overlays_trampoline_lowered:
0x8: {  	[smem:$0x3FA7] =	sst s0  }
0x9: {  	[smem:$0x3FA8] =	sst s1  }
0xa: {  	[smem:$0x3FA9] =	sst s2  }
0xb: {  	[smem:$0x3FAA] =	sst s3  }
0xc: {  	[smem:$0x3FAB] =	sst s4  }
0xd: {  	[smem:$0x3FAC] =	sst s5  }
0xe: {  	[smem:$0x3FAD] =	sst s6  }
0xf: {  	[smem:$0x3FAE] =	sst s7  }
0x10: {  	[smem:$0x3FAF] =	sst s8  }
0x11: {  	[smem:$0x3FB0] =	sst s9;
	s0 =	simm.s32 @!p0 $0x0  }
0x12: {  	s1 =	sld [smem:$0x3F96];
	s0 =	simm.s32 @p0 $0x1  }
0x13: {  	[smem:$0x3FB1] =	sst s0;
	s0 =	simm.s32 @!p1 $0x0  }
0x14: {  	s2 =	sld [smem:$0x3F95];
	s0 =	simm.s32 @p1 $0x1  }
0x15: {  	[smem:$0x3FB2] =	sst s0;
	s0 =	simm.s32 @!p2 $0x0  }
0x16: {  	s3 =	sld [smem:$0x3FDB];
	s0 =	simm.s32 @p2 $0x1  }
0x17: {  	s4 =	simm.s32 $0x1BF5;
	[smem:$0x3FB4] =	sst s0  }
0x18: {  	s0 =	sld [smem:$0x3F97];
	_ =	swait.ge [sflag:s4], $0x0  }
0x19: {  	s7 =	sld [smem:$0x3F98]  }
0x1a: {  	s8 =	sadd.s32 $0xFFFFE003, lr  }
0x1b: {  	s9 =	sadd.s32 $0xFFFFFEF7, lr;
	s5 =	simm.s32 $0xFFFFFFFF;
	p2 =	slt.u32 s8, $0xFFFFF086  }
0x1c: {  	p1 =	slt.u32 s9, $0xF7A;
	s5 =	simm.s32 @!p2 $0x0  }
0x1d: {  	s5 =	simm.s32 @p1 $0x1;
	p0 =	seq.s32 s7, s2  }
0x1e: {  	s7 =	smul.u32 @!p0 $0xF7A, s2;
	p2 =	seq.s32 @!p0 s5, $0x0  }
0x1f: {  	s9 =	smul.u32 $0xF7A, s1;
	s8 =	simm.s32 @!p0 $0x1BF5;
	p2 =	por !p2, p0  }
0x20: {  	[sflag:s8] =	ssyncset.s32 @!p0 $0xFFFFF086;
	s6 =	sadd.s32 @!p0 s3, s7;
	s7 =	simm.s32 @!p0 $0x108  }
0x21: {  	s3 =	sadd.s32 s3, s9;
	s6 =	sadd.s32 @!p0 $0x88, s6;
	s7 =	simm.s32 @p2 $0x1082  }
0x22: {  	[simem:s7], [sflag:s8] =	dma.local @!p0 [hbm:s6], $0xF7A  }
0x23: {  	s9 =	sor.u32 $0xD0000000, s2;
	s6 =	simm.s32 $0x108;
	_ =	swait.ge @!p0 [sflag:s8], $0x0  }
0x24: {  	s3 =	sadd.s32 $0x88, s3;
	s6 =	simm.s32 @!p1 $0x1082;
	[sflag:s4] =	ssyncset.s32 $0xFFFFF086  }
0x25: {  	[simem:s6], [sflag:s4] =	dma.local [hbm:s3], $0xF7A  }
0x26: {  	[smem:$0x3F98] =	sst s1;
	(tag) =	ssettag s2;
	_ =	strace s9  }
0x27: {  	s1 =	sld [smem:$0x3FA8]  }
0x28: {  	s2 =	sld [smem:$0x3FA9]  }
0x29: {  	s4 =	sld [smem:$0x3FAB]  }
0x2a: {  	p0 =	seq.s32 s5, $0x0;
	s5 =	sld [smem:$0x3FAC]  }
0x2b: {  	s6 =	sld [smem:$0x3FAD]  }
0x2c: {  	s7 =	sld [smem:$0x3FAE]  }
0x2d: {  	s3 =	simm.s32 $0x108;
	s8 =	sld [smem:$0x3FAF]  }
0x2e: {  	s3 =	simm.s32 @!p0 $0x1082;
	s9 =	sld [smem:$0x3FB0]  }
0x2f: {  	lr =	sadd.s32 s0, s3;
	s0 =	sld [smem:$0x3FA7]  }
0x30: {  	s3 =	sld [smem:$0x3FAA]  }
0x31: {  	[smem:$0x3FB3] =	sst s10  }
0x32: {  	s10 =	sld [smem:$0x3FB1];
	_ =	sdelay $0x3  }
0x33: {  	p0 =	seq.s32 s10, $0x1;
	s10 =	sld [smem:$0x3FB3];
	_ =	sdelay $0x3  }
0x34: {  	[smem:$0x3FB3] =	sst s10  }
0x35: {  	s10 =	sld [smem:$0x3FB2];
	_ =	sdelay $0x3  }
0x36: {  	p1 =	seq.s32 s10, $0x1;
	s10 =	sld [smem:$0x3FB3];
	_ =	sdelay $0x3  }
0x37: {  	[smem:$0x3FB3] =	sst s10  }
0x38: {  	s10 =	sld [smem:$0x3FB4]  }
0x39: {  	_ = 	snop;
	(pc) =	sbr.ind lr, $3  }
0x3a: {  	_ = 	snop  }
0x3b: {  	_ = 	snop  }
0x3c: {  	p2 =	seq.s32 s10, $0x1;
	s10 =	sld [smem:$0x3FB3]  }
0x3d: {  	_ =	shalt  }
0x3e: {  	_ =	shalt  }
0x3f: {  	_ =	shalt  }
0x40: {  	_ =	shalt  }
0x41: {  	_ =	shalt  }
0x42: {  	_ =	shalt  }
0x43: {  	_ =	shalt  }
0x44: {  	_ =	shalt  }
0x45: {  	_ =	shalt  }
0x46: {  	_ =	shalt  }
0x47: {  	_ =	shalt  }
0x48: {  	_ =	shalt  }
0x49: {  	_ =	shalt  }
0x4a: {  	_ =	shalt  }
0x4b: {  	_ =	shalt  }
0x4c: {  	_ =	shalt  }
0x4d: {  	_ =	shalt  }
0x4e: {  	_ =	shalt  }
0x4f: {  	_ =	shalt  }
0x50: {  	_ =	shalt  }
0x51: {  	_ =	shalt  }
0x52: {  	_ =	shalt  }
0x53: {  	_ =	shalt  }
0x54: {  	_ =	shalt  }
0x55: {  	_ =	shalt  }
0x56: {  	_ =	shalt  }
0x57: {  	_ =	shalt  }
0x58: {  	_ =	shalt  }
0x59: {  	_ =	shalt  }
0x5a: {  	_ =	shalt  }
0x5b: {  	_ =	shalt  }
0x5c: {  	_ =	shalt  }
0x5d: {  	_ =	shalt  }
0x5e: {  	_ =	shalt  }
0x5f: {  	_ =	shalt  }
0x60: {  	_ =	shalt  }
0x61: {  	_ =	shalt  }
0x62: {  	_ =	shalt  }
0x63: {  	_ =	shalt  }
0x64: {  	_ =	shalt  }
0x65: {  	_ =	shalt  }
0x66: {  	_ =	shalt  }
0x67: {  	_ =	shalt  }
0x68: {  	_ =	shalt  }
0x69: {  	_ =	shalt  }
0x6a: {  	_ =	shalt  }
0x6b: {  	_ =	shalt  }
0x6c: {  	_ =	shalt  }
0x6d: {  	_ =	shalt  }
0x6e: {  	_ =	shalt  }
0x6f: {  	_ =	shalt  }
0x70: {  	_ =	shalt  }
0x71: {  	_ =	shalt  }
0x72: {  	_ =	shalt  }
0x73: {  	_ =	shalt  }
0x74: {  	_ =	shalt  }
0x75: {  	_ =	shalt  }
0x76: {  	_ =	shalt  }
0x77: {  	_ =	shalt  }
0x78: {  	_ =	shalt  }
0x79: {  	_ =	shalt  }
0x7a: {  	_ =	shalt  }
0x7b: {  	_ =	shalt  }
0x7c: {  	_ =	shalt  }
0x7d: {  	_ =	shalt  }
0x7e: {  	_ =	shalt  }
0x7f: {  	_ =	shalt  }
0x80: {  	_ =	shalt  }
0x81: {  	_ =	shalt  }
0x82: {  	_ =	shalt  }
0x83: {  	_ =	shalt  }
0x84: {  	_ =	shalt  }
0x85: {  	_ =	shalt  }
0x86: {  	_ =	shalt  }
0x87: {  	_ =	shalt  }
.Lfunc_end0:
.L_simem_size_0:
called_computation_lowered:
.L_overlay_start_0:
0x88: {  	s2 =	sld [smem:$0x3FD9]  }
0x89: {  	s3 =	sld [smem:$0x3FFE];
	_ =	sdelay $0x1  }
0x8a: {  	s1 =	srdreg.scid  }
0x8b: {  	s0 =	sand.u32 $0x1, s1  }
0x8c: {  	s17 =	sshll.u32 s0, $0xA;
	s2 =	sadd.s32 s3, s2  }
0x8d: {  	s2 =	sadd.s32 s2, s17  }
0x8e: {  	[smem:$0x3FBF] =	sst s2  }
0x8f: {  	_ = 	snop  }
0x90: {  	s2 =	sld [smem:$0x3FD0];
	(tm) =	ssettm $0x1  }
0x91: {  	s18 =	sld [smem:$0x3FFB];
	_ =	sdelay $0x3  }
0x92: {  	_ =	strace s18  }
0x93: {  	s3 =	sld [smem:$0x3FFC];
	_ =	sdelay $0x3  }
0x94: {  	_ =	strace s3  }
0x95: {  	s3 =	sld [smem:$0x3FFD];
	_ =	sdelay $0x3  }
0x96: {  	_ =	strace s3  }
0x97: {  	_ =	strace $0x8FFFFFFF  }
0x98: {  	s19 =	sld [smem:$0x3FDB];
	_ =	sdelay $0x1  }
0x99: {  	s4 =	simm.s32 $_scs_section_size  }
0x9a: {  	s5 =	simm.s32 $_size__tile_overlayer_lowered;
	s6 =	simm.s32 $_tile_overlayer_lowered  }
0x9b: {  	s22 =	simm.s32 $0x1BFF;
	s21 =	sshll.u32 s6, $0x1;
	s3 =	sadd.s32 s4, s19  }
0x9c: {  	s7 =	simm.s32 $0x0;
	s20 =	sshll.u32 s5, $0x1;
	s5 =	sadd.s32 s21, s3  }
0x9d: {  	[timem:s7], [sflag:s22] =	dma.local [hbm:s5], s20  }
0x9e: {  	_ =	swait.ge [sflag:s22], s20  }
0x9f: {  	s4 =	ssub.s32 $0x0, s20;
	[sflag:s22] =	ssyncset.done $0x0  }
0xa0: {  	[sflag:s22] =	ssyncadd.s32 s4;
	_ =	sdelay $0x1  }
0xa1: {  	s23 =	simm.s32 $0x1B8B  }
0xa2: {  	_ =	swait.ge [sflag:s23], $0x1  }
0xa3: {  	[sflag:s23] =	ssyncset.done $0x0  }
0xa4: {  	s25 =	simm.s32 $0x1B8E;
	s24 =	sld [smem:$0x3FFE];
	[sflag:s23] =	ssyncadd.s32 $0xFFFFFFFF  }
0xa5: {  	s26 =	simm.s32 $execute0_lowered;
	[smem:$0x3FD2] =	sst s25  }
0xa6: {  	s5 =	sshll.u32 s26, $0x1;
	_ =	strace $0x80000046;
	[dreg:$0x1] =	wrdreg $0xFFFFFFFF  }
0xa7: {  	s28 =	simm.s32 $_size_execute0_lowered;
	s3 =	sadd.s32 s3, s5;
	[dreg:$0x0] =	wrdreg $0x0  }
0xa8: {  	s5 =	sshll.u32 s28, $0x1;
	[dreg:$0x2] =	wrdreg s3  }
0xa9: {  	[dreg:$0x3] =	wrdreg s5  }
0xaa: {  	[dreg:$0x4] =	wrdreg $0xC0  }
0xab: {  	_ =	task [dreg:s7], $0x5FFFF  }
0xac: {  	[dreg:$0x1] =	wrdreg $0xFFFFFFFF  }
0xad: {  	[dreg:$0x0] =	wrdreg $0x60  }
0xae: {  	[dreg:$0x2] =	wrdreg s24  }
0xaf: {  	[dreg:$0x3] =	wrdreg s2  }
0xb0: {  	[dreg:$0x4] =	wrdreg $0xE7000  }
0xb1: {  	[dreg:$0x5] =	wrdreg $0x10F000  }
0xb2: {  	[dreg:$0x6] =	wrdreg $0x9  }
0xb3: {  	_ =	task.clear_ibuf [dreg:s7], $0x7FFFF;
	_ =	strace $0x90000046  }
0xb4: {  	s29 =	simm.s32 $0x9;
	_ =	strace $0x80000048  }
0xb5: {  	_ =	swait.ge [sflag:s29], $0x1  }
0xb6: {  	[sflag:s29] =	ssyncadd.s32 $0xFFFFFFFF  }
0xb7: {  	_ =	strace $0x90000048  }
0xb8: {  	_ =	sfence  }
0xb9: {  	s30 =	sld [smem:$0x0];
	_ =	sdelay $0x2  }
0xba: {  	s31 =	sshll.u32 s1, $0xD;
	s1 =	sshrl.u32 s1, $0x2  }
0xbb: {  	s3 =	sand.u32 $0x4000, s31;
	s1 =	sadd.s32 s1, s30  }
0xbc: {  	s0 =	sor.u32 s3, s0;
	s1 =	sshll.u32 s1, $0x11  }
0xbd: {  	s0 =	sor.u32 s1, s0  }
0xbe: {  	s0 =	sadd.s32 $0x8F2B, s0  }
0xbf: {  	[sflag:s0] =	ssyncadd.remote.s32 $0x1  }
0xc0: {  	_ =	sfence.sel $0xFFFF  }
0xc1: {  	[dreg:$0x0] =	wrdreg $0xFFFFFFFF;
	(pc) =	sbr.abs _section_cstart, $3  }
0xc2: {  	[dreg:$0x1] =	wrdreg $0xFFFFFFFF  }
0xc3: {  	_ =	task.clear_ibuf [dreg:s7], $0x2FFFF;
	_ =	strace $0x9FFFFFFF  }
0xc4: {  	(tm) =	ssettm $0x7FFFFFFF  }
0xc5: {  	_ =	shalt  }
tec
execute0_lowered:
.L_overlay_start_1:
0x0: {  	(tag) =	ssettag $0x1  }
0x1: {  	s0 =	rddreg [dreg:$0x0]  }
0x2: {  	s1 =	rddreg [dreg:$0x1]  }
0x3: {  	s2 =	rddreg [dreg:$0x2];
	s4 =	stileid.u32  }
0x4: {  	s3 =	simm.s32 $0x0;
	s6 =	srdreg.scid;
	s5 =	smul.u32 $0xA00, s4  }
0x5: {  	[smem:$0x7FF] =	sst s3;
	s3 =	smul.u32 $0x280, s4  }
0x6: {  	s12 =	rddreg [dreg:$0x3];
	s6 =	sand.u32 $0x1, s6;
	s10 =	smul.u32 $0xA000, s4  }
0x7: {  	s16 =	sshll.u32 s4, $0x8;
	p0 =	sne.s32 s4, $0x0;
	_ =	strace $0x80000047  }
0x8: {  	s6 =	ssub.s32 $0x2, s6;
	s17 =	sadd.s32 s16, s12;
	s5 =	sadd.s32 s5, s0  }
0x9: {  	s7 =	sshrl.u32 s3, $0x3;
	s8 =	sshrl.u32 s6, $0x1;
	s11 =	sadd.s32 s3, s0  }
0xa: {  	[dreg:$0x9] =	wrdreg s17;
	s9 =	sadd.s32 s7, s0;
	s0 =	sadd.s32 $0x10000, s0  }
0xb: {  	s15 =	sshrl.u32 s10, $0x2;
	s5 =	sadd.s32 $0x5400, s5;
	[dreg:$0x5] =	wrdreg s0  }
0xc: {  	s13 =	ssub.s32 s6, s8;
	[dreg:$0x6] =	wrdreg s5;
	s14 =	sadd.s32 $0x2600, s9  }
0xd: {  	s8 =	sadd.s32 s3, s2;
	s5 =	sadd.s32 s15, s2;
	[dreg:$0x7] =	wrdreg s14  }
0xe: {  	s4 =	simm.s32 $0x5000;
	s18 =	sadd.s32 $0x2800, s8;
	[dreg:$0x8] =	wrdreg s5  }
0xf: {  	s6 =	simm.s32 $0xB480;
	s19 =	sadd.s32 $0x5000, s8;
	[dreg:$0xa] =	wrdreg s18  }
0x10: {  	s20 =	sadd.s32 $0x7800, s8;
	s21 =	sadd.s32 $0xA000, s8;
	[dreg:$0xb] =	wrdreg s19  }
0x11: {  	s22 =	sadd.s32 $0xC800, s8;
	s23 =	sadd.s32 $0xF000, s8;
	[dreg:$0xc] =	wrdreg s20  }
0x12: {  	s24 =	sadd.s32 $0x11800, s8;
	s25 =	sadd.s32 $0x14000, s8;
	[dreg:$0xd] =	wrdreg s21  }
0x13: {  	s26 =	sadd.s32 $0x16800, s8;
	s28 =	sadd.s32 $0x1B800, s8;
	[dreg:$0xe] =	wrdreg s22  }
0x14: {  	s29 =	sadd.s32 $0x1E000, s8;
	s30 =	sadd.s32 $0x20800, s8;
	[dreg:$0xf] =	wrdreg s23  }
0x15: {  	s31 =	sadd.s32 $0x23000, s8;
	s0 =	sadd.s32 $0x25800, s8;
	[dreg:$0x10] =	wrdreg s24  }
.Ltmp0:
0x16: {  	s2 =	simm.s32 $0x1;
	[dreg:$0x11] =	wrdreg s25;
	(pc) =	sbr.rel .LBB2_1-.Ltmp0, $4  }
0x17: {  	[dreg:$0x12] =	wrdreg s26;
	s19 =	sadd.s32 s1, s7;
	s20 =	sadd.s32 $0x2C00, s11  }
0x18: {  	s21 =	sadd.s32 $0xFA00, s9;
	s22 =	sadd.s32 $0xF400, s9;
	s23 =	sadd.s32 $0x10200, s9  }
0x19: {  	v2 =	vlaneseq.u32;
	s24 =	sadd.s32 $0x10800, s11;
	s25 =	smax.u32 s13, $0x1;
	s26 =	sadd.s32 $0x19000, s8  }
0x1a: {  	v0 =	vimm.f32 $0.0e+00;
	v1 =	vimm.f32 $1.000000000e+00;
	v2 =	vshrl.u32 v2, $0x3;
	s1 =	simm.s32 $0x7A80;
	s5 =	simm.s32 $0xB380;
	s7 =	simm.s32 $0x0  }
.LBB2_16:
0x1b: {  	v10 =	vld [tilespmem:s11+$0xA480]  }
0x1c: {  	v11 =	vld [tilespmem:s9+$0xAD80];
	v5 =	vadd.f32 v5, v9  }
0x1d: {  	v47 =	vld [tilespmem:s11+$0xA580]  }
0x1e: {  	v12 =	vld [tilespmem:s9+$0xAE80];
	v6 =	vadd.f32 v6, v8;
	vm0 =	vgt.f32 v5, $0.0e+00  }
0x1f: {  	v48 =	vld [tilespmem:s11+$0xA680];
	v49 =	vsel vm0, $0x3F800000, v0  }
0x20: {  	v13 =	vld [tilespmem:s9+$0xAF80];
	v6 =	vadd.f32 v7, v6;
	[tilespmem:s10+$0xE680] =	vst v49;
	v4 =	vadd.f32 v10, v4  }
0x21: {  	v50 =	vld [tilespmem:s11+$0xA780]  }
0x22: {  	v3 =	vadd.f32 v3, v6;
	v4 =	vadd.f32 v47, v4  }
0x23: {  	v51 =	vld [tilespmem:s11+$0xA880]  }
0x24: {  	v8 =	vld [tilespmem:s9+$0xB080];
	v3 =	vadd.f32 v11, v3;
	v4 =	vadd.f32 v48, v4  }
0x25: {  	v52 =	vld [tilespmem:s11+$0xA980]  }
0x26: {  	v53 =	vld [tilespmem:s9+$0xB180];
	v3 =	vadd.f32 v12, v3;
	v4 =	vadd.f32 v50, v4  }
0x27: {  	v54 =	vld [tilespmem:s11+$0xAA80]  }
0x28: {  	v55 =	vld [tilespmem:s9+$0xB280];
	v3 =	vadd.f32 v13, v3;
	v4 =	vadd.f32 v51, v4  }
0x29: {  	v56 =	vld [tilespmem:s11+$0xAB80]  }
0x2a: {  	v3 =	vadd.f32 v8, v3;
	v4 =	vadd.f32 v52, v4  }
0x2b: {  	v57 =	vld [tilespmem:s11+$0xAC80]  }
0x2c: {  	v3 =	vadd.f32 v53, v3;
	v4 =	vadd.f32 v54, v4  }
0x2d: {  	v58 =	vld [tilespmem:s11+$0xAD80]  }
0x2e: {  	v3 =	vadd.f32 v55, v3;
	v4 =	vadd.f32 v56, v4  }
0x2f: {  	v59 =	vld [tilespmem:s11+$0xAE80]  }
0x30: {  	vm14 =	vgt.f32 v3, $0.0e+00;
	v3 =	vadd.f32 v57, v4  }
0x31: {  	v61 =	vld [tilespmem:s11+$0xAF80];
	v60 =	vsel vm14, $0x3F800000, v0  }
0x32: {  	[tilespmem:s9+$0xE680] =	vst v60;
	v3 =	vadd.f32 v58, v3  }
0x33: {  	v4 =	vld [tilespmem:s11+$0xB080]  }
0x34: {  	v3 =	vadd.f32 v59, v3  }
0x35: {  	v62 =	vld [tilespmem:s11+$0xB180]  }
0x36: {  	v3 =	vadd.f32 v61, v3  }
0x37: {  	v63 =	vld [tilespmem:s11+$0xB280]  }
0x38: {  	v3 =	vadd.f32 v4, v3;
	_ =	sdelay $0x1  }
0x39: {  	v3 =	vadd.f32 v62, v3;
	_ =	sdelay $0x1  }
0x3a: {  	v3 =	vadd.f32 v63, v3;
	_ =	sdelay $0x1  }
0x3b: {  	vm15 =	vgt.f32 v3, $0.0e+00  }
0x3c: {  	v3 =	vsel vm15, $0x3F800000, v0  }
0x3d: {  	s16 =	simm.s32 $0x0;
	s17 =	rddreg [dreg:$0x5];
	s18 =	simm.s32 $0xE680;
	[tilespmem:s11+$0xE680] =	vst v3  }
0x3e: {  	[hbm4b:s17+s16] =	stream.linear.scatter [tilespmem:s18], [sflag:$0x1], $0x80, $0x38;
	[tilespmem:$0x11000] =	vst v63  }
0x3f: {  	_ =	swait.ge [sflag:s2], $0x80  }
0x40: {  	[sflag:s2] =	ssyncset.done $0x0  }
0x41: {  	[sflag:s2] =	ssyncadd.s32 $0xFFFFFF80  }
.LBB2_17:
0x42: {  	s7 =	sadd.s32 $0x1, s7  }
0x43: {  	p1 =	sne.s32 s7, s25  }
.Ltmp1:
0x44: {  	_ = 	snop;
	(pc) =	sbr.rel @!p1 .LBB2_18-.Ltmp1, $1  }
0x45: {  	_ =	sdelay $0x3  }
.LBB2_1:
0x46: {  	s9 =	simm.s32 $0x40;
	s10 =	simm.s32 $0x0  }
.LBB2_2:
0x47: {  	p1 =	sne.s32 s9, $0x9FC0;
	[tilespmem:s10+$0x5000] =	vst v0;
	s10 =	smov.u32 s9;
	s9 =	sadd.s32 $0x40, s9  }
.Ltmp2:
0x48: {  	(pc) =	sbr.rel @p1 .LBB2_2-.Ltmp2, $2  }
0x49: {  	_ =	sdelay $0x2  }
0x4a: {  	s10 =	sshra.s32 s10, $0x2  }
0x4b: {  	[tilespmem:s10+$0x5000] =	vst v0  }
0x4c: {  	[tilespmem:$0x7A80] =	vst v0  }
0x4d: {  	[tilespmem:$0x7A90] =	vst v0  }
0x4e: {  	[tilespmem:$0x7AA0] =	vst v0  }
0x4f: {  	[tilespmem:$0x7AB0] =	vst v0  }
0x50: {  	[tilespmem:$0x7AC0] =	vst v0  }
0x51: {  	[tilespmem:$0x7AD0] =	vst v0  }
0x52: {  	[tilespmem:$0x7AE0] =	vst v0  }
0x53: {  	[tilespmem:$0x7AF0] =	vst v0  }
0x54: {  	[tilespmem:$0x7B00] =	vst v0  }
0x55: {  	[tilespmem:$0x7B10] =	vst v0  }
0x56: {  	[tilespmem:$0x7B20] =	vst v0  }
0x57: {  	[tilespmem:$0x7B30] =	vst v0  }
0x58: {  	[tilespmem:$0x7B40] =	vst v0  }
0x59: {  	[tilespmem:$0x7B50] =	vst v0  }
0x5a: {  	[tilespmem:$0x7B60] =	vst v0  }
0x5b: {  	s9 =	simm.s32 $0x0;
	s18 =	rddreg [dreg:$0x6];
	[tilespmem:$0x7B70] =	vst v0  }
0x5c: {  	[tilespmem:s9], [sflag:$0x1] =	stream.linear.gather [hbm4b:s18+s9], $0x5000, $0x38;
	[tilespmem:$0x11000] =	vst v63  }
0x5d: {  	_ =	swait.ge [sflag:s2], $0x5000  }
0x5e: {  	[sflag:s2] =	ssyncset.done $0x0  }
0x5f: {  	s10 =	simm.s32 $0x0;
	s9 =	simm.s32 $0x40;
	[sflag:s2] =	ssyncadd.s32 $0xFFFFB000  }
.LBB2_4:
0x60: {  	p1 =	sne.s32 s9, $0x13FC0;
	v3 =	vld [tilespmem:s10+$0x0];
	_ =	sdelay $0x3  }
.Ltmp3:
0x61: {  	(pc) =	sbr.rel @p1 .LBB2_4-.Ltmp3, $2  }
0x62: {  	_ =	sdelay $0x2  }
0x63: {  	s10 =	sshra.s32 s9, $0x2;
	s9 =	sadd.s32 $0x40, s9;
	[tilespmem:v3+s4+$0x0] =	vst.idx.add.f32.msk $0xffff, v1  }
0x64: {  	v3 =	vld [tilespmem:s10+$0x0];
	_ =	sdelay $0x7  }
0x65: {  	s9 =	simm.s32 $0x0;
	s18 =	rddreg [dreg:$0x7];
	s11 =	simm.s32 $0x7800;
	[tilespmem:v3+s4+$0x0] =	vst.idx.add.f32.msk $0xffff, v1  }
0x66: {  	[tilespmem:s11], [sflag:$0x1] =	stream.linear.gather [hbm4b:s18+s9], $0x280, $0x38;
	[tilespmem:$0x11000] =	vst v63  }
0x67: {  	_ =	swait.ge [sflag:s2], $0x280  }
0x68: {  	[sflag:s2] =	ssyncset.done $0x0  }
0x69: {  	s10 =	simm.s32 $0x0;
	s9 =	simm.s32 $0x40;
	[sflag:s2] =	ssyncadd.s32 $0xFFFFFD80  }
.LBB2_6:
0x6a: {  	p1 =	sne.s32 s9, $0x9C0;
	v3 =	vld [tilespmem:s10+$0x7800];
	_ =	sdelay $0x3  }
.Ltmp4:
0x6b: {  	(pc) =	sbr.rel @p1 .LBB2_6-.Ltmp4, $2  }
0x6c: {  	_ =	sdelay $0x2  }
0x6d: {  	s10 =	sshra.s32 s9, $0x2;
	s9 =	sadd.s32 $0x40, s9;
	[tilespmem:v3+s1+$0x0] =	vst.idx.add.f32.msk $0xffff, v1  }
0x6e: {  	v3 =	vld [tilespmem:s10+$0x7800];
	_ =	sdelay $0x7  }
0x6f: {  	s9 =	rddreg [dreg:$0x8];
	[tilespmem:v3+s1+$0x0] =	vst.idx.add.f32.msk $0xffff, v1  }
0x70: {  	[spmem:s9] =	stream.linear.scatter [tilespmem:s4], [sflag:$0x1], $0x2800, $0x38;
	[tilespmem:$0x11000] =	vst v63  }
0x71: {  	_ =	swait.ge [sflag:s2], $0x2800  }
0x72: {  	[sflag:s2] =	ssyncset.done $0x0  }
0x73: {  	s13 =	rddreg [dreg:$0x9];
	[sflag:s2] =	ssyncadd.s32 $0xFFFFD800  }
0x74: {  	[spmem:s13] =	stream.linear.scatter [tilespmem:s1], [sflag:$0x1], $0x100, $0x38;
	[tilespmem:$0x11000] =	vst v63  }
0x75: {  	_ =	swait.ge [sflag:s2], $0x100  }
0x76: {  	[sflag:s2] =	ssyncset.done $0x0  }
0x77: {  	[sflag:s2] =	ssyncadd.s32 $0xFFFFFF00  }
0x78: {  	s14 =	simm.s32 $0x7B80;
	[bflag:$0x0] =	sbarrier.arrive $0xFFFF  }
0x79: {  	[tilespmem:s14], [sflag:$0x1] =	stream.linear.gather [spmem:s8], $0x280, $0x38;
	[tilespmem:$0x11000] =	vst v63  }
0x7a: {  	_ =	swait.ge [sflag:s2], $0x280  }
0x7b: {  	[sflag:s2] =	ssyncset.done $0x0  }
0x7c: {  	s16 =	simm.s32 $0x7E00;
	s15 =	rddreg [dreg:$0xa];
	[sflag:s2] =	ssyncadd.s32 $0xFFFFFD80  }
0x7d: {  	[tilespmem:s16], [sflag:$0x1] =	stream.linear.gather [spmem:s15], $0x280, $0x38;
	[tilespmem:$0x11000] =	vst v63  }
0x7e: {  	_ =	swait.ge [sflag:s2], $0x280  }
0x7f: {  	[sflag:s2] =	ssyncset.done $0x0  }
0x80: {  	s18 =	simm.s32 $0x8080;
	s17 =	rddreg [dreg:$0xb];
	[sflag:s2] =	ssyncadd.s32 $0xFFFFFD80  }
0x81: {  	[tilespmem:s18], [sflag:$0x1] =	stream.linear.gather [spmem:s17], $0x280, $0x38;
	[tilespmem:$0x11000] =	vst v63  }
0x82: {  	_ =	swait.ge [sflag:s2], $0x280  }
0x83: {  	[sflag:s2] =	ssyncset.done $0x0  }
0x84: {  	s12 =	simm.s32 $0x8300;
	s11 =	rddreg [dreg:$0xc];
	[sflag:s2] =	ssyncadd.s32 $0xFFFFFD80  }
0x85: {  	[tilespmem:s12], [sflag:$0x1] =	stream.linear.gather [spmem:s11], $0x280, $0x38;
	[tilespmem:$0x11000] =	vst v63  }
0x86: {  	_ =	swait.ge [sflag:s2], $0x280  }
0x87: {  	[sflag:s2] =	ssyncset.done $0x0  }
0x88: {  	s14 =	simm.s32 $0x8580;
	s13 =	rddreg [dreg:$0xd];
	[sflag:s2] =	ssyncadd.s32 $0xFFFFFD80  }
0x89: {  	[tilespmem:s14], [sflag:$0x1] =	stream.linear.gather [spmem:s13], $0x280, $0x38;
	[tilespmem:$0x11000] =	vst v63  }
0x8a: {  	_ =	swait.ge [sflag:s2], $0x280  }
0x8b: {  	[sflag:s2] =	ssyncset.done $0x0  }
0x8c: {  	s16 =	simm.s32 $0x8800;
	s15 =	rddreg [dreg:$0xe];
	[sflag:s2] =	ssyncadd.s32 $0xFFFFFD80  }
0x8d: {  	[tilespmem:s16], [sflag:$0x1] =	stream.linear.gather [spmem:s15], $0x280, $0x38;
	[tilespmem:$0x11000] =	vst v63  }
0x8e: {  	_ =	swait.ge [sflag:s2], $0x280  }
0x8f: {  	[sflag:s2] =	ssyncset.done $0x0  }
0x90: {  	s18 =	simm.s32 $0x8A80;
	s17 =	rddreg [dreg:$0xf];
	[sflag:s2] =	ssyncadd.s32 $0xFFFFFD80  }
0x91: {  	[tilespmem:s18], [sflag:$0x1] =	stream.linear.gather [spmem:s17], $0x280, $0x38;
	[tilespmem:$0x11000] =	vst v63  }
0x92: {  	_ =	swait.ge [sflag:s2], $0x280  }
0x93: {  	[sflag:s2] =	ssyncset.done $0x0  }
0x94: {  	s12 =	simm.s32 $0x8D00;
	s11 =	rddreg [dreg:$0x10];
	[sflag:s2] =	ssyncadd.s32 $0xFFFFFD80  }
0x95: {  	[tilespmem:s12], [sflag:$0x1] =	stream.linear.gather [spmem:s11], $0x280, $0x38;
	[tilespmem:$0x11000] =	vst v63  }
0x96: {  	_ =	swait.ge [sflag:s2], $0x280  }
0x97: {  	[sflag:s2] =	ssyncset.done $0x0  }
0x98: {  	s14 =	simm.s32 $0x8F80;
	s13 =	rddreg [dreg:$0x11];
	[sflag:s2] =	ssyncadd.s32 $0xFFFFFD80  }
0x99: {  	[tilespmem:s14], [sflag:$0x1] =	stream.linear.gather [spmem:s13], $0x280, $0x38;
	[tilespmem:$0x11000] =	vst v63  }
0x9a: {  	_ =	swait.ge [sflag:s2], $0x280  }
0x9b: {  	[sflag:s2] =	ssyncset.done $0x0  }
0x9c: {  	s16 =	simm.s32 $0x9200;
	s15 =	rddreg [dreg:$0x12];
	[sflag:s2] =	ssyncadd.s32 $0xFFFFFD80  }
0x9d: {  	[tilespmem:s16], [sflag:$0x1] =	stream.linear.gather [spmem:s15], $0x280, $0x38;
	[tilespmem:$0x11000] =	vst v63  }
0x9e: {  	_ =	swait.ge [sflag:s2], $0x280  }
0x9f: {  	[sflag:s2] =	ssyncset.done $0x0  }
0xa0: {  	s17 =	simm.s32 $0x9480;
	[sflag:s2] =	ssyncadd.s32 $0xFFFFFD80  }
0xa1: {  	[tilespmem:s17], [sflag:$0x1] =	stream.linear.gather [spmem:s26], $0x280, $0x38;
	[tilespmem:$0x11000] =	vst v63  }
0xa2: {  	_ =	swait.ge [sflag:s2], $0x280  }
0xa3: {  	[sflag:s2] =	ssyncset.done $0x0  }
0xa4: {  	s18 =	simm.s32 $0x9700;
	[sflag:s2] =	ssyncadd.s32 $0xFFFFFD80  }
0xa5: {  	[tilespmem:s18], [sflag:$0x1] =	stream.linear.gather [spmem:s28], $0x280, $0x38;
	[tilespmem:$0x11000] =	vst v63  }
0xa6: {  	_ =	swait.ge [sflag:s2], $0x280  }
0xa7: {  	[sflag:s2] =	ssyncset.done $0x0  }
0xa8: {  	s10 =	simm.s32 $0x9980;
	[sflag:s2] =	ssyncadd.s32 $0xFFFFFD80  }
0xa9: {  	[tilespmem:s10], [sflag:$0x1] =	stream.linear.gather [spmem:s29], $0x280, $0x38;
	[tilespmem:$0x11000] =	vst v63  }
0xaa: {  	_ =	swait.ge [sflag:s2], $0x280  }
0xab: {  	[sflag:s2] =	ssyncset.done $0x0  }
0xac: {  	s11 =	simm.s32 $0x9C00;
	[sflag:s2] =	ssyncadd.s32 $0xFFFFFD80  }
0xad: {  	[tilespmem:s11], [sflag:$0x1] =	stream.linear.gather [spmem:s30], $0x280, $0x38;
	[tilespmem:$0x11000] =	vst v63  }
0xae: {  	_ =	swait.ge [sflag:s2], $0x280  }
0xaf: {  	[sflag:s2] =	ssyncset.done $0x0  }
0xb0: {  	s12 =	simm.s32 $0x9E80;
	[sflag:s2] =	ssyncadd.s32 $0xFFFFFD80  }
0xb1: {  	[tilespmem:s12], [sflag:$0x1] =	stream.linear.gather [spmem:s31], $0x280, $0x38;
	[tilespmem:$0x11000] =	vst v63  }
0xb2: {  	_ =	swait.ge [sflag:s2], $0x280  }
0xb3: {  	[sflag:s2] =	ssyncset.done $0x0  }
0xb4: {  	s13 =	simm.s32 $0xA100;
	[sflag:s2] =	ssyncadd.s32 $0xFFFFFD80  }
0xb5: {  	[tilespmem:s13], [sflag:$0x1] =	stream.linear.gather [spmem:s0], $0x280, $0x38;
	[tilespmem:$0x11000] =	vst v63  }
0xb6: {  	_ =	swait.ge [sflag:s2], $0x280  }
0xb7: {  	[sflag:s2] =	ssyncset.done $0x0  }
0xb8: {  	[sflag:s2] =	ssyncadd.s32 $0xFFFFFD80  }
0xb9: {  	s15 =	simm.s32 $0xA380;
	s14 =	rddreg [dreg:$0x3]  }
0xba: {  	[tilespmem:s15], [sflag:$0x1] =	stream.linear.gather [spmem:s14], $0x1000, $0x38;
	[tilespmem:$0x11000] =	vst v63  }
0xbb: {  	_ =	swait.ge [sflag:s2], $0x1000  }
0xbc: {  	[sflag:s2] =	ssyncset.done $0x0  }
0xbd: {  	s16 =	simm.s32 $0x0;
	s17 =	simm.s32 $0xBC00;
	[sflag:s2] =	ssyncadd.s32 $0xFFFFF000  }
0xbe: {  	[tilespmem:s17], [sflag:$0x1] =	stream.linear.gather [hbm4b:s19+s16], $0x280, $0x38;
	[tilespmem:$0x11000] =	vst v63  }
0xbf: {  	_ =	swait.ge [sflag:s2], $0x280  }
0xc0: {  	[sflag:s2] =	ssyncset.done $0x0  }
0xc1: {  	s18 =	simm.s32 $0xBE80;
	[sflag:s2] =	ssyncadd.s32 $0xFFFFFD80  }
0xc2: {  	[tilespmem:s18], [sflag:$0x1] =	stream.linear.gather [hbm4b:s20+s16], $0x1400, $0x38;
	[tilespmem:$0x11000] =	vst v63  }
0xc3: {  	_ =	swait.ge [sflag:s2], $0x1400  }
0xc4: {  	[sflag:s2] =	ssyncset.done $0x0  }
0xc5: {  	s12 =	simm.s32 $0x0;
	[sflag:s2] =	ssyncadd.s32 $0xFFFFEC00  }
0xc6: {  	v3 =	vld [tilespmem:s12+$0xA380]  }
0xc7: {  	v4 =	vld [tilespmem:s12+$0xA480];
	_ =	sdelay $0x1  }
0xc8: {  	v5 =	vld [tilespmem:s12+$0xA580];
	_ =	sdelay $0x1  }
0xc9: {  	v6 =	vld [tilespmem:s12+$0xA680]  }
0xca: {  	v3 =	vadd.f32 v4, v3  }
0xcb: {  	v4 =	vld [tilespmem:s12+$0xA780]  }
0xcc: {  	v3 =	vadd.f32 v5, v3  }
0xcd: {  	v5 =	vld [tilespmem:s12+$0xA880]  }
0xce: {  	v3 =	vadd.f32 v6, v3  }
0xcf: {  	v6 =	vld [tilespmem:s12+$0xA980]  }
0xd0: {  	v3 =	vadd.f32 v4, v3  }
0xd1: {  	v4 =	vld [tilespmem:s12+$0xAA80]  }
0xd2: {  	s10 =	simm.s32 $0x10;
	v7 =	vld [tilespmem:s12+$0xAB80];
	v3 =	vadd.f32 v5, v3  }
0xd3: {  	v8 =	vld [tilespmem:s10+$0xA380]  }
0xd4: {  	v5 =	vld [tilespmem:s12+$0xAC80];
	v3 =	vadd.f32 v6, v3  }
0xd5: {  	v6 =	vld [tilespmem:s10+$0xA480]  }
0xd6: {  	v9 =	vld [tilespmem:s10+$0xA580];
	v3 =	vadd.f32 v4, v3  }
0xd7: {  	v4 =	vld [tilespmem:s12+$0xAD80]  }
0xd8: {  	v10 =	vld [tilespmem:s10+$0xA680];
	v3 =	vadd.f32 v7, v3  }
0xd9: {  	v7 =	vld [tilespmem:s12+$0xAE80]  }
0xda: {  	v6 =	vadd.f32 v6, v8;
	v8 =	vld [tilespmem:s10+$0xA780];
	v3 =	vadd.f32 v5, v3  }
0xdb: {  	v5 =	vld [tilespmem:s12+$0xAF80]  }
0xdc: {  	v6 =	vadd.f32 v9, v6;
	v9 =	vld [tilespmem:s10+$0xA880];
	v3 =	vadd.f32 v4, v3  }
0xdd: {  	v4 =	vld [tilespmem:s12+$0xB080]  }
0xde: {  	v6 =	vadd.f32 v10, v6;
	v10 =	vld [tilespmem:s10+$0xA980];
	v3 =	vadd.f32 v7, v3  }
0xdf: {  	v7 =	vld [tilespmem:s12+$0xB180]  }
0xe0: {  	v6 =	vadd.f32 v8, v6;
	v8 =	vld [tilespmem:s10+$0xAA80];
	v3 =	vadd.f32 v5, v3  }
0xe1: {  	s9 =	simm.s32 $0x20;
	v5 =	vld [tilespmem:s12+$0xB280]  }
0xe2: {  	v11 =	vld [tilespmem:s9+$0xA380];
	v6 =	vadd.f32 v9, v6;
	v3 =	vadd.f32 v4, v3  }
0xe3: {  	v4 =	vld [tilespmem:s10+$0xAB80]  }
0xe4: {  	v9 =	vld [tilespmem:s10+$0xAC80];
	v6 =	vadd.f32 v10, v6;
	v3 =	vadd.f32 v7, v3  }
0xe5: {  	v7 =	vld [tilespmem:s9+$0xA480]  }
0xe6: {  	v6 =	vadd.f32 v8, v6;
	v8 =	vld [tilespmem:s10+$0xAD80];
	v3 =	vadd.f32 v5, v3  }
0xe7: {  	v5 =	vld [tilespmem:s9+$0xA580]  }
0xe8: {  	v10 =	vld [tilespmem:s9+$0xA680];
	v4 =	vadd.f32 v4, v6;
	v3 =	vmax.f32 v3, $1.000000000e+00  }
0xe9: {  	v6 =	vld [tilespmem:s10+$0xAE80];
	v12 =	vshra.s32 v3, $0x1;
	v13 =	vmul.f32 $5.000000000e-01, v3  }
0xea: {  	v3 =	vadd.f32 v7, v11;
	v4 =	vadd.f32 v9, v4;
	v7 =	vld [tilespmem:s10+$0xAF80];
	v9 =	vsub.s32 $0x5F3759DF, v12  }
0xeb: {  	v11 =	vld [tilespmem:s9+$0xA780];
	v12 =	vmul.f32 v9, v13  }
0xec: {  	v3 =	vadd.f32 v5, v3;
	v4 =	vadd.f32 v8, v4;
	v5 =	vld [tilespmem:s10+$0xB080]  }
0xed: {  	v8 =	vld [tilespmem:s9+$0xA880];
	v12 =	vmul.f32 v9, v12  }
0xee: {  	v3 =	vadd.f32 v10, v3;
	v4 =	vadd.f32 v6, v4;
	v6 =	vld [tilespmem:s10+$0xB180]  }
0xef: {  	v10 =	vld [tilespmem:s9+$0xA980];
	v12 =	vsub.f32 $1.500000000e+00, v12  }
0xf0: {  	v3 =	vadd.f32 v11, v3;
	v4 =	vadd.f32 v7, v4;
	v7 =	vld [tilespmem:s10+$0xB280]  }
0xf1: {  	s11 =	simm.s32 $0x30;
	v11 =	vld [tilespmem:s9+$0xAA80];
	v9 =	vmul.f32 v9, v12  }
0xf2: {  	v14 =	vld [tilespmem:s11+$0xA380];
	v3 =	vadd.f32 v8, v3;
	v4 =	vadd.f32 v5, v4  }
0xf3: {  	v5 =	vld [tilespmem:s9+$0xAB80];
	v12 =	vmul.f32 v9, v13  }
0xf4: {  	v8 =	vld [tilespmem:s9+$0xAC80];
	v3 =	vadd.f32 v10, v3;
	v4 =	vadd.f32 v6, v4  }
0xf5: {  	v6 =	vld [tilespmem:s11+$0xA480];
	v10 =	vmul.f32 v12, v9  }
0xf6: {  	v3 =	vadd.f32 v11, v3;
	v11 =	vld [tilespmem:s9+$0xAD80];
	v4 =	vadd.f32 v7, v4  }
0xf7: {  	v7 =	vld [tilespmem:s11+$0xA580];
	v10 =	vsub.f32 $1.500000000e+00, v10  }
0xf8: {  	v12 =	vld [tilespmem:s9+$0xAE80];
	v5 =	vadd.f32 v5, v3;
	v3 =	vmax.f32 v4, $1.000000000e+00  }
0xf9: {  	v4 =	vld [tilespmem:s11+$0xA680];
	v15 =	vshra.s32 v3, $0x1;
	v3 =	vmul.f32 $5.000000000e-01, v3;
	v10 =	vmul.f32 v10, v9  }
0xfa: {  	v6 =	vadd.f32 v6, v14;
	v14 =	vld [tilespmem:s11+$0xA780];
	v5 =	vadd.f32 v8, v5;
	v9 =	vsub.s32 $0x5F3759DF, v15  }
0xfb: {  	v8 =	vld [tilespmem:s9+$0xAF80];
	v15 =	vmul.f32 v9, v3;
	v13 =	vmul.f32 v10, v13  }
0xfc: {  	v6 =	vadd.f32 v7, v6;
	v7 =	vld [tilespmem:s9+$0xB080];
	v5 =	vadd.f32 v11, v5  }
0xfd: {  	v11 =	vld [tilespmem:s11+$0xA880];
	v15 =	vmul.f32 v9, v15;
	v13 =	vmul.f32 v13, v10  }
0xfe: {  	v16 =	vld [tilespmem:s9+$0xB180];
	v4 =	vadd.f32 v4, v6;
	v5 =	vadd.f32 v12, v5  }
0xff: {  	v17 =	vld [tilespmem:s11+$0xA980];
	v12 =	vsub.f32 $1.500000000e+00, v15;
	v13 =	vsub.f32 $1.500000000e+00, v13  }
0x100: {  	v6 =	vld [tilespmem:s11+$0xAA80];
	v14 =	vadd.f32 v14, v4;
	v8 =	vadd.f32 v8, v5  }
0x101: {  	v4 =	vld [tilespmem:s9+$0xB280];
	v9 =	vmul.f32 v9, v12;
	v10 =	vmul.f32 v13, v10  }
0x102: {  	v5 =	vld [tilespmem:s11+$0xAC80];
	v14 =	vadd.f32 v11, v14;
	v8 =	vadd.f32 v7, v8  }
0x103: {  	s13 =	simm.s32 $0x30;
	s15 =	simm.s32 $0x40;
	s14 =	simm.s32 $0x20;
	v7 =	vld [tilespmem:s11+$0xAB80];
	v12 =	vmul.f32 v9, v3;
	v13 =	vmul.f32 v10, v10  }
0x104: {  	s17 =	simm.s32 $0x0;
	s18 =	simm.s32 $0x140;
	s16 =	simm.s32 $0x10;
	v11 =	vld [tilespmem:s15+$0xA380];
	v10 =	vadd.f32 v17, v14;
	v8 =	vadd.f32 v16, v8  }
.LBB2_8:
0x105: {  	p1 =	sne.s32 s18, $0x3C0;
	v14 =	vld [tilespmem:s15+$0xA480];
	v12 =	vmul.f32 v12, v9;
	[tilespmem:s17+$0xB380] =	vst v13;
	s17 =	smov.u32 s16;
	s16 =	smov.u32 s14  }
0x106: {  	s14 =	smov.u32 s13;
	v6 =	vadd.f32 v6, v10;
	v10 =	vld [tilespmem:s13+$0xAD80];
	v4 =	vadd.f32 v4, v8;
	s13 =	smov.u32 s15  }
0x107: {  	v8 =	vld [tilespmem:s13+$0xA580];
	v12 =	vsub.f32 $1.500000000e+00, v12  }
0x108: {  	v6 =	vadd.f32 v7, v6;
	v7 =	vld [tilespmem:s14+$0xAE80];
	v4 =	vmax.f32 v4, $1.000000000e+00  }
0x109: {  	v13 =	vld [tilespmem:s13+$0xA680];
	v15 =	vshra.s32 v4, $0x1;
	v4 =	vmul.f32 $5.000000000e-01, v4;
	v12 =	vmul.f32 v12, v9  }
0x10a: {  	v9 =	vadd.f32 v14, v11;
	v5 =	vadd.f32 v5, v6;
	v6 =	vld [tilespmem:s14+$0xAF80];
	v11 =	vsub.s32 $0x5F3759DF, v15  }
0x10b: {  	v14 =	vld [tilespmem:s13+$0xA780];
	v15 =	vmul.f32 v11, v4;
	v16 =	vmul.f32 v12, v3;
	v3 =	vmov v4  }
0x10c: {  	v4 =	vadd.f32 v8, v9;
	v5 =	vadd.f32 v10, v5;
	v8 =	vld [tilespmem:s14+$0xB080]  }
0x10d: {  	v10 =	vld [tilespmem:s13+$0xA880];
	v9 =	vmul.f32 v11, v15;
	v15 =	vmul.f32 v16, v12  }
0x10e: {  	v4 =	vadd.f32 v13, v4;
	v5 =	vadd.f32 v7, v5;
	v16 =	vld [tilespmem:s14+$0xB180]  }
0x10f: {  	v17 =	vld [tilespmem:s13+$0xA980];
	v7 =	vsub.f32 $1.500000000e+00, v9;
	v13 =	vsub.f32 $1.500000000e+00, v15  }
.Ltmp5:
0x110: {  	v14 =	vadd.f32 v14, v4;
	v15 =	vadd.f32 v6, v5;
	v4 =	vld [tilespmem:s14+$0xB280];
	(pc) =	sbr.rel @p1 .LBB2_8-.Ltmp5, $4  }
0x111: {  	v6 =	vld [tilespmem:s13+$0xAA80];
	v9 =	vmul.f32 v11, v7;
	v11 =	vmul.f32 v13, v12  }
0x112: {  	v10 =	vadd.f32 v10, v14;
	v5 =	vld [tilespmem:s13+$0xAC80];
	v8 =	vadd.f32 v8, v15  }
0x113: {  	s15 =	sshra.s32 s18, $0x2;
	v7 =	vld [tilespmem:s13+$0xAB80];
	v12 =	vmul.f32 v9, v3;
	v13 =	vmul.f32 v11, v11  }
0x114: {  	s18 =	sadd.s32 $0x40, s18;
	v11 =	vld [tilespmem:s15+$0xA380];
	v10 =	vadd.f32 v17, v10;
	v8 =	vadd.f32 v16, v8  }
0x115: {  	v14 =	vld [tilespmem:s15+$0xA480]  }
0x116: {  	v12 =	vmul.f32 v12, v9;
	[tilespmem:s17+$0xB380] =	vst v13  }
0x117: {  	v13 =	vld [tilespmem:s15+$0xA580]  }
0x118: {  	v12 =	vsub.f32 $1.500000000e+00, v12  }
0x119: {  	v15 =	vld [tilespmem:s15+$0xA680]  }
0x11a: {  	v9 =	vmul.f32 v12, v9;
	v11 =	vadd.f32 v14, v11  }
0x11b: {  	v12 =	vld [tilespmem:s15+$0xA780]  }
0x11c: {  	v16 =	vld [tilespmem:s13+$0xAD80];
	v3 =	vmul.f32 v9, v3;
	v11 =	vadd.f32 v13, v11  }
0x11d: {  	v13 =	vld [tilespmem:s15+$0xA880]  }
0x11e: {  	v17 =	vld [tilespmem:s13+$0xAF80];
	v3 =	vmul.f32 v3, v9;
	v11 =	vadd.f32 v15, v11  }
0x11f: {  	v15 =	vld [tilespmem:s15+$0xA980]  }
0x120: {  	v18 =	vld [tilespmem:s13+$0xB080];
	v3 =	vsub.f32 $1.500000000e+00, v3;
	v11 =	vadd.f32 v12, v11  }
0x121: {  	v12 =	vld [tilespmem:s15+$0xAA80]  }
0x122: {  	v19 =	vld [tilespmem:s13+$0xB180];
	v3 =	vmul.f32 v3, v9;
	v9 =	vadd.f32 v13, v11  }
0x123: {  	v6 =	vadd.f32 v6, v10;
	v11 =	vld [tilespmem:s15+$0xAB80]  }
0x124: {  	v10 =	vld [tilespmem:s15+$0xAC80];
	v3 =	vmul.f32 v3, v3;
	v9 =	vadd.f32 v15, v9  }
0x125: {  	v6 =	vadd.f32 v7, v6;
	v14 =	vld [tilespmem:s13+$0xAE80]  }
0x126: {  	v13 =	vld [tilespmem:s13+$0xB280];
	[tilespmem:s16+$0xB380] =	vst v3;
	v3 =	vadd.f32 v12, v9  }
0x127: {  	v5 =	vadd.f32 v5, v6;
	v7 =	vld [tilespmem:s15+$0xAD80]  }
0x128: {  	v3 =	vadd.f32 v11, v3  }
0x129: {  	v5 =	vadd.f32 v16, v5;
	v6 =	vld [tilespmem:s15+$0xAE80]  }
0x12a: {  	v3 =	vadd.f32 v10, v3  }
0x12b: {  	v5 =	vadd.f32 v14, v5;
	v9 =	vld [tilespmem:s15+$0xAF80]  }
0x12c: {  	v3 =	vadd.f32 v7, v3  }
0x12d: {  	v5 =	vadd.f32 v17, v5;
	v7 =	vld [tilespmem:s15+$0xB080]  }
0x12e: {  	v3 =	vadd.f32 v6, v3  }
0x12f: {  	v5 =	vadd.f32 v18, v5;
	v6 =	vld [tilespmem:s15+$0xB180]  }
0x130: {  	v3 =	vadd.f32 v9, v3  }
0x131: {  	v5 =	vadd.f32 v19, v5;
	v9 =	vld [tilespmem:s15+$0xB280]  }
0x132: {  	v3 =	vadd.f32 v7, v3  }
0x133: {  	v5 =	vadd.f32 v13, v5  }
0x134: {  	v4 =	vadd.f32 v4, v8;
	v3 =	vadd.f32 v6, v3  }
0x135: {  	v5 =	vmax.f32 v5, $1.000000000e+00  }
0x136: {  	v4 =	vmax.f32 v4, $1.000000000e+00;
	v8 =	vshra.s32 v5, $0x1;
	v3 =	vadd.f32 v9, v3  }
0x137: {  	v5 =	vmul.f32 $5.000000000e-01, v5;
	v6 =	vshra.s32 v4, $0x1;
	v4 =	vmul.f32 $5.000000000e-01, v4  }
0x138: {  	v8 =	vsub.s32 $0x5F3759DF, v8;
	v6 =	vsub.s32 $0x5F3759DF, v6;
	v3 =	vmax.f32 v3, $1.000000000e+00  }
0x139: {  	v7 =	vmul.f32 v6, v4;
	v9 =	vshra.s32 v3, $0x1;
	v3 =	vmul.f32 $5.000000000e-01, v3  }
0x13a: {  	v10 =	vmul.f32 v8, v5;
	v9 =	vsub.s32 $0x5F3759DF, v9  }
0x13b: {  	v7 =	vmul.f32 v6, v7;
	v11 =	vmul.f32 v9, v3  }
0x13c: {  	v10 =	vmul.f32 v8, v10  }
0x13d: {  	v7 =	vsub.f32 $1.500000000e+00, v7;
	v11 =	vmul.f32 v9, v11  }
0x13e: {  	v10 =	vsub.f32 $1.500000000e+00, v10  }
0x13f: {  	v6 =	vmul.f32 v6, v7;
	v7 =	vsub.f32 $1.500000000e+00, v11  }
0x140: {  	v8 =	vmul.f32 v8, v10  }
0x141: {  	v10 =	vmul.f32 v6, v4;
	v7 =	vmul.f32 v9, v7  }
0x142: {  	v9 =	vmul.f32 v8, v5  }
0x143: {  	v10 =	vmul.f32 v10, v6;
	v11 =	vmul.f32 v7, v3  }
0x144: {  	v9 =	vmul.f32 v9, v8  }
0x145: {  	v10 =	vsub.f32 $1.500000000e+00, v10;
	v11 =	vmul.f32 v11, v7  }
0x146: {  	v9 =	vsub.f32 $1.500000000e+00, v9  }
0x147: {  	v6 =	vmul.f32 v10, v6;
	v10 =	vsub.f32 $1.500000000e+00, v11  }
0x148: {  	v8 =	vmul.f32 v9, v8  }
0x149: {  	v4 =	vmul.f32 v6, v4;
	v7 =	vmul.f32 v10, v7  }
0x14a: {  	v5 =	vmul.f32 v8, v5  }
0x14b: {  	v4 =	vmul.f32 v4, v6;
	v3 =	vmul.f32 v7, v3  }
0x14c: {  	v5 =	vmul.f32 v5, v8  }
0x14d: {  	v4 =	vsub.f32 $1.500000000e+00, v4;
	v3 =	vmul.f32 v3, v7  }
0x14e: {  	v5 =	vsub.f32 $1.500000000e+00, v5  }
0x14f: {  	v4 =	vmul.f32 v4, v6;
	v3 =	vsub.f32 $1.500000000e+00, v3  }
0x150: {  	v5 =	vmul.f32 v5, v8  }
0x151: {  	v4 =	vmul.f32 v4, v4;
	v3 =	vmul.f32 v3, v7  }
0x152: {  	v5 =	vmul.f32 v5, v5  }
0x153: {  	[tilespmem:s14+$0xB380] =	vst v4;
	v3 =	vmul.f32 v3, v3  }
0x154: {  	[tilespmem:s13+$0xB380] =	vst v5  }
0x155: {  	[tilespmem:s15+$0xB380] =	vst v3  }
0x156: {  	v3 =	vld [tilespmem:s12+$0x7B80]  }
0x157: {  	v4 =	vld [tilespmem:s12+$0x7E00];
	_ =	sdelay $0x1  }
0x158: {  	v5 =	vld [tilespmem:s12+$0x8080];
	_ =	sdelay $0x1  }
0x159: {  	v6 =	vld [tilespmem:s12+$0x8300]  }
0x15a: {  	v3 =	vadd.f32 v4, v3  }
0x15b: {  	v4 =	vld [tilespmem:s12+$0x8580]  }
0x15c: {  	v3 =	vadd.f32 v5, v3  }
0x15d: {  	v5 =	vld [tilespmem:s12+$0x8800]  }
0x15e: {  	v3 =	vadd.f32 v6, v3  }
0x15f: {  	v6 =	vld [tilespmem:s12+$0x8A80]  }
0x160: {  	v3 =	vadd.f32 v4, v3  }
0x161: {  	v4 =	vld [tilespmem:s12+$0x8D00]  }
0x162: {  	v3 =	vadd.f32 v5, v3  }
0x163: {  	v5 =	vld [tilespmem:s12+$0x8F80]  }
0x164: {  	v7 =	vld [tilespmem:s12+$0x9200];
	v3 =	vadd.f32 v6, v3  }
0x165: {  	v8 =	vld [tilespmem:s10+$0x7B80]  }
0x166: {  	v6 =	vld [tilespmem:s12+$0x9480];
	v3 =	vadd.f32 v4, v3  }
0x167: {  	v4 =	vld [tilespmem:s10+$0x7E00]  }
0x168: {  	v9 =	vld [tilespmem:s10+$0x8080];
	v3 =	vadd.f32 v5, v3  }
0x169: {  	v5 =	vld [tilespmem:s12+$0x9700]  }
0x16a: {  	v10 =	vld [tilespmem:s10+$0x8300];
	v3 =	vadd.f32 v7, v3  }
0x16b: {  	v7 =	vld [tilespmem:s12+$0x9980]  }
0x16c: {  	v4 =	vadd.f32 v4, v8;
	v8 =	vld [tilespmem:s10+$0x8580];
	v3 =	vadd.f32 v6, v3  }
0x16d: {  	v6 =	vld [tilespmem:s12+$0x9C00]  }
0x16e: {  	v4 =	vadd.f32 v9, v4;
	v9 =	vld [tilespmem:s10+$0x8800];
	v3 =	vadd.f32 v5, v3  }
0x16f: {  	v5 =	vld [tilespmem:s12+$0x9E80]  }
0x170: {  	v4 =	vadd.f32 v10, v4;
	v10 =	vld [tilespmem:s10+$0x8A80];
	v3 =	vadd.f32 v7, v3  }
0x171: {  	v7 =	vld [tilespmem:s12+$0xA100]  }
0x172: {  	v4 =	vadd.f32 v8, v4;
	v3 =	vadd.f32 v6, v3  }
0x173: {  	v6 =	vld [tilespmem:s10+$0x8D00]  }
0x174: {  	v4 =	vadd.f32 v9, v4;
	v3 =	vadd.f32 v5, v3  }
0x175: {  	v5 =	vld [tilespmem:s10+$0x8F80]  }
0x176: {  	p2 =	slt.u32 s3, $0x2710;
	v4 =	vadd.f32 v10, v4;
	v10 =	vld [tilespmem:s9+$0x7B80];
	v3 =	vadd.f32 v7, v3  }
0x177: {  	v9 =	vpsel !p2, $0x0, v1;
	v7 =	vld [tilespmem:s10+$0x9200]  }
0x178: {  	v4 =	vadd.f32 v6, v4;
	v9 =	vadd.f32 v3, v9;
	v3 =	vld [tilespmem:s9+$0x7E00]  }
0x179: {  	v8 =	vld [tilespmem:s10+$0x9480]  }
0x17a: {  	v11 =	vld [tilespmem:s9+$0x8080];
	v4 =	vadd.f32 v5, v4;
	v5 =	vshra.s32 v9, $0x1;
	v12 =	vmul.f32 $5.000000000e-01, v9  }
0x17b: {  	v6 =	vld [tilespmem:s10+$0x9700];
	v5 =	vsub.s32 $0x5F3759DF, v5  }
0x17c: {  	v4 =	vadd.f32 v7, v4;
	v7 =	vld [tilespmem:s9+$0x8300];
	v14 =	vmul.f32 v5, v12  }
0x17d: {  	v13 =	vld [tilespmem:s10+$0x9980];
	v3 =	vadd.f32 v3, v10  }
0x17e: {  	v4 =	vadd.f32 v8, v4;
	v8 =	vld [tilespmem:s9+$0x8580];
	v14 =	vmul.f32 v5, v14  }
0x17f: {  	v10 =	vld [tilespmem:s10+$0x9C00];
	v3 =	vadd.f32 v11, v3  }
0x180: {  	v4 =	vadd.f32 v6, v4;
	v6 =	vld [tilespmem:s9+$0x8800];
	v14 =	vsub.f32 $1.500000000e+00, v14  }
0x181: {  	v11 =	vld [tilespmem:s10+$0x9E80];
	v3 =	vadd.f32 v7, v3  }
0x182: {  	v4 =	vadd.f32 v13, v4;
	v13 =	vld [tilespmem:s9+$0x8A80];
	v5 =	vmul.f32 v5, v14  }
0x183: {  	v7 =	vld [tilespmem:s10+$0xA100];
	v8 =	vadd.f32 v8, v3  }
0x184: {  	v14 =	vld [tilespmem:s9+$0x8D00];
	v4 =	vadd.f32 v10, v4;
	v10 =	vmul.f32 v5, v12  }
0x185: {  	v17 =	vld [tilespmem:s9+$0x9980];
	v6 =	vadd.f32 v6, v8  }
0x186: {  	v8 =	vld [tilespmem:s9+$0x8F80];
	v4 =	vadd.f32 v11, v4;
	v10 =	vmul.f32 v10, v5  }
0x187: {  	s18 =	sadd.s32 $0x10, s3;
	v11 =	vld [tilespmem:s9+$0x9480];
	v6 =	vadd.f32 v13, v6  }
0x188: {  	p4 =	slt.u32 s18, $0x2710;
	v13 =	vld [tilespmem:s9+$0x9200];
	v4 =	vadd.f32 v7, v4;
	v7 =	vsub.f32 $1.500000000e+00, v10  }
0x189: {  	v15 =	vpsel !p4, $0x0, v1;
	v10 =	vld [tilespmem:s11+$0x7B80];
	v6 =	vadd.f32 v14, v6  }
0x18a: {  	v14 =	vld [tilespmem:s11+$0x7E00];
	v4 =	vadd.f32 v4, v15;
	v5 =	vmul.f32 v7, v5  }
0x18b: {  	v15 =	vld [tilespmem:s11+$0x8080];
	v8 =	vadd.f32 v8, v6  }
0x18c: {  	v7 =	vld [tilespmem:s9+$0x9700];
	v16 =	vshra.s32 v4, $0x1;
	v6 =	vmul.f32 $5.000000000e-01, v4;
	v12 =	vmul.f32 v5, v12  }
0x18d: {  	v60 =	vld [tilespmem:s11+$0x8300];
	v16 =	vsub.s32 $0x5F3759DF, v16;
	v8 =	vadd.f32 v13, v8  }
0x18e: {  	v3 =	vld [tilespmem:s12+$0xBC00];
	v13 =	vmul.f32 v16, v6;
	v12 =	vmul.f32 v12, v5  }
0x18f: {  	v61 =	vld [tilespmem:s9+$0x9C00];
	v10 =	vadd.f32 v14, v10;
	v8 =	vadd.f32 v11, v8  }
0x190: {  	v14 =	vld [tilespmem:s11+$0x8580];
	v11 =	vmul.f32 v16, v13;
	v12 =	vsub.f32 $1.500000000e+00, v12  }
0x191: {  	v13 =	vld [tilespmem:s9+$0x9E80];
	v10 =	vadd.f32 v15, v10;
	v7 =	vadd.f32 v7, v8  }
0x192: {  	v15 =	vld [tilespmem:s11+$0x8800];
	v8 =	vsub.f32 $1.500000000e+00, v11;
	v5 =	vmul.f32 v12, v5  }
0x193: {  	vm0 =	vgt.f32 v9, $0.0e+00;
	v9 =	vld [tilespmem:s11+$0x8A80];
	v10 =	vadd.f32 v60, v10;
	v7 =	vadd.f32 v17, v7  }
0x194: {  	v11 =	vld [tilespmem:s9+$0xA100];
	v16 =	vmul.f32 v16, v8;
	v17 =	vnsel vm0, $0x0, v5  }
0x195: {  	v5 =	vld [tilespmem:s11+$0x8D00];
	v8 =	vadd.f32 v14, v10;
	[tilespmem:s12+$0xB480] =	vst v17;
	v10 =	vadd.f32 v61, v7  }
0x196: {  	v12 =	vmul.f32 v16, v6;
	v62 =	vld.idx.msk [tilespmem:v3+s5+$0x0], $0xffff  }
0x197: {  	v8 =	vadd.f32 v15, v8;
	v7 =	vld [tilespmem:s10+$0xBC00];
	v13 =	vadd.f32 v13, v10  }
0x198: {  	s14 =	sadd.s32 $0x10, s18;
	v10 =	vld [tilespmem:s11+$0x8F80];
	v12 =	vmul.f32 v12, v16  }
0x199: {  	p1 =	slt.u32 s14, $0x2710;
	v9 =	vadd.f32 v9, v8;
	v8 =	vld [tilespmem:s11+$0x9480];
	v13 =	vadd.f32 v11, v13  }
0x19a: {  	v63 =	vpsel !p1, $0x0, v1;
	s13 =	simm.s32 $0x40;
	v11 =	vld [tilespmem:s11+$0x9200];
	v15 =	vsub.f32 $1.500000000e+00, v12  }
0x19b: {  	p2 =	por p2, p2;
	v12 =	vld [tilespmem:s13+$0x7B80];
	v14 =	vadd.f32 v5, v9;
	v5 =	vadd.f32 v13, v63  }
0x19c: {  	s15 =	simm.s32 $0x140;
	p3 =	por p2, p2;
	p2 =	por p4, p4;
	v13 =	vld [tilespmem:s13+$0x7E00];
	v9 =	vmul.f32 v15, v16;
	v15 =	vmul.f32 v17, v62  }
.LBB2_10:
0x19d: {  	p4 =	sne.s32 s15, $0x9C0;
	v10 =	vadd.f32 v10, v14;
	v14 =	vld [tilespmem:s11+$0x9700];
	v16 =	vshra.s32 v5, $0x1  }
0x19e: {  	v17 =	vld [tilespmem:s13+$0x8080];
	v18 =	vmul.f32 v9, v6;
	v6 =	vmul.f32 $5.000000000e-01, v5;
	v15 =	vpsel !p3, $0x0, v15;
	p3 =	por p2, p2;
	p2 =	por p1, p1  }
0x19f: {  	v16 =	vsub.s32 $0x5F3759DF, v16;
	v10 =	vadd.f32 v11, v10;
	v11 =	vld [tilespmem:s11+$0x9980];
	[tilespmem:s12+$0xB700] =	vst v15;
	v15 =	vadd.s32 $0x100, v15  }
0x1a0: {  	v19 =	vld [tilespmem:s13+$0x8300];
	v20 =	vmul.f32 v16, v6;
	v18 =	vmul.f32 v18, v9;
	v15 =	vand.u32 $0xFFFFFE00, v15  }
0x1a1: {  	v12 =	vadd.f32 v13, v12;
	v8 =	vadd.f32 v8, v10;
	v10 =	vld [tilespmem:s11+$0x9C00];
	v13 =	vor.u32 v3, v15;
	v3 =	vmovc v7  }
0x1a2: {  	v7 =	vld [tilespmem:s13+$0x8580];
	v15 =	vmul.f32 v16, v20;
	v18 =	vsub.f32 $1.500000000e+00, v18;
	[tilespmem:s12+$0xB980] =	vst v13;
	s12 =	smov.u32 s10;
	s10 =	smov.u32 s9;
	s9 =	smov.u32 s11  }
0x1a3: {  	s11 =	smov.u32 s13;
	v12 =	vadd.f32 v17, v12;
	v8 =	vadd.f32 v14, v8;
	v13 =	vld [tilespmem:s9+$0x9E80]  }
0x1a4: {  	v14 =	vld [tilespmem:s11+$0x8800];
	v15 =	vsub.f32 $1.500000000e+00, v15;
	v9 =	vmul.f32 v18, v9  }
0x1a5: {  	vm0 =	vgt.f32 v4, $0.0e+00;
	v4 =	vmovc v5;
	v12 =	vadd.f32 v19, v12;
	v8 =	vadd.f32 v11, v8;
	v11 =	vld [tilespmem:s9+$0xA100]  }
0x1a6: {  	v5 =	vld [tilespmem:s11+$0x8A80];
	v15 =	vmul.f32 v16, v15;
	v16 =	vnsel vm0, $0x0, v9  }
0x1a7: {  	v7 =	vadd.f32 v7, v12;
	v9 =	vld [tilespmem:s11+$0x8D00];
	v8 =	vadd.f32 v10, v8;
	[tilespmem:s12+$0xB480] =	vst v16  }
0x1a8: {  	v12 =	vmul.f32 v15, v6;
	v17 =	vld.idx.msk [tilespmem:v3+s5+$0x0], $0xffff  }
0x1a9: {  	v14 =	vadd.f32 v14, v7;
	v13 =	vadd.f32 v13, v8;
	v7 =	vld [tilespmem:s10+$0xBC00]  }
.Ltmp6:
0x1aa: {  	s14 =	sadd.s32 $0x10, s14;
	v10 =	vld [tilespmem:s11+$0x8F80];
	v12 =	vmul.f32 v12, v15;
	(pc) =	sbr.rel @p4 .LBB2_10-.Ltmp6, $4  }
0x1ab: {  	p1 =	slt.u32 s14, $0x2710;
	v5 =	vadd.f32 v5, v14;
	v8 =	vld [tilespmem:s11+$0x9480];
	v13 =	vadd.f32 v11, v13  }
0x1ac: {  	s13 =	sshra.s32 s15, $0x2;
	v18 =	vpsel !p1, $0x0, v1;
	v11 =	vld [tilespmem:s11+$0x9200];
	v19 =	vsub.f32 $1.500000000e+00, v12  }
0x1ad: {  	v12 =	vld [tilespmem:s13+$0x7B80];
	v14 =	vadd.f32 v9, v5;
	v5 =	vadd.f32 v13, v18  }
0x1ae: {  	s15 =	sadd.s32 $0x40, s15;
	v13 =	vld [tilespmem:s13+$0x7E00];
	v9 =	vmul.f32 v19, v15;
	v15 =	vmul.f32 v16, v17  }
0x1af: {  	v16 =	vld [tilespmem:s11+$0x9700]  }
0x1b0: {  	v17 =	vld [tilespmem:s13+$0x8080];
	v15 =	vpsel !p3, $0x0, v15  }
0x1b1: {  	v18 =	vld [tilespmem:s11+$0x9980];
	v6 =	vmul.f32 v9, v6;
	[tilespmem:s12+$0xB700] =	vst v15  }
0x1b2: {  	v15 =	vadd.s32 $0x100, v15;
	v19 =	vld [tilespmem:s13+$0x8300]  }
0x1b3: {  	v15 =	vand.u32 $0xFFFFFE00, v15;
	v6 =	vmul.f32 v6, v9;
	v12 =	vadd.f32 v13, v12  }
0x1b4: {  	v10 =	vadd.f32 v10, v14;
	v29 =	vld [tilespmem:s13+$0x8580];
	v3 =	vor.u32 v3, v15  }
0x1b5: {  	v20 =	vld [tilespmem:s11+$0x9C00];
	[tilespmem:s12+$0xB980] =	vst v3;
	v3 =	vsub.f32 $1.500000000e+00, v6;
	v6 =	vadd.f32 v17, v12  }
0x1b6: {  	v10 =	vadd.f32 v11, v10;
	v31 =	vld [tilespmem:s13+$0x8800]  }
0x1b7: {  	v30 =	vld [tilespmem:s11+$0x9E80];
	v3 =	vmul.f32 v3, v9;
	v6 =	vadd.f32 v19, v6  }
0x1b8: {  	v32 =	vshra.s32 v5, $0x1;
	vm0 =	vgt.f32 v4, $0.0e+00;
	v8 =	vadd.f32 v8, v10;
	v4 =	vld [tilespmem:s13+$0x8A80]  }
0x1b9: {  	v34 =	vmul.f32 $5.000000000e-01, v5;
	v33 =	vld [tilespmem:s11+$0xA100];
	v3 =	vnsel vm0, $0x0, v3;
	v6 =	vadd.f32 v29, v6  }
0x1ba: {  	v35 =	vsub.s32 $0x5F3759DF, v32;
	v36 =	vld [tilespmem:s13+$0x8D00];
	v8 =	vadd.f32 v16, v8;
	[tilespmem:s10+$0xB480] =	vst v3  }
0x1bb: {  	v14 =	vmul.f32 v35, v34;
	v37 =	vld.idx.msk [tilespmem:v7+s5+$0x0], $0xffff;
	v6 =	vadd.f32 v31, v6  }
0x1bc: {  	v8 =	vadd.f32 v18, v8;
	v39 =	vld [tilespmem:s13+$0x8F80]  }
0x1bd: {  	v38 =	vmul.f32 v35, v14;
	v4 =	vadd.f32 v4, v6  }
0x1be: {  	v8 =	vadd.f32 v20, v8;
	v40 =	vld [tilespmem:s13+$0x9200]  }
0x1bf: {  	v6 =	vsub.f32 $1.500000000e+00, v38;
	v4 =	vadd.f32 v36, v4  }
0x1c0: {  	s18 =	sadd.s32 $0x10, s14;
	v41 =	vld [tilespmem:s13+$0x9480];
	v8 =	vadd.f32 v30, v8  }
0x1c1: {  	p6 =	slt.u32 s18, $0x2710;
	v6 =	vmul.f32 v35, v6;
	v3 =	vmul.f32 v3, v37;
	v4 =	vadd.f32 v39, v4  }
0x1c2: {  	p5 =	por p2, p2;
	v45 =	vpsel !p6, $0x0, v1;
	v43 =	vld [tilespmem:s13+$0x9700];
	v8 =	vadd.f32 v33, v8  }
0x1c3: {  	v42 =	vmul.f32 v6, v34;
	v3 =	vpsel !p5, $0x0, v3;
	v4 =	vadd.f32 v40, v4  }
0x1c4: {  	v46 =	vld [tilespmem:s13+$0x9980];
	v8 =	vadd.f32 v8, v45;
	v47 =	vadd.s32 $0x100, v3  }
0x1c5: {  	v44 =	vld [tilespmem:s9+$0xBC00];
	[tilespmem:s10+$0xB700] =	vst v3;
	v12 =	vmul.f32 v42, v6;
	v3 =	vand.u32 $0xFFFFFE00, v47;
	v4 =	vadd.f32 v41, v4  }
0x1c6: {  	v48 =	vshra.s32 v8, $0x1;
	v49 =	vmul.f32 $5.000000000e-01, v8;
	v50 =	vld [tilespmem:s13+$0x9C00];
	v3 =	vor.u32 v7, v3  }
0x1c7: {  	v10 =	vsub.s32 $0x5F3759DF, v48;
	v7 =	vsub.f32 $1.500000000e+00, v12;
	[tilespmem:s10+$0xB980] =	vst v3;
	v3 =	vadd.f32 v43, v4  }
0x1c8: {  	v51 =	vld [tilespmem:s13+$0x9E80];
	v4 =	vmul.f32 v10, v49  }
0x1c9: {  	v6 =	vmul.f32 v7, v6;
	v3 =	vadd.f32 v46, v3  }
0x1ca: {  	v7 =	vld [tilespmem:s13+$0xA100];
	v4 =	vmul.f32 v10, v4  }
0x1cb: {  	v52 =	vmul.f32 v6, v34;
	v3 =	vadd.f32 v50, v3  }
0x1cc: {  	v4 =	vsub.f32 $1.500000000e+00, v4  }
0x1cd: {  	v11 =	vmul.f32 v52, v6;
	v3 =	vadd.f32 v51, v3  }
0x1ce: {  	s14 =	sadd.s32 $0x10, s18;
	v4 =	vmul.f32 v10, v4  }
0x1cf: {  	p4 =	slt.u32 s14, $0x2710;
	v53 =	vsub.f32 $1.500000000e+00, v11;
	v3 =	vadd.f32 v7, v3  }
0x1d0: {  	v54 =	vpsel !p4, $0x0, v1;
	v7 =	vmul.f32 v4, v49  }
0x1d1: {  	v6 =	vmul.f32 v53, v6;
	v3 =	vadd.f32 v3, v54  }
0x1d2: {  	vm13 =	vgt.f32 v5, $0.0e+00;
	v5 =	vmul.f32 v7, v4  }
0x1d3: {  	v6 =	vnsel vm13, $0x0, v6;
	v7 =	vshra.s32 v3, $0x1;
	v55 =	vmul.f32 $5.000000000e-01, v3  }
0x1d4: {  	[tilespmem:s9+$0xB480] =	vst v6;
	v5 =	vsub.f32 $1.500000000e+00, v5;
	v7 =	vsub.s32 $0x5F3759DF, v7  }
0x1d5: {  	v56 =	vld.idx.msk [tilespmem:v44+s5+$0x0], $0xffff;
	v57 =	vmul.f32 v7, v55  }
0x1d6: {  	v4 =	vmul.f32 v5, v4  }
0x1d7: {  	v5 =	vmul.f32 v7, v57  }
0x1d8: {  	v58 =	vmul.f32 v4, v49  }
0x1d9: {  	v5 =	vsub.f32 $1.500000000e+00, v5  }
0x1da: {  	p1 =	por p1, p1;
	v59 =	vld [tilespmem:s11+$0xBC00];
	v6 =	vmul.f32 v6, v56;
	v60 =	vmul.f32 v58, v4  }
0x1db: {  	p1 =	por p1, p1;
	v5 =	vmul.f32 v7, v5  }
0x1dc: {  	v6 =	vpsel !p1, $0x0, v6;
	v7 =	vsub.f32 $1.500000000e+00, v60  }
0x1dd: {  	v61 =	vadd.s32 $0x100, v6;
	v62 =	vmul.f32 v5, v55  }
0x1de: {  	v10 =	vand.u32 $0xFFFFFE00, v61;
	v4 =	vmul.f32 v7, v4  }
0x1df: {  	vm14 =	vgt.f32 v8, $0.0e+00;
	[tilespmem:s9+$0xB700] =	vst v6;
	v6 =	vor.u32 v44, v10;
	v7 =	vmul.f32 v62, v5  }
0x1e0: {  	[tilespmem:s9+$0xB980] =	vst v6;
	v4 =	vnsel vm14, $0x0, v4  }
0x1e1: {  	[tilespmem:s11+$0xB480] =	vst v4;
	v6 =	vsub.f32 $1.500000000e+00, v7  }
0x1e2: {  	v7 =	vld.idx.msk [tilespmem:v59+s5+$0x0], $0xffff  }
0x1e3: {  	v5 =	vmul.f32 v6, v5;
	_ =	sdelay $0x1  }
0x1e4: {  	v6 =	vmul.f32 v5, v55;
	_ =	sdelay $0x1  }
0x1e5: {  	p5 =	por p6, p6;
	v63 =	vld [tilespmem:s13+$0xBC00];
	v4 =	vmul.f32 v4, v7;
	v6 =	vmul.f32 v6, v5  }
0x1e6: {  	p1 =	por p5, p5  }
0x1e7: {  	v4 =	vpsel !p1, $0x0, v4;
	v6 =	vsub.f32 $1.500000000e+00, v6  }
0x1e8: {  	v7 =	vadd.s32 $0x100, v4  }
0x1e9: {  	v7 =	vand.u32 $0xFFFFFE00, v7;
	v5 =	vmul.f32 v6, v5  }
0x1ea: {  	vm15 =	vgt.f32 v3, $0.0e+00;
	[tilespmem:s11+$0xB700] =	vst v4;
	v4 =	vor.u32 v59, v7  }
0x1eb: {  	[tilespmem:s11+$0xB980] =	vst v4;
	v3 =	vnsel vm15, $0x0, v5  }
0x1ec: {  	[tilespmem:s13+$0xB480] =	vst v3  }
0x1ed: {  	v4 =	vld.idx.msk [tilespmem:v63+s5+$0x0], $0xffff;
	_ =	sdelay $0x4  }
0x1ee: {  	p6 =	por p4, p4;
	v3 =	vmul.f32 v3, v4  }
0x1ef: {  	s15 =	simm.s32 $0x0;
	p1 =	por p6, p6  }
0x1f0: {  	v4 =	vor.u32 s15, v2;
	v3 =	vpsel !p1, $0x0, v3  }
0x1f1: {  	v5 =	vadd.s32 $0x100, v3  }
0x1f2: {  	v5 =	vand.u32 $0xFFFFFE00, v5  }
0x1f3: {  	[tilespmem:s13+$0xB700] =	vst v3;
	v3 =	vor.u32 v63, v5  }
0x1f4: {  	[tilespmem:s13+$0xB980] =	vst v3  }
0x1f5: {  	s16 =	simm.s32 $0xBE80;
	v3 =	vld.idx.msk [tilespmem:v4+s6+$0x0], $0xffff  }
0x1f6: {  	v4 =	vld [tilespmem:s16+$0x0];
	_ =	sdelay $0x1  }
0x1f7: {  	s17 =	simm.s32 $0x2  }
0x1f8: {  	v5 =	vor.u32 s17, v2;
	_ =	sdelay $0x1  }
0x1f9: {  	v3 =	vmul.f32 v4, v3  }
0x1fa: {  	s9 =	simm.s32 $0xD280  }
0x1fb: {  	[tilespmem:s9+$0x0] =	vst v3  }
0x1fc: {  	s10 =	simm.s32 $0xBE90;
	v3 =	vld.idx.msk [tilespmem:v5+s6+$0x0], $0xffff  }
0x1fd: {  	v5 =	vld [tilespmem:s10+$0x0];
	_ =	sdelay $0x1  }
0x1fe: {  	s18 =	simm.s32 $0x4  }
0x1ff: {  	s11 =	simm.s32 $0x6;
	v4 =	vor.u32 s18, v2  }
.LBB2_12:
0x200: {  	p1 =	sne.s32 s11, $0x27E  }
0x201: {  	v3 =	vmul.f32 v5, v3  }
0x202: {  	s9 =	sadd.s32 $0x10, s9  }
0x203: {  	[tilespmem:s9+$0x0] =	vst v3  }
.Ltmp7:
0x204: {  	s10 =	sadd.s32 $0x10, s10;
	v3 =	vld.idx.msk [tilespmem:v4+s6+$0x0], $0xffff;
	(pc) =	sbr.rel @p1 .LBB2_12-.Ltmp7, $2  }
0x205: {  	v5 =	vld [tilespmem:s10+$0x0];
	_ =	sdelay $0x2  }
0x206: {  	v4 =	vor.u32 s11, v2;
	s11 =	sadd.s32 $0x2, s11  }
0x207: {  	_ = 	snop  }
0x208: {  	v3 =	vmul.f32 v5, v3  }
0x209: {  	s9 =	sadd.s32 $0x10, s9  }
0x20a: {  	[tilespmem:s9+$0x0] =	vst v3  }
0x20b: {  	s10 =	sadd.s32 $0x10, s10;
	v3 =	vld.idx.msk [tilespmem:v4+s6+$0x0], $0xffff  }
0x20c: {  	v63 =	vld [tilespmem:s10+$0x0];
	_ =	sdelay $0x4  }
0x20d: {  	v3 =	vmul.f32 v63, v3  }
0x20e: {  	s9 =	sadd.s32 $0x10, s9  }
0x20f: {  	s15 =	simm.s32 $0x0;
	[tilespmem:s9+$0x0] =	vst v3  }
0x210: {  	[hbm4b:s21+s15] =	stream.linear.scatter [tilespmem:s6], [sflag:$0x1], $0x280, $0x38;
	[tilespmem:$0x11000] =	vst v63  }
0x211: {  	_ =	swait.ge [sflag:s2], $0x280  }
0x212: {  	[sflag:s2] =	ssyncset.done $0x0  }
0x213: {  	s16 =	simm.s32 $0xB700;
	[sflag:s2] =	ssyncadd.s32 $0xFFFFFD80  }
0x214: {  	[hbm4b:s22+s15] =	stream.linear.scatter [tilespmem:s16], [sflag:$0x1], $0x280, $0x38;
	[tilespmem:$0x11000] =	vst v63  }
0x215: {  	_ =	swait.ge [sflag:s2], $0x280  }
0x216: {  	[sflag:s2] =	ssyncset.done $0x0  }
0x217: {  	s17 =	simm.s32 $0xB980;
	[sflag:s2] =	ssyncadd.s32 $0xFFFFFD80  }
0x218: {  	[hbm4b:s23+s15] =	stream.linear.scatter [tilespmem:s17], [sflag:$0x1], $0x280, $0x38;
	[tilespmem:$0x11000] =	vst v63  }
0x219: {  	_ =	swait.ge [sflag:s2], $0x280  }
0x21a: {  	[sflag:s2] =	ssyncset.done $0x0  }
.Ltmp8:
0x21b: {  	s18 =	simm.s32 $0xD280;
	[sflag:s2] =	ssyncadd.s32 $0xFFFFFD80;
	(pc) =	sbr.rel @p0 .LBB2_17-.Ltmp8, $4  }
0x21c: {  	[hbm4b:s24+s15] =	stream.linear.scatter [tilespmem:s18], [sflag:$0x1], $0x1400, $0x38;
	[tilespmem:$0x11000] =	vst v63  }
0x21d: {  	_ =	swait.ge [sflag:s2], $0x1400  }
0x21e: {  	[sflag:s2] =	ssyncset.done $0x0  }
0x21f: {  	[sflag:s2] =	ssyncadd.s32 $0xFFFFEC00  }
0x220: {  	s10 =	simm.s32 $0x0  }
0x221: {  	v3 =	vld [tilespmem:s10+$0xA380]  }
0x222: {  	v4 =	vld [tilespmem:s10+$0xA480];
	_ =	sdelay $0x1  }
0x223: {  	v5 =	vld [tilespmem:s10+$0xA580];
	_ =	sdelay $0x1  }
0x224: {  	v6 =	vld [tilespmem:s10+$0xA680]  }
0x225: {  	v3 =	vadd.f32 v4, v3  }
0x226: {  	v4 =	vld [tilespmem:s10+$0xA780]  }
0x227: {  	v3 =	vadd.f32 v5, v3  }
0x228: {  	v5 =	vld [tilespmem:s10+$0xA880]  }
0x229: {  	v3 =	vadd.f32 v6, v3  }
0x22a: {  	v6 =	vld [tilespmem:s10+$0xA980]  }
0x22b: {  	v3 =	vadd.f32 v4, v3  }
0x22c: {  	v4 =	vld [tilespmem:s10+$0xAA80]  }
0x22d: {  	s9 =	simm.s32 $0x10;
	v7 =	vld [tilespmem:s10+$0xAB80];
	v3 =	vadd.f32 v5, v3  }
0x22e: {  	v8 =	vld [tilespmem:s9+$0xA380]  }
0x22f: {  	v5 =	vld [tilespmem:s10+$0xAC80];
	v3 =	vadd.f32 v6, v3  }
0x230: {  	v6 =	vld [tilespmem:s9+$0xA480]  }
0x231: {  	v9 =	vld [tilespmem:s9+$0xA580];
	v3 =	vadd.f32 v4, v3  }
0x232: {  	v4 =	vld [tilespmem:s10+$0xAD80]  }
0x233: {  	v10 =	vld [tilespmem:s9+$0xA680];
	v3 =	vadd.f32 v7, v3  }
0x234: {  	v7 =	vld [tilespmem:s10+$0xAE80]  }
0x235: {  	v6 =	vadd.f32 v6, v8;
	v8 =	vld [tilespmem:s9+$0xA780];
	v3 =	vadd.f32 v5, v3  }
0x236: {  	v5 =	vld [tilespmem:s10+$0xAF80]  }
0x237: {  	v6 =	vadd.f32 v9, v6;
	v9 =	vld [tilespmem:s9+$0xA880];
	v3 =	vadd.f32 v4, v3  }
0x238: {  	v4 =	vld [tilespmem:s10+$0xB080]  }
0x239: {  	v11 =	vld [tilespmem:s9+$0xA980];
	v6 =	vadd.f32 v10, v6;
	v3 =	vadd.f32 v7, v3  }
0x23a: {  	v10 =	vld [tilespmem:s10+$0xB180]  }
0x23b: {  	v7 =	vadd.f32 v8, v6;
	v6 =	vld [tilespmem:s9+$0xAA80];
	v8 =	vadd.f32 v5, v3  }
0x23c: {  	v5 =	vld [tilespmem:s10+$0xB280]  }
0x23d: {  	v3 =	vld [tilespmem:s9+$0xAC80];
	v9 =	vadd.f32 v9, v7;
	v12 =	vadd.f32 v4, v8  }
0x23e: {  	s11 =	simm.s32 $0x20;
	v7 =	vld [tilespmem:s9+$0xAB80]  }
0x23f: {  	s12 =	simm.s32 $0xC0;
	v4 =	vld [tilespmem:s11+$0xA380];
	v8 =	vadd.f32 v11, v9;
	v9 =	vadd.f32 v10, v12  }
.LBB2_15:
0x240: {  	p1 =	sne.s32 s12, $0x1C0;
	v10 =	vld [tilespmem:s11+$0xA480]  }
0x241: {  	v6 =	vadd.f32 v6, v8;
	v5 =	vadd.f32 v5, v9;
	v8 =	vld [tilespmem:s9+$0xAD80]  }
0x242: {  	v9 =	vld [tilespmem:s11+$0xA580]  }
0x243: {  	v6 =	vadd.f32 v7, v6;
	vm0 =	vgt.f32 v5, $0.0e+00;
	v7 =	vld [tilespmem:s9+$0xAE80]  }
0x244: {  	v11 =	vsel vm0, $0x3F800000, v0;
	v5 =	vld [tilespmem:s11+$0xA680]  }
0x245: {  	v3 =	vadd.f32 v3, v6;
	v4 =	vadd.f32 v10, v4;
	v6 =	vld [tilespmem:s9+$0xAF80];
	[tilespmem:s10+$0xE680] =	vst v11;
	s10 =	smov.u32 s9;
	s9 =	smov.u32 s11  }
0x246: {  	v10 =	vld [tilespmem:s9+$0xA780]  }
0x247: {  	v3 =	vadd.f32 v8, v3;
	v4 =	vadd.f32 v9, v4;
	v8 =	vld [tilespmem:s10+$0xB080]  }
0x248: {  	v9 =	vld [tilespmem:s9+$0xA880]  }
0x249: {  	v3 =	vadd.f32 v7, v3;
	v4 =	vadd.f32 v5, v4;
	v11 =	vld [tilespmem:s10+$0xB180]  }
0x24a: {  	v12 =	vld [tilespmem:s9+$0xA980]  }
.Ltmp9:
0x24b: {  	v7 =	vadd.f32 v6, v3;
	v4 =	vadd.f32 v10, v4;
	v5 =	vld [tilespmem:s10+$0xB280];
	(pc) =	sbr.rel @p1 .LBB2_15-.Ltmp9, $4  }
0x24c: {  	v6 =	vld [tilespmem:s9+$0xAA80]  }
0x24d: {  	v10 =	vadd.f32 v8, v7;
	v9 =	vadd.f32 v9, v4;
	v3 =	vld [tilespmem:s9+$0xAC80]  }
0x24e: {  	s11 =	sshra.s32 s12, $0x2;
	v7 =	vld [tilespmem:s9+$0xAB80]  }
0x24f: {  	s12 =	sadd.s32 $0x40, s12;
	v4 =	vld [tilespmem:s11+$0xA380];
	v8 =	vadd.f32 v12, v9;
	v9 =	vadd.f32 v11, v10  }
.Ltmp10:
0x250: {  	_ = 	snop;
	(pc) =	sbr.rel .LBB2_16-.Ltmp10, $1  }
0x251: {  	_ =	sdelay $0x3  }
.LBB2_18:
0x252: {  	_ =	sfence.sel $0x180000  }
0x253: {  	[bflag:$0x0] =	sbarrier.arrive $0xFFFF  }
0x254: {  	_ =	strace $0x90000047  }
0x255: {  	[bflag:$0x2] =	sbarrier.arrive $0xFFFF  }
0x256: {  	s0 =	rddreg [dreg:$0x4]  }
0x257: {  	s0 =	sadd.s32 @!p0 $0x100000, s0  }
0x258: {  	[sflag:s0] =	ssyncadd.tile.s32 @!p0 $0x1;
	_ =	shalt  }
.Lfunc_end2:
_tile_overlayer_lowered:
.L_overlay_start_2:
0x259: {  	(tag) =	ssettag $0x2  }
0x25a: {  	s0 =	rddreg [dreg:$0x0];
	s2 =	stileid.u32  }
0x25b: {  	s1 =	rddreg [dreg:$0x1];
	p0 =	sne.s32 s2, $0x0  }
0x25c: {  	s3 =	rddreg [dreg:$0x2];
	[bflag:$0x3] =	sbarrier.arrive $0xFFFF;
	s2 =	simm.s32 @!p0 $0x1C01  }
0x25d: {  	[timem:s3], [sflag:s2] =	dma.local @!p0 [hbm:s0], s1  }
0x25e: {  	s0 =	simm.s32 @!p0 $0x1  }
0x25f: {  	_ =	swait.ge @!p0 [sflag:s0], s1  }
0x260: {  	s1 =	ssub.s32 @!p0 $0x0, s1;
	[sflag:s0] =	ssyncset.done @!p0 $0x0  }
0x261: {  	[sflag:s0] =	ssyncadd.s32 @!p0 s1  }
0x262: {  	[bflag:$0x3] =	sbarrier.arrive $0xFFFF  }
0x263: {  	_ =	shalt  }

// kernel: kernel.8.cloned.1.call-start
scs
__scs_entry_jumppad:
0x0: {  	(pc) =	sbr.rel $0x88, $3  }
0x1: {  	(tag) =	ssettag $0x0;
	lr =	simm.s32 $0x1  }
0x2: {  	[smem:$0x3F98] =	sst lr;
	_ =	strace $0xD0000000  }
0x3: {  	_ = 	snop  }
0x4: {  	_ = 	snop  }
0x5: {  	_ = 	snop  }
0x6: {  	_ = 	snop  }
0x7: {  	_ = 	snop  }
__scs_overlays_trampoline_lowered:
0x8: {  	[smem:$0x3FA7] =	sst s0  }
0x9: {  	[smem:$0x3FA8] =	sst s1  }
0xa: {  	[smem:$0x3FA9] =	sst s2  }
0xb: {  	[smem:$0x3FAA] =	sst s3  }
0xc: {  	[smem:$0x3FAB] =	sst s4  }
0xd: {  	[smem:$0x3FAC] =	sst s5  }
0xe: {  	[smem:$0x3FAD] =	sst s6  }
0xf: {  	[smem:$0x3FAE] =	sst s7  }
0x10: {  	[smem:$0x3FAF] =	sst s8  }
0x11: {  	[smem:$0x3FB0] =	sst s9;
	s0 =	simm.s32 @!p0 $0x0  }
0x12: {  	s1 =	sld [smem:$0x3F96];
	s0 =	simm.s32 @p0 $0x1  }
0x13: {  	[smem:$0x3FB1] =	sst s0;
	s0 =	simm.s32 @!p1 $0x0  }
0x14: {  	s2 =	sld [smem:$0x3F95];
	s0 =	simm.s32 @p1 $0x1  }
0x15: {  	[smem:$0x3FB2] =	sst s0;
	s0 =	simm.s32 @!p2 $0x0  }
0x16: {  	s3 =	sld [smem:$0x3FDB];
	s0 =	simm.s32 @p2 $0x1  }
0x17: {  	s4 =	simm.s32 $0x1BF5;
	[smem:$0x3FB4] =	sst s0  }
0x18: {  	s0 =	sld [smem:$0x3F97];
	_ =	swait.ge [sflag:s4], $0x0  }
0x19: {  	s7 =	sld [smem:$0x3F98]  }
0x1a: {  	s8 =	sadd.s32 $0xFFFFE003, lr  }
0x1b: {  	s9 =	sadd.s32 $0xFFFFFEF7, lr;
	s5 =	simm.s32 $0xFFFFFFFF;
	p2 =	slt.u32 s8, $0xFFFFF086  }
0x1c: {  	p1 =	slt.u32 s9, $0xF7A;
	s5 =	simm.s32 @!p2 $0x0  }
0x1d: {  	s5 =	simm.s32 @p1 $0x1;
	p0 =	seq.s32 s7, s2  }
0x1e: {  	s7 =	smul.u32 @!p0 $0xF7A, s2;
	p2 =	seq.s32 @!p0 s5, $0x0  }
0x1f: {  	s9 =	smul.u32 $0xF7A, s1;
	s8 =	simm.s32 @!p0 $0x1BF5;
	p2 =	por !p2, p0  }
0x20: {  	[sflag:s8] =	ssyncset.s32 @!p0 $0xFFFFF086;
	s6 =	sadd.s32 @!p0 s3, s7;
	s7 =	simm.s32 @!p0 $0x108  }
0x21: {  	s3 =	sadd.s32 s3, s9;
	s6 =	sadd.s32 @!p0 $0x88, s6;
	s7 =	simm.s32 @p2 $0x1082  }
0x22: {  	[simem:s7], [sflag:s8] =	dma.local @!p0 [hbm:s6], $0xF7A  }
0x23: {  	s9 =	sor.u32 $0xD0000000, s2;
	s6 =	simm.s32 $0x108;
	_ =	swait.ge @!p0 [sflag:s8], $0x0  }
0x24: {  	s3 =	sadd.s32 $0x88, s3;
	s6 =	simm.s32 @!p1 $0x1082;
	[sflag:s4] =	ssyncset.s32 $0xFFFFF086  }
0x25: {  	[simem:s6], [sflag:s4] =	dma.local [hbm:s3], $0xF7A  }
0x26: {  	[smem:$0x3F98] =	sst s1;
	(tag) =	ssettag s2;
	_ =	strace s9  }
0x27: {  	s1 =	sld [smem:$0x3FA8]  }
0x28: {  	s2 =	sld [smem:$0x3FA9]  }
0x29: {  	s4 =	sld [smem:$0x3FAB]  }
0x2a: {  	p0 =	seq.s32 s5, $0x0;
	s5 =	sld [smem:$0x3FAC]  }
0x2b: {  	s6 =	sld [smem:$0x3FAD]  }
0x2c: {  	s7 =	sld [smem:$0x3FAE]  }
0x2d: {  	s3 =	simm.s32 $0x108;
	s8 =	sld [smem:$0x3FAF]  }
0x2e: {  	s3 =	simm.s32 @!p0 $0x1082;
	s9 =	sld [smem:$0x3FB0]  }
0x2f: {  	lr =	sadd.s32 s0, s3;
	s0 =	sld [smem:$0x3FA7]  }
0x30: {  	s3 =	sld [smem:$0x3FAA]  }
0x31: {  	[smem:$0x3FB3] =	sst s10  }
0x32: {  	s10 =	sld [smem:$0x3FB1];
	_ =	sdelay $0x3  }
0x33: {  	p0 =	seq.s32 s10, $0x1;
	s10 =	sld [smem:$0x3FB3];
	_ =	sdelay $0x3  }
0x34: {  	[smem:$0x3FB3] =	sst s10  }
0x35: {  	s10 =	sld [smem:$0x3FB2];
	_ =	sdelay $0x3  }
0x36: {  	p1 =	seq.s32 s10, $0x1;
	s10 =	sld [smem:$0x3FB3];
	_ =	sdelay $0x3  }
0x37: {  	[smem:$0x3FB3] =	sst s10  }
0x38: {  	s10 =	sld [smem:$0x3FB4]  }
0x39: {  	_ = 	snop;
	(pc) =	sbr.ind lr, $3  }
0x3a: {  	_ = 	snop  }
0x3b: {  	_ = 	snop  }
0x3c: {  	p2 =	seq.s32 s10, $0x1;
	s10 =	sld [smem:$0x3FB3]  }
0x3d: {  	_ =	shalt  }
0x3e: {  	_ =	shalt  }
0x3f: {  	_ =	shalt  }
0x40: {  	_ =	shalt  }
0x41: {  	_ =	shalt  }
0x42: {  	_ =	shalt  }
0x43: {  	_ =	shalt  }
0x44: {  	_ =	shalt  }
0x45: {  	_ =	shalt  }
0x46: {  	_ =	shalt  }
0x47: {  	_ =	shalt  }
0x48: {  	_ =	shalt  }
0x49: {  	_ =	shalt  }
0x4a: {  	_ =	shalt  }
0x4b: {  	_ =	shalt  }
0x4c: {  	_ =	shalt  }
0x4d: {  	_ =	shalt  }
0x4e: {  	_ =	shalt  }
0x4f: {  	_ =	shalt  }
0x50: {  	_ =	shalt  }
0x51: {  	_ =	shalt  }
0x52: {  	_ =	shalt  }
0x53: {  	_ =	shalt  }
0x54: {  	_ =	shalt  }
0x55: {  	_ =	shalt  }
0x56: {  	_ =	shalt  }
0x57: {  	_ =	shalt  }
0x58: {  	_ =	shalt  }
0x59: {  	_ =	shalt  }
0x5a: {  	_ =	shalt  }
0x5b: {  	_ =	shalt  }
0x5c: {  	_ =	shalt  }
0x5d: {  	_ =	shalt  }
0x5e: {  	_ =	shalt  }
0x5f: {  	_ =	shalt  }
0x60: {  	_ =	shalt  }
0x61: {  	_ =	shalt  }
0x62: {  	_ =	shalt  }
0x63: {  	_ =	shalt  }
0x64: {  	_ =	shalt  }
0x65: {  	_ =	shalt  }
0x66: {  	_ =	shalt  }
0x67: {  	_ =	shalt  }
0x68: {  	_ =	shalt  }
0x69: {  	_ =	shalt  }
0x6a: {  	_ =	shalt  }
0x6b: {  	_ =	shalt  }
0x6c: {  	_ =	shalt  }
0x6d: {  	_ =	shalt  }
0x6e: {  	_ =	shalt  }
0x6f: {  	_ =	shalt  }
0x70: {  	_ =	shalt  }
0x71: {  	_ =	shalt  }
0x72: {  	_ =	shalt  }
0x73: {  	_ =	shalt  }
0x74: {  	_ =	shalt  }
0x75: {  	_ =	shalt  }
0x76: {  	_ =	shalt  }
0x77: {  	_ =	shalt  }
0x78: {  	_ =	shalt  }
0x79: {  	_ =	shalt  }
0x7a: {  	_ =	shalt  }
0x7b: {  	_ =	shalt  }
0x7c: {  	_ =	shalt  }
0x7d: {  	_ =	shalt  }
0x7e: {  	_ =	shalt  }
0x7f: {  	_ =	shalt  }
0x80: {  	_ =	shalt  }
0x81: {  	_ =	shalt  }
0x82: {  	_ =	shalt  }
0x83: {  	_ =	shalt  }
0x84: {  	_ =	shalt  }
0x85: {  	_ =	shalt  }
0x86: {  	_ =	shalt  }
0x87: {  	_ =	shalt  }
.Lfunc_end0:
.L_simem_size_0:
called_computation.1_lowered:
.L_overlay_start_0:
0x88: {  	s2 =	sld [smem:$0x3FD9]  }
0x89: {  	s3 =	sld [smem:$0x3FFE];
	_ =	sdelay $0x1  }
0x8a: {  	s1 =	srdreg.scid  }
0x8b: {  	s0 =	sand.u32 $0x1, s1  }
0x8c: {  	s17 =	sshll.u32 s0, $0xA;
	s2 =	sadd.s32 s3, s2  }
0x8d: {  	s2 =	sadd.s32 s2, s17  }
0x8e: {  	[smem:$0x3FBF] =	sst s2  }
0x8f: {  	_ = 	snop  }
0x90: {  	s2 =	sld [smem:$0x3FD0];
	(tm) =	ssettm $0x1  }
0x91: {  	s18 =	sld [smem:$0x3FFB];
	_ =	sdelay $0x3  }
0x92: {  	_ =	strace s18  }
0x93: {  	s3 =	sld [smem:$0x3FFC];
	_ =	sdelay $0x3  }
0x94: {  	_ =	strace s3  }
0x95: {  	s3 =	sld [smem:$0x3FFD];
	_ =	sdelay $0x3  }
0x96: {  	_ =	strace s3  }
0x97: {  	_ =	strace $0x8FFFFFFF  }
0x98: {  	s19 =	sld [smem:$0x3FDB];
	_ =	sdelay $0x1  }
0x99: {  	s4 =	simm.s32 $_scs_section_size  }
0x9a: {  	s5 =	simm.s32 $_size__tile_overlayer_lowered;
	s6 =	simm.s32 $_tile_overlayer_lowered  }
0x9b: {  	s22 =	simm.s32 $0x1BFF;
	s21 =	sshll.u32 s6, $0x1;
	s3 =	sadd.s32 s4, s19  }
0x9c: {  	s7 =	simm.s32 $0x0;
	s20 =	sshll.u32 s5, $0x1;
	s5 =	sadd.s32 s21, s3  }
0x9d: {  	[timem:s7], [sflag:s22] =	dma.local [hbm:s5], s20  }
0x9e: {  	_ =	swait.ge [sflag:s22], s20  }
0x9f: {  	s4 =	ssub.s32 $0x0, s20;
	[sflag:s22] =	ssyncset.done $0x0  }
0xa0: {  	[sflag:s22] =	ssyncadd.s32 s4;
	_ =	sdelay $0x1  }
0xa1: {  	s23 =	simm.s32 $0x1B8B  }
0xa2: {  	_ =	swait.ge [sflag:s23], $0x1  }
0xa3: {  	[sflag:s23] =	ssyncset.done $0x0  }
0xa4: {  	s25 =	simm.s32 $0x1B8E;
	s24 =	sld [smem:$0x3FFE];
	[sflag:s23] =	ssyncadd.s32 $0xFFFFFFFF  }
0xa5: {  	s26 =	simm.s32 $execute0_lowered;
	[smem:$0x3FD2] =	sst s25  }
0xa6: {  	s5 =	sshll.u32 s26, $0x1;
	_ =	strace $0x80000049;
	[dreg:$0x1] =	wrdreg $0xFFFFFFFF  }
0xa7: {  	s28 =	simm.s32 $_size_execute0_lowered;
	s3 =	sadd.s32 s3, s5;
	[dreg:$0x0] =	wrdreg $0x0  }
0xa8: {  	s5 =	sshll.u32 s28, $0x1;
	[dreg:$0x2] =	wrdreg s3  }
0xa9: {  	[dreg:$0x3] =	wrdreg s5  }
0xaa: {  	[dreg:$0x4] =	wrdreg $0xC0  }
0xab: {  	_ =	task [dreg:s7], $0x5FFFF  }
0xac: {  	[dreg:$0x1] =	wrdreg $0xFFFFFFFF  }
0xad: {  	[dreg:$0x0] =	wrdreg $0x60  }
0xae: {  	[dreg:$0x2] =	wrdreg s24  }
0xaf: {  	[dreg:$0x3] =	wrdreg s2  }
0xb0: {  	[dreg:$0x4] =	wrdreg $0x6C000  }
0xb1: {  	[dreg:$0x5] =	wrdreg $0x80000  }
0xb2: {  	[dreg:$0x6] =	wrdreg $0x58000  }
0xb3: {  	[dreg:$0x7] =	wrdreg $0x9  }
0xb4: {  	_ =	task.clear_ibuf [dreg:s7], $0x8FFFF;
	_ =	strace $0x90000049  }
0xb5: {  	s29 =	simm.s32 $0x9;
	_ =	strace $0x8000004B  }
0xb6: {  	_ =	swait.ge [sflag:s29], $0x1  }
0xb7: {  	[sflag:s29] =	ssyncadd.s32 $0xFFFFFFFF  }
0xb8: {  	_ =	strace $0x9000004B  }
0xb9: {  	_ =	sfence  }
0xba: {  	s30 =	sld [smem:$0x0];
	_ =	sdelay $0x2  }
0xbb: {  	s31 =	sshll.u32 s1, $0xD;
	s1 =	sshrl.u32 s1, $0x2  }
0xbc: {  	s3 =	sand.u32 $0x4000, s31;
	s1 =	sadd.s32 s1, s30  }
0xbd: {  	s0 =	sor.u32 s3, s0;
	s1 =	sshll.u32 s1, $0x11  }
0xbe: {  	s0 =	sor.u32 s1, s0  }
0xbf: {  	s0 =	sadd.s32 $0x8F2B, s0  }
0xc0: {  	[sflag:s0] =	ssyncadd.remote.s32 $0x1  }
0xc1: {  	_ =	sfence.sel $0xFFFF  }
0xc2: {  	[dreg:$0x0] =	wrdreg $0xFFFFFFFF;
	(pc) =	sbr.abs _section_cstart, $3  }
0xc3: {  	[dreg:$0x1] =	wrdreg $0xFFFFFFFF  }
0xc4: {  	_ =	task.clear_ibuf [dreg:s7], $0x2FFFF;
	_ =	strace $0x9FFFFFFF  }
0xc5: {  	(tm) =	ssettm $0x7FFFFFFF  }
tec
execute0_lowered:
.L_overlay_start_1:
0x0: {  	(tag) =	ssettag $0x1  }
0x1: {  	s0 =	rddreg [dreg:$0x0]  }
0x2: {  	s2 =	rddreg [dreg:$0x2]  }
0x3: {  	s4 =	rddreg [dreg:$0x3];
	s19 =	stileid.u32  }
0x4: {  	s1 =	srdreg.scid;
	s5 =	rddreg [dreg:$0x4];
	s6 =	simm.s32 $0x0  }
0x5: {  	s22 =	simm.s32 $0x800;
	s23 =	simm.s32 $0x80;
	s3 =	smul.u32 $0x1400, s19  }
0x6: {  	s1 =	sand.u32 $0x1, s1;
	[smem:$0x7FF] =	sst s6;
	s12 =	smul.u32 $0x14000, s19  }
0x7: {  	s7 =	sadd.s32 $0x13000, s0;
	s25 =	sadd.s32 $0x10200, s0;
	s28 =	sshll.u32 s19, $0x1  }
0x8: {  	s29 =	sshll.u32 s19, $0x6;
	s8 =	smul.u32 $0x14000, s1;
	_ =	strace $0x8000004A  }
0x9: {  	s10 =	smul.u32 $0x140000, s1;
	[dreg:$0x7] =	wrdreg s25;
	s26 =	ssub.s32 $0x2, s1  }
0xa: {  	s16 =	sor.u32 s1, s28;
	p0 =	sne.s32 s1, $0x0;
	s1 =	simm.s32 $0x5400  }
0xb: {  	s25 =	simm.s32 $0x0;
	s9 =	sshrl.u32 s3, $0x3;
	s30 =	smul.u32 $0xA00, s16  }
0xc: {  	s15 =	sshrl.u32 s26, $0x1;
	s18 =	sadd.s32 s3, s2;
	s16 =	smul.u32 $0x5000, s16  }
0xd: {  	s20 =	sadd.s32 s12, s4;
	s13 =	sadd.s32 s9, s0;
	s24 =	sadd.s32 s3, s8  }
0xe: {  	s10 =	sadd.s32 s12, s10;
	s9 =	sadd.s32 $0x2600, s0;
	s17 =	ssub.s32 s26, s15  }
0xf: {  	s3 =	sadd.s32 s3, s5;
	s18 =	sshrl.u32 s18, $0x3;
	s20 =	sshrl.u32 s20, $0x3  }
0x10: {  	s11 =	sshrl.u32 s24, $0x3;
	s10 =	sshrl.u32 s10, $0x3;
	s12 =	sadd.s32 $0x10800, s13  }
0x11: {  	s14 =	sadd.s32 s11, s0;
	s0 =	sadd.s32 s10, s0;
	s10 =	smul.u32 $0x280, s19  }
.Ltmp0:
0x12: {  	s13 =	sadd.s32 s7, s30;
	[dreg:$0x6] =	wrdreg s16;
	(pc) =	sbr.rel .LBB2_1-.Ltmp0, $4  }
0x13: {  	s16 =	smax.u32 s17, $0x1;
	s21 =	sshrl.u32 s3, $0x3;
	s19 =	smul.u32 $0xA00, s19  }
0x14: {  	s3 =	simm.s32 $0x1;
	s24 =	simm.s32 $0x5000;
	s11 =	sor.u32 $0x1C03, s29  }
0x15: {  	s14 =	sadd.s32 $0x4E00, s14;
	s15 =	sadd.s32 $0x27000, s0;
	s31 =	sshrl.u32 s19, $0x2  }
0x16: {  	v0 =	vlaneseq.u32;
	s0 =	simm.s32 $0x2;
	s19 =	simm.s32 $0x3;
	s17 =	sadd.s32 $0x840, s31  }
.LBB2_6:
0x17: {  	[sflag:s0] =	ssyncadd.s32 $0xFFFFFF80  }
.LBB2_7:
0x18: {  	[bflag:$0x0] =	sbarrier.arrive $0xFFFF  }
0x19: {  	[hbm:s14], [sflag:s11] =	dma.local [spmem:s18], $0x280  }
0x1a: {  	s25 =	sadd.s32 $0x1, s25;
	_ =	swait.ge [sflag:s19], $0x280  }
0x1b: {  	p1 =	sne.s32 s25, s16;
	[sflag:s19] =	ssyncset.done $0x0  }
.Ltmp1:
0x1c: {  	[sflag:s19] =	ssyncadd.s32 $0xFFFFFD80;
	(pc) =	sbr.rel @!p1 .LBB2_8-.Ltmp1, $4  }
0x1d: {  	[hbm:s15], [sflag:s11] =	dma.local [spmem:s20], $0x2800  }
0x1e: {  	_ =	swait.ge [sflag:s19], $0x2800  }
0x1f: {  	[sflag:s19] =	ssyncset.done $0x0  }
0x20: {  	[sflag:s19] =	ssyncadd.s32 $0xFFFFD800  }
.LBB2_1:
0x21: {  	s8 =	rddreg [dreg:$0x1]  }
0x22: {  	[spmem:s18], [sflag:s11] =	dma.local [hbm:s8], $0x280  }
0x23: {  	_ =	swait.ge [sflag:s19], $0x280  }
0x24: {  	[sflag:s19] =	ssyncset.done $0x0  }
0x25: {  	[sflag:s19] =	ssyncadd.s32 $0xFFFFFD80  }
0x26: {  	[spmem:s20], [sflag:s11] =	dma.local [hbm:s9], $0x2800  }
0x27: {  	_ =	swait.ge [sflag:s19], $0x2800  }
0x28: {  	[sflag:s19] =	ssyncset.done $0x0  }
0x29: {  	[sflag:s19] =	ssyncadd.s32 $0xFFFFD800  }
0x2a: {  	[spmem:s21], [sflag:s11] =	dma.local [hbm:s12], $0x280  }
0x2b: {  	_ =	swait.ge [sflag:s19], $0x280  }
0x2c: {  	[sflag:s19] =	ssyncset.done $0x0  }
0x2d: {  	s29 =	rddreg [dreg:$0x7];
	[sflag:s19] =	ssyncadd.s32 $0xFFFFFD80  }
0x2e: {  	[tilespmem:s22], [sflag:$0x3] =	stream.linear.gather [hbm4b:s29+s6], $0x2800, $0x38;
	[tilespmem:$0x1C000] =	vst v63  }
0x2f: {  	_ =	swait.ge [sflag:s19], $0x2800  }
0x30: {  	[sflag:s19] =	ssyncset.done $0x0  }
0x31: {  	[sflag:s19] =	ssyncadd.s32 $0xFFFFD800  }
0x32: {  	[bflag:$0x0] =	sbarrier.arrive $0xFFFF  }
0x33: {  	[tilespmem:s6], [sflag:$0x3] =	stream.linear.gather [hbm4b:s13+s6], $0x400, $0x38;
	[tilespmem:$0x1C000] =	vst v63  }
0x34: {  	_ =	swait.ge [sflag:s19], $0x400  }
0x35: {  	[sflag:s19] =	ssyncset.done $0x0  }
0x36: {  	s30 =	simm.s32 $0x3000;
	[sflag:s19] =	ssyncadd.s32 $0xFFFFFC00  }
0x37: {  	[tilespmem:s30], [sflag:$0x1] =	stream.indirect.gather [spmem:s5], $0x8, s6, s23, $0xb8;
	[tilespmem:$0x1C000] =	vst v63  }
0x38: {  	s31 =	simm.s32 $0x100;
	s26 =	simm.s32 $0x3400  }
0x39: {  	[tilespmem:s26], [sflag:$0x1] =	stream.indirect.gather [spmem:s5], $0x8, s31, s23, $0xb8;
	[tilespmem:$0x1C000] =	vst v63  }
0x3a: {  	s28 =	simm.s32 $0x200;
	s29 =	simm.s32 $0x3800  }
0x3b: {  	[tilespmem:s29], [sflag:$0x1] =	stream.indirect.gather [spmem:s5], $0x8, s28, s23, $0xb8;
	[tilespmem:$0x1C000] =	vst v63  }
0x3c: {  	s30 =	simm.s32 $0x300;
	s31 =	simm.s32 $0x3C00;
	s26 =	simm.s32 $0x1  }
0x3d: {  	[tilespmem:s31], [sflag:$0x1] =	stream.indirect.gather [spmem:s5], $0x8, s30, s23, $0xb8;
	[tilespmem:$0x1C000] =	vst v63  }
.LBB2_2:
0x3e: {  	_ =	swait.ge [sflag:s3], $0x400  }
0x3f: {  	[sflag:s3] =	ssyncset.done $0x0  }
0x40: {  	[sflag:s3] =	ssyncadd.s32 $0xFFFFFC00  }
0x41: {  	_ =	swait.ge [sflag:s3], $0x400  }
0x42: {  	[sflag:s3] =	ssyncset.done $0x0  }
0x43: {  	[sflag:s3] =	ssyncadd.s32 $0xFFFFFC00  }
0x44: {  	_ =	swait.ge [sflag:s3], $0x400  }
0x45: {  	[sflag:s3] =	ssyncset.done $0x0  }
0x46: {  	[sflag:s3] =	ssyncadd.s32 $0xFFFFFC00  }
0x47: {  	s29 =	smin.u32 s26, $0x13;
	_ =	swait.ge [sflag:s3], $0x400  }
0x48: {  	s30 =	sadd.s32 $0xFFFFFFFF, s26;
	s29 =	sshll.u32 s29, $0xA;
	s28 =	rddreg [dreg:$0x6]  }
0x49: {  	s30 =	sand.u32 $0x1, s30;
	s28 =	sadd.s32 s28, s29  }
0x4a: {  	s8 =	sxor.u32 $0x1, s30;
	[sflag:s3] =	ssyncset.done $0x0;
	s28 =	sshrl.u32 s28, $0x3  }
0x4b: {  	s31 =	sshll.u32 s8, $0xA;
	[sflag:s3] =	ssyncadd.s32 $0xFFFFFC00;
	s28 =	sadd.s32 s7, s28  }
0x4c: {  	[tilespmem:s31], [sflag:$0x3] =	stream.linear.gather [hbm4b:s28+s6], $0x400, $0x38;
	[tilespmem:$0x1C000] =	vst v63  }
0x4d: {  	_ =	swait.ge [sflag:s19], $0x400  }
0x4e: {  	s28 =	sshll.u32 s8, $0xC;
	[sflag:s19] =	ssyncset.done $0x0  }
0x4f: {  	s29 =	sadd.s32 $0x3000, s28;
	[sflag:s19] =	ssyncadd.s32 $0xFFFFFC00  }
0x50: {  	[tilespmem:s29], [sflag:$0x1] =	stream.indirect.gather [spmem:s5], $0x8, s31, s23, $0xb8;
	[tilespmem:$0x1C000] =	vst v63  }
0x51: {  	s8 =	sor.u32 $0x100, s31;
	s29 =	sadd.s32 $0x3400, s28  }
0x52: {  	[tilespmem:s29], [sflag:$0x1] =	stream.indirect.gather [spmem:s5], $0x8, s8, s23, $0xb8;
	[tilespmem:$0x1C000] =	vst v63  }
0x53: {  	s8 =	sadd.s32 $0x3800, s28;
	s29 =	sor.u32 $0x200, s31  }
0x54: {  	[tilespmem:s8], [sflag:$0x1] =	stream.indirect.gather [spmem:s5], $0x8, s29, s23, $0xb8;
	[tilespmem:$0x1C000] =	vst v63  }
0x55: {  	s8 =	sadd.s32 $0x3C00, s28;
	s29 =	sor.u32 $0x300, s31;
	s28 =	sshll.u32 s30, $0xC  }
0x56: {  	[tilespmem:s8], [sflag:$0x1] =	stream.indirect.gather [spmem:s5], $0x8, s29, s23, $0xb8;
	[tilespmem:$0x1C000] =	vst v63  }
0x57: {  	s29 =	sshrl.u32 s28, $0x2  }
0x58: {  	v1 =	vld [tilespmem:s29+$0x80];
	_ =	sdelay $0x7  }
0x59: {  	v1 =	vld.idx.msk [tilespmem:v1+s22+$0x0], $0xffff;
	_ =	sdelay $0x2  }
0x5a: {  	v2 =	vld [tilespmem:s29+$0x0];
	_ =	sdelay $0x1  }
0x5b: {  	v3 =	vand.u32 $0x1FF, v1  }
0x5c: {  	v3 =	vmul.u32 $0x2800, v3  }
0x5d: {  	s30 =	sshll.u32 s30, $0x9;
	v1 =	vand.u32 $0xFFFFFE00, v1  }
0x5e: {  	[tilespmem:s30+$0x5000] =	vst v1;
	v2 =	vadd.s32 v2, v3  }
0x5f: {  	[tilespmem:s30+$0x5400] =	vst v2  }
0x60: {  	v1 =	vld [tilespmem:s29+$0x90];
	_ =	sdelay $0x7  }
0x61: {  	v1 =	vld.idx.msk [tilespmem:v1+s22+$0x0], $0xffff;
	_ =	sdelay $0x2  }
0x62: {  	v2 =	vld [tilespmem:s29+$0x10];
	_ =	sdelay $0x1  }
0x63: {  	v3 =	vand.u32 $0x1FF, v1  }
0x64: {  	v3 =	vmul.u32 $0x2800, v3  }
0x65: {  	v1 =	vand.u32 $0xFFFFFE00, v1  }
0x66: {  	[tilespmem:s30+$0x5010] =	vst v1;
	v2 =	vadd.s32 v2, v3  }
0x67: {  	[tilespmem:s30+$0x5410] =	vst v2  }
0x68: {  	v1 =	vld [tilespmem:s29+$0xA0];
	_ =	sdelay $0x7  }
0x69: {  	v1 =	vld.idx.msk [tilespmem:v1+s22+$0x0], $0xffff;
	_ =	sdelay $0x2  }
0x6a: {  	v2 =	vld [tilespmem:s29+$0x20];
	_ =	sdelay $0x1  }
0x6b: {  	v3 =	vand.u32 $0x1FF, v1  }
0x6c: {  	v3 =	vmul.u32 $0x2800, v3  }
0x6d: {  	v1 =	vand.u32 $0xFFFFFE00, v1  }
0x6e: {  	[tilespmem:s30+$0x5020] =	vst v1;
	v2 =	vadd.s32 v2, v3  }
0x6f: {  	[tilespmem:s30+$0x5420] =	vst v2  }
0x70: {  	v1 =	vld [tilespmem:s29+$0xB0];
	_ =	sdelay $0x7  }
0x71: {  	v1 =	vld.idx.msk [tilespmem:v1+s22+$0x0], $0xffff;
	_ =	sdelay $0x2  }
0x72: {  	v2 =	vld [tilespmem:s29+$0x30];
	_ =	sdelay $0x1  }
0x73: {  	v3 =	vand.u32 $0x1FF, v1  }
0x74: {  	v3 =	vmul.u32 $0x2800, v3  }
0x75: {  	v1 =	vand.u32 $0xFFFFFE00, v1  }
0x76: {  	[tilespmem:s30+$0x5030] =	vst v1;
	v2 =	vadd.s32 v2, v3  }
0x77: {  	[tilespmem:s30+$0x5430] =	vst v2  }
0x78: {  	v1 =	vld [tilespmem:s29+$0xC0];
	_ =	sdelay $0x7  }
0x79: {  	v1 =	vld.idx.msk [tilespmem:v1+s22+$0x0], $0xffff;
	_ =	sdelay $0x2  }
0x7a: {  	v2 =	vld [tilespmem:s29+$0x40];
	_ =	sdelay $0x1  }
0x7b: {  	v3 =	vand.u32 $0x1FF, v1  }
0x7c: {  	v3 =	vmul.u32 $0x2800, v3  }
0x7d: {  	v1 =	vand.u32 $0xFFFFFE00, v1  }
0x7e: {  	[tilespmem:s30+$0x5040] =	vst v1;
	v2 =	vadd.s32 v2, v3  }
0x7f: {  	[tilespmem:s30+$0x5440] =	vst v2  }
0x80: {  	v1 =	vld [tilespmem:s29+$0xD0];
	_ =	sdelay $0x7  }
0x81: {  	v1 =	vld.idx.msk [tilespmem:v1+s22+$0x0], $0xffff;
	_ =	sdelay $0x2  }
0x82: {  	v2 =	vld [tilespmem:s29+$0x50];
	_ =	sdelay $0x1  }
0x83: {  	v3 =	vand.u32 $0x1FF, v1  }
0x84: {  	v3 =	vmul.u32 $0x2800, v3  }
0x85: {  	v1 =	vand.u32 $0xFFFFFE00, v1  }
0x86: {  	[tilespmem:s30+$0x5050] =	vst v1;
	v2 =	vadd.s32 v2, v3  }
0x87: {  	[tilespmem:s30+$0x5450] =	vst v2  }
0x88: {  	v1 =	vld [tilespmem:s29+$0xE0];
	_ =	sdelay $0x7  }
0x89: {  	v1 =	vld.idx.msk [tilespmem:v1+s22+$0x0], $0xffff;
	_ =	sdelay $0x2  }
0x8a: {  	v2 =	vld [tilespmem:s29+$0x60];
	_ =	sdelay $0x1  }
0x8b: {  	v3 =	vand.u32 $0x1FF, v1  }
0x8c: {  	v3 =	vmul.u32 $0x2800, v3  }
0x8d: {  	v1 =	vand.u32 $0xFFFFFE00, v1  }
0x8e: {  	[tilespmem:s30+$0x5060] =	vst v1;
	v2 =	vadd.s32 v2, v3  }
0x8f: {  	[tilespmem:s30+$0x5460] =	vst v2  }
0x90: {  	v1 =	vld [tilespmem:s29+$0xF0];
	_ =	sdelay $0x7  }
0x91: {  	v1 =	vld.idx.msk [tilespmem:v1+s22+$0x0], $0xffff;
	_ =	sdelay $0x2  }
0x92: {  	v2 =	vld [tilespmem:s29+$0x70];
	_ =	sdelay $0x1  }
0x93: {  	v3 =	vand.u32 $0x1FF, v1  }
0x94: {  	v3 =	vmul.u32 $0x2800, v3  }
0x95: {  	v1 =	vand.u32 $0xFFFFFE00, v1  }
0x96: {  	[tilespmem:s30+$0x5070] =	vst v1;
	v2 =	vadd.s32 v2, v3  }
0x97: {  	[tilespmem:s30+$0x5470] =	vst v2  }
0x98: {  	v1 =	vld [tilespmem:s29+$0x180];
	_ =	sdelay $0x7  }
0x99: {  	v1 =	vld.idx.msk [tilespmem:v1+s22+$0x0], $0xffff;
	_ =	sdelay $0x2  }
0x9a: {  	v2 =	vld [tilespmem:s29+$0x100];
	_ =	sdelay $0x1  }
0x9b: {  	v3 =	vand.u32 $0x1FF, v1  }
0x9c: {  	v3 =	vmul.u32 $0x2800, v3  }
0x9d: {  	v1 =	vand.u32 $0xFFFFFE00, v1  }
0x9e: {  	[tilespmem:s30+$0x5080] =	vst v1;
	v2 =	vadd.s32 v2, v3  }
0x9f: {  	[tilespmem:s30+$0x5480] =	vst v2  }
0xa0: {  	v1 =	vld [tilespmem:s29+$0x190];
	_ =	sdelay $0x7  }
0xa1: {  	v1 =	vld.idx.msk [tilespmem:v1+s22+$0x0], $0xffff;
	_ =	sdelay $0x2  }
0xa2: {  	v2 =	vld [tilespmem:s29+$0x110];
	_ =	sdelay $0x1  }
0xa3: {  	v3 =	vand.u32 $0x1FF, v1  }
0xa4: {  	v3 =	vmul.u32 $0x2800, v3  }
0xa5: {  	v1 =	vand.u32 $0xFFFFFE00, v1  }
0xa6: {  	[tilespmem:s30+$0x5090] =	vst v1;
	v2 =	vadd.s32 v2, v3  }
0xa7: {  	[tilespmem:s30+$0x5490] =	vst v2  }
0xa8: {  	v1 =	vld [tilespmem:s29+$0x1A0];
	_ =	sdelay $0x7  }
0xa9: {  	v1 =	vld.idx.msk [tilespmem:v1+s22+$0x0], $0xffff;
	_ =	sdelay $0x2  }
0xaa: {  	v2 =	vld [tilespmem:s29+$0x120];
	_ =	sdelay $0x1  }
0xab: {  	v3 =	vand.u32 $0x1FF, v1  }
0xac: {  	v3 =	vmul.u32 $0x2800, v3  }
0xad: {  	v1 =	vand.u32 $0xFFFFFE00, v1  }
0xae: {  	[tilespmem:s30+$0x50A0] =	vst v1;
	v2 =	vadd.s32 v2, v3  }
0xaf: {  	[tilespmem:s30+$0x54A0] =	vst v2  }
0xb0: {  	v1 =	vld [tilespmem:s29+$0x1B0];
	_ =	sdelay $0x7  }
0xb1: {  	v1 =	vld.idx.msk [tilespmem:v1+s22+$0x0], $0xffff;
	_ =	sdelay $0x2  }
0xb2: {  	v2 =	vld [tilespmem:s29+$0x130];
	_ =	sdelay $0x1  }
0xb3: {  	v3 =	vand.u32 $0x1FF, v1  }
0xb4: {  	v3 =	vmul.u32 $0x2800, v3  }
0xb5: {  	v1 =	vand.u32 $0xFFFFFE00, v1  }
0xb6: {  	[tilespmem:s30+$0x50B0] =	vst v1;
	v2 =	vadd.s32 v2, v3  }
0xb7: {  	[tilespmem:s30+$0x54B0] =	vst v2  }
0xb8: {  	v1 =	vld [tilespmem:s29+$0x1C0];
	_ =	sdelay $0x7  }
0xb9: {  	v1 =	vld.idx.msk [tilespmem:v1+s22+$0x0], $0xffff;
	_ =	sdelay $0x2  }
0xba: {  	v2 =	vld [tilespmem:s29+$0x140];
	_ =	sdelay $0x1  }
0xbb: {  	v3 =	vand.u32 $0x1FF, v1  }
0xbc: {  	v3 =	vmul.u32 $0x2800, v3  }
0xbd: {  	v1 =	vand.u32 $0xFFFFFE00, v1  }
0xbe: {  	[tilespmem:s30+$0x50C0] =	vst v1;
	v2 =	vadd.s32 v2, v3  }
0xbf: {  	[tilespmem:s30+$0x54C0] =	vst v2  }
0xc0: {  	v1 =	vld [tilespmem:s29+$0x1D0];
	_ =	sdelay $0x7  }
0xc1: {  	v1 =	vld.idx.msk [tilespmem:v1+s22+$0x0], $0xffff;
	_ =	sdelay $0x2  }
0xc2: {  	v2 =	vld [tilespmem:s29+$0x150];
	_ =	sdelay $0x1  }
0xc3: {  	v3 =	vand.u32 $0x1FF, v1  }
0xc4: {  	v3 =	vmul.u32 $0x2800, v3  }
0xc5: {  	v1 =	vand.u32 $0xFFFFFE00, v1  }
0xc6: {  	[tilespmem:s30+$0x50D0] =	vst v1;
	v2 =	vadd.s32 v2, v3  }
0xc7: {  	[tilespmem:s30+$0x54D0] =	vst v2  }
0xc8: {  	v1 =	vld [tilespmem:s29+$0x1E0];
	_ =	sdelay $0x7  }
0xc9: {  	v1 =	vld.idx.msk [tilespmem:v1+s22+$0x0], $0xffff;
	_ =	sdelay $0x2  }
0xca: {  	v2 =	vld [tilespmem:s29+$0x160];
	_ =	sdelay $0x1  }
0xcb: {  	v3 =	vand.u32 $0x1FF, v1  }
0xcc: {  	v3 =	vmul.u32 $0x2800, v3  }
0xcd: {  	v1 =	vand.u32 $0xFFFFFE00, v1  }
0xce: {  	[tilespmem:s30+$0x50E0] =	vst v1;
	v2 =	vadd.s32 v2, v3  }
0xcf: {  	[tilespmem:s30+$0x54E0] =	vst v2  }
0xd0: {  	v1 =	vld [tilespmem:s29+$0x1F0];
	_ =	sdelay $0x7  }
0xd1: {  	v1 =	vld.idx.msk [tilespmem:v1+s22+$0x0], $0xffff;
	_ =	sdelay $0x2  }
0xd2: {  	v2 =	vld [tilespmem:s29+$0x170];
	_ =	sdelay $0x1  }
0xd3: {  	v3 =	vand.u32 $0x1FF, v1  }
0xd4: {  	v3 =	vmul.u32 $0x2800, v3  }
0xd5: {  	v1 =	vand.u32 $0xFFFFFE00, v1  }
0xd6: {  	[tilespmem:s30+$0x50F0] =	vst v1;
	v2 =	vadd.s32 v2, v3  }
0xd7: {  	[tilespmem:s30+$0x54F0] =	vst v2  }
0xd8: {  	v1 =	vld [tilespmem:s29+$0x280];
	_ =	sdelay $0x7  }
0xd9: {  	v1 =	vld.idx.msk [tilespmem:v1+s22+$0x0], $0xffff;
	_ =	sdelay $0x2  }
0xda: {  	v2 =	vld [tilespmem:s29+$0x200];
	_ =	sdelay $0x1  }
0xdb: {  	v3 =	vand.u32 $0x1FF, v1  }
0xdc: {  	v3 =	vmul.u32 $0x2800, v3  }
0xdd: {  	v1 =	vand.u32 $0xFFFFFE00, v1  }
0xde: {  	[tilespmem:s30+$0x5100] =	vst v1;
	v2 =	vadd.s32 v2, v3  }
0xdf: {  	[tilespmem:s30+$0x5500] =	vst v2  }
0xe0: {  	v1 =	vld [tilespmem:s29+$0x290];
	_ =	sdelay $0x7  }
0xe1: {  	v1 =	vld.idx.msk [tilespmem:v1+s22+$0x0], $0xffff;
	_ =	sdelay $0x2  }
0xe2: {  	v2 =	vld [tilespmem:s29+$0x210];
	_ =	sdelay $0x1  }
0xe3: {  	v3 =	vand.u32 $0x1FF, v1  }
0xe4: {  	v3 =	vmul.u32 $0x2800, v3  }
0xe5: {  	v1 =	vand.u32 $0xFFFFFE00, v1  }
0xe6: {  	[tilespmem:s30+$0x5110] =	vst v1;
	v2 =	vadd.s32 v2, v3  }
0xe7: {  	[tilespmem:s30+$0x5510] =	vst v2  }
0xe8: {  	v1 =	vld [tilespmem:s29+$0x2A0];
	_ =	sdelay $0x7  }
0xe9: {  	v1 =	vld.idx.msk [tilespmem:v1+s22+$0x0], $0xffff;
	_ =	sdelay $0x2  }
0xea: {  	v2 =	vld [tilespmem:s29+$0x220];
	_ =	sdelay $0x1  }
0xeb: {  	v3 =	vand.u32 $0x1FF, v1  }
0xec: {  	v3 =	vmul.u32 $0x2800, v3  }
0xed: {  	v1 =	vand.u32 $0xFFFFFE00, v1  }
0xee: {  	[tilespmem:s30+$0x5120] =	vst v1;
	v2 =	vadd.s32 v2, v3  }
0xef: {  	[tilespmem:s30+$0x5520] =	vst v2  }
0xf0: {  	v1 =	vld [tilespmem:s29+$0x2B0];
	_ =	sdelay $0x7  }
0xf1: {  	v1 =	vld.idx.msk [tilespmem:v1+s22+$0x0], $0xffff;
	_ =	sdelay $0x2  }
0xf2: {  	v2 =	vld [tilespmem:s29+$0x230];
	_ =	sdelay $0x1  }
0xf3: {  	v3 =	vand.u32 $0x1FF, v1  }
0xf4: {  	v3 =	vmul.u32 $0x2800, v3  }
0xf5: {  	v1 =	vand.u32 $0xFFFFFE00, v1  }
0xf6: {  	[tilespmem:s30+$0x5130] =	vst v1;
	v2 =	vadd.s32 v2, v3  }
0xf7: {  	[tilespmem:s30+$0x5530] =	vst v2  }
0xf8: {  	v1 =	vld [tilespmem:s29+$0x2C0];
	_ =	sdelay $0x7  }
0xf9: {  	v1 =	vld.idx.msk [tilespmem:v1+s22+$0x0], $0xffff;
	_ =	sdelay $0x2  }
0xfa: {  	v2 =	vld [tilespmem:s29+$0x240];
	_ =	sdelay $0x1  }
0xfb: {  	v3 =	vand.u32 $0x1FF, v1  }
0xfc: {  	v3 =	vmul.u32 $0x2800, v3  }
0xfd: {  	v1 =	vand.u32 $0xFFFFFE00, v1  }
0xfe: {  	[tilespmem:s30+$0x5140] =	vst v1;
	v2 =	vadd.s32 v2, v3  }
0xff: {  	[tilespmem:s30+$0x5540] =	vst v2  }
0x100: {  	v1 =	vld [tilespmem:s29+$0x2D0];
	_ =	sdelay $0x7  }
0x101: {  	v1 =	vld.idx.msk [tilespmem:v1+s22+$0x0], $0xffff;
	_ =	sdelay $0x2  }
0x102: {  	v2 =	vld [tilespmem:s29+$0x250];
	_ =	sdelay $0x1  }
0x103: {  	v3 =	vand.u32 $0x1FF, v1  }
0x104: {  	v3 =	vmul.u32 $0x2800, v3  }
0x105: {  	v1 =	vand.u32 $0xFFFFFE00, v1  }
0x106: {  	[tilespmem:s30+$0x5150] =	vst v1;
	v2 =	vadd.s32 v2, v3  }
0x107: {  	[tilespmem:s30+$0x5550] =	vst v2  }
0x108: {  	v1 =	vld [tilespmem:s29+$0x2E0];
	_ =	sdelay $0x7  }
0x109: {  	v1 =	vld.idx.msk [tilespmem:v1+s22+$0x0], $0xffff;
	_ =	sdelay $0x2  }
0x10a: {  	v2 =	vld [tilespmem:s29+$0x260];
	_ =	sdelay $0x1  }
0x10b: {  	v3 =	vand.u32 $0x1FF, v1  }
0x10c: {  	v3 =	vmul.u32 $0x2800, v3  }
0x10d: {  	v1 =	vand.u32 $0xFFFFFE00, v1  }
0x10e: {  	[tilespmem:s30+$0x5160] =	vst v1;
	v2 =	vadd.s32 v2, v3  }
0x10f: {  	[tilespmem:s30+$0x5560] =	vst v2  }
0x110: {  	v1 =	vld [tilespmem:s29+$0x2F0];
	_ =	sdelay $0x7  }
0x111: {  	v1 =	vld.idx.msk [tilespmem:v1+s22+$0x0], $0xffff;
	_ =	sdelay $0x2  }
0x112: {  	v2 =	vld [tilespmem:s29+$0x270];
	_ =	sdelay $0x1  }
0x113: {  	v3 =	vand.u32 $0x1FF, v1  }
0x114: {  	v3 =	vmul.u32 $0x2800, v3  }
0x115: {  	v1 =	vand.u32 $0xFFFFFE00, v1  }
0x116: {  	[tilespmem:s30+$0x5170] =	vst v1;
	v2 =	vadd.s32 v2, v3  }
0x117: {  	[tilespmem:s30+$0x5570] =	vst v2  }
0x118: {  	v1 =	vld [tilespmem:s29+$0x380];
	_ =	sdelay $0x7  }
0x119: {  	v1 =	vld.idx.msk [tilespmem:v1+s22+$0x0], $0xffff;
	_ =	sdelay $0x2  }
0x11a: {  	v2 =	vld [tilespmem:s29+$0x300];
	_ =	sdelay $0x1  }
0x11b: {  	v3 =	vand.u32 $0x1FF, v1  }
0x11c: {  	v3 =	vmul.u32 $0x2800, v3  }
0x11d: {  	v1 =	vand.u32 $0xFFFFFE00, v1  }
0x11e: {  	[tilespmem:s30+$0x5180] =	vst v1;
	v2 =	vadd.s32 v2, v3  }
0x11f: {  	[tilespmem:s30+$0x5580] =	vst v2  }
0x120: {  	v1 =	vld [tilespmem:s29+$0x390];
	_ =	sdelay $0x7  }
0x121: {  	v1 =	vld.idx.msk [tilespmem:v1+s22+$0x0], $0xffff;
	_ =	sdelay $0x2  }
0x122: {  	v2 =	vld [tilespmem:s29+$0x310];
	_ =	sdelay $0x1  }
0x123: {  	v3 =	vand.u32 $0x1FF, v1  }
0x124: {  	v3 =	vmul.u32 $0x2800, v3  }
0x125: {  	v1 =	vand.u32 $0xFFFFFE00, v1  }
0x126: {  	[tilespmem:s30+$0x5190] =	vst v1;
	v2 =	vadd.s32 v2, v3  }
0x127: {  	[tilespmem:s30+$0x5590] =	vst v2  }
0x128: {  	v1 =	vld [tilespmem:s29+$0x3A0];
	_ =	sdelay $0x7  }
0x129: {  	v1 =	vld.idx.msk [tilespmem:v1+s22+$0x0], $0xffff;
	_ =	sdelay $0x2  }
0x12a: {  	v2 =	vld [tilespmem:s29+$0x320];
	_ =	sdelay $0x1  }
0x12b: {  	v3 =	vand.u32 $0x1FF, v1  }
0x12c: {  	v3 =	vmul.u32 $0x2800, v3  }
0x12d: {  	v1 =	vand.u32 $0xFFFFFE00, v1  }
0x12e: {  	[tilespmem:s30+$0x51A0] =	vst v1;
	v2 =	vadd.s32 v2, v3  }
0x12f: {  	[tilespmem:s30+$0x55A0] =	vst v2  }
0x130: {  	v1 =	vld [tilespmem:s29+$0x3B0];
	_ =	sdelay $0x7  }
0x131: {  	v1 =	vld.idx.msk [tilespmem:v1+s22+$0x0], $0xffff;
	_ =	sdelay $0x2  }
0x132: {  	v2 =	vld [tilespmem:s29+$0x330];
	_ =	sdelay $0x1  }
0x133: {  	v3 =	vand.u32 $0x1FF, v1  }
0x134: {  	v3 =	vmul.u32 $0x2800, v3  }
0x135: {  	v1 =	vand.u32 $0xFFFFFE00, v1  }
0x136: {  	[tilespmem:s30+$0x51B0] =	vst v1;
	v2 =	vadd.s32 v2, v3  }
0x137: {  	[tilespmem:s30+$0x55B0] =	vst v2  }
0x138: {  	v1 =	vld [tilespmem:s29+$0x3C0];
	_ =	sdelay $0x7  }
0x139: {  	v1 =	vld.idx.msk [tilespmem:v1+s22+$0x0], $0xffff;
	_ =	sdelay $0x2  }
0x13a: {  	v2 =	vld [tilespmem:s29+$0x340];
	_ =	sdelay $0x1  }
0x13b: {  	v3 =	vand.u32 $0x1FF, v1  }
0x13c: {  	v3 =	vmul.u32 $0x2800, v3  }
0x13d: {  	v1 =	vand.u32 $0xFFFFFE00, v1  }
0x13e: {  	[tilespmem:s30+$0x51C0] =	vst v1;
	v2 =	vadd.s32 v2, v3  }
0x13f: {  	[tilespmem:s30+$0x55C0] =	vst v2  }
0x140: {  	v1 =	vld [tilespmem:s29+$0x3D0];
	_ =	sdelay $0x7  }
0x141: {  	v1 =	vld.idx.msk [tilespmem:v1+s22+$0x0], $0xffff;
	_ =	sdelay $0x2  }
0x142: {  	v2 =	vld [tilespmem:s29+$0x350];
	_ =	sdelay $0x1  }
0x143: {  	v3 =	vand.u32 $0x1FF, v1  }
0x144: {  	v3 =	vmul.u32 $0x2800, v3  }
0x145: {  	v1 =	vand.u32 $0xFFFFFE00, v1  }
0x146: {  	[tilespmem:s30+$0x51D0] =	vst v1;
	v2 =	vadd.s32 v2, v3  }
0x147: {  	[tilespmem:s30+$0x55D0] =	vst v2  }
0x148: {  	v1 =	vld [tilespmem:s29+$0x3E0];
	_ =	sdelay $0x7  }
0x149: {  	v1 =	vld.idx.msk [tilespmem:v1+s22+$0x0], $0xffff;
	_ =	sdelay $0x2  }
0x14a: {  	v2 =	vld [tilespmem:s29+$0x360];
	_ =	sdelay $0x1  }
0x14b: {  	v3 =	vand.u32 $0x1FF, v1  }
0x14c: {  	v3 =	vmul.u32 $0x2800, v3  }
0x14d: {  	v1 =	vand.u32 $0xFFFFFE00, v1  }
0x14e: {  	[tilespmem:s30+$0x51E0] =	vst v1;
	v2 =	vadd.s32 v2, v3  }
0x14f: {  	[tilespmem:s30+$0x55E0] =	vst v2  }
0x150: {  	v1 =	vld [tilespmem:s29+$0x3F0];
	_ =	sdelay $0x7  }
0x151: {  	v1 =	vld.idx.msk [tilespmem:v1+s22+$0x0], $0xffff;
	_ =	sdelay $0x2  }
0x152: {  	v2 =	vld [tilespmem:s29+$0x370];
	_ =	sdelay $0x1  }
0x153: {  	v3 =	vand.u32 $0x1FF, v1  }
0x154: {  	v3 =	vmul.u32 $0x2800, v3  }
0x155: {  	v1 =	vand.u32 $0xFFFFFE00, v1  }
0x156: {  	[tilespmem:s30+$0x51F0] =	vst v1;
	v2 =	vadd.s32 v2, v3  }
0x157: {  	s31 =	sadd.s32 $0x3000, s28;
	s8 =	sor.u32 $0x80, s29;
	[tilespmem:s30+$0x55F0] =	vst v2  }
0x158: {  	[spmem:s2] =	stream.indirect.scatter.add.f32 [tilespmem:s31], [sflag:$0x2], $0x8, s8, s23, $0xb8;
	[tilespmem:$0x1C000] =	vst v63  }
0x159: {  	s8 =	sor.u32 $0x5400, s30;
	s31 =	sor.u32 $0x5000, s30  }
0x15a: {  	[spmem:s4] =	stream.indirect.scatter.add.f32 [tilespmem:s31], [sflag:$0x2], $0x1, s8, s23, $0xb8;
	[tilespmem:$0x1C000] =	vst v63  }
0x15b: {  	s8 =	sor.u32 $0x180, s29;
	s31 =	sadd.s32 $0x3400, s28  }
0x15c: {  	[spmem:s2] =	stream.indirect.scatter.add.f32 [tilespmem:s31], [sflag:$0x2], $0x8, s8, s23, $0xb8;
	[tilespmem:$0x1C000] =	vst v63  }
0x15d: {  	s8 =	sor.u32 $0x5480, s30;
	s31 =	sor.u32 $0x5080, s30  }
0x15e: {  	[spmem:s4] =	stream.indirect.scatter.add.f32 [tilespmem:s31], [sflag:$0x2], $0x1, s8, s23, $0xb8;
	[tilespmem:$0x1C000] =	vst v63  }
0x15f: {  	s8 =	sor.u32 $0x280, s29;
	s31 =	sadd.s32 $0x3800, s28  }
0x160: {  	[spmem:s2] =	stream.indirect.scatter.add.f32 [tilespmem:s31], [sflag:$0x2], $0x8, s8, s23, $0xb8;
	[tilespmem:$0x1C000] =	vst v63  }
0x161: {  	s8 =	sor.u32 $0x5500, s30;
	s31 =	sor.u32 $0x5100, s30  }
0x162: {  	[spmem:s4] =	stream.indirect.scatter.add.f32 [tilespmem:s31], [sflag:$0x2], $0x1, s8, s23, $0xb8;
	[tilespmem:$0x1C000] =	vst v63  }
0x163: {  	s28 =	sadd.s32 $0x3C00, s28;
	s31 =	sor.u32 $0x380, s29  }
0x164: {  	[spmem:s2] =	stream.indirect.scatter.add.f32 [tilespmem:s28], [sflag:$0x2], $0x8, s31, s23, $0xb8;
	[tilespmem:$0x1C000] =	vst v63  }
0x165: {  	s29 =	sor.u32 $0x5580, s30;
	s31 =	sor.u32 $0x5180, s30  }
0x166: {  	[spmem:s4] =	stream.indirect.scatter.add.f32 [tilespmem:s31], [sflag:$0x2], $0x1, s29, s23, $0xb8;
	[tilespmem:$0x1C000] =	vst v63  }
0x167: {  	_ =	swait.ge [sflag:s0], $0x400  }
0x168: {  	[sflag:s0] =	ssyncset.done $0x0  }
0x169: {  	[sflag:s0] =	ssyncadd.s32 $0xFFFFFC00  }
0x16a: {  	_ =	swait.ge [sflag:s0], $0x80  }
0x16b: {  	[sflag:s0] =	ssyncset.done $0x0  }
0x16c: {  	[sflag:s0] =	ssyncadd.s32 $0xFFFFFF80  }
0x16d: {  	_ =	swait.ge [sflag:s0], $0x400  }
0x16e: {  	[sflag:s0] =	ssyncset.done $0x0  }
0x16f: {  	[sflag:s0] =	ssyncadd.s32 $0xFFFFFC00  }
0x170: {  	_ =	swait.ge [sflag:s0], $0x80  }
0x171: {  	[sflag:s0] =	ssyncset.done $0x0  }
0x172: {  	[sflag:s0] =	ssyncadd.s32 $0xFFFFFF80  }
0x173: {  	_ =	swait.ge [sflag:s0], $0x400  }
0x174: {  	[sflag:s0] =	ssyncset.done $0x0  }
0x175: {  	[sflag:s0] =	ssyncadd.s32 $0xFFFFFC00  }
0x176: {  	_ =	swait.ge [sflag:s0], $0x80  }
0x177: {  	[sflag:s0] =	ssyncset.done $0x0  }
0x178: {  	[sflag:s0] =	ssyncadd.s32 $0xFFFFFF80  }
0x179: {  	p1 =	sne.s32 s26, $0x14;
	_ =	swait.ge [sflag:s0], $0x400  }
.Ltmp2:
0x17a: {  	[sflag:s0] =	ssyncset.done $0x0;
	(pc) =	sbr.rel @p1 .LBB2_2-.Ltmp2, $4  }
0x17b: {  	[sflag:s0] =	ssyncadd.s32 $0xFFFFFC00  }
0x17c: {  	_ =	swait.ge [sflag:s0], $0x80  }
0x17d: {  	[sflag:s0] =	ssyncset.done $0x0  }
0x17e: {  	s26 =	sadd.s32 $0x1, s26;
	[sflag:s0] =	ssyncadd.s32 $0xFFFFFF80  }
0x17f: {  	_ =	swait.ge [sflag:s3], $0x400  }
0x180: {  	[sflag:s3] =	ssyncset.done $0x0  }
0x181: {  	[sflag:s3] =	ssyncadd.s32 $0xFFFFFC00  }
0x182: {  	_ =	swait.ge [sflag:s3], $0x400  }
0x183: {  	[sflag:s3] =	ssyncset.done $0x0  }
0x184: {  	[sflag:s3] =	ssyncadd.s32 $0xFFFFFC00  }
0x185: {  	_ =	swait.ge [sflag:s3], $0x400  }
.Ltmp3:
0x186: {  	[sflag:s3] =	ssyncset.done $0x0;
	(pc) =	sbr.rel @p0 .LBB2_7-.Ltmp3, $4  }
0x187: {  	[sflag:s3] =	ssyncadd.s32 $0xFFFFFC00  }
0x188: {  	_ =	swait.ge [sflag:s3], $0x400  }
0x189: {  	[sflag:s3] =	ssyncset.done $0x0  }
0x18a: {  	[sflag:s3] =	ssyncadd.s32 $0xFFFFFC00  }
0x18b: {  	v1 =	vld [tilespmem:s17+$0xFFFFFFC0];
	_ =	sdelay $0x4  }
0x18c: {  	v2 =	vand.u32 $0x1FF, v1  }
0x18d: {  	v2 =	vmul.u32 $0x2800, v2  }
0x18e: {  	s26 =	sadd.s32 $0x0, s10  }
0x18f: {  	v1 =	vand.u32 $0xFFFFFE00, v1;
	v2 =	vadd.s32 s26, v2  }
0x190: {  	[tilespmem:$0x5000] =	vst v1;
	v2 =	vadd.s32 v0, v2  }
0x191: {  	[tilespmem:$0x5400] =	vst v2  }
0x192: {  	v1 =	vld [tilespmem:s17+$0xFFFFFFD0];
	_ =	sdelay $0x4  }
0x193: {  	v2 =	vand.u32 $0x1FF, v1  }
0x194: {  	v2 =	vmul.u32 $0x2800, v2  }
0x195: {  	s8 =	sadd.s32 $0x10, s26  }
0x196: {  	v1 =	vand.u32 $0xFFFFFE00, v1;
	v2 =	vadd.s32 s8, v2  }
0x197: {  	[tilespmem:$0x5010] =	vst v1;
	v2 =	vadd.s32 v0, v2  }
0x198: {  	[tilespmem:$0x5410] =	vst v2  }
0x199: {  	v1 =	vld [tilespmem:s17+$0xFFFFFFE0];
	_ =	sdelay $0x4  }
0x19a: {  	v2 =	vand.u32 $0x1FF, v1  }
0x19b: {  	v2 =	vmul.u32 $0x2800, v2  }
0x19c: {  	s29 =	sadd.s32 $0x20, s26  }
0x19d: {  	v1 =	vand.u32 $0xFFFFFE00, v1;
	v2 =	vadd.s32 s29, v2  }
0x19e: {  	[tilespmem:$0x5020] =	vst v1;
	v2 =	vadd.s32 v0, v2  }
0x19f: {  	[tilespmem:$0x5420] =	vst v2  }
0x1a0: {  	v1 =	vld [tilespmem:s17+$0xFFFFFFF0];
	_ =	sdelay $0x4  }
0x1a1: {  	v2 =	vand.u32 $0x1FF, v1  }
0x1a2: {  	v2 =	vmul.u32 $0x2800, v2  }
0x1a3: {  	s30 =	sadd.s32 $0x30, s26  }
0x1a4: {  	v1 =	vand.u32 $0xFFFFFE00, v1;
	v2 =	vadd.s32 s30, v2  }
0x1a5: {  	[tilespmem:$0x5030] =	vst v1;
	v2 =	vadd.s32 v0, v2  }
0x1a6: {  	[tilespmem:$0x5430] =	vst v2  }
0x1a7: {  	v1 =	vld [tilespmem:s17+$0x0];
	_ =	sdelay $0x4  }
0x1a8: {  	v2 =	vand.u32 $0x1FF, v1  }
0x1a9: {  	v2 =	vmul.u32 $0x2800, v2  }
0x1aa: {  	s31 =	sadd.s32 $0x40, s26  }
0x1ab: {  	v1 =	vand.u32 $0xFFFFFE00, v1;
	v2 =	vadd.s32 s31, v2  }
0x1ac: {  	[tilespmem:$0x5040] =	vst v1;
	v1 =	vadd.s32 v0, v2  }
0x1ad: {  	[tilespmem:$0x5440] =	vst v1  }
0x1ae: {  	v1 =	vld [tilespmem:s17+$0x10];
	_ =	sdelay $0x4  }
0x1af: {  	v2 =	vand.u32 $0x1FF, v1  }
0x1b0: {  	v2 =	vmul.u32 $0x2800, v2  }
0x1b1: {  	s29 =	sadd.s32 $0x50, s26  }
0x1b2: {  	v1 =	vand.u32 $0xFFFFFE00, v1;
	v2 =	vadd.s32 s29, v2  }
0x1b3: {  	[tilespmem:$0x5050] =	vst v1;
	v1 =	vadd.s32 v0, v2  }
0x1b4: {  	[tilespmem:$0x5450] =	vst v1  }
0x1b5: {  	v1 =	vld [tilespmem:s17+$0x20];
	_ =	sdelay $0x4  }
0x1b6: {  	v2 =	vand.u32 $0x1FF, v1  }
0x1b7: {  	v2 =	vmul.u32 $0x2800, v2  }
0x1b8: {  	s30 =	sadd.s32 $0x60, s26  }
0x1b9: {  	v1 =	vand.u32 $0xFFFFFE00, v1;
	v2 =	vadd.s32 s30, v2  }
0x1ba: {  	[tilespmem:$0x5060] =	vst v1;
	v1 =	vadd.s32 v0, v2  }
0x1bb: {  	[tilespmem:$0x5460] =	vst v1  }
0x1bc: {  	v1 =	vld [tilespmem:s17+$0x30];
	_ =	sdelay $0x4  }
0x1bd: {  	v2 =	vand.u32 $0x1FF, v1  }
0x1be: {  	v2 =	vmul.u32 $0x2800, v2  }
0x1bf: {  	s31 =	sadd.s32 $0x70, s26  }
0x1c0: {  	v1 =	vand.u32 $0xFFFFFE00, v1;
	v2 =	vadd.s32 s31, v2  }
0x1c1: {  	[tilespmem:$0x5070] =	vst v1;
	v1 =	vadd.s32 v0, v2  }
0x1c2: {  	[tilespmem:$0x5470] =	vst v1  }
0x1c3: {  	[spmem:s4] =	stream.indirect.scatter.add.f32 [tilespmem:s24], [sflag:$0x2], $0x1, s1, s23, $0xb8;
	[tilespmem:$0x1C000] =	vst v63  }
0x1c4: {  	_ =	swait.ge [sflag:s0], $0x80  }
0x1c5: {  	s28 =	smov.u32 s17;
	s26 =	simm.s32 $0x80;
	[sflag:s0] =	ssyncset.done $0x0  }
.LBB2_5:
0x1c6: {  	p1 =	sne.s32 s26, $0x200;
	[sflag:s0] =	ssyncadd.s32 $0xFFFFFF80;
	s28 =	sadd.s32 $0x80, s28  }
0x1c7: {  	s8 =	smov.u32 s26;
	s26 =	sadd.s32 $0x80, s26;
	v1 =	vld [tilespmem:s28+$0xFFFFFFC0];
	_ =	sdelay $0x4  }
0x1c8: {  	v2 =	vand.u32 $0x1FF, v1;
	v1 =	vand.u32 $0xFFFFFE00, v1  }
0x1c9: {  	v2 =	vmul.u32 $0x2800, v2  }
0x1ca: {  	s29 =	sadd.s32 s8, s10  }
0x1cb: {  	v2 =	vadd.s32 s29, v2  }
0x1cc: {  	v2 =	vadd.s32 v0, v2;
	[tilespmem:$0x5000] =	vst v1  }
0x1cd: {  	[tilespmem:$0x5400] =	vst v2  }
0x1ce: {  	v1 =	vld [tilespmem:s28+$0xFFFFFFD0];
	_ =	sdelay $0x4  }
0x1cf: {  	v2 =	vand.u32 $0x1FF, v1;
	v1 =	vand.u32 $0xFFFFFE00, v1  }
0x1d0: {  	v2 =	vmul.u32 $0x2800, v2  }
0x1d1: {  	s8 =	sadd.s32 $0x10, s29  }
0x1d2: {  	v2 =	vadd.s32 s8, v2  }
0x1d3: {  	v2 =	vadd.s32 v0, v2;
	[tilespmem:$0x5010] =	vst v1  }
0x1d4: {  	[tilespmem:$0x5410] =	vst v2  }
0x1d5: {  	v1 =	vld [tilespmem:s28+$0xFFFFFFE0];
	_ =	sdelay $0x4  }
0x1d6: {  	v2 =	vand.u32 $0x1FF, v1;
	v1 =	vand.u32 $0xFFFFFE00, v1  }
0x1d7: {  	v2 =	vmul.u32 $0x2800, v2  }
0x1d8: {  	s8 =	sadd.s32 $0x20, s29  }
0x1d9: {  	v2 =	vadd.s32 s8, v2  }
0x1da: {  	v2 =	vadd.s32 v0, v2;
	[tilespmem:$0x5020] =	vst v1  }
0x1db: {  	[tilespmem:$0x5420] =	vst v2  }
0x1dc: {  	v1 =	vld [tilespmem:s28+$0xFFFFFFF0];
	_ =	sdelay $0x4  }
0x1dd: {  	v2 =	vand.u32 $0x1FF, v1;
	v1 =	vand.u32 $0xFFFFFE00, v1  }
0x1de: {  	v2 =	vmul.u32 $0x2800, v2  }
0x1df: {  	s8 =	sadd.s32 $0x30, s29  }
0x1e0: {  	v2 =	vadd.s32 s8, v2  }
0x1e1: {  	v2 =	vadd.s32 v0, v2;
	[tilespmem:$0x5030] =	vst v1  }
0x1e2: {  	[tilespmem:$0x5430] =	vst v2  }
0x1e3: {  	v1 =	vld [tilespmem:s28+$0x0];
	_ =	sdelay $0x4  }
0x1e4: {  	v2 =	vand.u32 $0x1FF, v1;
	v1 =	vand.u32 $0xFFFFFE00, v1  }
0x1e5: {  	v2 =	vmul.u32 $0x2800, v2;
	[tilespmem:$0x5040] =	vst v1  }
0x1e6: {  	s8 =	sadd.s32 $0x40, s29  }
0x1e7: {  	v1 =	vadd.s32 s8, v2  }
0x1e8: {  	v1 =	vadd.s32 v0, v1  }
0x1e9: {  	[tilespmem:$0x5440] =	vst v1  }
0x1ea: {  	v1 =	vld [tilespmem:s28+$0x10];
	_ =	sdelay $0x4  }
0x1eb: {  	v2 =	vand.u32 $0x1FF, v1;
	v1 =	vand.u32 $0xFFFFFE00, v1  }
0x1ec: {  	v2 =	vmul.u32 $0x2800, v2;
	[tilespmem:$0x5050] =	vst v1  }
0x1ed: {  	s8 =	sadd.s32 $0x50, s29  }
0x1ee: {  	v1 =	vadd.s32 s8, v2  }
0x1ef: {  	v1 =	vadd.s32 v0, v1  }
0x1f0: {  	[tilespmem:$0x5450] =	vst v1  }
0x1f1: {  	v1 =	vld [tilespmem:s28+$0x20];
	_ =	sdelay $0x4  }
0x1f2: {  	v2 =	vand.u32 $0x1FF, v1;
	v1 =	vand.u32 $0xFFFFFE00, v1  }
0x1f3: {  	v2 =	vmul.u32 $0x2800, v2;
	[tilespmem:$0x5060] =	vst v1  }
0x1f4: {  	s8 =	sadd.s32 $0x60, s29  }
0x1f5: {  	v1 =	vadd.s32 s8, v2  }
0x1f6: {  	v1 =	vadd.s32 v0, v1  }
0x1f7: {  	[tilespmem:$0x5460] =	vst v1  }
0x1f8: {  	v1 =	vld [tilespmem:s28+$0x30];
	_ =	sdelay $0x4  }
0x1f9: {  	v2 =	vand.u32 $0x1FF, v1;
	v1 =	vand.u32 $0xFFFFFE00, v1  }
0x1fa: {  	v2 =	vmul.u32 $0x2800, v2;
	[tilespmem:$0x5070] =	vst v1  }
0x1fb: {  	s8 =	sadd.s32 $0x70, s29  }
0x1fc: {  	v1 =	vadd.s32 s8, v2  }
.Ltmp4:
0x1fd: {  	v1 =	vadd.s32 v0, v1;
	(pc) =	sbr.rel @p1 .LBB2_5-.Ltmp4, $4  }
0x1fe: {  	[tilespmem:$0x5470] =	vst v1  }
0x1ff: {  	[spmem:s4] =	stream.indirect.scatter.add.f32 [tilespmem:s24], [sflag:$0x2], $0x1, s1, s23, $0xb8;
	[tilespmem:$0x1C000] =	vst v63  }
0x200: {  	_ =	swait.ge [sflag:s0], $0x80  }
0x201: {  	[sflag:s0] =	ssyncset.done $0x0  }
.Ltmp5:
0x202: {  	_ = 	snop;
	(pc) =	sbr.rel .LBB2_6-.Ltmp5, $1  }
0x203: {  	_ =	sdelay $0x3  }
.LBB2_8:
0x204: {  	_ =	sfence.sel $0x180000  }
0x205: {  	[bflag:$0x0] =	sbarrier.arrive $0xFFFF  }
0x206: {  	_ =	strace $0x9000004A  }
0x207: {  	s0 =	stileid.u32;
	[bflag:$0x2] =	sbarrier.arrive $0xFFFF  }
0x208: {  	p0 =	sne.s32 s0, $0x0;
	s0 =	rddreg [dreg:$0x5]  }
0x209: {  	s0 =	sadd.s32 @!p0 $0x100000, s0  }
0x20a: {  	[sflag:s0] =	ssyncadd.tile.s32 @!p0 $0x1;
	_ =	shalt  }
.Lfunc_end2:
_tile_overlayer_lowered:
.L_overlay_start_2:
0x20b: {  	(tag) =	ssettag $0x2  }
0x20c: {  	s0 =	rddreg [dreg:$0x0];
	s2 =	stileid.u32  }
0x20d: {  	s1 =	rddreg [dreg:$0x1];
	p0 =	sne.s32 s2, $0x0  }
0x20e: {  	s3 =	rddreg [dreg:$0x2];
	[bflag:$0x3] =	sbarrier.arrive $0xFFFF;
	s2 =	simm.s32 @!p0 $0x1C03  }
0x20f: {  	[timem:s3], [sflag:s2] =	dma.local @!p0 [hbm:s0], s1  }
0x210: {  	s0 =	simm.s32 @!p0 $0x3  }
0x211: {  	_ =	swait.ge @!p0 [sflag:s0], s1  }
0x212: {  	s1 =	ssub.s32 @!p0 $0x0, s1;
	[sflag:s0] =	ssyncset.done @!p0 $0x0  }
0x213: {  	[sflag:s0] =	ssyncadd.s32 @!p0 s1  }
0x214: {  	[bflag:$0x3] =	sbarrier.arrive $0xFFFF  }
0x215: {  	_ =	shalt  }

</sc_bundles>
